<compile_context>
chip_gen: v7x
topology: tpu7x:2x2x1
jax: 0.10.2.dev20260603
libtpu: 0.0.44.dev20260713+nightly
codegen_flags: <defaults>
</compile_context>

<pallas_src>
import functools

import jax
import jax.numpy as jnp
from jax import lax
from jax.experimental import pallas as pl
from jax.experimental.pallas import tpu as pltpu
from jax.experimental.pallas import tpu_sc as plsc

T, D_IN, D_OUT, E, RANK, TOP_K = 4096, 1024, 1024, 8, 16, 2
TILE = 1024

NC, NS, L = 2, 16, 16
NW = NC * NS
TPW = T // NW


def _tc1(x_ref, wb_ref, bb_ref, wr_ref, af_ref, ob_ref, lt_ref, h_ref, wb_s):
    @pl.when(pl.program_id(0) == 0)
    def _prep():
        wb_s[...] = wb_ref[...].astype(jnp.bfloat16)

    x = x_ref[...]
    xh = x.astype(jnp.bfloat16)
    lt_ref[...] = jax.lax.dot_general(
        wr_ref[...], x, (((1,), (1,)), ((), ())),
        preferred_element_type=jnp.float32)
    h_ref[...] = jax.lax.dot_general(
        xh, af_ref[...], (((1,), (1,)), ((), ())),
        preferred_element_type=jnp.float32)
    base = jax.lax.dot_general(
        xh, wb_s[...], (((1,), (1,)), ((), ())),
        preferred_element_type=jnp.float32)
    ob_ref[...] = base + bb_ref[...]


def _sc_gate(lt_hbm, g_hbm, l_v, g_v):
    wid = lax.axis_index("s") * NC + lax.axis_index("c")
    base = wid * TPW
    pltpu.sync_copy(lt_hbm.at[:, pl.ds(base, TPW)], l_v)
    for c in range(TPW // L):
        sl = pl.ds(c * L, L)
        ls = [l_v[e, sl] for e in range(E)]
        m = ls[0]
        for e in range(1, E):
            m = jnp.maximum(m, ls[e])
        egs = [jnp.exp(l - m) for l in ls]
        s_all = egs[0]
        for e in range(1, E):
            s_all = s_all + egs[e]
        i1 = jnp.where(ls[0] == m, 0, E)
        for e in range(1, E):
            i1 = jnp.minimum(i1, jnp.where(ls[e] == m, e, E))
        NEG = jnp.float32(-3e38)
        m2 = jnp.where(i1 == 0, NEG, ls[0])
        for e in range(1, E):
            m2 = jnp.maximum(m2, jnp.where(i1 == e, NEG, ls[e]))
        i2 = jnp.where((ls[0] == m2) & (i1 != 0), 0, E)
        for e in range(1, E):
            i2 = jnp.minimum(i2, jnp.where((ls[e] == m2) & (i1 != e), e, E))
        egms = []
        s_top = None
        for e in range(E):
            sel = (i1 == e) | (i2 == e)
            egm = jnp.where(sel, egs[e], 0.0)
            egms.append(egm)
            s_top = egm if s_top is None else s_top + egm
        inv = 1.0 / (s_top + 1e-6 * s_all)
        for e in range(E):
            g_v[e, sl] = egms[e] * inv
    pltpu.sync_copy(g_v, g_hbm.at[:, pl.ds(base, TPW)])


def _tc2(ob_ref, h_ref, g_ref, bf_ref, out_ref):
    gate_nT = g_ref[...].astype(jnp.bfloat16)
    re = jax.lax.broadcasted_iota(jnp.int32, (E, E * RANK), 0)
    rc = jax.lax.broadcasted_iota(jnp.int32, (E, E * RANK), 1)
    rep = (rc // RANK == re).astype(jnp.bfloat16)
    gate_rep = jax.lax.dot_general(
        gate_nT, rep, (((0,), (0,)), ((), ())),
        preferred_element_type=jnp.float32)
    hw = (h_ref[...] * gate_rep).astype(jnp.bfloat16)
    lora = jax.lax.dot_general(
        hw, bf_ref[...], (((1,), (0,)), ((), ())),
        preferred_element_type=jnp.float32)
    out_ref[...] = ob_ref[...] + lora


def kernel(x, W_base, b_base, W_router, A, B):
    af = A.reshape(E * RANK, D_IN).astype(jnp.bfloat16)
    bf = jnp.transpose(B, (0, 2, 1)).reshape(E * RANK, D_OUT).astype(jnp.bfloat16)
    bb = b_base.reshape(1, D_OUT)

    grid = (T // TILE,)
    ob, lt, h = pl.pallas_call(
        _tc1,
        grid=grid,
        in_specs=[
            pl.BlockSpec((TILE, D_IN), lambda i: (i, 0)),
            pl.BlockSpec((D_OUT, D_IN), lambda i: (0, 0)),
            pl.BlockSpec((1, D_OUT), lambda i: (0, 0)),
            pl.BlockSpec((E, D_IN), lambda i: (0, 0)),
            pl.BlockSpec((E * RANK, D_IN), lambda i: (0, 0)),
        ],
        out_specs=[
            pl.BlockSpec((TILE, D_OUT), lambda i: (i, 0)),
            pl.BlockSpec((E, TILE), lambda i: (0, i)),
            pl.BlockSpec((TILE, E * RANK), lambda i: (i, 0)),
        ],
        out_shape=[
            jax.ShapeDtypeStruct((T, D_OUT), jnp.float32),
            jax.ShapeDtypeStruct((E, T), jnp.float32),
            jax.ShapeDtypeStruct((T, E * RANK), jnp.float32),
        ],
        scratch_shapes=[pltpu.VMEM((D_OUT, D_IN), jnp.bfloat16)],
        compiler_params=pltpu.CompilerParams(
            dimension_semantics=("arbitrary",),
        ),
    )(x, W_base, bb, W_router, af)

    sc_gate = functools.partial(
        pl.kernel,
        mesh=plsc.VectorSubcoreMesh(core_axis_name="c", subcore_axis_name="s"),
        out_type=jax.ShapeDtypeStruct((E, T), jnp.float32),
        scratch_types=[
            pltpu.VMEM((E, TPW), jnp.float32),
            pltpu.VMEM((E, TPW), jnp.float32),
        ],
    )(_sc_gate)
    g = sc_gate(lt)

    out = pl.pallas_call(
        _tc2,
        grid=grid,
        in_specs=[
            pl.BlockSpec((TILE, D_OUT), lambda i: (i, 0)),
            pl.BlockSpec((TILE, E * RANK), lambda i: (i, 0)),
            pl.BlockSpec((E, TILE), lambda i: (0, i)),
            pl.BlockSpec((E * RANK, D_OUT), lambda i: (0, 0)),
        ],
        out_specs=pl.BlockSpec((TILE, D_OUT), lambda i: (i, 0)),
        out_shape=jax.ShapeDtypeStruct((T, D_OUT), jnp.float32),
        compiler_params=pltpu.CompilerParams(
            dimension_semantics=("arbitrary",),
        ),
    )(ob, h, g, bf)
    return out

# --- scband reference (transcript-rebuilt; emitter-appended) ---
"""Pipeline reference for scband-module-7954279432702 (READ-ONLY COPY).

The authoritative reference and input builder live on the scoring server;
editing this copy changes nothing except your own understanding.
"""

import jax, jax.numpy as jnp
import numpy as np

T, D_IN, D_OUT, E, RANK, TOP_K = 4096, 1024, 1024, 8, 16, 2

def setup_inputs(seed: int = 0) -> dict:
    key = jax.random.key(seed)
    ks = jax.random.split(key, 6)
    x = jax.random.normal(ks[0], (T, D_IN), dtype=jnp.float32)
    W_base = jax.random.normal(ks[1], (D_OUT, D_IN), dtype=jnp.float32) * (1.0 / np.sqrt(D_IN))
    b_base = jax.random.normal(ks[2], (D_OUT,), dtype=jnp.float32) * 0.01
    W_router = jax.random.normal(ks[3], (E, D_IN), dtype=jnp.float32) * (1.0 / np.sqrt(D_IN))
    A = jax.random.normal(ks[4], (E, RANK, D_IN), dtype=jnp.float32) * (1.0 / np.sqrt(D_IN))
    B = jax.random.normal(ks[5], (E, D_OUT, RANK), dtype=jnp.float32) * (1.0 / np.sqrt(RANK))
    return {"x": x, "W_base": W_base, "b_base": b_base, "W_router": W_router, "A": A, "B": B}

def reference(x, W_base, b_base, W_router, A, B):
    # base (frozen) linear: F.linear(x, W, b)
    base_out = x @ W_base.T + b_base
    # router
    router_logits = x @ W_router.T  # [T, E]
    gate = jax.nn.softmax(router_logits, axis=-1)
    # top-k sparsification (top_k < num_experts): scatter topk values into zeros
    vals, idx = jax.lax.top_k(gate, TOP_K)  # [T, k]
    gate_sparse = jnp.sum(jax.nn.one_hot(idx, E, dtype=gate.dtype) * vals[..., None], axis=-2)  # [T, E]
    gate_n = gate_sparse / (jnp.sum(gate_sparse, axis=-1, keepdims=True) + 1e-6)
    # LoRA experts: expert_i(x) = (x @ A_i^T) @ B_i^T ; weighted sum over experts
    h = jnp.einsum('td,erd->ter', x, A)      # [T, E, rank]
    eo = jnp.einsum('ter,eor->teo', h, B)    # [T, E, d_out]
    lora_out = jnp.sum(gate_n[..., None] * eo, axis=1)  # [T, d_out]
    return base_out + lora_out

if __name__ == "__main__":
    import jax
    _d = setup_inputs()
    print(jax.jit(kernel)(*tuple(_d.values())))

</pallas_src>

<mosaic_0001>
#map = affine_map<(d0, d1) -> (0, 0)>
module attributes {stable_mosaic.version = 14 : i64} {
  func.func @_sc_gate(%arg0: i32, %arg1: i32, %arg2: memref<8x4096xf32, #tpu.memory_space<hbm>>, %arg3: memref<8x4096xf32, #tpu.memory_space<hbm>>, %arg4: memref<8x128xf32, #tpu.memory_space<vmem>>, %arg5: memref<8x128xf32, #tpu.memory_space<vmem>>) attributes {dimension_semantics = [#tpu.dimension_semantics<core_parallel>, #tpu.dimension_semantics<subcore_parallel>], iteration_bounds = array<i64: 2, 16>, scalar_prefetch = 0 : i64, scratch_operands = 2 : i64, tpu.core_type = #tpu.core_type<sc_vector_subcore>, window_params = [{transform_indices = #map}, {transform_indices = #map}]} {
    %mul3A = arith.constant 2 : i32
    %mul3A_0 = arith.muli %arg1, %mul3A : i32
    %add3A = arith.addi %mul3A_0, %arg0 : i32
    %mul3A_1 = arith.constant 128 : i32
    %mul3A_2 = arith.muli %add3A, %mul3A_1 : i32
    "tpu.region"() ({
      %run_scoped3A = tpu.sem_alloc : memref<!tpu.dma_semaphore, #tpu.memory_space<semaphore_mem>>
      %dma_start3A = arith.constant 0 : i32
      %dma_start3A_3325 = tpu.memref_slice %arg2[%dma_start3A, %mul3A_2] : memref<8x4096xf32, #tpu.memory_space<hbm>> -> memref<8x128xf32, #tpu.memory_space<hbm>>
      %dma_start3A_3326 = arith.constant 0 : i32
      %dma_start3A_3327 = tpu.memref_slice %arg2[%dma_start3A_3326, %mul3A_2] : memref<8x4096xf32, #tpu.memory_space<hbm>> -> memref<8x128xf32, #tpu.memory_space<hbm>>
      tpu.enqueue_dma source(%dma_start3A_3327 : memref<8x128xf32, #tpu.memory_space<hbm>>) target(%arg4 : memref<8x128xf32, #tpu.memory_space<vmem>>) target_semaphore(%run_scoped3A : memref<!tpu.dma_semaphore, #tpu.memory_space<semaphore_mem>>)
      %dma_wait3A = arith.constant 0 : i32
      %dma_wait3A_3328 = tpu.memref_slice %arg2[%dma_wait3A, %mul3A_2] : memref<8x4096xf32, #tpu.memory_space<hbm>> -> memref<8x128xf32, #tpu.memory_space<hbm>>
      %dma_wait3A_3329 = arith.constant 0 : i32
      %dma_wait3A_3330 = tpu.memref_slice %arg2[%dma_wait3A_3329, %mul3A_2] : memref<8x4096xf32, #tpu.memory_space<hbm>> -> memref<8x128xf32, #tpu.memory_space<hbm>>
      tpu.wait_dma2 semaphore(%run_scoped3A : memref<!tpu.dma_semaphore, #tpu.memory_space<semaphore_mem>>) src(%dma_wait3A_3330 : memref<8x128xf32, #tpu.memory_space<hbm>>) dst(%arg4 : memref<8x128xf32, #tpu.memory_space<vmem>>)
      tpu.yield
    }) : () -> ()
    %get3A = arith.constant 0 : i32
    %get3A_3 = arith.index_cast %get3A : i32 to index
    %get3A_4 = arith.constant 0 : index
    %get3A_5 = tpu.vector_load %arg4[%get3A_3, %get3A_4] {strides = array<i32>} : memref<8x128xf32, #tpu.memory_space<vmem>>, vector<1x16xf32>,
    %get3A_6 = vector.shape_cast %get3A_5 : vector<1x16xf32> to vector<16xf32>
    %get3A_7 = arith.constant 1 : i32
    %get3A_8 = arith.index_cast %get3A_7 : i32 to index
    %get3A_9 = arith.constant 0 : index
    %get3A_10 = tpu.vector_load %arg4[%get3A_8, %get3A_9] {strides = array<i32>} : memref<8x128xf32, #tpu.memory_space<vmem>>, vector<1x16xf32>,
    %get3A_11 = vector.shape_cast %get3A_10 : vector<1x16xf32> to vector<16xf32>
    %get3A_12 = arith.constant 2 : i32
    %get3A_13 = arith.index_cast %get3A_12 : i32 to index
    %get3A_14 = arith.constant 0 : index
    %get3A_15 = tpu.vector_load %arg4[%get3A_13, %get3A_14] {strides = array<i32>} : memref<8x128xf32, #tpu.memory_space<vmem>>, vector<1x16xf32>,
    %get3A_16 = vector.shape_cast %get3A_15 : vector<1x16xf32> to vector<16xf32>
    %get3A_17 = arith.constant 3 : i32
    %get3A_18 = arith.index_cast %get3A_17 : i32 to index
    %get3A_19 = arith.constant 0 : index
    %get3A_20 = tpu.vector_load %arg4[%get3A_18, %get3A_19] {strides = array<i32>} : memref<8x128xf32, #tpu.memory_space<vmem>>, vector<1x16xf32>,
    %get3A_21 = vector.shape_cast %get3A_20 : vector<1x16xf32> to vector<16xf32>
    %get3A_22 = arith.constant 4 : i32
    %get3A_23 = arith.index_cast %get3A_22 : i32 to index
    %get3A_24 = arith.constant 0 : index
    %get3A_25 = tpu.vector_load %arg4[%get3A_23, %get3A_24] {strides = array<i32>} : memref<8x128xf32, #tpu.memory_space<vmem>>, vector<1x16xf32>,
    %get3A_26 = vector.shape_cast %get3A_25 : vector<1x16xf32> to vector<16xf32>
    %get3A_27 = arith.constant 5 : i32
    %get3A_28 = arith.index_cast %get3A_27 : i32 to index
    %get3A_29 = arith.constant 0 : index
    %get3A_30 = tpu.vector_load %arg4[%get3A_28, %get3A_29] {strides = array<i32>} : memref<8x128xf32, #tpu.memory_space<vmem>>, vector<1x16xf32>,
    %get3A_31 = vector.shape_cast %get3A_30 : vector<1x16xf32> to vector<16xf32>
    %get3A_32 = arith.constant 6 : i32
    %get3A_33 = arith.index_cast %get3A_32 : i32 to index
    %get3A_34 = arith.constant 0 : index
    %get3A_35 = tpu.vector_load %arg4[%get3A_33, %get3A_34] {strides = array<i32>} : memref<8x128xf32, #tpu.memory_space<vmem>>, vector<1x16xf32>,
    %get3A_36 = vector.shape_cast %get3A_35 : vector<1x16xf32> to vector<16xf32>
    %get3A_37 = arith.constant 7 : i32
    %get3A_38 = arith.index_cast %get3A_37 : i32 to index
    %get3A_39 = arith.constant 0 : index
    %get3A_40 = tpu.vector_load %arg4[%get3A_38, %get3A_39] {strides = array<i32>} : memref<8x128xf32, #tpu.memory_space<vmem>>, vector<1x16xf32>,
    %get3A_41 = vector.shape_cast %get3A_40 : vector<1x16xf32> to vector<16xf32>
    %max3A = arith.maximumf %get3A_6, %get3A_11 : vector<16xf32>
    %max3A_42 = arith.maximumf %max3A, %get3A_16 : vector<16xf32>
    %max3A_43 = arith.maximumf %max3A_42, %get3A_21 : vector<16xf32>
    %max3A_44 = arith.maximumf %max3A_43, %get3A_26 : vector<16xf32>
    %max3A_45 = arith.maximumf %max3A_44, %get3A_31 : vector<16xf32>
    %max3A_46 = arith.maximumf %max3A_45, %get3A_36 : vector<16xf32>
    %max3A_47 = arith.maximumf %max3A_46, %get3A_41 : vector<16xf32>
    %sub3A = arith.subf %get3A_6, %max3A_47 : vector<16xf32>
    %exp3A = math.exp %sub3A : vector<16xf32>
    %sub3A_48 = arith.subf %get3A_11, %max3A_47 : vector<16xf32>
    %exp3A_49 = math.exp %sub3A_48 : vector<16xf32>
    %sub3A_50 = arith.subf %get3A_16, %max3A_47 : vector<16xf32>
    %exp3A_51 = math.exp %sub3A_50 : vector<16xf32>
    %sub3A_52 = arith.subf %get3A_21, %max3A_47 : vector<16xf32>
    %exp3A_53 = math.exp %sub3A_52 : vector<16xf32>
    %sub3A_54 = arith.subf %get3A_26, %max3A_47 : vector<16xf32>
    %exp3A_55 = math.exp %sub3A_54 : vector<16xf32>
    %sub3A_56 = arith.subf %get3A_31, %max3A_47 : vector<16xf32>
    %exp3A_57 = math.exp %sub3A_56 : vector<16xf32>
    %sub3A_58 = arith.subf %get3A_36, %max3A_47 : vector<16xf32>
    %exp3A_59 = math.exp %sub3A_58 : vector<16xf32>
    %sub3A_60 = arith.subf %get3A_41, %max3A_47 : vector<16xf32>
    %exp3A_61 = math.exp %sub3A_60 : vector<16xf32>
    %add3A_62 = arith.addf %exp3A, %exp3A_49 : vector<16xf32>
    %add3A_63 = arith.addf %add3A_62, %exp3A_51 : vector<16xf32>
    %add3A_64 = arith.addf %add3A_63, %exp3A_53 : vector<16xf32>
    %add3A_65 = arith.addf %add3A_64, %exp3A_55 : vector<16xf32>
    %add3A_66 = arith.addf %add3A_65, %exp3A_57 : vector<16xf32>
    %add3A_67 = arith.addf %add3A_66, %exp3A_59 : vector<16xf32>
    %add3A_68 = arith.addf %add3A_67, %exp3A_61 : vector<16xf32>
    %eq3A = arith.cmpf oeq, %get3A_6, %max3A_47 : vector<16xf32>
    %jit3A = arith.constant 0 : i32
    %jit3A_69 = arith.constant 8 : i32
    %broadcast_in_dim3A = vector.broadcast %jit3A : i32 to vector<16xi32>
    %broadcast_in_dim3A_70 = vector.broadcast %jit3A_69 : i32 to vector<16xi32>
    %select_n3A = arith.select %eq3A, %broadcast_in_dim3A, %broadcast_in_dim3A_70 : vector<16xi1>, vector<16xi32>
    %eq3A_71 = arith.cmpf oeq, %get3A_11, %max3A_47 : vector<16xf32>
    %jit3A_72 = arith.constant 1 : i32
    %jit3A_73 = arith.constant 8 : i32
    %broadcast_in_dim3A_74 = vector.broadcast %jit3A_72 : i32 to vector<16xi32>
    %broadcast_in_dim3A_75 = vector.broadcast %jit3A_73 : i32 to vector<16xi32>
    %select_n3A_76 = arith.select %eq3A_71, %broadcast_in_dim3A_74, %broadcast_in_dim3A_75 : vector<16xi1>, vector<16xi32>
    %min3A = arith.minsi %select_n3A, %select_n3A_76 : vector<16xi32>
    %eq3A_77 = arith.cmpf oeq, %get3A_16, %max3A_47 : vector<16xf32>
    %jit3A_78 = arith.constant 2 : i32
    %jit3A_79 = arith.constant 8 : i32
    %broadcast_in_dim3A_80 = vector.broadcast %jit3A_78 : i32 to vector<16xi32>
    %broadcast_in_dim3A_81 = vector.broadcast %jit3A_79 : i32 to vector<16xi32>
    %select_n3A_82 = arith.select %eq3A_77, %broadcast_in_dim3A_80, %broadcast_in_dim3A_81 : vector<16xi1>, vector<16xi32>
    %min3A_83 = arith.minsi %min3A, %select_n3A_82 : vector<16xi32>
    %eq3A_84 = arith.cmpf oeq, %get3A_21, %max3A_47 : vector<16xf32>
    %jit3A_85 = arith.constant 3 : i32
    %jit3A_86 = arith.constant 8 : i32
    %broadcast_in_dim3A_87 = vector.broadcast %jit3A_85 : i32 to vector<16xi32>
    %broadcast_in_dim3A_88 = vector.broadcast %jit3A_86 : i32 to vector<16xi32>
    %select_n3A_89 = arith.select %eq3A_84, %broadcast_in_dim3A_87, %broadcast_in_dim3A_88 : vector<16xi1>, vector<16xi32>
    %min3A_90 = arith.minsi %min3A_83, %select_n3A_89 : vector<16xi32>
    %eq3A_91 = arith.cmpf oeq, %get3A_26, %max3A_47 : vector<16xf32>
    %jit3A_92 = arith.constant 4 : i32
    %jit3A_93 = arith.constant 8 : i32
    %broadcast_in_dim3A_94 = vector.broadcast %jit3A_92 : i32 to vector<16xi32>
    %broadcast_in_dim3A_95 = vector.broadcast %jit3A_93 : i32 to vector<16xi32>
    %select_n3A_96 = arith.select %eq3A_91, %broadcast_in_dim3A_94, %broadcast_in_dim3A_95 : vector<16xi1>, vector<16xi32>
    %min3A_97 = arith.minsi %min3A_90, %select_n3A_96 : vector<16xi32>
    %eq3A_98 = arith.cmpf oeq, %get3A_31, %max3A_47 : vector<16xf32>
    %jit3A_99 = arith.constant 5 : i32
    %jit3A_100 = arith.constant 8 : i32
    %broadcast_in_dim3A_101 = vector.broadcast %jit3A_99 : i32 to vector<16xi32>
    %broadcast_in_dim3A_102 = vector.broadcast %jit3A_100 : i32 to vector<16xi32>
    %select_n3A_103 = arith.select %eq3A_98, %broadcast_in_dim3A_101, %broadcast_in_dim3A_102 : vector<16xi1>, vector<16xi32>
    %min3A_104 = arith.minsi %min3A_97, %select_n3A_103 : vector<16xi32>
    %eq3A_105 = arith.cmpf oeq, %get3A_36, %max3A_47 : vector<16xf32>
    %jit3A_106 = arith.constant 6 : i32
    %jit3A_107 = arith.constant 8 : i32
    %broadcast_in_dim3A_108 = vector.broadcast %jit3A_106 : i32 to vector<16xi32>
    %broadcast_in_dim3A_109 = vector.broadcast %jit3A_107 : i32 to vector<16xi32>
    %select_n3A_110 = arith.select %eq3A_105, %broadcast_in_dim3A_108, %broadcast_in_dim3A_109 : vector<16xi1>, vector<16xi32>
    %min3A_111 = arith.minsi %min3A_104, %select_n3A_110 : vector<16xi32>
    %eq3A_112 = arith.cmpf oeq, %get3A_41, %max3A_47 : vector<16xf32>
    %jit3A_113 = arith.constant 7 : i32
    %jit3A_114 = arith.constant 8 : i32
    %broadcast_in_dim3A_115 = vector.broadcast %jit3A_113 : i32 to vector<16xi32>
    %broadcast_in_dim3A_116 = vector.broadcast %jit3A_114 : i32 to vector<16xi32>
    %select_n3A_117 = arith.select %eq3A_112, %broadcast_in_dim3A_115, %broadcast_in_dim3A_116 : vector<16xi1>, vector<16xi32>
    %min3A_118 = arith.minsi %min3A_111, %select_n3A_117 : vector<16xi32>
    %eq3A_119 = arith.constant 0 : i32
    %eq3A_120 = vector.broadcast %eq3A_119 : i32 to vector<16xi32>
    %eq3A_121 = arith.cmpi eq, %min3A_118, %eq3A_120 : vector<16xi32>
    %jit3A_122 = arith.constant -3.000000e+38 : f32
    %broadcast_in_dim3A_123 = vector.broadcast %jit3A_122 : f32 to vector<16xf32>
    %select_n3A_124 = arith.select %eq3A_121, %broadcast_in_dim3A_123, %get3A_6 : vector<16xi1>, vector<16xf32>
    %eq3A_125 = arith.constant 1 : i32
    %eq3A_126 = vector.broadcast %eq3A_125 : i32 to vector<16xi32>
    %eq3A_127 = arith.cmpi eq, %min3A_118, %eq3A_126 : vector<16xi32>
    %jit3A_128 = arith.constant -3.000000e+38 : f32
    %broadcast_in_dim3A_129 = vector.broadcast %jit3A_128 : f32 to vector<16xf32>
    %select_n3A_130 = arith.select %eq3A_127, %broadcast_in_dim3A_129, %get3A_11 : vector<16xi1>, vector<16xf32>
    %max3A_131 = arith.maximumf %select_n3A_124, %select_n3A_130 : vector<16xf32>
    %eq3A_132 = arith.constant 2 : i32
    %eq3A_133 = vector.broadcast %eq3A_132 : i32 to vector<16xi32>
    %eq3A_134 = arith.cmpi eq, %min3A_118, %eq3A_133 : vector<16xi32>
    %jit3A_135 = arith.constant -3.000000e+38 : f32
    %broadcast_in_dim3A_136 = vector.broadcast %jit3A_135 : f32 to vector<16xf32>
    %select_n3A_137 = arith.select %eq3A_134, %broadcast_in_dim3A_136, %get3A_16 : vector<16xi1>, vector<16xf32>
    %max3A_138 = arith.maximumf %max3A_131, %select_n3A_137 : vector<16xf32>
    %eq3A_139 = arith.constant 3 : i32
    %eq3A_140 = vector.broadcast %eq3A_139 : i32 to vector<16xi32>
    %eq3A_141 = arith.cmpi eq, %min3A_118, %eq3A_140 : vector<16xi32>
    %jit3A_142 = arith.constant -3.000000e+38 : f32
    %broadcast_in_dim3A_143 = vector.broadcast %jit3A_142 : f32 to vector<16xf32>
    %select_n3A_144 = arith.select %eq3A_141, %broadcast_in_dim3A_143, %get3A_21 : vector<16xi1>, vector<16xf32>
    %max3A_145 = arith.maximumf %max3A_138, %select_n3A_144 : vector<16xf32>
    %eq3A_146 = arith.constant 4 : i32
    %eq3A_147 = vector.broadcast %eq3A_146 : i32 to vector<16xi32>
    %eq3A_148 = arith.cmpi eq, %min3A_118, %eq3A_147 : vector<16xi32>
    %jit3A_149 = arith.constant -3.000000e+38 : f32
    %broadcast_in_dim3A_150 = vector.broadcast %jit3A_149 : f32 to vector<16xf32>
    %select_n3A_151 = arith.select %eq3A_148, %broadcast_in_dim3A_150, %get3A_26 : vector<16xi1>, vector<16xf32>
    %max3A_152 = arith.maximumf %max3A_145, %select_n3A_151 : vector<16xf32>
    %eq3A_153 = arith.constant 5 : i32
    %eq3A_154 = vector.broadcast %eq3A_153 : i32 to vector<16xi32>
    %eq3A_155 = arith.cmpi eq, %min3A_118, %eq3A_154 : vector<16xi32>
    %jit3A_156 = arith.constant -3.000000e+38 : f32
    %broadcast_in_dim3A_157 = vector.broadcast %jit3A_156 : f32 to vector<16xf32>
    %select_n3A_158 = arith.select %eq3A_155, %broadcast_in_dim3A_157, %get3A_31 : vector<16xi1>, vector<16xf32>
    %max3A_159 = arith.maximumf %max3A_152, %select_n3A_158 : vector<16xf32>
    %eq3A_160 = arith.constant 6 : i32
    %eq3A_161 = vector.broadcast %eq3A_160 : i32 to vector<16xi32>
    %eq3A_162 = arith.cmpi eq, %min3A_118, %eq3A_161 : vector<16xi32>
    %jit3A_163 = arith.constant -3.000000e+38 : f32
    %broadcast_in_dim3A_164 = vector.broadcast %jit3A_163 : f32 to vector<16xf32>
    %select_n3A_165 = arith.select %eq3A_162, %broadcast_in_dim3A_164, %get3A_36 : vector<16xi1>, vector<16xf32>
    %max3A_166 = arith.maximumf %max3A_159, %select_n3A_165 : vector<16xf32>
    %eq3A_167 = arith.constant 7 : i32
    %eq3A_168 = vector.broadcast %eq3A_167 : i32 to vector<16xi32>
    %eq3A_169 = arith.cmpi eq, %min3A_118, %eq3A_168 : vector<16xi32>
    %jit3A_170 = arith.constant -3.000000e+38 : f32
    %broadcast_in_dim3A_171 = vector.broadcast %jit3A_170 : f32 to vector<16xf32>
    %select_n3A_172 = arith.select %eq3A_169, %broadcast_in_dim3A_171, %get3A_41 : vector<16xi1>, vector<16xf32>
    %max3A_173 = arith.maximumf %max3A_166, %select_n3A_172 : vector<16xf32>
    %eq3A_174 = arith.cmpf oeq, %get3A_6, %max3A_173 : vector<16xf32>
    %ne3A = arith.constant 0 : i32
    %ne3A_175 = vector.broadcast %ne3A : i32 to vector<16xi32>
    %ne3A_176 = arith.cmpi ne, %min3A_118, %ne3A_175 : vector<16xi32>
    %and3A = arith.andi %eq3A_174, %ne3A_176 : vector<16xi1>
    %jit3A_177 = arith.constant 0 : i32
    %jit3A_178 = arith.constant 8 : i32
    %broadcast_in_dim3A_179 = vector.broadcast %jit3A_177 : i32 to vector<16xi32>
    %broadcast_in_dim3A_180 = vector.broadcast %jit3A_178 : i32 to vector<16xi32>
    %select_n3A_181 = arith.select %and3A, %broadcast_in_dim3A_179, %broadcast_in_dim3A_180 : vector<16xi1>, vector<16xi32>
    %eq3A_182 = arith.cmpf oeq, %get3A_11, %max3A_173 : vector<16xf32>
    %ne3A_183 = arith.constant 1 : i32
    %ne3A_184 = vector.broadcast %ne3A_183 : i32 to vector<16xi32>
    %ne3A_185 = arith.cmpi ne, %min3A_118, %ne3A_184 : vector<16xi32>
    %and3A_186 = arith.andi %eq3A_182, %ne3A_185 : vector<16xi1>
    %jit3A_187 = arith.constant 1 : i32
    %jit3A_188 = arith.constant 8 : i32
    %broadcast_in_dim3A_189 = vector.broadcast %jit3A_187 : i32 to vector<16xi32>
    %broadcast_in_dim3A_190 = vector.broadcast %jit3A_188 : i32 to vector<16xi32>
    %select_n3A_191 = arith.select %and3A_186, %broadcast_in_dim3A_189, %broadcast_in_dim3A_190 : vector<16xi1>, vector<16xi32>
    %min3A_192 = arith.minsi %select_n3A_181, %select_n3A_191 : vector<16xi32>
    %eq3A_193 = arith.cmpf oeq, %get3A_16, %max3A_173 : vector<16xf32>
    %ne3A_194 = arith.constant 2 : i32
    %ne3A_195 = vector.broadcast %ne3A_194 : i32 to vector<16xi32>
    %ne3A_196 = arith.cmpi ne, %min3A_118, %ne3A_195 : vector<16xi32>
    %and3A_197 = arith.andi %eq3A_193, %ne3A_196 : vector<16xi1>
    %jit3A_198 = arith.constant 2 : i32
    %jit3A_199 = arith.constant 8 : i32
    %broadcast_in_dim3A_200 = vector.broadcast %jit3A_198 : i32 to vector<16xi32>
    %broadcast_in_dim3A_201 = vector.broadcast %jit3A_199 : i32 to vector<16xi32>
    %select_n3A_202 = arith.select %and3A_197, %broadcast_in_dim3A_200, %broadcast_in_dim3A_201 : vector<16xi1>, vector<16xi32>
    %min3A_203 = arith.minsi %min3A_192, %select_n3A_202 : vector<16xi32>
    %eq3A_204 = arith.cmpf oeq, %get3A_21, %max3A_173 : vector<16xf32>
    %ne3A_205 = arith.constant 3 : i32
    %ne3A_206 = vector.broadcast %ne3A_205 : i32 to vector<16xi32>
    %ne3A_207 = arith.cmpi ne, %min3A_118, %ne3A_206 : vector<16xi32>
    %and3A_208 = arith.andi %eq3A_204, %ne3A_207 : vector<16xi1>
    %jit3A_209 = arith.constant 3 : i32
    %jit3A_210 = arith.constant 8 : i32
    %broadcast_in_dim3A_211 = vector.broadcast %jit3A_209 : i32 to vector<16xi32>
    %broadcast_in_dim3A_212 = vector.broadcast %jit3A_210 : i32 to vector<16xi32>
    %select_n3A_213 = arith.select %and3A_208, %broadcast_in_dim3A_211, %broadcast_in_dim3A_212 : vector<16xi1>, vector<16xi32>
    %min3A_214 = arith.minsi %min3A_203, %select_n3A_213 : vector<16xi32>
    %eq3A_215 = arith.cmpf oeq, %get3A_26, %max3A_173 : vector<16xf32>
    %ne3A_216 = arith.constant 4 : i32
    %ne3A_217 = vector.broadcast %ne3A_216 : i32 to vector<16xi32>
    %ne3A_218 = arith.cmpi ne, %min3A_118, %ne3A_217 : vector<16xi32>
    %and3A_219 = arith.andi %eq3A_215, %ne3A_218 : vector<16xi1>
    %jit3A_220 = arith.constant 4 : i32
    %jit3A_221 = arith.constant 8 : i32
    %broadcast_in_dim3A_222 = vector.broadcast %jit3A_220 : i32 to vector<16xi32>
    %broadcast_in_dim3A_223 = vector.broadcast %jit3A_221 : i32 to vector<16xi32>
    %select_n3A_224 = arith.select %and3A_219, %broadcast_in_dim3A_222, %broadcast_in_dim3A_223 : vector<16xi1>, vector<16xi32>
    %min3A_225 = arith.minsi %min3A_214, %select_n3A_224 : vector<16xi32>
    %eq3A_226 = arith.cmpf oeq, %get3A_31, %max3A_173 : vector<16xf32>
    %ne3A_227 = arith.constant 5 : i32
    %ne3A_228 = vector.broadcast %ne3A_227 : i32 to vector<16xi32>
    %ne3A_229 = arith.cmpi ne, %min3A_118, %ne3A_228 : vector<16xi32>
    %and3A_230 = arith.andi %eq3A_226, %ne3A_229 : vector<16xi1>
    %jit3A_231 = arith.constant 5 : i32
    %jit3A_232 = arith.constant 8 : i32
    %broadcast_in_dim3A_233 = vector.broadcast %jit3A_231 : i32 to vector<16xi32>
    %broadcast_in_dim3A_234 = vector.broadcast %jit3A_232 : i32 to vector<16xi32>
    %select_n3A_235 = arith.select %and3A_230, %broadcast_in_dim3A_233, %broadcast_in_dim3A_234 : vector<16xi1>, vector<16xi32>
    %min3A_236 = arith.minsi %min3A_225, %select_n3A_235 : vector<16xi32>
    %eq3A_237 = arith.cmpf oeq, %get3A_36, %max3A_173 : vector<16xf32>
    %ne3A_238 = arith.constant 6 : i32
    %ne3A_239 = vector.broadcast %ne3A_238 : i32 to vector<16xi32>
    %ne3A_240 = arith.cmpi ne, %min3A_118, %ne3A_239 : vector<16xi32>
    %and3A_241 = arith.andi %eq3A_237, %ne3A_240 : vector<16xi1>
    %jit3A_242 = arith.constant 6 : i32
    %jit3A_243 = arith.constant 8 : i32
    %broadcast_in_dim3A_244 = vector.broadcast %jit3A_242 : i32 to vector<16xi32>
    %broadcast_in_dim3A_245 = vector.broadcast %jit3A_243 : i32 to vector<16xi32>
    %select_n3A_246 = arith.select %and3A_241, %broadcast_in_dim3A_244, %broadcast_in_dim3A_245 : vector<16xi1>, vector<16xi32>
    %min3A_247 = arith.minsi %min3A_236, %select_n3A_246 : vector<16xi32>
    %eq3A_248 = arith.cmpf oeq, %get3A_41, %max3A_173 : vector<16xf32>
    %ne3A_249 = arith.constant 7 : i32
    %ne3A_250 = vector.broadcast %ne3A_249 : i32 to vector<16xi32>
    %ne3A_251 = arith.cmpi ne, %min3A_118, %ne3A_250 : vector<16xi32>
    %and3A_252 = arith.andi %eq3A_248, %ne3A_251 : vector<16xi1>
    %jit3A_253 = arith.constant 7 : i32
    %jit3A_254 = arith.constant 8 : i32
    %broadcast_in_dim3A_255 = vector.broadcast %jit3A_253 : i32 to vector<16xi32>
    %broadcast_in_dim3A_256 = vector.broadcast %jit3A_254 : i32 to vector<16xi32>
    %select_n3A_257 = arith.select %and3A_252, %broadcast_in_dim3A_255, %broadcast_in_dim3A_256 : vector<16xi1>, vector<16xi32>
    %min3A_258 = arith.minsi %min3A_247, %select_n3A_257 : vector<16xi32>
    %eq3A_259 = arith.constant 0 : i32
    %eq3A_260 = vector.broadcast %eq3A_259 : i32 to vector<16xi32>
    %eq3A_261 = arith.cmpi eq, %min3A_118, %eq3A_260 : vector<16xi32>
    %eq3A_262 = arith.constant 0 : i32
    %eq3A_263 = vector.broadcast %eq3A_262 : i32 to vector<16xi32>
    %eq3A_264 = arith.cmpi eq, %min3A_258, %eq3A_263 : vector<16xi32>
    %or3A = arith.ori %eq3A_261, %eq3A_264 : vector<16xi1>
    %jit3A_265 = arith.constant 0.000000e+00 : f32
    %broadcast_in_dim3A_266 = vector.broadcast %jit3A_265 : f32 to vector<16xf32>
    %select_n3A_267 = arith.select %or3A, %exp3A, %broadcast_in_dim3A_266 : vector<16xi1>, vector<16xf32>
    %eq3A_268 = arith.constant 1 : i32
    %eq3A_269 = vector.broadcast %eq3A_268 : i32 to vector<16xi32>
    %eq3A_270 = arith.cmpi eq, %min3A_118, %eq3A_269 : vector<16xi32>
    %eq3A_271 = arith.constant 1 : i32
    %eq3A_272 = vector.broadcast %eq3A_271 : i32 to vector<16xi32>
    %eq3A_273 = arith.cmpi eq, %min3A_258, %eq3A_272 : vector<16xi32>
    %or3A_274 = arith.ori %eq3A_270, %eq3A_273 : vector<16xi1>
    %jit3A_275 = arith.constant 0.000000e+00 : f32
    %broadcast_in_dim3A_276 = vector.broadcast %jit3A_275 : f32 to vector<16xf32>
    %select_n3A_277 = arith.select %or3A_274, %exp3A_49, %broadcast_in_dim3A_276 : vector<16xi1>, vector<16xf32>
    %add3A_278 = arith.addf %select_n3A_267, %select_n3A_277 : vector<16xf32>
    %eq3A_279 = arith.constant 2 : i32
    %eq3A_280 = vector.broadcast %eq3A_279 : i32 to vector<16xi32>
    %eq3A_281 = arith.cmpi eq, %min3A_118, %eq3A_280 : vector<16xi32>
    %eq3A_282 = arith.constant 2 : i32
    %eq3A_283 = vector.broadcast %eq3A_282 : i32 to vector<16xi32>
    %eq3A_284 = arith.cmpi eq, %min3A_258, %eq3A_283 : vector<16xi32>
    %or3A_285 = arith.ori %eq3A_281, %eq3A_284 : vector<16xi1>
    %jit3A_286 = arith.constant 0.000000e+00 : f32
    %broadcast_in_dim3A_287 = vector.broadcast %jit3A_286 : f32 to vector<16xf32>
    %select_n3A_288 = arith.select %or3A_285, %exp3A_51, %broadcast_in_dim3A_287 : vector<16xi1>, vector<16xf32>
    %add3A_289 = arith.addf %add3A_278, %select_n3A_288 : vector<16xf32>
    %eq3A_290 = arith.constant 3 : i32
    %eq3A_291 = vector.broadcast %eq3A_290 : i32 to vector<16xi32>
    %eq3A_292 = arith.cmpi eq, %min3A_118, %eq3A_291 : vector<16xi32>
    %eq3A_293 = arith.constant 3 : i32
    %eq3A_294 = vector.broadcast %eq3A_293 : i32 to vector<16xi32>
    %eq3A_295 = arith.cmpi eq, %min3A_258, %eq3A_294 : vector<16xi32>
    %or3A_296 = arith.ori %eq3A_292, %eq3A_295 : vector<16xi1>
    %jit3A_297 = arith.constant 0.000000e+00 : f32
    %broadcast_in_dim3A_298 = vector.broadcast %jit3A_297 : f32 to vector<16xf32>
    %select_n3A_299 = arith.select %or3A_296, %exp3A_53, %broadcast_in_dim3A_298 : vector<16xi1>, vector<16xf32>
    %add3A_300 = arith.addf %add3A_289, %select_n3A_299 : vector<16xf32>
    %eq3A_301 = arith.constant 4 : i32
    %eq3A_302 = vector.broadcast %eq3A_301 : i32 to vector<16xi32>
    %eq3A_303 = arith.cmpi eq, %min3A_118, %eq3A_302 : vector<16xi32>
    %eq3A_304 = arith.constant 4 : i32
    %eq3A_305 = vector.broadcast %eq3A_304 : i32 to vector<16xi32>
    %eq3A_306 = arith.cmpi eq, %min3A_258, %eq3A_305 : vector<16xi32>
    %or3A_307 = arith.ori %eq3A_303, %eq3A_306 : vector<16xi1>
    %jit3A_308 = arith.constant 0.000000e+00 : f32
    %broadcast_in_dim3A_309 = vector.broadcast %jit3A_308 : f32 to vector<16xf32>
    %select_n3A_310 = arith.select %or3A_307, %exp3A_55, %broadcast_in_dim3A_309 : vector<16xi1>, vector<16xf32>
    %add3A_311 = arith.addf %add3A_300, %select_n3A_310 : vector<16xf32>
    %eq3A_312 = arith.constant 5 : i32
    %eq3A_313 = vector.broadcast %eq3A_312 : i32 to vector<16xi32>
    %eq3A_314 = arith.cmpi eq, %min3A_118, %eq3A_313 : vector<16xi32>
    %eq3A_315 = arith.constant 5 : i32
    %eq3A_316 = vector.broadcast %eq3A_315 : i32 to vector<16xi32>
    %eq3A_317 = arith.cmpi eq, %min3A_258, %eq3A_316 : vector<16xi32>
    %or3A_318 = arith.ori %eq3A_314, %eq3A_317 : vector<16xi1>
    %jit3A_319 = arith.constant 0.000000e+00 : f32
    %broadcast_in_dim3A_320 = vector.broadcast %jit3A_319 : f32 to vector<16xf32>
    %select_n3A_321 = arith.select %or3A_318, %exp3A_57, %broadcast_in_dim3A_320 : vector<16xi1>, vector<16xf32>
    %add3A_322 = arith.addf %add3A_311, %select_n3A_321 : vector<16xf32>
    %eq3A_323 = arith.constant 6 : i32
    %eq3A_324 = vector.broadcast %eq3A_323 : i32 to vector<16xi32>
    %eq3A_325 = arith.cmpi eq, %min3A_118, %eq3A_324 : vector<16xi32>
    %eq3A_326 = arith.constant 6 : i32
    %eq3A_327 = vector.broadcast %eq3A_326 : i32 to vector<16xi32>
    %eq3A_328 = arith.cmpi eq, %min3A_258, %eq3A_327 : vector<16xi32>
    %or3A_329 = arith.ori %eq3A_325, %eq3A_328 : vector<16xi1>
    %jit3A_330 = arith.constant 0.000000e+00 : f32
    %broadcast_in_dim3A_331 = vector.broadcast %jit3A_330 : f32 to vector<16xf32>
    %select_n3A_332 = arith.select %or3A_329, %exp3A_59, %broadcast_in_dim3A_331 : vector<16xi1>, vector<16xf32>
    %add3A_333 = arith.addf %add3A_322, %select_n3A_332 : vector<16xf32>
    %eq3A_334 = arith.constant 7 : i32
    %eq3A_335 = vector.broadcast %eq3A_334 : i32 to vector<16xi32>
    %eq3A_336 = arith.cmpi eq, %min3A_118, %eq3A_335 : vector<16xi32>
    %eq3A_337 = arith.constant 7 : i32
    %eq3A_338 = vector.broadcast %eq3A_337 : i32 to vector<16xi32>
    %eq3A_339 = arith.cmpi eq, %min3A_258, %eq3A_338 : vector<16xi32>
    %or3A_340 = arith.ori %eq3A_336, %eq3A_339 : vector<16xi1>
    %jit3A_341 = arith.constant 0.000000e+00 : f32
    %broadcast_in_dim3A_342 = vector.broadcast %jit3A_341 : f32 to vector<16xf32>
    %select_n3A_343 = arith.select %or3A_340, %exp3A_61, %broadcast_in_dim3A_342 : vector<16xi1>, vector<16xf32>
    %add3A_344 = arith.addf %add3A_333, %select_n3A_343 : vector<16xf32>
    %mul3A_345 = arith.constant 9.99999997E-7 : f32
    %mul3A_346 = vector.broadcast %mul3A_345 : f32 to vector<16xf32>
    %mul3A_347 = arith.mulf %mul3A_346, %add3A_68 : vector<16xf32>
    %add3A_348 = arith.addf %add3A_344, %mul3A_347 : vector<16xf32>
    %div3A = arith.constant 1.000000e+00 : f32
    %div3A_349 = vector.broadcast %div3A : f32 to vector<16xf32>
    %div3A_350 = arith.divf %div3A_349, %add3A_348 : vector<16xf32>
    %mul3A_351 = arith.mulf %select_n3A_267, %div3A_350 : vector<16xf32>
    %swap3A = arith.constant 0 : i32
    %swap3A_352 = arith.index_cast %swap3A : i32 to index
    %swap3A_353 = arith.constant 0 : index
    %swap3A_354 = tpu.vector_load %arg5[%swap3A_352, %swap3A_353] {strides = array<i32>} : memref<8x128xf32, #tpu.memory_space<vmem>>, vector<1x16xf32>,
    %swap3A_355 = vector.shape_cast %swap3A_354 : vector<1x16xf32> to vector<16xf32>
    %swap3A_356 = vector.shape_cast %mul3A_351 : vector<16xf32> to vector<1x16xf32>
    tpu.vector_store %arg5[%swap3A_352, %swap3A_353], %swap3A_356 {strides = array<i32>} : memref<8x128xf32, #tpu.memory_space<vmem>>, vector<1x16xf32>,
    %mul3A_357 = arith.mulf %select_n3A_277, %div3A_350 : vector<16xf32>
    %swap3A_358 = arith.constant 1 : i32
    %swap3A_359 = arith.index_cast %swap3A_358 : i32 to index
    %swap3A_360 = arith.constant 0 : index
    %swap3A_361 = tpu.vector_load %arg5[%swap3A_359, %swap3A_360] {strides = array<i32>} : memref<8x128xf32, #tpu.memory_space<vmem>>, vector<1x16xf32>,
    %swap3A_362 = vector.shape_cast %swap3A_361 : vector<1x16xf32> to vector<16xf32>
    %swap3A_363 = vector.shape_cast %mul3A_357 : vector<16xf32> to vector<1x16xf32>
    tpu.vector_store %arg5[%swap3A_359, %swap3A_360], %swap3A_363 {strides = array<i32>} : memref<8x128xf32, #tpu.memory_space<vmem>>, vector<1x16xf32>,
    %mul3A_364 = arith.mulf %select_n3A_288, %div3A_350 : vector<16xf32>
    %swap3A_365 = arith.constant 2 : i32
    %swap3A_366 = arith.index_cast %swap3A_365 : i32 to index
    %swap3A_367 = arith.constant 0 : index
    %swap3A_368 = tpu.vector_load %arg5[%swap3A_366, %swap3A_367] {strides = array<i32>} : memref<8x128xf32, #tpu.memory_space<vmem>>, vector<1x16xf32>,
    %swap3A_369 = vector.shape_cast %swap3A_368 : vector<1x16xf32> to vector<16xf32>
    %swap3A_370 = vector.shape_cast %mul3A_364 : vector<16xf32> to vector<1x16xf32>
    tpu.vector_store %arg5[%swap3A_366, %swap3A_367], %swap3A_370 {strides = array<i32>} : memref<8x128xf32, #tpu.memory_space<vmem>>, vector<1x16xf32>,
    %mul3A_371 = arith.mulf %select_n3A_299, %div3A_350 : vector<16xf32>
    %swap3A_372 = arith.constant 3 : i32
    %swap3A_373 = arith.index_cast %swap3A_372 : i32 to index
    %swap3A_374 = arith.constant 0 : index
    %swap3A_375 = tpu.vector_load %arg5[%swap3A_373, %swap3A_374] {strides = array<i32>} : memref<8x128xf32, #tpu.memory_space<vmem>>, vector<1x16xf32>,
    %swap3A_376 = vector.shape_cast %swap3A_375 : vector<1x16xf32> to vector<16xf32>
    %swap3A_377 = vector.shape_cast %mul3A_371 : vector<16xf32> to vector<1x16xf32>
    tpu.vector_store %arg5[%swap3A_373, %swap3A_374], %swap3A_377 {strides = array<i32>} : memref<8x128xf32, #tpu.memory_space<vmem>>, vector<1x16xf32>,
    %mul3A_378 = arith.mulf %select_n3A_310, %div3A_350 : vector<16xf32>
    %swap3A_379 = arith.constant 4 : i32
    %swap3A_380 = arith.index_cast %swap3A_379 : i32 to index
    %swap3A_381 = arith.constant 0 : index
    %swap3A_382 = tpu.vector_load %arg5[%swap3A_380, %swap3A_381] {strides = array<i32>} : memref<8x128xf32, #tpu.memory_space<vmem>>, vector<1x16xf32>,
    %swap3A_383 = vector.shape_cast %swap3A_382 : vector<1x16xf32> to vector<16xf32>
    %swap3A_384 = vector.shape_cast %mul3A_378 : vector<16xf32> to vector<1x16xf32>
    tpu.vector_store %arg5[%swap3A_380, %swap3A_381], %swap3A_384 {strides = array<i32>} : memref<8x128xf32, #tpu.memory_space<vmem>>, vector<1x16xf32>,
    %mul3A_385 = arith.mulf %select_n3A_321, %div3A_350 : vector<16xf32>
    %swap3A_386 = arith.constant 5 : i32
    %swap3A_387 = arith.index_cast %swap3A_386 : i32 to index
    %swap3A_388 = arith.constant 0 : index
    %swap3A_389 = tpu.vector_load %arg5[%swap3A_387, %swap3A_388] {strides = array<i32>} : memref<8x128xf32, #tpu.memory_space<vmem>>, vector<1x16xf32>,
    %swap3A_390 = vector.shape_cast %swap3A_389 : vector<1x16xf32> to vector<16xf32>
    %swap3A_391 = vector.shape_cast %mul3A_385 : vector<16xf32> to vector<1x16xf32>
    tpu.vector_store %arg5[%swap3A_387, %swap3A_388], %swap3A_391 {strides = array<i32>} : memref<8x128xf32, #tpu.memory_space<vmem>>, vector<1x16xf32>,
    %mul3A_392 = arith.mulf %select_n3A_332, %div3A_350 : vector<16xf32>
    %swap3A_393 = arith.constant 6 : i32
    %swap3A_394 = arith.index_cast %swap3A_393 : i32 to index
    %swap3A_395 = arith.constant 0 : index
    %swap3A_396 = tpu.vector_load %arg5[%swap3A_394, %swap3A_395] {strides = array<i32>} : memref<8x128xf32, #tpu.memory_space<vmem>>, vector<1x16xf32>,
    %swap3A_397 = vector.shape_cast %swap3A_396 : vector<1x16xf32> to vector<16xf32>
    %swap3A_398 = vector.shape_cast %mul3A_392 : vector<16xf32> to vector<1x16xf32>
    tpu.vector_store %arg5[%swap3A_394, %swap3A_395], %swap3A_398 {strides = array<i32>} : memref<8x128xf32, #tpu.memory_space<vmem>>, vector<1x16xf32>,
    %mul3A_399 = arith.mulf %select_n3A_343, %div3A_350 : vector<16xf32>
    %swap3A_400 = arith.constant 7 : i32
    %swap3A_401 = arith.index_cast %swap3A_400 : i32 to index
    %swap3A_402 = arith.constant 0 : index
    %swap3A_403 = tpu.vector_load %arg5[%swap3A_401, %swap3A_402] {strides = array<i32>} : memref<8x128xf32, #tpu.memory_space<vmem>>, vector<1x16xf32>,
    %swap3A_404 = vector.shape_cast %swap3A_403 : vector<1x16xf32> to vector<16xf32>
    %swap3A_405 = vector.shape_cast %mul3A_399 : vector<16xf32> to vector<1x16xf32>
    tpu.vector_store %arg5[%swap3A_401, %swap3A_402], %swap3A_405 {strides = array<i32>} : memref<8x128xf32, #tpu.memory_space<vmem>>, vector<1x16xf32>,
    %get3A_406 = arith.constant 0 : i32
    %get3A_407 = arith.index_cast %get3A_406 : i32 to index
    %get3A_408 = arith.constant 16 : index
    %get3A_409 = tpu.vector_load %arg4[%get3A_407, %get3A_408] {strides = array<i32>} : memref<8x128xf32, #tpu.memory_space<vmem>>, vector<1x16xf32>,
    %get3A_410 = vector.shape_cast %get3A_409 : vector<1x16xf32> to vector<16xf32>
    %get3A_411 = arith.constant 1 : i32
    %get3A_412 = arith.index_cast %get3A_411 : i32 to index
    %get3A_413 = arith.constant 16 : index
    %get3A_414 = tpu.vector_load %arg4[%get3A_412, %get3A_413] {strides = array<i32>} : memref<8x128xf32, #tpu.memory_space<vmem>>, vector<1x16xf32>,
    %get3A_415 = vector.shape_cast %get3A_414 : vector<1x16xf32> to vector<16xf32>
    %get3A_416 = arith.constant 2 : i32
    %get3A_417 = arith.index_cast %get3A_416 : i32 to index
    %get3A_418 = arith.constant 16 : index
    %get3A_419 = tpu.vector_load %arg4[%get3A_417, %get3A_418] {strides = array<i32>} : memref<8x128xf32, #tpu.memory_space<vmem>>, vector<1x16xf32>,
    %get3A_420 = vector.shape_cast %get3A_419 : vector<1x16xf32> to vector<16xf32>
    %get3A_421 = arith.constant 3 : i32
    %get3A_422 = arith.index_cast %get3A_421 : i32 to index
    %get3A_423 = arith.constant 16 : index
    %get3A_424 = tpu.vector_load %arg4[%get3A_422, %get3A_423] {strides = array<i32>} : memref<8x128xf32, #tpu.memory_space<vmem>>, vector<1x16xf32>,
    %get3A_425 = vector.shape_cast %get3A_424 : vector<1x16xf32> to vector<16xf32>
    %get3A_426 = arith.constant 4 : i32
    %get3A_427 = arith.index_cast %get3A_426 : i32 to index
    %get3A_428 = arith.constant 16 : index
    %get3A_429 = tpu.vector_load %arg4[%get3A_427, %get3A_428] {strides = array<i32>} : memref<8x128xf32, #tpu.memory_space<vmem>>, vector<1x16xf32>,
    %get3A_430 = vector.shape_cast %get3A_429 : vector<1x16xf32> to vector<16xf32>
    %get3A_431 = arith.constant 5 : i32
    %get3A_432 = arith.index_cast %get3A_431 : i32 to index
    %get3A_433 = arith.constant 16 : index
    %get3A_434 = tpu.vector_load %arg4[%get3A_432, %get3A_433] {strides = array<i32>} : memref<8x128xf32, #tpu.memory_space<vmem>>, vector<1x16xf32>,
    %get3A_435 = vector.shape_cast %get3A_434 : vector<1x16xf32> to vector<16xf32>
    %get3A_436 = arith.constant 6 : i32
    %get3A_437 = arith.index_cast %get3A_436 : i32 to index
    %get3A_438 = arith.constant 16 : index
    %get3A_439 = tpu.vector_load %arg4[%get3A_437, %get3A_438] {strides = array<i32>} : memref<8x128xf32, #tpu.memory_space<vmem>>, vector<1x16xf32>,
    %get3A_440 = vector.shape_cast %get3A_439 : vector<1x16xf32> to vector<16xf32>
    %get3A_441 = arith.constant 7 : i32
    %get3A_442 = arith.index_cast %get3A_441 : i32 to index
    %get3A_443 = arith.constant 16 : index
    %get3A_444 = tpu.vector_load %arg4[%get3A_442, %get3A_443] {strides = array<i32>} : memref<8x128xf32, #tpu.memory_space<vmem>>, vector<1x16xf32>,
    %get3A_445 = vector.shape_cast %get3A_444 : vector<1x16xf32> to vector<16xf32>
    %max3A_446 = arith.maximumf %get3A_410, %get3A_415 : vector<16xf32>
    %max3A_447 = arith.maximumf %max3A_446, %get3A_420 : vector<16xf32>
    %max3A_448 = arith.maximumf %max3A_447, %get3A_425 : vector<16xf32>
    %max3A_449 = arith.maximumf %max3A_448, %get3A_430 : vector<16xf32>
    %max3A_450 = arith.maximumf %max3A_449, %get3A_435 : vector<16xf32>
    %max3A_451 = arith.maximumf %max3A_450, %get3A_440 : vector<16xf32>
    %max3A_452 = arith.maximumf %max3A_451, %get3A_445 : vector<16xf32>
    %sub3A_453 = arith.subf %get3A_410, %max3A_452 : vector<16xf32>
    %exp3A_454 = math.exp %sub3A_453 : vector<16xf32>
    %sub3A_455 = arith.subf %get3A_415, %max3A_452 : vector<16xf32>
    %exp3A_456 = math.exp %sub3A_455 : vector<16xf32>
    %sub3A_457 = arith.subf %get3A_420, %max3A_452 : vector<16xf32>
    %exp3A_458 = math.exp %sub3A_457 : vector<16xf32>
    %sub3A_459 = arith.subf %get3A_425, %max3A_452 : vector<16xf32>
    %exp3A_460 = math.exp %sub3A_459 : vector<16xf32>
    %sub3A_461 = arith.subf %get3A_430, %max3A_452 : vector<16xf32>
    %exp3A_462 = math.exp %sub3A_461 : vector<16xf32>
    %sub3A_463 = arith.subf %get3A_435, %max3A_452 : vector<16xf32>
    %exp3A_464 = math.exp %sub3A_463 : vector<16xf32>
    %sub3A_465 = arith.subf %get3A_440, %max3A_452 : vector<16xf32>
    %exp3A_466 = math.exp %sub3A_465 : vector<16xf32>
    %sub3A_467 = arith.subf %get3A_445, %max3A_452 : vector<16xf32>
    %exp3A_468 = math.exp %sub3A_467 : vector<16xf32>
    %add3A_469 = arith.addf %exp3A_454, %exp3A_456 : vector<16xf32>
    %add3A_470 = arith.addf %add3A_469, %exp3A_458 : vector<16xf32>
    %add3A_471 = arith.addf %add3A_470, %exp3A_460 : vector<16xf32>
    %add3A_472 = arith.addf %add3A_471, %exp3A_462 : vector<16xf32>
    %add3A_473 = arith.addf %add3A_472, %exp3A_464 : vector<16xf32>
    %add3A_474 = arith.addf %add3A_473, %exp3A_466 : vector<16xf32>
    %add3A_475 = arith.addf %add3A_474, %exp3A_468 : vector<16xf32>
    %eq3A_476 = arith.cmpf oeq, %get3A_410, %max3A_452 : vector<16xf32>
    %jit3A_477 = arith.constant 0 : i32
    %jit3A_478 = arith.constant 8 : i32
    %broadcast_in_dim3A_479 = vector.broadcast %jit3A_477 : i32 to vector<16xi32>
    %broadcast_in_dim3A_480 = vector.broadcast %jit3A_478 : i32 to vector<16xi32>
    %select_n3A_481 = arith.select %eq3A_476, %broadcast_in_dim3A_479, %broadcast_in_dim3A_480 : vector<16xi1>, vector<16xi32>
    %eq3A_482 = arith.cmpf oeq, %get3A_415, %max3A_452 : vector<16xf32>
    %jit3A_483 = arith.constant 1 : i32
    %jit3A_484 = arith.constant 8 : i32
    %broadcast_in_dim3A_485 = vector.broadcast %jit3A_483 : i32 to vector<16xi32>
    %broadcast_in_dim3A_486 = vector.broadcast %jit3A_484 : i32 to vector<16xi32>
    %select_n3A_487 = arith.select %eq3A_482, %broadcast_in_dim3A_485, %broadcast_in_dim3A_486 : vector<16xi1>, vector<16xi32>
    %min3A_488 = arith.minsi %select_n3A_481, %select_n3A_487 : vector<16xi32>
    %eq3A_489 = arith.cmpf oeq, %get3A_420, %max3A_452 : vector<16xf32>
    %jit3A_490 = arith.constant 2 : i32
    %jit3A_491 = arith.constant 8 : i32
    %broadcast_in_dim3A_492 = vector.broadcast %jit3A_490 : i32 to vector<16xi32>
    %broadcast_in_dim3A_493 = vector.broadcast %jit3A_491 : i32 to vector<16xi32>
    %select_n3A_494 = arith.select %eq3A_489, %broadcast_in_dim3A_492, %broadcast_in_dim3A_493 : vector<16xi1>, vector<16xi32>
    %min3A_495 = arith.minsi %min3A_488, %select_n3A_494 : vector<16xi32>
    %eq3A_496 = arith.cmpf oeq, %get3A_425, %max3A_452 : vector<16xf32>
    %jit3A_497 = arith.constant 3 : i32
    %jit3A_498 = arith.constant 8 : i32
    %broadcast_in_dim3A_499 = vector.broadcast %jit3A_497 : i32 to vector<16xi32>
    %broadcast_in_dim3A_500 = vector.broadcast %jit3A_498 : i32 to vector<16xi32>
    %select_n3A_501 = arith.select %eq3A_496, %broadcast_in_dim3A_499, %broadcast_in_dim3A_500 : vector<16xi1>, vector<16xi32>
    %min3A_502 = arith.minsi %min3A_495, %select_n3A_501 : vector<16xi32>
    %eq3A_503 = arith.cmpf oeq, %get3A_430, %max3A_452 : vector<16xf32>
    %jit3A_504 = arith.constant 4 : i32
    %jit3A_505 = arith.constant 8 : i32
    %broadcast_in_dim3A_506 = vector.broadcast %jit3A_504 : i32 to vector<16xi32>
    %broadcast_in_dim3A_507 = vector.broadcast %jit3A_505 : i32 to vector<16xi32>
    %select_n3A_508 = arith.select %eq3A_503, %broadcast_in_dim3A_506, %broadcast_in_dim3A_507 : vector<16xi1>, vector<16xi32>
    %min3A_509 = arith.minsi %min3A_502, %select_n3A_508 : vector<16xi32>
    %eq3A_510 = arith.cmpf oeq, %get3A_435, %max3A_452 : vector<16xf32>
    %jit3A_511 = arith.constant 5 : i32
    %jit3A_512 = arith.constant 8 : i32
    %broadcast_in_dim3A_513 = vector.broadcast %jit3A_511 : i32 to vector<16xi32>
    %broadcast_in_dim3A_514 = vector.broadcast %jit3A_512 : i32 to vector<16xi32>
    %select_n3A_515 = arith.select %eq3A_510, %broadcast_in_dim3A_513, %broadcast_in_dim3A_514 : vector<16xi1>, vector<16xi32>
    %min3A_516 = arith.minsi %min3A_509, %select_n3A_515 : vector<16xi32>
    %eq3A_517 = arith.cmpf oeq, %get3A_440, %max3A_452 : vector<16xf32>
    %jit3A_518 = arith.constant 6 : i32
    %jit3A_519 = arith.constant 8 : i32
    %broadcast_in_dim3A_520 = vector.broadcast %jit3A_518 : i32 to vector<16xi32>
    %broadcast_in_dim3A_521 = vector.broadcast %jit3A_519 : i32 to vector<16xi32>
    %select_n3A_522 = arith.select %eq3A_517, %broadcast_in_dim3A_520, %broadcast_in_dim3A_521 : vector<16xi1>, vector<16xi32>
    %min3A_523 = arith.minsi %min3A_516, %select_n3A_522 : vector<16xi32>
    %eq3A_524 = arith.cmpf oeq, %get3A_445, %max3A_452 : vector<16xf32>
    %jit3A_525 = arith.constant 7 : i32
    %jit3A_526 = arith.constant 8 : i32
    %broadcast_in_dim3A_527 = vector.broadcast %jit3A_525 : i32 to vector<16xi32>
    %broadcast_in_dim3A_528 = vector.broadcast %jit3A_526 : i32 to vector<16xi32>
    %select_n3A_529 = arith.select %eq3A_524, %broadcast_in_dim3A_527, %broadcast_in_dim3A_528 : vector<16xi1>, vector<16xi32>
    %min3A_530 = arith.minsi %min3A_523, %select_n3A_529 : vector<16xi32>
    %eq3A_531 = arith.constant 0 : i32
    %eq3A_532 = vector.broadcast %eq3A_531 : i32 to vector<16xi32>
    %eq3A_533 = arith.cmpi eq, %min3A_530, %eq3A_532 : vector<16xi32>
    %jit3A_534 = arith.constant -3.000000e+38 : f32
    %broadcast_in_dim3A_535 = vector.broadcast %jit3A_534 : f32 to vector<16xf32>
    %select_n3A_536 = arith.select %eq3A_533, %broadcast_in_dim3A_535, %get3A_410 : vector<16xi1>, vector<16xf32>
    %eq3A_537 = arith.constant 1 : i32
    %eq3A_538 = vector.broadcast %eq3A_537 : i32 to vector<16xi32>
    %eq3A_539 = arith.cmpi eq, %min3A_530, %eq3A_538 : vector<16xi32>
    %jit3A_540 = arith.constant -3.000000e+38 : f32
    %broadcast_in_dim3A_541 = vector.broadcast %jit3A_540 : f32 to vector<16xf32>
    %select_n3A_542 = arith.select %eq3A_539, %broadcast_in_dim3A_541, %get3A_415 : vector<16xi1>, vector<16xf32>
    %max3A_543 = arith.maximumf %select_n3A_536, %select_n3A_542 : vector<16xf32>
    %eq3A_544 = arith.constant 2 : i32
    %eq3A_545 = vector.broadcast %eq3A_544 : i32 to vector<16xi32>
    %eq3A_546 = arith.cmpi eq, %min3A_530, %eq3A_545 : vector<16xi32>
    %jit3A_547 = arith.constant -3.000000e+38 : f32
    %broadcast_in_dim3A_548 = vector.broadcast %jit3A_547 : f32 to vector<16xf32>
    %select_n3A_549 = arith.select %eq3A_546, %broadcast_in_dim3A_548, %get3A_420 : vector<16xi1>, vector<16xf32>
    %max3A_550 = arith.maximumf %max3A_543, %select_n3A_549 : vector<16xf32>
    %eq3A_551 = arith.constant 3 : i32
    %eq3A_552 = vector.broadcast %eq3A_551 : i32 to vector<16xi32>
    %eq3A_553 = arith.cmpi eq, %min3A_530, %eq3A_552 : vector<16xi32>
    %jit3A_554 = arith.constant -3.000000e+38 : f32
    %broadcast_in_dim3A_555 = vector.broadcast %jit3A_554 : f32 to vector<16xf32>
    %select_n3A_556 = arith.select %eq3A_553, %broadcast_in_dim3A_555, %get3A_425 : vector<16xi1>, vector<16xf32>
    %max3A_557 = arith.maximumf %max3A_550, %select_n3A_556 : vector<16xf32>
    %eq3A_558 = arith.constant 4 : i32
    %eq3A_559 = vector.broadcast %eq3A_558 : i32 to vector<16xi32>
    %eq3A_560 = arith.cmpi eq, %min3A_530, %eq3A_559 : vector<16xi32>
    %jit3A_561 = arith.constant -3.000000e+38 : f32
    %broadcast_in_dim3A_562 = vector.broadcast %jit3A_561 : f32 to vector<16xf32>
    %select_n3A_563 = arith.select %eq3A_560, %broadcast_in_dim3A_562, %get3A_430 : vector<16xi1>, vector<16xf32>
    %max3A_564 = arith.maximumf %max3A_557, %select_n3A_563 : vector<16xf32>
    %eq3A_565 = arith.constant 5 : i32
    %eq3A_566 = vector.broadcast %eq3A_565 : i32 to vector<16xi32>
    %eq3A_567 = arith.cmpi eq, %min3A_530, %eq3A_566 : vector<16xi32>
    %jit3A_568 = arith.constant -3.000000e+38 : f32
    %broadcast_in_dim3A_569 = vector.broadcast %jit3A_568 : f32 to vector<16xf32>
    %select_n3A_570 = arith.select %eq3A_567, %broadcast_in_dim3A_569, %get3A_435 : vector<16xi1>, vector<16xf32>
    %max3A_571 = arith.maximumf %max3A_564, %select_n3A_570 : vector<16xf32>
    %eq3A_572 = arith.constant 6 : i32
    %eq3A_573 = vector.broadcast %eq3A_572 : i32 to vector<16xi32>
    %eq3A_574 = arith.cmpi eq, %min3A_530, %eq3A_573 : vector<16xi32>
    %jit3A_575 = arith.constant -3.000000e+38 : f32
    %broadcast_in_dim3A_576 = vector.broadcast %jit3A_575 : f32 to vector<16xf32>
    %select_n3A_577 = arith.select %eq3A_574, %broadcast_in_dim3A_576, %get3A_440 : vector<16xi1>, vector<16xf32>
    %max3A_578 = arith.maximumf %max3A_571, %select_n3A_577 : vector<16xf32>
    %eq3A_579 = arith.constant 7 : i32
    %eq3A_580 = vector.broadcast %eq3A_579 : i32 to vector<16xi32>
    %eq3A_581 = arith.cmpi eq, %min3A_530, %eq3A_580 : vector<16xi32>
    %jit3A_582 = arith.constant -3.000000e+38 : f32
    %broadcast_in_dim3A_583 = vector.broadcast %jit3A_582 : f32 to vector<16xf32>
    %select_n3A_584 = arith.select %eq3A_581, %broadcast_in_dim3A_583, %get3A_445 : vector<16xi1>, vector<16xf32>
    %max3A_585 = arith.maximumf %max3A_578, %select_n3A_584 : vector<16xf32>
    %eq3A_586 = arith.cmpf oeq, %get3A_410, %max3A_585 : vector<16xf32>
    %ne3A_587 = arith.constant 0 : i32
    %ne3A_588 = vector.broadcast %ne3A_587 : i32 to vector<16xi32>
    %ne3A_589 = arith.cmpi ne, %min3A_530, %ne3A_588 : vector<16xi32>
    %and3A_590 = arith.andi %eq3A_586, %ne3A_589 : vector<16xi1>
    %jit3A_591 = arith.constant 0 : i32
    %jit3A_592 = arith.constant 8 : i32
    %broadcast_in_dim3A_593 = vector.broadcast %jit3A_591 : i32 to vector<16xi32>
    %broadcast_in_dim3A_594 = vector.broadcast %jit3A_592 : i32 to vector<16xi32>
    %select_n3A_595 = arith.select %and3A_590, %broadcast_in_dim3A_593, %broadcast_in_dim3A_594 : vector<16xi1>, vector<16xi32>
    %eq3A_596 = arith.cmpf oeq, %get3A_415, %max3A_585 : vector<16xf32>
    %ne3A_597 = arith.constant 1 : i32
    %ne3A_598 = vector.broadcast %ne3A_597 : i32 to vector<16xi32>
    %ne3A_599 = arith.cmpi ne, %min3A_530, %ne3A_598 : vector<16xi32>
    %and3A_600 = arith.andi %eq3A_596, %ne3A_599 : vector<16xi1>
    %jit3A_601 = arith.constant 1 : i32
    %jit3A_602 = arith.constant 8 : i32
    %broadcast_in_dim3A_603 = vector.broadcast %jit3A_601 : i32 to vector<16xi32>
    %broadcast_in_dim3A_604 = vector.broadcast %jit3A_602 : i32 to vector<16xi32>
    %select_n3A_605 = arith.select %and3A_600, %broadcast_in_dim3A_603, %broadcast_in_dim3A_604 : vector<16xi1>, vector<16xi32>
    %min3A_606 = arith.minsi %select_n3A_595, %select_n3A_605 : vector<16xi32>
    %eq3A_607 = arith.cmpf oeq, %get3A_420, %max3A_585 : vector<16xf32>
    %ne3A_608 = arith.constant 2 : i32
    %ne3A_609 = vector.broadcast %ne3A_608 : i32 to vector<16xi32>
    %ne3A_610 = arith.cmpi ne, %min3A_530, %ne3A_609 : vector<16xi32>
    %and3A_611 = arith.andi %eq3A_607, %ne3A_610 : vector<16xi1>
    %jit3A_612 = arith.constant 2 : i32
    %jit3A_613 = arith.constant 8 : i32
    %broadcast_in_dim3A_614 = vector.broadcast %jit3A_612 : i32 to vector<16xi32>
    %broadcast_in_dim3A_615 = vector.broadcast %jit3A_613 : i32 to vector<16xi32>
    %select_n3A_616 = arith.select %and3A_611, %broadcast_in_dim3A_614, %broadcast_in_dim3A_615 : vector<16xi1>, vector<16xi32>
    %min3A_617 = arith.minsi %min3A_606, %select_n3A_616 : vector<16xi32>
    %eq3A_618 = arith.cmpf oeq, %get3A_425, %max3A_585 : vector<16xf32>
    %ne3A_619 = arith.constant 3 : i32
    %ne3A_620 = vector.broadcast %ne3A_619 : i32 to vector<16xi32>
    %ne3A_621 = arith.cmpi ne, %min3A_530, %ne3A_620 : vector<16xi32>
    %and3A_622 = arith.andi %eq3A_618, %ne3A_621 : vector<16xi1>
    %jit3A_623 = arith.constant 3 : i32
    %jit3A_624 = arith.constant 8 : i32
    %broadcast_in_dim3A_625 = vector.broadcast %jit3A_623 : i32 to vector<16xi32>
    %broadcast_in_dim3A_626 = vector.broadcast %jit3A_624 : i32 to vector<16xi32>
    %select_n3A_627 = arith.select %and3A_622, %broadcast_in_dim3A_625, %broadcast_in_dim3A_626 : vector<16xi1>, vector<16xi32>
    %min3A_628 = arith.minsi %min3A_617, %select_n3A_627 : vector<16xi32>
    %eq3A_629 = arith.cmpf oeq, %get3A_430, %max3A_585 : vector<16xf32>
    %ne3A_630 = arith.constant 4 : i32
    %ne3A_631 = vector.broadcast %ne3A_630 : i32 to vector<16xi32>
    %ne3A_632 = arith.cmpi ne, %min3A_530, %ne3A_631 : vector<16xi32>
    %and3A_633 = arith.andi %eq3A_629, %ne3A_632 : vector<16xi1>
    %jit3A_634 = arith.constant 4 : i32
    %jit3A_635 = arith.constant 8 : i32
    %broadcast_in_dim3A_636 = vector.broadcast %jit3A_634 : i32 to vector<16xi32>
    %broadcast_in_dim3A_637 = vector.broadcast %jit3A_635 : i32 to vector<16xi32>
    %select_n3A_638 = arith.select %and3A_633, %broadcast_in_dim3A_636, %broadcast_in_dim3A_637 : vector<16xi1>, vector<16xi32>
    %min3A_639 = arith.minsi %min3A_628, %select_n3A_638 : vector<16xi32>
    %eq3A_640 = arith.cmpf oeq, %get3A_435, %max3A_585 : vector<16xf32>
    %ne3A_641 = arith.constant 5 : i32
    %ne3A_642 = vector.broadcast %ne3A_641 : i32 to vector<16xi32>
    %ne3A_643 = arith.cmpi ne, %min3A_530, %ne3A_642 : vector<16xi32>
    %and3A_644 = arith.andi %eq3A_640, %ne3A_643 : vector<16xi1>
    %jit3A_645 = arith.constant 5 : i32
    %jit3A_646 = arith.constant 8 : i32
    %broadcast_in_dim3A_647 = vector.broadcast %jit3A_645 : i32 to vector<16xi32>
    %broadcast_in_dim3A_648 = vector.broadcast %jit3A_646 : i32 to vector<16xi32>
    %select_n3A_649 = arith.select %and3A_644, %broadcast_in_dim3A_647, %broadcast_in_dim3A_648 : vector<16xi1>, vector<16xi32>
    %min3A_650 = arith.minsi %min3A_639, %select_n3A_649 : vector<16xi32>
    %eq3A_651 = arith.cmpf oeq, %get3A_440, %max3A_585 : vector<16xf32>
    %ne3A_652 = arith.constant 6 : i32
    %ne3A_653 = vector.broadcast %ne3A_652 : i32 to vector<16xi32>
    %ne3A_654 = arith.cmpi ne, %min3A_530, %ne3A_653 : vector<16xi32>
    %and3A_655 = arith.andi %eq3A_651, %ne3A_654 : vector<16xi1>
    %jit3A_656 = arith.constant 6 : i32
    %jit3A_657 = arith.constant 8 : i32
    %broadcast_in_dim3A_658 = vector.broadcast %jit3A_656 : i32 to vector<16xi32>
    %broadcast_in_dim3A_659 = vector.broadcast %jit3A_657 : i32 to vector<16xi32>
    %select_n3A_660 = arith.select %and3A_655, %broadcast_in_dim3A_658, %broadcast_in_dim3A_659 : vector<16xi1>, vector<16xi32>
    %min3A_661 = arith.minsi %min3A_650, %select_n3A_660 : vector<16xi32>
    %eq3A_662 = arith.cmpf oeq, %get3A_445, %max3A_585 : vector<16xf32>
    %ne3A_663 = arith.constant 7 : i32
    %ne3A_664 = vector.broadcast %ne3A_663 : i32 to vector<16xi32>
    %ne3A_665 = arith.cmpi ne, %min3A_530, %ne3A_664 : vector<16xi32>
    %and3A_666 = arith.andi %eq3A_662, %ne3A_665 : vector<16xi1>
    %jit3A_667 = arith.constant 7 : i32
    %jit3A_668 = arith.constant 8 : i32
    %broadcast_in_dim3A_669 = vector.broadcast %jit3A_667 : i32 to vector<16xi32>
    %broadcast_in_dim3A_670 = vector.broadcast %jit3A_668 : i32 to vector<16xi32>
    %select_n3A_671 = arith.select %and3A_666, %broadcast_in_dim3A_669, %broadcast_in_dim3A_670 : vector<16xi1>, vector<16xi32>
    %min3A_672 = arith.minsi %min3A_661, %select_n3A_671 : vector<16xi32>
    %eq3A_673 = arith.constant 0 : i32
    %eq3A_674 = vector.broadcast %eq3A_673 : i32 to vector<16xi32>
    %eq3A_675 = arith.cmpi eq, %min3A_530, %eq3A_674 : vector<16xi32>
    %eq3A_676 = arith.constant 0 : i32
    %eq3A_677 = vector.broadcast %eq3A_676 : i32 to vector<16xi32>
    %eq3A_678 = arith.cmpi eq, %min3A_672, %eq3A_677 : vector<16xi32>
    %or3A_679 = arith.ori %eq3A_675, %eq3A_678 : vector<16xi1>
    %jit3A_680 = arith.constant 0.000000e+00 : f32
    %broadcast_in_dim3A_681 = vector.broadcast %jit3A_680 : f32 to vector<16xf32>
    %select_n3A_682 = arith.select %or3A_679, %exp3A_454, %broadcast_in_dim3A_681 : vector<16xi1>, vector<16xf32>
    %eq3A_683 = arith.constant 1 : i32
    %eq3A_684 = vector.broadcast %eq3A_683 : i32 to vector<16xi32>
    %eq3A_685 = arith.cmpi eq, %min3A_530, %eq3A_684 : vector<16xi32>
    %eq3A_686 = arith.constant 1 : i32
    %eq3A_687 = vector.broadcast %eq3A_686 : i32 to vector<16xi32>
    %eq3A_688 = arith.cmpi eq, %min3A_672, %eq3A_687 : vector<16xi32>
    %or3A_689 = arith.ori %eq3A_685, %eq3A_688 : vector<16xi1>
    %jit3A_690 = arith.constant 0.000000e+00 : f32
    %broadcast_in_dim3A_691 = vector.broadcast %jit3A_690 : f32 to vector<16xf32>
    %select_n3A_692 = arith.select %or3A_689, %exp3A_456, %broadcast_in_dim3A_691 : vector<16xi1>, vector<16xf32>
    %add3A_693 = arith.addf %select_n3A_682, %select_n3A_692 : vector<16xf32>
    %eq3A_694 = arith.constant 2 : i32
    %eq3A_695 = vector.broadcast %eq3A_694 : i32 to vector<16xi32>
    %eq3A_696 = arith.cmpi eq, %min3A_530, %eq3A_695 : vector<16xi32>
    %eq3A_697 = arith.constant 2 : i32
    %eq3A_698 = vector.broadcast %eq3A_697 : i32 to vector<16xi32>
    %eq3A_699 = arith.cmpi eq, %min3A_672, %eq3A_698 : vector<16xi32>
    %or3A_700 = arith.ori %eq3A_696, %eq3A_699 : vector<16xi1>
    %jit3A_701 = arith.constant 0.000000e+00 : f32
    %broadcast_in_dim3A_702 = vector.broadcast %jit3A_701 : f32 to vector<16xf32>
    %select_n3A_703 = arith.select %or3A_700, %exp3A_458, %broadcast_in_dim3A_702 : vector<16xi1>, vector<16xf32>
    %add3A_704 = arith.addf %add3A_693, %select_n3A_703 : vector<16xf32>
    %eq3A_705 = arith.constant 3 : i32
    %eq3A_706 = vector.broadcast %eq3A_705 : i32 to vector<16xi32>
    %eq3A_707 = arith.cmpi eq, %min3A_530, %eq3A_706 : vector<16xi32>
    %eq3A_708 = arith.constant 3 : i32
    %eq3A_709 = vector.broadcast %eq3A_708 : i32 to vector<16xi32>
    %eq3A_710 = arith.cmpi eq, %min3A_672, %eq3A_709 : vector<16xi32>
    %or3A_711 = arith.ori %eq3A_707, %eq3A_710 : vector<16xi1>
    %jit3A_712 = arith.constant 0.000000e+00 : f32
    %broadcast_in_dim3A_713 = vector.broadcast %jit3A_712 : f32 to vector<16xf32>
    %select_n3A_714 = arith.select %or3A_711, %exp3A_460, %broadcast_in_dim3A_713 : vector<16xi1>, vector<16xf32>
    %add3A_715 = arith.addf %add3A_704, %select_n3A_714 : vector<16xf32>
    %eq3A_716 = arith.constant 4 : i32
    %eq3A_717 = vector.broadcast %eq3A_716 : i32 to vector<16xi32>
    %eq3A_718 = arith.cmpi eq, %min3A_530, %eq3A_717 : vector<16xi32>
    %eq3A_719 = arith.constant 4 : i32
    %eq3A_720 = vector.broadcast %eq3A_719 : i32 to vector<16xi32>
    %eq3A_721 = arith.cmpi eq, %min3A_672, %eq3A_720 : vector<16xi32>
    %or3A_722 = arith.ori %eq3A_718, %eq3A_721 : vector<16xi1>
    %jit3A_723 = arith.constant 0.000000e+00 : f32
    %broadcast_in_dim3A_724 = vector.broadcast %jit3A_723 : f32 to vector<16xf32>
    %select_n3A_725 = arith.select %or3A_722, %exp3A_462, %broadcast_in_dim3A_724 : vector<16xi1>, vector<16xf32>
    %add3A_726 = arith.addf %add3A_715, %select_n3A_725 : vector<16xf32>
    %eq3A_727 = arith.constant 5 : i32
    %eq3A_728 = vector.broadcast %eq3A_727 : i32 to vector<16xi32>
    %eq3A_729 = arith.cmpi eq, %min3A_530, %eq3A_728 : vector<16xi32>
    %eq3A_730 = arith.constant 5 : i32
    %eq3A_731 = vector.broadcast %eq3A_730 : i32 to vector<16xi32>
    %eq3A_732 = arith.cmpi eq, %min3A_672, %eq3A_731 : vector<16xi32>
    %or3A_733 = arith.ori %eq3A_729, %eq3A_732 : vector<16xi1>
    %jit3A_734 = arith.constant 0.000000e+00 : f32
    %broadcast_in_dim3A_735 = vector.broadcast %jit3A_734 : f32 to vector<16xf32>
    %select_n3A_736 = arith.select %or3A_733, %exp3A_464, %broadcast_in_dim3A_735 : vector<16xi1>, vector<16xf32>
    %add3A_737 = arith.addf %add3A_726, %select_n3A_736 : vector<16xf32>
    %eq3A_738 = arith.constant 6 : i32
    %eq3A_739 = vector.broadcast %eq3A_738 : i32 to vector<16xi32>
    %eq3A_740 = arith.cmpi eq, %min3A_530, %eq3A_739 : vector<16xi32>
    %eq3A_741 = arith.constant 6 : i32
    %eq3A_742 = vector.broadcast %eq3A_741 : i32 to vector<16xi32>
    %eq3A_743 = arith.cmpi eq, %min3A_672, %eq3A_742 : vector<16xi32>
    %or3A_744 = arith.ori %eq3A_740, %eq3A_743 : vector<16xi1>
    %jit3A_745 = arith.constant 0.000000e+00 : f32
    %broadcast_in_dim3A_746 = vector.broadcast %jit3A_745 : f32 to vector<16xf32>
    %select_n3A_747 = arith.select %or3A_744, %exp3A_466, %broadcast_in_dim3A_746 : vector<16xi1>, vector<16xf32>
    %add3A_748 = arith.addf %add3A_737, %select_n3A_747 : vector<16xf32>
    %eq3A_749 = arith.constant 7 : i32
    %eq3A_750 = vector.broadcast %eq3A_749 : i32 to vector<16xi32>
    %eq3A_751 = arith.cmpi eq, %min3A_530, %eq3A_750 : vector<16xi32>
    %eq3A_752 = arith.constant 7 : i32
    %eq3A_753 = vector.broadcast %eq3A_752 : i32 to vector<16xi32>
    %eq3A_754 = arith.cmpi eq, %min3A_672, %eq3A_753 : vector<16xi32>
    %or3A_755 = arith.ori %eq3A_751, %eq3A_754 : vector<16xi1>
    %jit3A_756 = arith.constant 0.000000e+00 : f32
    %broadcast_in_dim3A_757 = vector.broadcast %jit3A_756 : f32 to vector<16xf32>
    %select_n3A_758 = arith.select %or3A_755, %exp3A_468, %broadcast_in_dim3A_757 : vector<16xi1>, vector<16xf32>
    %add3A_759 = arith.addf %add3A_748, %select_n3A_758 : vector<16xf32>
    %mul3A_760 = arith.constant 9.99999997E-7 : f32
    %mul3A_761 = vector.broadcast %mul3A_760 : f32 to vector<16xf32>
    %mul3A_762 = arith.mulf %mul3A_761, %add3A_475 : vector<16xf32>
    %add3A_763 = arith.addf %add3A_759, %mul3A_762 : vector<16xf32>
    %div3A_764 = arith.constant 1.000000e+00 : f32
    %div3A_765 = vector.broadcast %div3A_764 : f32 to vector<16xf32>
    %div3A_766 = arith.divf %div3A_765, %add3A_763 : vector<16xf32>
    %mul3A_767 = arith.mulf %select_n3A_682, %div3A_766 : vector<16xf32>
    %swap3A_768 = arith.constant 0 : i32
    %swap3A_769 = arith.index_cast %swap3A_768 : i32 to index
    %swap3A_770 = arith.constant 16 : index
    %swap3A_771 = tpu.vector_load %arg5[%swap3A_769, %swap3A_770] {strides = array<i32>} : memref<8x128xf32, #tpu.memory_space<vmem>>, vector<1x16xf32>,
    %swap3A_772 = vector.shape_cast %swap3A_771 : vector<1x16xf32> to vector<16xf32>
    %swap3A_773 = vector.shape_cast %mul3A_767 : vector<16xf32> to vector<1x16xf32>
    tpu.vector_store %arg5[%swap3A_769, %swap3A_770], %swap3A_773 {strides = array<i32>} : memref<8x128xf32, #tpu.memory_space<vmem>>, vector<1x16xf32>,
    %mul3A_774 = arith.mulf %select_n3A_692, %div3A_766 : vector<16xf32>
    %swap3A_775 = arith.constant 1 : i32
    %swap3A_776 = arith.index_cast %swap3A_775 : i32 to index
    %swap3A_777 = arith.constant 16 : index
    %swap3A_778 = tpu.vector_load %arg5[%swap3A_776, %swap3A_777] {strides = array<i32>} : memref<8x128xf32, #tpu.memory_space<vmem>>, vector<1x16xf32>,
    %swap3A_779 = vector.shape_cast %swap3A_778 : vector<1x16xf32> to vector<16xf32>
    %swap3A_780 = vector.shape_cast %mul3A_774 : vector<16xf32> to vector<1x16xf32>
    tpu.vector_store %arg5[%swap3A_776, %swap3A_777], %swap3A_780 {strides = array<i32>} : memref<8x128xf32, #tpu.memory_space<vmem>>, vector<1x16xf32>,
    %mul3A_781 = arith.mulf %select_n3A_703, %div3A_766 : vector<16xf32>
    %swap3A_782 = arith.constant 2 : i32
    %swap3A_783 = arith.index_cast %swap3A_782 : i32 to index
    %swap3A_784 = arith.constant 16 : index
    %swap3A_785 = tpu.vector_load %arg5[%swap3A_783, %swap3A_784] {strides = array<i32>} : memref<8x128xf32, #tpu.memory_space<vmem>>, vector<1x16xf32>,
    %swap3A_786 = vector.shape_cast %swap3A_785 : vector<1x16xf32> to vector<16xf32>
    %swap3A_787 = vector.shape_cast %mul3A_781 : vector<16xf32> to vector<1x16xf32>
    tpu.vector_store %arg5[%swap3A_783, %swap3A_784], %swap3A_787 {strides = array<i32>} : memref<8x128xf32, #tpu.memory_space<vmem>>, vector<1x16xf32>,
    %mul3A_788 = arith.mulf %select_n3A_714, %div3A_766 : vector<16xf32>
    %swap3A_789 = arith.constant 3 : i32
    %swap3A_790 = arith.index_cast %swap3A_789 : i32 to index
    %swap3A_791 = arith.constant 16 : index
    %swap3A_792 = tpu.vector_load %arg5[%swap3A_790, %swap3A_791] {strides = array<i32>} : memref<8x128xf32, #tpu.memory_space<vmem>>, vector<1x16xf32>,
    %swap3A_793 = vector.shape_cast %swap3A_792 : vector<1x16xf32> to vector<16xf32>
    %swap3A_794 = vector.shape_cast %mul3A_788 : vector<16xf32> to vector<1x16xf32>
    tpu.vector_store %arg5[%swap3A_790, %swap3A_791], %swap3A_794 {strides = array<i32>} : memref<8x128xf32, #tpu.memory_space<vmem>>, vector<1x16xf32>,
    %mul3A_795 = arith.mulf %select_n3A_725, %div3A_766 : vector<16xf32>
    %swap3A_796 = arith.constant 4 : i32
    %swap3A_797 = arith.index_cast %swap3A_796 : i32 to index
    %swap3A_798 = arith.constant 16 : index
    %swap3A_799 = tpu.vector_load %arg5[%swap3A_797, %swap3A_798] {strides = array<i32>} : memref<8x128xf32, #tpu.memory_space<vmem>>, vector<1x16xf32>,
    %swap3A_800 = vector.shape_cast %swap3A_799 : vector<1x16xf32> to vector<16xf32>
    %swap3A_801 = vector.shape_cast %mul3A_795 : vector<16xf32> to vector<1x16xf32>
    tpu.vector_store %arg5[%swap3A_797, %swap3A_798], %swap3A_801 {strides = array<i32>} : memref<8x128xf32, #tpu.memory_space<vmem>>, vector<1x16xf32>,
    %mul3A_802 = arith.mulf %select_n3A_736, %div3A_766 : vector<16xf32>
    %swap3A_803 = arith.constant 5 : i32
    %swap3A_804 = arith.index_cast %swap3A_803 : i32 to index
    %swap3A_805 = arith.constant 16 : index
    %swap3A_806 = tpu.vector_load %arg5[%swap3A_804, %swap3A_805] {strides = array<i32>} : memref<8x128xf32, #tpu.memory_space<vmem>>, vector<1x16xf32>,
    %swap3A_807 = vector.shape_cast %swap3A_806 : vector<1x16xf32> to vector<16xf32>
    %swap3A_808 = vector.shape_cast %mul3A_802 : vector<16xf32> to vector<1x16xf32>
    tpu.vector_store %arg5[%swap3A_804, %swap3A_805], %swap3A_808 {strides = array<i32>} : memref<8x128xf32, #tpu.memory_space<vmem>>, vector<1x16xf32>,
    %mul3A_809 = arith.mulf %select_n3A_747, %div3A_766 : vector<16xf32>
    %swap3A_810 = arith.constant 6 : i32
    %swap3A_811 = arith.index_cast %swap3A_810 : i32 to index
    %swap3A_812 = arith.constant 16 : index
    %swap3A_813 = tpu.vector_load %arg5[%swap3A_811, %swap3A_812] {strides = array<i32>} : memref<8x128xf32, #tpu.memory_space<vmem>>, vector<1x16xf32>,
    %swap3A_814 = vector.shape_cast %swap3A_813 : vector<1x16xf32> to vector<16xf32>
    %swap3A_815 = vector.shape_cast %mul3A_809 : vector<16xf32> to vector<1x16xf32>
    tpu.vector_store %arg5[%swap3A_811, %swap3A_812], %swap3A_815 {strides = array<i32>} : memref<8x128xf32, #tpu.memory_space<vmem>>, vector<1x16xf32>,
    %mul3A_816 = arith.mulf %select_n3A_758, %div3A_766 : vector<16xf32>
    %swap3A_817 = arith.constant 7 : i32
    %swap3A_818 = arith.index_cast %swap3A_817 : i32 to index
    %swap3A_819 = arith.constant 16 : index
    %swap3A_820 = tpu.vector_load %arg5[%swap3A_818, %swap3A_819] {strides = array<i32>} : memref<8x128xf32, #tpu.memory_space<vmem>>, vector<1x16xf32>,
    %swap3A_821 = vector.shape_cast %swap3A_820 : vector<1x16xf32> to vector<16xf32>
    %swap3A_822 = vector.shape_cast %mul3A_816 : vector<16xf32> to vector<1x16xf32>
    tpu.vector_store %arg5[%swap3A_818, %swap3A_819], %swap3A_822 {strides = array<i32>} : memref<8x128xf32, #tpu.memory_space<vmem>>, vector<1x16xf32>,
    %get3A_823 = arith.constant 0 : i32
    %get3A_824 = arith.index_cast %get3A_823 : i32 to index
    %get3A_825 = arith.constant 32 : index
    %get3A_826 = tpu.vector_load %arg4[%get3A_824, %get3A_825] {strides = array<i32>} : memref<8x128xf32, #tpu.memory_space<vmem>>, vector<1x16xf32>,
    %get3A_827 = vector.shape_cast %get3A_826 : vector<1x16xf32> to vector<16xf32>
    %get3A_828 = arith.constant 1 : i32
    %get3A_829 = arith.index_cast %get3A_828 : i32 to index
    %get3A_830 = arith.constant 32 : index
    %get3A_831 = tpu.vector_load %arg4[%get3A_829, %get3A_830] {strides = array<i32>} : memref<8x128xf32, #tpu.memory_space<vmem>>, vector<1x16xf32>,
    %get3A_832 = vector.shape_cast %get3A_831 : vector<1x16xf32> to vector<16xf32>
    %get3A_833 = arith.constant 2 : i32
    %get3A_834 = arith.index_cast %get3A_833 : i32 to index
    %get3A_835 = arith.constant 32 : index
    %get3A_836 = tpu.vector_load %arg4[%get3A_834, %get3A_835] {strides = array<i32>} : memref<8x128xf32, #tpu.memory_space<vmem>>, vector<1x16xf32>,
    %get3A_837 = vector.shape_cast %get3A_836 : vector<1x16xf32> to vector<16xf32>
    %get3A_838 = arith.constant 3 : i32
    %get3A_839 = arith.index_cast %get3A_838 : i32 to index
    %get3A_840 = arith.constant 32 : index
    %get3A_841 = tpu.vector_load %arg4[%get3A_839, %get3A_840] {strides = array<i32>} : memref<8x128xf32, #tpu.memory_space<vmem>>, vector<1x16xf32>,
    %get3A_842 = vector.shape_cast %get3A_841 : vector<1x16xf32> to vector<16xf32>
    %get3A_843 = arith.constant 4 : i32
    %get3A_844 = arith.index_cast %get3A_843 : i32 to index
    %get3A_845 = arith.constant 32 : index
    %get3A_846 = tpu.vector_load %arg4[%get3A_844, %get3A_845] {strides = array<i32>} : memref<8x128xf32, #tpu.memory_space<vmem>>, vector<1x16xf32>,
    %get3A_847 = vector.shape_cast %get3A_846 : vector<1x16xf32> to vector<16xf32>
    %get3A_848 = arith.constant 5 : i32
    %get3A_849 = arith.index_cast %get3A_848 : i32 to index
    %get3A_850 = arith.constant 32 : index
    %get3A_851 = tpu.vector_load %arg4[%get3A_849, %get3A_850] {strides = array<i32>} : memref<8x128xf32, #tpu.memory_space<vmem>>, vector<1x16xf32>,
    %get3A_852 = vector.shape_cast %get3A_851 : vector<1x16xf32> to vector<16xf32>
    %get3A_853 = arith.constant 6 : i32
    %get3A_854 = arith.index_cast %get3A_853 : i32 to index
    %get3A_855 = arith.constant 32 : index
    %get3A_856 = tpu.vector_load %arg4[%get3A_854, %get3A_855] {strides = array<i32>} : memref<8x128xf32, #tpu.memory_space<vmem>>, vector<1x16xf32>,
    %get3A_857 = vector.shape_cast %get3A_856 : vector<1x16xf32> to vector<16xf32>
    %get3A_858 = arith.constant 7 : i32
    %get3A_859 = arith.index_cast %get3A_858 : i32 to index
    %get3A_860 = arith.constant 32 : index
    %get3A_861 = tpu.vector_load %arg4[%get3A_859, %get3A_860] {strides = array<i32>} : memref<8x128xf32, #tpu.memory_space<vmem>>, vector<1x16xf32>,
    %get3A_862 = vector.shape_cast %get3A_861 : vector<1x16xf32> to vector<16xf32>
    %max3A_863 = arith.maximumf %get3A_827, %get3A_832 : vector<16xf32>
    %max3A_864 = arith.maximumf %max3A_863, %get3A_837 : vector<16xf32>
    %max3A_865 = arith.maximumf %max3A_864, %get3A_842 : vector<16xf32>
    %max3A_866 = arith.maximumf %max3A_865, %get3A_847 : vector<16xf32>
    %max3A_867 = arith.maximumf %max3A_866, %get3A_852 : vector<16xf32>
    %max3A_868 = arith.maximumf %max3A_867, %get3A_857 : vector<16xf32>
    %max3A_869 = arith.maximumf %max3A_868, %get3A_862 : vector<16xf32>
    %sub3A_870 = arith.subf %get3A_827, %max3A_869 : vector<16xf32>
    %exp3A_871 = math.exp %sub3A_870 : vector<16xf32>
    %sub3A_872 = arith.subf %get3A_832, %max3A_869 : vector<16xf32>
    %exp3A_873 = math.exp %sub3A_872 : vector<16xf32>
    %sub3A_874 = arith.subf %get3A_837, %max3A_869 : vector<16xf32>
    %exp3A_875 = math.exp %sub3A_874 : vector<16xf32>
    %sub3A_876 = arith.subf %get3A_842, %max3A_869 : vector<16xf32>
    %exp3A_877 = math.exp %sub3A_876 : vector<16xf32>
    %sub3A_878 = arith.subf %get3A_847, %max3A_869 : vector<16xf32>
    %exp3A_879 = math.exp %sub3A_878 : vector<16xf32>
    %sub3A_880 = arith.subf %get3A_852, %max3A_869 : vector<16xf32>
    %exp3A_881 = math.exp %sub3A_880 : vector<16xf32>
    %sub3A_882 = arith.subf %get3A_857, %max3A_869 : vector<16xf32>
    %exp3A_883 = math.exp %sub3A_882 : vector<16xf32>
    %sub3A_884 = arith.subf %get3A_862, %max3A_869 : vector<16xf32>
    %exp3A_885 = math.exp %sub3A_884 : vector<16xf32>
    %add3A_886 = arith.addf %exp3A_871, %exp3A_873 : vector<16xf32>
    %add3A_887 = arith.addf %add3A_886, %exp3A_875 : vector<16xf32>
    %add3A_888 = arith.addf %add3A_887, %exp3A_877 : vector<16xf32>
    %add3A_889 = arith.addf %add3A_888, %exp3A_879 : vector<16xf32>
    %add3A_890 = arith.addf %add3A_889, %exp3A_881 : vector<16xf32>
    %add3A_891 = arith.addf %add3A_890, %exp3A_883 : vector<16xf32>
    %add3A_892 = arith.addf %add3A_891, %exp3A_885 : vector<16xf32>
    %eq3A_893 = arith.cmpf oeq, %get3A_827, %max3A_869 : vector<16xf32>
    %jit3A_894 = arith.constant 0 : i32
    %jit3A_895 = arith.constant 8 : i32
    %broadcast_in_dim3A_896 = vector.broadcast %jit3A_894 : i32 to vector<16xi32>
    %broadcast_in_dim3A_897 = vector.broadcast %jit3A_895 : i32 to vector<16xi32>
    %select_n3A_898 = arith.select %eq3A_893, %broadcast_in_dim3A_896, %broadcast_in_dim3A_897 : vector<16xi1>, vector<16xi32>
    %eq3A_899 = arith.cmpf oeq, %get3A_832, %max3A_869 : vector<16xf32>
    %jit3A_900 = arith.constant 1 : i32
    %jit3A_901 = arith.constant 8 : i32
    %broadcast_in_dim3A_902 = vector.broadcast %jit3A_900 : i32 to vector<16xi32>
    %broadcast_in_dim3A_903 = vector.broadcast %jit3A_901 : i32 to vector<16xi32>
    %select_n3A_904 = arith.select %eq3A_899, %broadcast_in_dim3A_902, %broadcast_in_dim3A_903 : vector<16xi1>, vector<16xi32>
    %min3A_905 = arith.minsi %select_n3A_898, %select_n3A_904 : vector<16xi32>
    %eq3A_906 = arith.cmpf oeq, %get3A_837, %max3A_869 : vector<16xf32>
    %jit3A_907 = arith.constant 2 : i32
    %jit3A_908 = arith.constant 8 : i32
    %broadcast_in_dim3A_909 = vector.broadcast %jit3A_907 : i32 to vector<16xi32>
    %broadcast_in_dim3A_910 = vector.broadcast %jit3A_908 : i32 to vector<16xi32>
    %select_n3A_911 = arith.select %eq3A_906, %broadcast_in_dim3A_909, %broadcast_in_dim3A_910 : vector<16xi1>, vector<16xi32>
    %min3A_912 = arith.minsi %min3A_905, %select_n3A_911 : vector<16xi32>
    %eq3A_913 = arith.cmpf oeq, %get3A_842, %max3A_869 : vector<16xf32>
    %jit3A_914 = arith.constant 3 : i32
    %jit3A_915 = arith.constant 8 : i32
    %broadcast_in_dim3A_916 = vector.broadcast %jit3A_914 : i32 to vector<16xi32>
    %broadcast_in_dim3A_917 = vector.broadcast %jit3A_915 : i32 to vector<16xi32>
    %select_n3A_918 = arith.select %eq3A_913, %broadcast_in_dim3A_916, %broadcast_in_dim3A_917 : vector<16xi1>, vector<16xi32>
    %min3A_919 = arith.minsi %min3A_912, %select_n3A_918 : vector<16xi32>
    %eq3A_920 = arith.cmpf oeq, %get3A_847, %max3A_869 : vector<16xf32>
    %jit3A_921 = arith.constant 4 : i32
    %jit3A_922 = arith.constant 8 : i32
    %broadcast_in_dim3A_923 = vector.broadcast %jit3A_921 : i32 to vector<16xi32>
    %broadcast_in_dim3A_924 = vector.broadcast %jit3A_922 : i32 to vector<16xi32>
    %select_n3A_925 = arith.select %eq3A_920, %broadcast_in_dim3A_923, %broadcast_in_dim3A_924 : vector<16xi1>, vector<16xi32>
    %min3A_926 = arith.minsi %min3A_919, %select_n3A_925 : vector<16xi32>
    %eq3A_927 = arith.cmpf oeq, %get3A_852, %max3A_869 : vector<16xf32>
    %jit3A_928 = arith.constant 5 : i32
    %jit3A_929 = arith.constant 8 : i32
    %broadcast_in_dim3A_930 = vector.broadcast %jit3A_928 : i32 to vector<16xi32>
    %broadcast_in_dim3A_931 = vector.broadcast %jit3A_929 : i32 to vector<16xi32>
    %select_n3A_932 = arith.select %eq3A_927, %broadcast_in_dim3A_930, %broadcast_in_dim3A_931 : vector<16xi1>, vector<16xi32>
    %min3A_933 = arith.minsi %min3A_926, %select_n3A_932 : vector<16xi32>
    %eq3A_934 = arith.cmpf oeq, %get3A_857, %max3A_869 : vector<16xf32>
    %jit3A_935 = arith.constant 6 : i32
    %jit3A_936 = arith.constant 8 : i32
    %broadcast_in_dim3A_937 = vector.broadcast %jit3A_935 : i32 to vector<16xi32>
    %broadcast_in_dim3A_938 = vector.broadcast %jit3A_936 : i32 to vector<16xi32>
    %select_n3A_939 = arith.select %eq3A_934, %broadcast_in_dim3A_937, %broadcast_in_dim3A_938 : vector<16xi1>, vector<16xi32>
    %min3A_940 = arith.minsi %min3A_933, %select_n3A_939 : vector<16xi32>
    %eq3A_941 = arith.cmpf oeq, %get3A_862, %max3A_869 : vector<16xf32>
    %jit3A_942 = arith.constant 7 : i32
    %jit3A_943 = arith.constant 8 : i32
    %broadcast_in_dim3A_944 = vector.broadcast %jit3A_942 : i32 to vector<16xi32>
    %broadcast_in_dim3A_945 = vector.broadcast %jit3A_943 : i32 to vector<16xi32>
    %select_n3A_946 = arith.select %eq3A_941, %broadcast_in_dim3A_944, %broadcast_in_dim3A_945 : vector<16xi1>, vector<16xi32>
    %min3A_947 = arith.minsi %min3A_940, %select_n3A_946 : vector<16xi32>
    %eq3A_948 = arith.constant 0 : i32
    %eq3A_949 = vector.broadcast %eq3A_948 : i32 to vector<16xi32>
    %eq3A_950 = arith.cmpi eq, %min3A_947, %eq3A_949 : vector<16xi32>
    %jit3A_951 = arith.constant -3.000000e+38 : f32
    %broadcast_in_dim3A_952 = vector.broadcast %jit3A_951 : f32 to vector<16xf32>
    %select_n3A_953 = arith.select %eq3A_950, %broadcast_in_dim3A_952, %get3A_827 : vector<16xi1>, vector<16xf32>
    %eq3A_954 = arith.constant 1 : i32
    %eq3A_955 = vector.broadcast %eq3A_954 : i32 to vector<16xi32>
    %eq3A_956 = arith.cmpi eq, %min3A_947, %eq3A_955 : vector<16xi32>
    %jit3A_957 = arith.constant -3.000000e+38 : f32
    %broadcast_in_dim3A_958 = vector.broadcast %jit3A_957 : f32 to vector<16xf32>
    %select_n3A_959 = arith.select %eq3A_956, %broadcast_in_dim3A_958, %get3A_832 : vector<16xi1>, vector<16xf32>
    %max3A_960 = arith.maximumf %select_n3A_953, %select_n3A_959 : vector<16xf32>
    %eq3A_961 = arith.constant 2 : i32
    %eq3A_962 = vector.broadcast %eq3A_961 : i32 to vector<16xi32>
    %eq3A_963 = arith.cmpi eq, %min3A_947, %eq3A_962 : vector<16xi32>
    %jit3A_964 = arith.constant -3.000000e+38 : f32
    %broadcast_in_dim3A_965 = vector.broadcast %jit3A_964 : f32 to vector<16xf32>
    %select_n3A_966 = arith.select %eq3A_963, %broadcast_in_dim3A_965, %get3A_837 : vector<16xi1>, vector<16xf32>
    %max3A_967 = arith.maximumf %max3A_960, %select_n3A_966 : vector<16xf32>
    %eq3A_968 = arith.constant 3 : i32
    %eq3A_969 = vector.broadcast %eq3A_968 : i32 to vector<16xi32>
    %eq3A_970 = arith.cmpi eq, %min3A_947, %eq3A_969 : vector<16xi32>
    %jit3A_971 = arith.constant -3.000000e+38 : f32
    %broadcast_in_dim3A_972 = vector.broadcast %jit3A_971 : f32 to vector<16xf32>
    %select_n3A_973 = arith.select %eq3A_970, %broadcast_in_dim3A_972, %get3A_842 : vector<16xi1>, vector<16xf32>
    %max3A_974 = arith.maximumf %max3A_967, %select_n3A_973 : vector<16xf32>
    %eq3A_975 = arith.constant 4 : i32
    %eq3A_976 = vector.broadcast %eq3A_975 : i32 to vector<16xi32>
    %eq3A_977 = arith.cmpi eq, %min3A_947, %eq3A_976 : vector<16xi32>
    %jit3A_978 = arith.constant -3.000000e+38 : f32
    %broadcast_in_dim3A_979 = vector.broadcast %jit3A_978 : f32 to vector<16xf32>
    %select_n3A_980 = arith.select %eq3A_977, %broadcast_in_dim3A_979, %get3A_847 : vector<16xi1>, vector<16xf32>
    %max3A_981 = arith.maximumf %max3A_974, %select_n3A_980 : vector<16xf32>
    %eq3A_982 = arith.constant 5 : i32
    %eq3A_983 = vector.broadcast %eq3A_982 : i32 to vector<16xi32>
    %eq3A_984 = arith.cmpi eq, %min3A_947, %eq3A_983 : vector<16xi32>
    %jit3A_985 = arith.constant -3.000000e+38 : f32
    %broadcast_in_dim3A_986 = vector.broadcast %jit3A_985 : f32 to vector<16xf32>
    %select_n3A_987 = arith.select %eq3A_984, %broadcast_in_dim3A_986, %get3A_852 : vector<16xi1>, vector<16xf32>
    %max3A_988 = arith.maximumf %max3A_981, %select_n3A_987 : vector<16xf32>
    %eq3A_989 = arith.constant 6 : i32
    %eq3A_990 = vector.broadcast %eq3A_989 : i32 to vector<16xi32>
    %eq3A_991 = arith.cmpi eq, %min3A_947, %eq3A_990 : vector<16xi32>
    %jit3A_992 = arith.constant -3.000000e+38 : f32
    %broadcast_in_dim3A_993 = vector.broadcast %jit3A_992 : f32 to vector<16xf32>
    %select_n3A_994 = arith.select %eq3A_991, %broadcast_in_dim3A_993, %get3A_857 : vector<16xi1>, vector<16xf32>
    %max3A_995 = arith.maximumf %max3A_988, %select_n3A_994 : vector<16xf32>
    %eq3A_996 = arith.constant 7 : i32
    %eq3A_997 = vector.broadcast %eq3A_996 : i32 to vector<16xi32>
    %eq3A_998 = arith.cmpi eq, %min3A_947, %eq3A_997 : vector<16xi32>
    %jit3A_999 = arith.constant -3.000000e+38 : f32
    %broadcast_in_dim3A_1000 = vector.broadcast %jit3A_999 : f32 to vector<16xf32>
    %select_n3A_1001 = arith.select %eq3A_998, %broadcast_in_dim3A_1000, %get3A_862 : vector<16xi1>, vector<16xf32>
    %max3A_1002 = arith.maximumf %max3A_995, %select_n3A_1001 : vector<16xf32>
    %eq3A_1003 = arith.cmpf oeq, %get3A_827, %max3A_1002 : vector<16xf32>
    %ne3A_1004 = arith.constant 0 : i32
    %ne3A_1005 = vector.broadcast %ne3A_1004 : i32 to vector<16xi32>
    %ne3A_1006 = arith.cmpi ne, %min3A_947, %ne3A_1005 : vector<16xi32>
    %and3A_1007 = arith.andi %eq3A_1003, %ne3A_1006 : vector<16xi1>
    %jit3A_1008 = arith.constant 0 : i32
    %jit3A_1009 = arith.constant 8 : i32
    %broadcast_in_dim3A_1010 = vector.broadcast %jit3A_1008 : i32 to vector<16xi32>
    %broadcast_in_dim3A_1011 = vector.broadcast %jit3A_1009 : i32 to vector<16xi32>
    %select_n3A_1012 = arith.select %and3A_1007, %broadcast_in_dim3A_1010, %broadcast_in_dim3A_1011 : vector<16xi1>, vector<16xi32>
    %eq3A_1013 = arith.cmpf oeq, %get3A_832, %max3A_1002 : vector<16xf32>
    %ne3A_1014 = arith.constant 1 : i32
    %ne3A_1015 = vector.broadcast %ne3A_1014 : i32 to vector<16xi32>
    %ne3A_1016 = arith.cmpi ne, %min3A_947, %ne3A_1015 : vector<16xi32>
    %and3A_1017 = arith.andi %eq3A_1013, %ne3A_1016 : vector<16xi1>
    %jit3A_1018 = arith.constant 1 : i32
    %jit3A_1019 = arith.constant 8 : i32
    %broadcast_in_dim3A_1020 = vector.broadcast %jit3A_1018 : i32 to vector<16xi32>
    %broadcast_in_dim3A_1021 = vector.broadcast %jit3A_1019 : i32 to vector<16xi32>
    %select_n3A_1022 = arith.select %and3A_1017, %broadcast_in_dim3A_1020, %broadcast_in_dim3A_1021 : vector<16xi1>, vector<16xi32>
    %min3A_1023 = arith.minsi %select_n3A_1012, %select_n3A_1022 : vector<16xi32>
    %eq3A_1024 = arith.cmpf oeq, %get3A_837, %max3A_1002 : vector<16xf32>
    %ne3A_1025 = arith.constant 2 : i32
    %ne3A_1026 = vector.broadcast %ne3A_1025 : i32 to vector<16xi32>
    %ne3A_1027 = arith.cmpi ne, %min3A_947, %ne3A_1026 : vector<16xi32>
    %and3A_1028 = arith.andi %eq3A_1024, %ne3A_1027 : vector<16xi1>
    %jit3A_1029 = arith.constant 2 : i32
    %jit3A_1030 = arith.constant 8 : i32
    %broadcast_in_dim3A_1031 = vector.broadcast %jit3A_1029 : i32 to vector<16xi32>
    %broadcast_in_dim3A_1032 = vector.broadcast %jit3A_1030 : i32 to vector<16xi32>
    %select_n3A_1033 = arith.select %and3A_1028, %broadcast_in_dim3A_1031, %broadcast_in_dim3A_1032 : vector<16xi1>, vector<16xi32>
    %min3A_1034 = arith.minsi %min3A_1023, %select_n3A_1033 : vector<16xi32>
    %eq3A_1035 = arith.cmpf oeq, %get3A_842, %max3A_1002 : vector<16xf32>
    %ne3A_1036 = arith.constant 3 : i32
    %ne3A_1037 = vector.broadcast %ne3A_1036 : i32 to vector<16xi32>
    %ne3A_1038 = arith.cmpi ne, %min3A_947, %ne3A_1037 : vector<16xi32>
    %and3A_1039 = arith.andi %eq3A_1035, %ne3A_1038 : vector<16xi1>
    %jit3A_1040 = arith.constant 3 : i32
    %jit3A_1041 = arith.constant 8 : i32
    %broadcast_in_dim3A_1042 = vector.broadcast %jit3A_1040 : i32 to vector<16xi32>
    %broadcast_in_dim3A_1043 = vector.broadcast %jit3A_1041 : i32 to vector<16xi32>
    %select_n3A_1044 = arith.select %and3A_1039, %broadcast_in_dim3A_1042, %broadcast_in_dim3A_1043 : vector<16xi1>, vector<16xi32>
    %min3A_1045 = arith.minsi %min3A_1034, %select_n3A_1044 : vector<16xi32>
    %eq3A_1046 = arith.cmpf oeq, %get3A_847, %max3A_1002 : vector<16xf32>
    %ne3A_1047 = arith.constant 4 : i32
    %ne3A_1048 = vector.broadcast %ne3A_1047 : i32 to vector<16xi32>
    %ne3A_1049 = arith.cmpi ne, %min3A_947, %ne3A_1048 : vector<16xi32>
    %and3A_1050 = arith.andi %eq3A_1046, %ne3A_1049 : vector<16xi1>
    %jit3A_1051 = arith.constant 4 : i32
    %jit3A_1052 = arith.constant 8 : i32
    %broadcast_in_dim3A_1053 = vector.broadcast %jit3A_1051 : i32 to vector<16xi32>
    %broadcast_in_dim3A_1054 = vector.broadcast %jit3A_1052 : i32 to vector<16xi32>
    %select_n3A_1055 = arith.select %and3A_1050, %broadcast_in_dim3A_1053, %broadcast_in_dim3A_1054 : vector<16xi1>, vector<16xi32>
    %min3A_1056 = arith.minsi %min3A_1045, %select_n3A_1055 : vector<16xi32>
    %eq3A_1057 = arith.cmpf oeq, %get3A_852, %max3A_1002 : vector<16xf32>
    %ne3A_1058 = arith.constant 5 : i32
    %ne3A_1059 = vector.broadcast %ne3A_1058 : i32 to vector<16xi32>
    %ne3A_1060 = arith.cmpi ne, %min3A_947, %ne3A_1059 : vector<16xi32>
    %and3A_1061 = arith.andi %eq3A_1057, %ne3A_1060 : vector<16xi1>
    %jit3A_1062 = arith.constant 5 : i32
    %jit3A_1063 = arith.constant 8 : i32
    %broadcast_in_dim3A_1064 = vector.broadcast %jit3A_1062 : i32 to vector<16xi32>
    %broadcast_in_dim3A_1065 = vector.broadcast %jit3A_1063 : i32 to vector<16xi32>
    %select_n3A_1066 = arith.select %and3A_1061, %broadcast_in_dim3A_1064, %broadcast_in_dim3A_1065 : vector<16xi1>, vector<16xi32>
    %min3A_1067 = arith.minsi %min3A_1056, %select_n3A_1066 : vector<16xi32>
    %eq3A_1068 = arith.cmpf oeq, %get3A_857, %max3A_1002 : vector<16xf32>
    %ne3A_1069 = arith.constant 6 : i32
    %ne3A_1070 = vector.broadcast %ne3A_1069 : i32 to vector<16xi32>
    %ne3A_1071 = arith.cmpi ne, %min3A_947, %ne3A_1070 : vector<16xi32>
    %and3A_1072 = arith.andi %eq3A_1068, %ne3A_1071 : vector<16xi1>
    %jit3A_1073 = arith.constant 6 : i32
    %jit3A_1074 = arith.constant 8 : i32
    %broadcast_in_dim3A_1075 = vector.broadcast %jit3A_1073 : i32 to vector<16xi32>
    %broadcast_in_dim3A_1076 = vector.broadcast %jit3A_1074 : i32 to vector<16xi32>
    %select_n3A_1077 = arith.select %and3A_1072, %broadcast_in_dim3A_1075, %broadcast_in_dim3A_1076 : vector<16xi1>, vector<16xi32>
    %min3A_1078 = arith.minsi %min3A_1067, %select_n3A_1077 : vector<16xi32>
    %eq3A_1079 = arith.cmpf oeq, %get3A_862, %max3A_1002 : vector<16xf32>
    %ne3A_1080 = arith.constant 7 : i32
    %ne3A_1081 = vector.broadcast %ne3A_1080 : i32 to vector<16xi32>
    %ne3A_1082 = arith.cmpi ne, %min3A_947, %ne3A_1081 : vector<16xi32>
    %and3A_1083 = arith.andi %eq3A_1079, %ne3A_1082 : vector<16xi1>
    %jit3A_1084 = arith.constant 7 : i32
    %jit3A_1085 = arith.constant 8 : i32
    %broadcast_in_dim3A_1086 = vector.broadcast %jit3A_1084 : i32 to vector<16xi32>
    %broadcast_in_dim3A_1087 = vector.broadcast %jit3A_1085 : i32 to vector<16xi32>
    %select_n3A_1088 = arith.select %and3A_1083, %broadcast_in_dim3A_1086, %broadcast_in_dim3A_1087 : vector<16xi1>, vector<16xi32>
    %min3A_1089 = arith.minsi %min3A_1078, %select_n3A_1088 : vector<16xi32>
    %eq3A_1090 = arith.constant 0 : i32
    %eq3A_1091 = vector.broadcast %eq3A_1090 : i32 to vector<16xi32>
    %eq3A_1092 = arith.cmpi eq, %min3A_947, %eq3A_1091 : vector<16xi32>
    %eq3A_1093 = arith.constant 0 : i32
    %eq3A_1094 = vector.broadcast %eq3A_1093 : i32 to vector<16xi32>
    %eq3A_1095 = arith.cmpi eq, %min3A_1089, %eq3A_1094 : vector<16xi32>
    %or3A_1096 = arith.ori %eq3A_1092, %eq3A_1095 : vector<16xi1>
    %jit3A_1097 = arith.constant 0.000000e+00 : f32
    %broadcast_in_dim3A_1098 = vector.broadcast %jit3A_1097 : f32 to vector<16xf32>
    %select_n3A_1099 = arith.select %or3A_1096, %exp3A_871, %broadcast_in_dim3A_1098 : vector<16xi1>, vector<16xf32>
    %eq3A_1100 = arith.constant 1 : i32
    %eq3A_1101 = vector.broadcast %eq3A_1100 : i32 to vector<16xi32>
    %eq3A_1102 = arith.cmpi eq, %min3A_947, %eq3A_1101 : vector<16xi32>
    %eq3A_1103 = arith.constant 1 : i32
    %eq3A_1104 = vector.broadcast %eq3A_1103 : i32 to vector<16xi32>
    %eq3A_1105 = arith.cmpi eq, %min3A_1089, %eq3A_1104 : vector<16xi32>
    %or3A_1106 = arith.ori %eq3A_1102, %eq3A_1105 : vector<16xi1>
    %jit3A_1107 = arith.constant 0.000000e+00 : f32
    %broadcast_in_dim3A_1108 = vector.broadcast %jit3A_1107 : f32 to vector<16xf32>
    %select_n3A_1109 = arith.select %or3A_1106, %exp3A_873, %broadcast_in_dim3A_1108 : vector<16xi1>, vector<16xf32>
    %add3A_1110 = arith.addf %select_n3A_1099, %select_n3A_1109 : vector<16xf32>
    %eq3A_1111 = arith.constant 2 : i32
    %eq3A_1112 = vector.broadcast %eq3A_1111 : i32 to vector<16xi32>
    %eq3A_1113 = arith.cmpi eq, %min3A_947, %eq3A_1112 : vector<16xi32>
    %eq3A_1114 = arith.constant 2 : i32
    %eq3A_1115 = vector.broadcast %eq3A_1114 : i32 to vector<16xi32>
    %eq3A_1116 = arith.cmpi eq, %min3A_1089, %eq3A_1115 : vector<16xi32>
    %or3A_1117 = arith.ori %eq3A_1113, %eq3A_1116 : vector<16xi1>
    %jit3A_1118 = arith.constant 0.000000e+00 : f32
    %broadcast_in_dim3A_1119 = vector.broadcast %jit3A_1118 : f32 to vector<16xf32>
    %select_n3A_1120 = arith.select %or3A_1117, %exp3A_875, %broadcast_in_dim3A_1119 : vector<16xi1>, vector<16xf32>
    %add3A_1121 = arith.addf %add3A_1110, %select_n3A_1120 : vector<16xf32>
    %eq3A_1122 = arith.constant 3 : i32
    %eq3A_1123 = vector.broadcast %eq3A_1122 : i32 to vector<16xi32>
    %eq3A_1124 = arith.cmpi eq, %min3A_947, %eq3A_1123 : vector<16xi32>
    %eq3A_1125 = arith.constant 3 : i32
    %eq3A_1126 = vector.broadcast %eq3A_1125 : i32 to vector<16xi32>
    %eq3A_1127 = arith.cmpi eq, %min3A_1089, %eq3A_1126 : vector<16xi32>
    %or3A_1128 = arith.ori %eq3A_1124, %eq3A_1127 : vector<16xi1>
    %jit3A_1129 = arith.constant 0.000000e+00 : f32
    %broadcast_in_dim3A_1130 = vector.broadcast %jit3A_1129 : f32 to vector<16xf32>
    %select_n3A_1131 = arith.select %or3A_1128, %exp3A_877, %broadcast_in_dim3A_1130 : vector<16xi1>, vector<16xf32>
    %add3A_1132 = arith.addf %add3A_1121, %select_n3A_1131 : vector<16xf32>
    %eq3A_1133 = arith.constant 4 : i32
    %eq3A_1134 = vector.broadcast %eq3A_1133 : i32 to vector<16xi32>
    %eq3A_1135 = arith.cmpi eq, %min3A_947, %eq3A_1134 : vector<16xi32>
    %eq3A_1136 = arith.constant 4 : i32
    %eq3A_1137 = vector.broadcast %eq3A_1136 : i32 to vector<16xi32>
    %eq3A_1138 = arith.cmpi eq, %min3A_1089, %eq3A_1137 : vector<16xi32>
    %or3A_1139 = arith.ori %eq3A_1135, %eq3A_1138 : vector<16xi1>
    %jit3A_1140 = arith.constant 0.000000e+00 : f32
    %broadcast_in_dim3A_1141 = vector.broadcast %jit3A_1140 : f32 to vector<16xf32>
    %select_n3A_1142 = arith.select %or3A_1139, %exp3A_879, %broadcast_in_dim3A_1141 : vector<16xi1>, vector<16xf32>
    %add3A_1143 = arith.addf %add3A_1132, %select_n3A_1142 : vector<16xf32>
    %eq3A_1144 = arith.constant 5 : i32
    %eq3A_1145 = vector.broadcast %eq3A_1144 : i32 to vector<16xi32>
    %eq3A_1146 = arith.cmpi eq, %min3A_947, %eq3A_1145 : vector<16xi32>
    %eq3A_1147 = arith.constant 5 : i32
    %eq3A_1148 = vector.broadcast %eq3A_1147 : i32 to vector<16xi32>
    %eq3A_1149 = arith.cmpi eq, %min3A_1089, %eq3A_1148 : vector<16xi32>
    %or3A_1150 = arith.ori %eq3A_1146, %eq3A_1149 : vector<16xi1>
    %jit3A_1151 = arith.constant 0.000000e+00 : f32
    %broadcast_in_dim3A_1152 = vector.broadcast %jit3A_1151 : f32 to vector<16xf32>
    %select_n3A_1153 = arith.select %or3A_1150, %exp3A_881, %broadcast_in_dim3A_1152 : vector<16xi1>, vector<16xf32>
    %add3A_1154 = arith.addf %add3A_1143, %select_n3A_1153 : vector<16xf32>
    %eq3A_1155 = arith.constant 6 : i32
    %eq3A_1156 = vector.broadcast %eq3A_1155 : i32 to vector<16xi32>
    %eq3A_1157 = arith.cmpi eq, %min3A_947, %eq3A_1156 : vector<16xi32>
    %eq3A_1158 = arith.constant 6 : i32
    %eq3A_1159 = vector.broadcast %eq3A_1158 : i32 to vector<16xi32>
    %eq3A_1160 = arith.cmpi eq, %min3A_1089, %eq3A_1159 : vector<16xi32>
    %or3A_1161 = arith.ori %eq3A_1157, %eq3A_1160 : vector<16xi1>
    %jit3A_1162 = arith.constant 0.000000e+00 : f32
    %broadcast_in_dim3A_1163 = vector.broadcast %jit3A_1162 : f32 to vector<16xf32>
    %select_n3A_1164 = arith.select %or3A_1161, %exp3A_883, %broadcast_in_dim3A_1163 : vector<16xi1>, vector<16xf32>
    %add3A_1165 = arith.addf %add3A_1154, %select_n3A_1164 : vector<16xf32>
    %eq3A_1166 = arith.constant 7 : i32
    %eq3A_1167 = vector.broadcast %eq3A_1166 : i32 to vector<16xi32>
    %eq3A_1168 = arith.cmpi eq, %min3A_947, %eq3A_1167 : vector<16xi32>
    %eq3A_1169 = arith.constant 7 : i32
    %eq3A_1170 = vector.broadcast %eq3A_1169 : i32 to vector<16xi32>
    %eq3A_1171 = arith.cmpi eq, %min3A_1089, %eq3A_1170 : vector<16xi32>
    %or3A_1172 = arith.ori %eq3A_1168, %eq3A_1171 : vector<16xi1>
    %jit3A_1173 = arith.constant 0.000000e+00 : f32
    %broadcast_in_dim3A_1174 = vector.broadcast %jit3A_1173 : f32 to vector<16xf32>
    %select_n3A_1175 = arith.select %or3A_1172, %exp3A_885, %broadcast_in_dim3A_1174 : vector<16xi1>, vector<16xf32>
    %add3A_1176 = arith.addf %add3A_1165, %select_n3A_1175 : vector<16xf32>
    %mul3A_1177 = arith.constant 9.99999997E-7 : f32
    %mul3A_1178 = vector.broadcast %mul3A_1177 : f32 to vector<16xf32>
    %mul3A_1179 = arith.mulf %mul3A_1178, %add3A_892 : vector<16xf32>
    %add3A_1180 = arith.addf %add3A_1176, %mul3A_1179 : vector<16xf32>
    %div3A_1181 = arith.constant 1.000000e+00 : f32
    %div3A_1182 = vector.broadcast %div3A_1181 : f32 to vector<16xf32>
    %div3A_1183 = arith.divf %div3A_1182, %add3A_1180 : vector<16xf32>
    %mul3A_1184 = arith.mulf %select_n3A_1099, %div3A_1183 : vector<16xf32>
    %swap3A_1185 = arith.constant 0 : i32
    %swap3A_1186 = arith.index_cast %swap3A_1185 : i32 to index
    %swap3A_1187 = arith.constant 32 : index
    %swap3A_1188 = tpu.vector_load %arg5[%swap3A_1186, %swap3A_1187] {strides = array<i32>} : memref<8x128xf32, #tpu.memory_space<vmem>>, vector<1x16xf32>,
    %swap3A_1189 = vector.shape_cast %swap3A_1188 : vector<1x16xf32> to vector<16xf32>
    %swap3A_1190 = vector.shape_cast %mul3A_1184 : vector<16xf32> to vector<1x16xf32>
    tpu.vector_store %arg5[%swap3A_1186, %swap3A_1187], %swap3A_1190 {strides = array<i32>} : memref<8x128xf32, #tpu.memory_space<vmem>>, vector<1x16xf32>,
    %mul3A_1191 = arith.mulf %select_n3A_1109, %div3A_1183 : vector<16xf32>
    %swap3A_1192 = arith.constant 1 : i32
    %swap3A_1193 = arith.index_cast %swap3A_1192 : i32 to index
    %swap3A_1194 = arith.constant 32 : index
    %swap3A_1195 = tpu.vector_load %arg5[%swap3A_1193, %swap3A_1194] {strides = array<i32>} : memref<8x128xf32, #tpu.memory_space<vmem>>, vector<1x16xf32>,
    %swap3A_1196 = vector.shape_cast %swap3A_1195 : vector<1x16xf32> to vector<16xf32>
    %swap3A_1197 = vector.shape_cast %mul3A_1191 : vector<16xf32> to vector<1x16xf32>
    tpu.vector_store %arg5[%swap3A_1193, %swap3A_1194], %swap3A_1197 {strides = array<i32>} : memref<8x128xf32, #tpu.memory_space<vmem>>, vector<1x16xf32>,
    %mul3A_1198 = arith.mulf %select_n3A_1120, %div3A_1183 : vector<16xf32>
    %swap3A_1199 = arith.constant 2 : i32
    %swap3A_1200 = arith.index_cast %swap3A_1199 : i32 to index
    %swap3A_1201 = arith.constant 32 : index
    %swap3A_1202 = tpu.vector_load %arg5[%swap3A_1200, %swap3A_1201] {strides = array<i32>} : memref<8x128xf32, #tpu.memory_space<vmem>>, vector<1x16xf32>,
    %swap3A_1203 = vector.shape_cast %swap3A_1202 : vector<1x16xf32> to vector<16xf32>
    %swap3A_1204 = vector.shape_cast %mul3A_1198 : vector<16xf32> to vector<1x16xf32>
    tpu.vector_store %arg5[%swap3A_1200, %swap3A_1201], %swap3A_1204 {strides = array<i32>} : memref<8x128xf32, #tpu.memory_space<vmem>>, vector<1x16xf32>,
    %mul3A_1205 = arith.mulf %select_n3A_1131, %div3A_1183 : vector<16xf32>
    %swap3A_1206 = arith.constant 3 : i32
    %swap3A_1207 = arith.index_cast %swap3A_1206 : i32 to index
    %swap3A_1208 = arith.constant 32 : index
    %swap3A_1209 = tpu.vector_load %arg5[%swap3A_1207, %swap3A_1208] {strides = array<i32>} : memref<8x128xf32, #tpu.memory_space<vmem>>, vector<1x16xf32>,
    %swap3A_1210 = vector.shape_cast %swap3A_1209 : vector<1x16xf32> to vector<16xf32>
    %swap3A_1211 = vector.shape_cast %mul3A_1205 : vector<16xf32> to vector<1x16xf32>
    tpu.vector_store %arg5[%swap3A_1207, %swap3A_1208], %swap3A_1211 {strides = array<i32>} : memref<8x128xf32, #tpu.memory_space<vmem>>, vector<1x16xf32>,
    %mul3A_1212 = arith.mulf %select_n3A_1142, %div3A_1183 : vector<16xf32>
    %swap3A_1213 = arith.constant 4 : i32
    %swap3A_1214 = arith.index_cast %swap3A_1213 : i32 to index
    %swap3A_1215 = arith.constant 32 : index
    %swap3A_1216 = tpu.vector_load %arg5[%swap3A_1214, %swap3A_1215] {strides = array<i32>} : memref<8x128xf32, #tpu.memory_space<vmem>>, vector<1x16xf32>,
    %swap3A_1217 = vector.shape_cast %swap3A_1216 : vector<1x16xf32> to vector<16xf32>
    %swap3A_1218 = vector.shape_cast %mul3A_1212 : vector<16xf32> to vector<1x16xf32>
    tpu.vector_store %arg5[%swap3A_1214, %swap3A_1215], %swap3A_1218 {strides = array<i32>} : memref<8x128xf32, #tpu.memory_space<vmem>>, vector<1x16xf32>,
    %mul3A_1219 = arith.mulf %select_n3A_1153, %div3A_1183 : vector<16xf32>
    %swap3A_1220 = arith.constant 5 : i32
    %swap3A_1221 = arith.index_cast %swap3A_1220 : i32 to index
    %swap3A_1222 = arith.constant 32 : index
    %swap3A_1223 = tpu.vector_load %arg5[%swap3A_1221, %swap3A_1222] {strides = array<i32>} : memref<8x128xf32, #tpu.memory_space<vmem>>, vector<1x16xf32>,
    %swap3A_1224 = vector.shape_cast %swap3A_1223 : vector<1x16xf32> to vector<16xf32>
    %swap3A_1225 = vector.shape_cast %mul3A_1219 : vector<16xf32> to vector<1x16xf32>
    tpu.vector_store %arg5[%swap3A_1221, %swap3A_1222], %swap3A_1225 {strides = array<i32>} : memref<8x128xf32, #tpu.memory_space<vmem>>, vector<1x16xf32>,
    %mul3A_1226 = arith.mulf %select_n3A_1164, %div3A_1183 : vector<16xf32>
    %swap3A_1227 = arith.constant 6 : i32
    %swap3A_1228 = arith.index_cast %swap3A_1227 : i32 to index
    %swap3A_1229 = arith.constant 32 : index
    %swap3A_1230 = tpu.vector_load %arg5[%swap3A_1228, %swap3A_1229] {strides = array<i32>} : memref<8x128xf32, #tpu.memory_space<vmem>>, vector<1x16xf32>,
    %swap3A_1231 = vector.shape_cast %swap3A_1230 : vector<1x16xf32> to vector<16xf32>
    %swap3A_1232 = vector.shape_cast %mul3A_1226 : vector<16xf32> to vector<1x16xf32>
    tpu.vector_store %arg5[%swap3A_1228, %swap3A_1229], %swap3A_1232 {strides = array<i32>} : memref<8x128xf32, #tpu.memory_space<vmem>>, vector<1x16xf32>,
    %mul3A_1233 = arith.mulf %select_n3A_1175, %div3A_1183 : vector<16xf32>
    %swap3A_1234 = arith.constant 7 : i32
    %swap3A_1235 = arith.index_cast %swap3A_1234 : i32 to index
    %swap3A_1236 = arith.constant 32 : index
    %swap3A_1237 = tpu.vector_load %arg5[%swap3A_1235, %swap3A_1236] {strides = array<i32>} : memref<8x128xf32, #tpu.memory_space<vmem>>, vector<1x16xf32>,
    %swap3A_1238 = vector.shape_cast %swap3A_1237 : vector<1x16xf32> to vector<16xf32>
    %swap3A_1239 = vector.shape_cast %mul3A_1233 : vector<16xf32> to vector<1x16xf32>
    tpu.vector_store %arg5[%swap3A_1235, %swap3A_1236], %swap3A_1239 {strides = array<i32>} : memref<8x128xf32, #tpu.memory_space<vmem>>, vector<1x16xf32>,
    %get3A_1240 = arith.constant 0 : i32
    %get3A_1241 = arith.index_cast %get3A_1240 : i32 to index
    %get3A_1242 = arith.constant 48 : index
    %get3A_1243 = tpu.vector_load %arg4[%get3A_1241, %get3A_1242] {strides = array<i32>} : memref<8x128xf32, #tpu.memory_space<vmem>>, vector<1x16xf32>,
    %get3A_1244 = vector.shape_cast %get3A_1243 : vector<1x16xf32> to vector<16xf32>
    %get3A_1245 = arith.constant 1 : i32
    %get3A_1246 = arith.index_cast %get3A_1245 : i32 to index
    %get3A_1247 = arith.constant 48 : index
    %get3A_1248 = tpu.vector_load %arg4[%get3A_1246, %get3A_1247] {strides = array<i32>} : memref<8x128xf32, #tpu.memory_space<vmem>>, vector<1x16xf32>,
    %get3A_1249 = vector.shape_cast %get3A_1248 : vector<1x16xf32> to vector<16xf32>
    %get3A_1250 = arith.constant 2 : i32
    %get3A_1251 = arith.index_cast %get3A_1250 : i32 to index
    %get3A_1252 = arith.constant 48 : index
    %get3A_1253 = tpu.vector_load %arg4[%get3A_1251, %get3A_1252] {strides = array<i32>} : memref<8x128xf32, #tpu.memory_space<vmem>>, vector<1x16xf32>,
    %get3A_1254 = vector.shape_cast %get3A_1253 : vector<1x16xf32> to vector<16xf32>
    %get3A_1255 = arith.constant 3 : i32
    %get3A_1256 = arith.index_cast %get3A_1255 : i32 to index
    %get3A_1257 = arith.constant 48 : index
    %get3A_1258 = tpu.vector_load %arg4[%get3A_1256, %get3A_1257] {strides = array<i32>} : memref<8x128xf32, #tpu.memory_space<vmem>>, vector<1x16xf32>,
    %get3A_1259 = vector.shape_cast %get3A_1258 : vector<1x16xf32> to vector<16xf32>
    %get3A_1260 = arith.constant 4 : i32
    %get3A_1261 = arith.index_cast %get3A_1260 : i32 to index
    %get3A_1262 = arith.constant 48 : index
    %get3A_1263 = tpu.vector_load %arg4[%get3A_1261, %get3A_1262] {strides = array<i32>} : memref<8x128xf32, #tpu.memory_space<vmem>>, vector<1x16xf32>,
    %get3A_1264 = vector.shape_cast %get3A_1263 : vector<1x16xf32> to vector<16xf32>
    %get3A_1265 = arith.constant 5 : i32
    %get3A_1266 = arith.index_cast %get3A_1265 : i32 to index
    %get3A_1267 = arith.constant 48 : index
    %get3A_1268 = tpu.vector_load %arg4[%get3A_1266, %get3A_1267] {strides = array<i32>} : memref<8x128xf32, #tpu.memory_space<vmem>>, vector<1x16xf32>,
    %get3A_1269 = vector.shape_cast %get3A_1268 : vector<1x16xf32> to vector<16xf32>
    %get3A_1270 = arith.constant 6 : i32
    %get3A_1271 = arith.index_cast %get3A_1270 : i32 to index
    %get3A_1272 = arith.constant 48 : index
    %get3A_1273 = tpu.vector_load %arg4[%get3A_1271, %get3A_1272] {strides = array<i32>} : memref<8x128xf32, #tpu.memory_space<vmem>>, vector<1x16xf32>,
    %get3A_1274 = vector.shape_cast %get3A_1273 : vector<1x16xf32> to vector<16xf32>
    %get3A_1275 = arith.constant 7 : i32
    %get3A_1276 = arith.index_cast %get3A_1275 : i32 to index
    %get3A_1277 = arith.constant 48 : index
    %get3A_1278 = tpu.vector_load %arg4[%get3A_1276, %get3A_1277] {strides = array<i32>} : memref<8x128xf32, #tpu.memory_space<vmem>>, vector<1x16xf32>,
    %get3A_1279 = vector.shape_cast %get3A_1278 : vector<1x16xf32> to vector<16xf32>
    %max3A_1280 = arith.maximumf %get3A_1244, %get3A_1249 : vector<16xf32>
    %max3A_1281 = arith.maximumf %max3A_1280, %get3A_1254 : vector<16xf32>
    %max3A_1282 = arith.maximumf %max3A_1281, %get3A_1259 : vector<16xf32>
    %max3A_1283 = arith.maximumf %max3A_1282, %get3A_1264 : vector<16xf32>
    %max3A_1284 = arith.maximumf %max3A_1283, %get3A_1269 : vector<16xf32>
    %max3A_1285 = arith.maximumf %max3A_1284, %get3A_1274 : vector<16xf32>
    %max3A_1286 = arith.maximumf %max3A_1285, %get3A_1279 : vector<16xf32>
    %sub3A_1287 = arith.subf %get3A_1244, %max3A_1286 : vector<16xf32>
    %exp3A_1288 = math.exp %sub3A_1287 : vector<16xf32>
    %sub3A_1289 = arith.subf %get3A_1249, %max3A_1286 : vector<16xf32>
    %exp3A_1290 = math.exp %sub3A_1289 : vector<16xf32>
    %sub3A_1291 = arith.subf %get3A_1254, %max3A_1286 : vector<16xf32>
    %exp3A_1292 = math.exp %sub3A_1291 : vector<16xf32>
    %sub3A_1293 = arith.subf %get3A_1259, %max3A_1286 : vector<16xf32>
    %exp3A_1294 = math.exp %sub3A_1293 : vector<16xf32>
    %sub3A_1295 = arith.subf %get3A_1264, %max3A_1286 : vector<16xf32>
    %exp3A_1296 = math.exp %sub3A_1295 : vector<16xf32>
    %sub3A_1297 = arith.subf %get3A_1269, %max3A_1286 : vector<16xf32>
    %exp3A_1298 = math.exp %sub3A_1297 : vector<16xf32>
    %sub3A_1299 = arith.subf %get3A_1274, %max3A_1286 : vector<16xf32>
    %exp3A_1300 = math.exp %sub3A_1299 : vector<16xf32>
    %sub3A_1301 = arith.subf %get3A_1279, %max3A_1286 : vector<16xf32>
    %exp3A_1302 = math.exp %sub3A_1301 : vector<16xf32>
    %add3A_1303 = arith.addf %exp3A_1288, %exp3A_1290 : vector<16xf32>
    %add3A_1304 = arith.addf %add3A_1303, %exp3A_1292 : vector<16xf32>
    %add3A_1305 = arith.addf %add3A_1304, %exp3A_1294 : vector<16xf32>
    %add3A_1306 = arith.addf %add3A_1305, %exp3A_1296 : vector<16xf32>
    %add3A_1307 = arith.addf %add3A_1306, %exp3A_1298 : vector<16xf32>
    %add3A_1308 = arith.addf %add3A_1307, %exp3A_1300 : vector<16xf32>
    %add3A_1309 = arith.addf %add3A_1308, %exp3A_1302 : vector<16xf32>
    %eq3A_1310 = arith.cmpf oeq, %get3A_1244, %max3A_1286 : vector<16xf32>
    %jit3A_1311 = arith.constant 0 : i32
    %jit3A_1312 = arith.constant 8 : i32
    %broadcast_in_dim3A_1313 = vector.broadcast %jit3A_1311 : i32 to vector<16xi32>
    %broadcast_in_dim3A_1314 = vector.broadcast %jit3A_1312 : i32 to vector<16xi32>
    %select_n3A_1315 = arith.select %eq3A_1310, %broadcast_in_dim3A_1313, %broadcast_in_dim3A_1314 : vector<16xi1>, vector<16xi32>
    %eq3A_1316 = arith.cmpf oeq, %get3A_1249, %max3A_1286 : vector<16xf32>
    %jit3A_1317 = arith.constant 1 : i32
    %jit3A_1318 = arith.constant 8 : i32
    %broadcast_in_dim3A_1319 = vector.broadcast %jit3A_1317 : i32 to vector<16xi32>
    %broadcast_in_dim3A_1320 = vector.broadcast %jit3A_1318 : i32 to vector<16xi32>
    %select_n3A_1321 = arith.select %eq3A_1316, %broadcast_in_dim3A_1319, %broadcast_in_dim3A_1320 : vector<16xi1>, vector<16xi32>
    %min3A_1322 = arith.minsi %select_n3A_1315, %select_n3A_1321 : vector<16xi32>
    %eq3A_1323 = arith.cmpf oeq, %get3A_1254, %max3A_1286 : vector<16xf32>
    %jit3A_1324 = arith.constant 2 : i32
    %jit3A_1325 = arith.constant 8 : i32
    %broadcast_in_dim3A_1326 = vector.broadcast %jit3A_1324 : i32 to vector<16xi32>
    %broadcast_in_dim3A_1327 = vector.broadcast %jit3A_1325 : i32 to vector<16xi32>
    %select_n3A_1328 = arith.select %eq3A_1323, %broadcast_in_dim3A_1326, %broadcast_in_dim3A_1327 : vector<16xi1>, vector<16xi32>
    %min3A_1329 = arith.minsi %min3A_1322, %select_n3A_1328 : vector<16xi32>
    %eq3A_1330 = arith.cmpf oeq, %get3A_1259, %max3A_1286 : vector<16xf32>
    %jit3A_1331 = arith.constant 3 : i32
    %jit3A_1332 = arith.constant 8 : i32
    %broadcast_in_dim3A_1333 = vector.broadcast %jit3A_1331 : i32 to vector<16xi32>
    %broadcast_in_dim3A_1334 = vector.broadcast %jit3A_1332 : i32 to vector<16xi32>
    %select_n3A_1335 = arith.select %eq3A_1330, %broadcast_in_dim3A_1333, %broadcast_in_dim3A_1334 : vector<16xi1>, vector<16xi32>
    %min3A_1336 = arith.minsi %min3A_1329, %select_n3A_1335 : vector<16xi32>
    %eq3A_1337 = arith.cmpf oeq, %get3A_1264, %max3A_1286 : vector<16xf32>
    %jit3A_1338 = arith.constant 4 : i32
    %jit3A_1339 = arith.constant 8 : i32
    %broadcast_in_dim3A_1340 = vector.broadcast %jit3A_1338 : i32 to vector<16xi32>
    %broadcast_in_dim3A_1341 = vector.broadcast %jit3A_1339 : i32 to vector<16xi32>
    %select_n3A_1342 = arith.select %eq3A_1337, %broadcast_in_dim3A_1340, %broadcast_in_dim3A_1341 : vector<16xi1>, vector<16xi32>
    %min3A_1343 = arith.minsi %min3A_1336, %select_n3A_1342 : vector<16xi32>
    %eq3A_1344 = arith.cmpf oeq, %get3A_1269, %max3A_1286 : vector<16xf32>
    %jit3A_1345 = arith.constant 5 : i32
    %jit3A_1346 = arith.constant 8 : i32
    %broadcast_in_dim3A_1347 = vector.broadcast %jit3A_1345 : i32 to vector<16xi32>
    %broadcast_in_dim3A_1348 = vector.broadcast %jit3A_1346 : i32 to vector<16xi32>
    %select_n3A_1349 = arith.select %eq3A_1344, %broadcast_in_dim3A_1347, %broadcast_in_dim3A_1348 : vector<16xi1>, vector<16xi32>
    %min3A_1350 = arith.minsi %min3A_1343, %select_n3A_1349 : vector<16xi32>
    %eq3A_1351 = arith.cmpf oeq, %get3A_1274, %max3A_1286 : vector<16xf32>
    %jit3A_1352 = arith.constant 6 : i32
    %jit3A_1353 = arith.constant 8 : i32
    %broadcast_in_dim3A_1354 = vector.broadcast %jit3A_1352 : i32 to vector<16xi32>
    %broadcast_in_dim3A_1355 = vector.broadcast %jit3A_1353 : i32 to vector<16xi32>
    %select_n3A_1356 = arith.select %eq3A_1351, %broadcast_in_dim3A_1354, %broadcast_in_dim3A_1355 : vector<16xi1>, vector<16xi32>
    %min3A_1357 = arith.minsi %min3A_1350, %select_n3A_1356 : vector<16xi32>
    %eq3A_1358 = arith.cmpf oeq, %get3A_1279, %max3A_1286 : vector<16xf32>
    %jit3A_1359 = arith.constant 7 : i32
    %jit3A_1360 = arith.constant 8 : i32
    %broadcast_in_dim3A_1361 = vector.broadcast %jit3A_1359 : i32 to vector<16xi32>
    %broadcast_in_dim3A_1362 = vector.broadcast %jit3A_1360 : i32 to vector<16xi32>
    %select_n3A_1363 = arith.select %eq3A_1358, %broadcast_in_dim3A_1361, %broadcast_in_dim3A_1362 : vector<16xi1>, vector<16xi32>
    %min3A_1364 = arith.minsi %min3A_1357, %select_n3A_1363 : vector<16xi32>
    %eq3A_1365 = arith.constant 0 : i32
    %eq3A_1366 = vector.broadcast %eq3A_1365 : i32 to vector<16xi32>
    %eq3A_1367 = arith.cmpi eq, %min3A_1364, %eq3A_1366 : vector<16xi32>
    %jit3A_1368 = arith.constant -3.000000e+38 : f32
    %broadcast_in_dim3A_1369 = vector.broadcast %jit3A_1368 : f32 to vector<16xf32>
    %select_n3A_1370 = arith.select %eq3A_1367, %broadcast_in_dim3A_1369, %get3A_1244 : vector<16xi1>, vector<16xf32>
    %eq3A_1371 = arith.constant 1 : i32
    %eq3A_1372 = vector.broadcast %eq3A_1371 : i32 to vector<16xi32>
    %eq3A_1373 = arith.cmpi eq, %min3A_1364, %eq3A_1372 : vector<16xi32>
    %jit3A_1374 = arith.constant -3.000000e+38 : f32
    %broadcast_in_dim3A_1375 = vector.broadcast %jit3A_1374 : f32 to vector<16xf32>
    %select_n3A_1376 = arith.select %eq3A_1373, %broadcast_in_dim3A_1375, %get3A_1249 : vector<16xi1>, vector<16xf32>
    %max3A_1377 = arith.maximumf %select_n3A_1370, %select_n3A_1376 : vector<16xf32>
    %eq3A_1378 = arith.constant 2 : i32
    %eq3A_1379 = vector.broadcast %eq3A_1378 : i32 to vector<16xi32>
    %eq3A_1380 = arith.cmpi eq, %min3A_1364, %eq3A_1379 : vector<16xi32>
    %jit3A_1381 = arith.constant -3.000000e+38 : f32
    %broadcast_in_dim3A_1382 = vector.broadcast %jit3A_1381 : f32 to vector<16xf32>
    %select_n3A_1383 = arith.select %eq3A_1380, %broadcast_in_dim3A_1382, %get3A_1254 : vector<16xi1>, vector<16xf32>
    %max3A_1384 = arith.maximumf %max3A_1377, %select_n3A_1383 : vector<16xf32>
    %eq3A_1385 = arith.constant 3 : i32
    %eq3A_1386 = vector.broadcast %eq3A_1385 : i32 to vector<16xi32>
    %eq3A_1387 = arith.cmpi eq, %min3A_1364, %eq3A_1386 : vector<16xi32>
    %jit3A_1388 = arith.constant -3.000000e+38 : f32
    %broadcast_in_dim3A_1389 = vector.broadcast %jit3A_1388 : f32 to vector<16xf32>
    %select_n3A_1390 = arith.select %eq3A_1387, %broadcast_in_dim3A_1389, %get3A_1259 : vector<16xi1>, vector<16xf32>
    %max3A_1391 = arith.maximumf %max3A_1384, %select_n3A_1390 : vector<16xf32>
    %eq3A_1392 = arith.constant 4 : i32
    %eq3A_1393 = vector.broadcast %eq3A_1392 : i32 to vector<16xi32>
    %eq3A_1394 = arith.cmpi eq, %min3A_1364, %eq3A_1393 : vector<16xi32>
    %jit3A_1395 = arith.constant -3.000000e+38 : f32
    %broadcast_in_dim3A_1396 = vector.broadcast %jit3A_1395 : f32 to vector<16xf32>
    %select_n3A_1397 = arith.select %eq3A_1394, %broadcast_in_dim3A_1396, %get3A_1264 : vector<16xi1>, vector<16xf32>
    %max3A_1398 = arith.maximumf %max3A_1391, %select_n3A_1397 : vector<16xf32>
    %eq3A_1399 = arith.constant 5 : i32
    %eq3A_1400 = vector.broadcast %eq3A_1399 : i32 to vector<16xi32>
    %eq3A_1401 = arith.cmpi eq, %min3A_1364, %eq3A_1400 : vector<16xi32>
    %jit3A_1402 = arith.constant -3.000000e+38 : f32
    %broadcast_in_dim3A_1403 = vector.broadcast %jit3A_1402 : f32 to vector<16xf32>
    %select_n3A_1404 = arith.select %eq3A_1401, %broadcast_in_dim3A_1403, %get3A_1269 : vector<16xi1>, vector<16xf32>
    %max3A_1405 = arith.maximumf %max3A_1398, %select_n3A_1404 : vector<16xf32>
    %eq3A_1406 = arith.constant 6 : i32
    %eq3A_1407 = vector.broadcast %eq3A_1406 : i32 to vector<16xi32>
    %eq3A_1408 = arith.cmpi eq, %min3A_1364, %eq3A_1407 : vector<16xi32>
    %jit3A_1409 = arith.constant -3.000000e+38 : f32
    %broadcast_in_dim3A_1410 = vector.broadcast %jit3A_1409 : f32 to vector<16xf32>
    %select_n3A_1411 = arith.select %eq3A_1408, %broadcast_in_dim3A_1410, %get3A_1274 : vector<16xi1>, vector<16xf32>
    %max3A_1412 = arith.maximumf %max3A_1405, %select_n3A_1411 : vector<16xf32>
    %eq3A_1413 = arith.constant 7 : i32
    %eq3A_1414 = vector.broadcast %eq3A_1413 : i32 to vector<16xi32>
    %eq3A_1415 = arith.cmpi eq, %min3A_1364, %eq3A_1414 : vector<16xi32>
    %jit3A_1416 = arith.constant -3.000000e+38 : f32
    %broadcast_in_dim3A_1417 = vector.broadcast %jit3A_1416 : f32 to vector<16xf32>
    %select_n3A_1418 = arith.select %eq3A_1415, %broadcast_in_dim3A_1417, %get3A_1279 : vector<16xi1>, vector<16xf32>
    %max3A_1419 = arith.maximumf %max3A_1412, %select_n3A_1418 : vector<16xf32>
    %eq3A_1420 = arith.cmpf oeq, %get3A_1244, %max3A_1419 : vector<16xf32>
    %ne3A_1421 = arith.constant 0 : i32
    %ne3A_1422 = vector.broadcast %ne3A_1421 : i32 to vector<16xi32>
    %ne3A_1423 = arith.cmpi ne, %min3A_1364, %ne3A_1422 : vector<16xi32>
    %and3A_1424 = arith.andi %eq3A_1420, %ne3A_1423 : vector<16xi1>
    %jit3A_1425 = arith.constant 0 : i32
    %jit3A_1426 = arith.constant 8 : i32
    %broadcast_in_dim3A_1427 = vector.broadcast %jit3A_1425 : i32 to vector<16xi32>
    %broadcast_in_dim3A_1428 = vector.broadcast %jit3A_1426 : i32 to vector<16xi32>
    %select_n3A_1429 = arith.select %and3A_1424, %broadcast_in_dim3A_1427, %broadcast_in_dim3A_1428 : vector<16xi1>, vector<16xi32>
    %eq3A_1430 = arith.cmpf oeq, %get3A_1249, %max3A_1419 : vector<16xf32>
    %ne3A_1431 = arith.constant 1 : i32
    %ne3A_1432 = vector.broadcast %ne3A_1431 : i32 to vector<16xi32>
    %ne3A_1433 = arith.cmpi ne, %min3A_1364, %ne3A_1432 : vector<16xi32>
    %and3A_1434 = arith.andi %eq3A_1430, %ne3A_1433 : vector<16xi1>
    %jit3A_1435 = arith.constant 1 : i32
    %jit3A_1436 = arith.constant 8 : i32
    %broadcast_in_dim3A_1437 = vector.broadcast %jit3A_1435 : i32 to vector<16xi32>
    %broadcast_in_dim3A_1438 = vector.broadcast %jit3A_1436 : i32 to vector<16xi32>
    %select_n3A_1439 = arith.select %and3A_1434, %broadcast_in_dim3A_1437, %broadcast_in_dim3A_1438 : vector<16xi1>, vector<16xi32>
    %min3A_1440 = arith.minsi %select_n3A_1429, %select_n3A_1439 : vector<16xi32>
    %eq3A_1441 = arith.cmpf oeq, %get3A_1254, %max3A_1419 : vector<16xf32>
    %ne3A_1442 = arith.constant 2 : i32
    %ne3A_1443 = vector.broadcast %ne3A_1442 : i32 to vector<16xi32>
    %ne3A_1444 = arith.cmpi ne, %min3A_1364, %ne3A_1443 : vector<16xi32>
    %and3A_1445 = arith.andi %eq3A_1441, %ne3A_1444 : vector<16xi1>
    %jit3A_1446 = arith.constant 2 : i32
    %jit3A_1447 = arith.constant 8 : i32
    %broadcast_in_dim3A_1448 = vector.broadcast %jit3A_1446 : i32 to vector<16xi32>
    %broadcast_in_dim3A_1449 = vector.broadcast %jit3A_1447 : i32 to vector<16xi32>
    %select_n3A_1450 = arith.select %and3A_1445, %broadcast_in_dim3A_1448, %broadcast_in_dim3A_1449 : vector<16xi1>, vector<16xi32>
    %min3A_1451 = arith.minsi %min3A_1440, %select_n3A_1450 : vector<16xi32>
    %eq3A_1452 = arith.cmpf oeq, %get3A_1259, %max3A_1419 : vector<16xf32>
    %ne3A_1453 = arith.constant 3 : i32
    %ne3A_1454 = vector.broadcast %ne3A_1453 : i32 to vector<16xi32>
    %ne3A_1455 = arith.cmpi ne, %min3A_1364, %ne3A_1454 : vector<16xi32>
    %and3A_1456 = arith.andi %eq3A_1452, %ne3A_1455 : vector<16xi1>
    %jit3A_1457 = arith.constant 3 : i32
    %jit3A_1458 = arith.constant 8 : i32
    %broadcast_in_dim3A_1459 = vector.broadcast %jit3A_1457 : i32 to vector<16xi32>
    %broadcast_in_dim3A_1460 = vector.broadcast %jit3A_1458 : i32 to vector<16xi32>
    %select_n3A_1461 = arith.select %and3A_1456, %broadcast_in_dim3A_1459, %broadcast_in_dim3A_1460 : vector<16xi1>, vector<16xi32>
    %min3A_1462 = arith.minsi %min3A_1451, %select_n3A_1461 : vector<16xi32>
    %eq3A_1463 = arith.cmpf oeq, %get3A_1264, %max3A_1419 : vector<16xf32>
    %ne3A_1464 = arith.constant 4 : i32
    %ne3A_1465 = vector.broadcast %ne3A_1464 : i32 to vector<16xi32>
    %ne3A_1466 = arith.cmpi ne, %min3A_1364, %ne3A_1465 : vector<16xi32>
    %and3A_1467 = arith.andi %eq3A_1463, %ne3A_1466 : vector<16xi1>
    %jit3A_1468 = arith.constant 4 : i32
    %jit3A_1469 = arith.constant 8 : i32
    %broadcast_in_dim3A_1470 = vector.broadcast %jit3A_1468 : i32 to vector<16xi32>
    %broadcast_in_dim3A_1471 = vector.broadcast %jit3A_1469 : i32 to vector<16xi32>
    %select_n3A_1472 = arith.select %and3A_1467, %broadcast_in_dim3A_1470, %broadcast_in_dim3A_1471 : vector<16xi1>, vector<16xi32>
    %min3A_1473 = arith.minsi %min3A_1462, %select_n3A_1472 : vector<16xi32>
    %eq3A_1474 = arith.cmpf oeq, %get3A_1269, %max3A_1419 : vector<16xf32>
    %ne3A_1475 = arith.constant 5 : i32
    %ne3A_1476 = vector.broadcast %ne3A_1475 : i32 to vector<16xi32>
    %ne3A_1477 = arith.cmpi ne, %min3A_1364, %ne3A_1476 : vector<16xi32>
    %and3A_1478 = arith.andi %eq3A_1474, %ne3A_1477 : vector<16xi1>
    %jit3A_1479 = arith.constant 5 : i32
    %jit3A_1480 = arith.constant 8 : i32
    %broadcast_in_dim3A_1481 = vector.broadcast %jit3A_1479 : i32 to vector<16xi32>
    %broadcast_in_dim3A_1482 = vector.broadcast %jit3A_1480 : i32 to vector<16xi32>
    %select_n3A_1483 = arith.select %and3A_1478, %broadcast_in_dim3A_1481, %broadcast_in_dim3A_1482 : vector<16xi1>, vector<16xi32>
    %min3A_1484 = arith.minsi %min3A_1473, %select_n3A_1483 : vector<16xi32>
    %eq3A_1485 = arith.cmpf oeq, %get3A_1274, %max3A_1419 : vector<16xf32>
    %ne3A_1486 = arith.constant 6 : i32
    %ne3A_1487 = vector.broadcast %ne3A_1486 : i32 to vector<16xi32>
    %ne3A_1488 = arith.cmpi ne, %min3A_1364, %ne3A_1487 : vector<16xi32>
    %and3A_1489 = arith.andi %eq3A_1485, %ne3A_1488 : vector<16xi1>
    %jit3A_1490 = arith.constant 6 : i32
    %jit3A_1491 = arith.constant 8 : i32
    %broadcast_in_dim3A_1492 = vector.broadcast %jit3A_1490 : i32 to vector<16xi32>
    %broadcast_in_dim3A_1493 = vector.broadcast %jit3A_1491 : i32 to vector<16xi32>
    %select_n3A_1494 = arith.select %and3A_1489, %broadcast_in_dim3A_1492, %broadcast_in_dim3A_1493 : vector<16xi1>, vector<16xi32>
    %min3A_1495 = arith.minsi %min3A_1484, %select_n3A_1494 : vector<16xi32>
    %eq3A_1496 = arith.cmpf oeq, %get3A_1279, %max3A_1419 : vector<16xf32>
    %ne3A_1497 = arith.constant 7 : i32
    %ne3A_1498 = vector.broadcast %ne3A_1497 : i32 to vector<16xi32>
    %ne3A_1499 = arith.cmpi ne, %min3A_1364, %ne3A_1498 : vector<16xi32>
    %and3A_1500 = arith.andi %eq3A_1496, %ne3A_1499 : vector<16xi1>
    %jit3A_1501 = arith.constant 7 : i32
    %jit3A_1502 = arith.constant 8 : i32
    %broadcast_in_dim3A_1503 = vector.broadcast %jit3A_1501 : i32 to vector<16xi32>
    %broadcast_in_dim3A_1504 = vector.broadcast %jit3A_1502 : i32 to vector<16xi32>
    %select_n3A_1505 = arith.select %and3A_1500, %broadcast_in_dim3A_1503, %broadcast_in_dim3A_1504 : vector<16xi1>, vector<16xi32>
    %min3A_1506 = arith.minsi %min3A_1495, %select_n3A_1505 : vector<16xi32>
    %eq3A_1507 = arith.constant 0 : i32
    %eq3A_1508 = vector.broadcast %eq3A_1507 : i32 to vector<16xi32>
    %eq3A_1509 = arith.cmpi eq, %min3A_1364, %eq3A_1508 : vector<16xi32>
    %eq3A_1510 = arith.constant 0 : i32
    %eq3A_1511 = vector.broadcast %eq3A_1510 : i32 to vector<16xi32>
    %eq3A_1512 = arith.cmpi eq, %min3A_1506, %eq3A_1511 : vector<16xi32>
    %or3A_1513 = arith.ori %eq3A_1509, %eq3A_1512 : vector<16xi1>
    %jit3A_1514 = arith.constant 0.000000e+00 : f32
    %broadcast_in_dim3A_1515 = vector.broadcast %jit3A_1514 : f32 to vector<16xf32>
    %select_n3A_1516 = arith.select %or3A_1513, %exp3A_1288, %broadcast_in_dim3A_1515 : vector<16xi1>, vector<16xf32>
    %eq3A_1517 = arith.constant 1 : i32
    %eq3A_1518 = vector.broadcast %eq3A_1517 : i32 to vector<16xi32>
    %eq3A_1519 = arith.cmpi eq, %min3A_1364, %eq3A_1518 : vector<16xi32>
    %eq3A_1520 = arith.constant 1 : i32
    %eq3A_1521 = vector.broadcast %eq3A_1520 : i32 to vector<16xi32>
    %eq3A_1522 = arith.cmpi eq, %min3A_1506, %eq3A_1521 : vector<16xi32>
    %or3A_1523 = arith.ori %eq3A_1519, %eq3A_1522 : vector<16xi1>
    %jit3A_1524 = arith.constant 0.000000e+00 : f32
    %broadcast_in_dim3A_1525 = vector.broadcast %jit3A_1524 : f32 to vector<16xf32>
    %select_n3A_1526 = arith.select %or3A_1523, %exp3A_1290, %broadcast_in_dim3A_1525 : vector<16xi1>, vector<16xf32>
    %add3A_1527 = arith.addf %select_n3A_1516, %select_n3A_1526 : vector<16xf32>
    %eq3A_1528 = arith.constant 2 : i32
    %eq3A_1529 = vector.broadcast %eq3A_1528 : i32 to vector<16xi32>
    %eq3A_1530 = arith.cmpi eq, %min3A_1364, %eq3A_1529 : vector<16xi32>
    %eq3A_1531 = arith.constant 2 : i32
    %eq3A_1532 = vector.broadcast %eq3A_1531 : i32 to vector<16xi32>
    %eq3A_1533 = arith.cmpi eq, %min3A_1506, %eq3A_1532 : vector<16xi32>
    %or3A_1534 = arith.ori %eq3A_1530, %eq3A_1533 : vector<16xi1>
    %jit3A_1535 = arith.constant 0.000000e+00 : f32
    %broadcast_in_dim3A_1536 = vector.broadcast %jit3A_1535 : f32 to vector<16xf32>
    %select_n3A_1537 = arith.select %or3A_1534, %exp3A_1292, %broadcast_in_dim3A_1536 : vector<16xi1>, vector<16xf32>
    %add3A_1538 = arith.addf %add3A_1527, %select_n3A_1537 : vector<16xf32>
    %eq3A_1539 = arith.constant 3 : i32
    %eq3A_1540 = vector.broadcast %eq3A_1539 : i32 to vector<16xi32>
    %eq3A_1541 = arith.cmpi eq, %min3A_1364, %eq3A_1540 : vector<16xi32>
    %eq3A_1542 = arith.constant 3 : i32
    %eq3A_1543 = vector.broadcast %eq3A_1542 : i32 to vector<16xi32>
    %eq3A_1544 = arith.cmpi eq, %min3A_1506, %eq3A_1543 : vector<16xi32>
    %or3A_1545 = arith.ori %eq3A_1541, %eq3A_1544 : vector<16xi1>
    %jit3A_1546 = arith.constant 0.000000e+00 : f32
    %broadcast_in_dim3A_1547 = vector.broadcast %jit3A_1546 : f32 to vector<16xf32>
    %select_n3A_1548 = arith.select %or3A_1545, %exp3A_1294, %broadcast_in_dim3A_1547 : vector<16xi1>, vector<16xf32>
    %add3A_1549 = arith.addf %add3A_1538, %select_n3A_1548 : vector<16xf32>
    %eq3A_1550 = arith.constant 4 : i32
    %eq3A_1551 = vector.broadcast %eq3A_1550 : i32 to vector<16xi32>
    %eq3A_1552 = arith.cmpi eq, %min3A_1364, %eq3A_1551 : vector<16xi32>
    %eq3A_1553 = arith.constant 4 : i32
    %eq3A_1554 = vector.broadcast %eq3A_1553 : i32 to vector<16xi32>
    %eq3A_1555 = arith.cmpi eq, %min3A_1506, %eq3A_1554 : vector<16xi32>
    %or3A_1556 = arith.ori %eq3A_1552, %eq3A_1555 : vector<16xi1>
    %jit3A_1557 = arith.constant 0.000000e+00 : f32
    %broadcast_in_dim3A_1558 = vector.broadcast %jit3A_1557 : f32 to vector<16xf32>
    %select_n3A_1559 = arith.select %or3A_1556, %exp3A_1296, %broadcast_in_dim3A_1558 : vector<16xi1>, vector<16xf32>
    %add3A_1560 = arith.addf %add3A_1549, %select_n3A_1559 : vector<16xf32>
    %eq3A_1561 = arith.constant 5 : i32
    %eq3A_1562 = vector.broadcast %eq3A_1561 : i32 to vector<16xi32>
    %eq3A_1563 = arith.cmpi eq, %min3A_1364, %eq3A_1562 : vector<16xi32>
    %eq3A_1564 = arith.constant 5 : i32
    %eq3A_1565 = vector.broadcast %eq3A_1564 : i32 to vector<16xi32>
    %eq3A_1566 = arith.cmpi eq, %min3A_1506, %eq3A_1565 : vector<16xi32>
    %or3A_1567 = arith.ori %eq3A_1563, %eq3A_1566 : vector<16xi1>
    %jit3A_1568 = arith.constant 0.000000e+00 : f32
    %broadcast_in_dim3A_1569 = vector.broadcast %jit3A_1568 : f32 to vector<16xf32>
    %select_n3A_1570 = arith.select %or3A_1567, %exp3A_1298, %broadcast_in_dim3A_1569 : vector<16xi1>, vector<16xf32>
    %add3A_1571 = arith.addf %add3A_1560, %select_n3A_1570 : vector<16xf32>
    %eq3A_1572 = arith.constant 6 : i32
    %eq3A_1573 = vector.broadcast %eq3A_1572 : i32 to vector<16xi32>
    %eq3A_1574 = arith.cmpi eq, %min3A_1364, %eq3A_1573 : vector<16xi32>
    %eq3A_1575 = arith.constant 6 : i32
    %eq3A_1576 = vector.broadcast %eq3A_1575 : i32 to vector<16xi32>
    %eq3A_1577 = arith.cmpi eq, %min3A_1506, %eq3A_1576 : vector<16xi32>
    %or3A_1578 = arith.ori %eq3A_1574, %eq3A_1577 : vector<16xi1>
    %jit3A_1579 = arith.constant 0.000000e+00 : f32
    %broadcast_in_dim3A_1580 = vector.broadcast %jit3A_1579 : f32 to vector<16xf32>
    %select_n3A_1581 = arith.select %or3A_1578, %exp3A_1300, %broadcast_in_dim3A_1580 : vector<16xi1>, vector<16xf32>
    %add3A_1582 = arith.addf %add3A_1571, %select_n3A_1581 : vector<16xf32>
    %eq3A_1583 = arith.constant 7 : i32
    %eq3A_1584 = vector.broadcast %eq3A_1583 : i32 to vector<16xi32>
    %eq3A_1585 = arith.cmpi eq, %min3A_1364, %eq3A_1584 : vector<16xi32>
    %eq3A_1586 = arith.constant 7 : i32
    %eq3A_1587 = vector.broadcast %eq3A_1586 : i32 to vector<16xi32>
    %eq3A_1588 = arith.cmpi eq, %min3A_1506, %eq3A_1587 : vector<16xi32>
    %or3A_1589 = arith.ori %eq3A_1585, %eq3A_1588 : vector<16xi1>
    %jit3A_1590 = arith.constant 0.000000e+00 : f32
    %broadcast_in_dim3A_1591 = vector.broadcast %jit3A_1590 : f32 to vector<16xf32>
    %select_n3A_1592 = arith.select %or3A_1589, %exp3A_1302, %broadcast_in_dim3A_1591 : vector<16xi1>, vector<16xf32>
    %add3A_1593 = arith.addf %add3A_1582, %select_n3A_1592 : vector<16xf32>
    %mul3A_1594 = arith.constant 9.99999997E-7 : f32
    %mul3A_1595 = vector.broadcast %mul3A_1594 : f32 to vector<16xf32>
    %mul3A_1596 = arith.mulf %mul3A_1595, %add3A_1309 : vector<16xf32>
    %add3A_1597 = arith.addf %add3A_1593, %mul3A_1596 : vector<16xf32>
    %div3A_1598 = arith.constant 1.000000e+00 : f32
    %div3A_1599 = vector.broadcast %div3A_1598 : f32 to vector<16xf32>
    %div3A_1600 = arith.divf %div3A_1599, %add3A_1597 : vector<16xf32>
    %mul3A_1601 = arith.mulf %select_n3A_1516, %div3A_1600 : vector<16xf32>
    %swap3A_1602 = arith.constant 0 : i32
    %swap3A_1603 = arith.index_cast %swap3A_1602 : i32 to index
    %swap3A_1604 = arith.constant 48 : index
    %swap3A_1605 = tpu.vector_load %arg5[%swap3A_1603, %swap3A_1604] {strides = array<i32>} : memref<8x128xf32, #tpu.memory_space<vmem>>, vector<1x16xf32>,
    %swap3A_1606 = vector.shape_cast %swap3A_1605 : vector<1x16xf32> to vector<16xf32>
    %swap3A_1607 = vector.shape_cast %mul3A_1601 : vector<16xf32> to vector<1x16xf32>
    tpu.vector_store %arg5[%swap3A_1603, %swap3A_1604], %swap3A_1607 {strides = array<i32>} : memref<8x128xf32, #tpu.memory_space<vmem>>, vector<1x16xf32>,
    %mul3A_1608 = arith.mulf %select_n3A_1526, %div3A_1600 : vector<16xf32>
    %swap3A_1609 = arith.constant 1 : i32
    %swap3A_1610 = arith.index_cast %swap3A_1609 : i32 to index
    %swap3A_1611 = arith.constant 48 : index
    %swap3A_1612 = tpu.vector_load %arg5[%swap3A_1610, %swap3A_1611] {strides = array<i32>} : memref<8x128xf32, #tpu.memory_space<vmem>>, vector<1x16xf32>,
    %swap3A_1613 = vector.shape_cast %swap3A_1612 : vector<1x16xf32> to vector<16xf32>
    %swap3A_1614 = vector.shape_cast %mul3A_1608 : vector<16xf32> to vector<1x16xf32>
    tpu.vector_store %arg5[%swap3A_1610, %swap3A_1611], %swap3A_1614 {strides = array<i32>} : memref<8x128xf32, #tpu.memory_space<vmem>>, vector<1x16xf32>,
    %mul3A_1615 = arith.mulf %select_n3A_1537, %div3A_1600 : vector<16xf32>
    %swap3A_1616 = arith.constant 2 : i32
    %swap3A_1617 = arith.index_cast %swap3A_1616 : i32 to index
    %swap3A_1618 = arith.constant 48 : index
    %swap3A_1619 = tpu.vector_load %arg5[%swap3A_1617, %swap3A_1618] {strides = array<i32>} : memref<8x128xf32, #tpu.memory_space<vmem>>, vector<1x16xf32>,
    %swap3A_1620 = vector.shape_cast %swap3A_1619 : vector<1x16xf32> to vector<16xf32>
    %swap3A_1621 = vector.shape_cast %mul3A_1615 : vector<16xf32> to vector<1x16xf32>
    tpu.vector_store %arg5[%swap3A_1617, %swap3A_1618], %swap3A_1621 {strides = array<i32>} : memref<8x128xf32, #tpu.memory_space<vmem>>, vector<1x16xf32>,
    %mul3A_1622 = arith.mulf %select_n3A_1548, %div3A_1600 : vector<16xf32>
    %swap3A_1623 = arith.constant 3 : i32
    %swap3A_1624 = arith.index_cast %swap3A_1623 : i32 to index
    %swap3A_1625 = arith.constant 48 : index
    %swap3A_1626 = tpu.vector_load %arg5[%swap3A_1624, %swap3A_1625] {strides = array<i32>} : memref<8x128xf32, #tpu.memory_space<vmem>>, vector<1x16xf32>,
    %swap3A_1627 = vector.shape_cast %swap3A_1626 : vector<1x16xf32> to vector<16xf32>
    %swap3A_1628 = vector.shape_cast %mul3A_1622 : vector<16xf32> to vector<1x16xf32>
    tpu.vector_store %arg5[%swap3A_1624, %swap3A_1625], %swap3A_1628 {strides = array<i32>} : memref<8x128xf32, #tpu.memory_space<vmem>>, vector<1x16xf32>,
    %mul3A_1629 = arith.mulf %select_n3A_1559, %div3A_1600 : vector<16xf32>
    %swap3A_1630 = arith.constant 4 : i32
    %swap3A_1631 = arith.index_cast %swap3A_1630 : i32 to index
    %swap3A_1632 = arith.constant 48 : index
    %swap3A_1633 = tpu.vector_load %arg5[%swap3A_1631, %swap3A_1632] {strides = array<i32>} : memref<8x128xf32, #tpu.memory_space<vmem>>, vector<1x16xf32>,
    %swap3A_1634 = vector.shape_cast %swap3A_1633 : vector<1x16xf32> to vector<16xf32>
    %swap3A_1635 = vector.shape_cast %mul3A_1629 : vector<16xf32> to vector<1x16xf32>
    tpu.vector_store %arg5[%swap3A_1631, %swap3A_1632], %swap3A_1635 {strides = array<i32>} : memref<8x128xf32, #tpu.memory_space<vmem>>, vector<1x16xf32>,
    %mul3A_1636 = arith.mulf %select_n3A_1570, %div3A_1600 : vector<16xf32>
    %swap3A_1637 = arith.constant 5 : i32
    %swap3A_1638 = arith.index_cast %swap3A_1637 : i32 to index
    %swap3A_1639 = arith.constant 48 : index
    %swap3A_1640 = tpu.vector_load %arg5[%swap3A_1638, %swap3A_1639] {strides = array<i32>} : memref<8x128xf32, #tpu.memory_space<vmem>>, vector<1x16xf32>,
    %swap3A_1641 = vector.shape_cast %swap3A_1640 : vector<1x16xf32> to vector<16xf32>
    %swap3A_1642 = vector.shape_cast %mul3A_1636 : vector<16xf32> to vector<1x16xf32>
    tpu.vector_store %arg5[%swap3A_1638, %swap3A_1639], %swap3A_1642 {strides = array<i32>} : memref<8x128xf32, #tpu.memory_space<vmem>>, vector<1x16xf32>,
    %mul3A_1643 = arith.mulf %select_n3A_1581, %div3A_1600 : vector<16xf32>
    %swap3A_1644 = arith.constant 6 : i32
    %swap3A_1645 = arith.index_cast %swap3A_1644 : i32 to index
    %swap3A_1646 = arith.constant 48 : index
    %swap3A_1647 = tpu.vector_load %arg5[%swap3A_1645, %swap3A_1646] {strides = array<i32>} : memref<8x128xf32, #tpu.memory_space<vmem>>, vector<1x16xf32>,
    %swap3A_1648 = vector.shape_cast %swap3A_1647 : vector<1x16xf32> to vector<16xf32>
    %swap3A_1649 = vector.shape_cast %mul3A_1643 : vector<16xf32> to vector<1x16xf32>
    tpu.vector_store %arg5[%swap3A_1645, %swap3A_1646], %swap3A_1649 {strides = array<i32>} : memref<8x128xf32, #tpu.memory_space<vmem>>, vector<1x16xf32>,
    %mul3A_1650 = arith.mulf %select_n3A_1592, %div3A_1600 : vector<16xf32>
    %swap3A_1651 = arith.constant 7 : i32
    %swap3A_1652 = arith.index_cast %swap3A_1651 : i32 to index
    %swap3A_1653 = arith.constant 48 : index
    %swap3A_1654 = tpu.vector_load %arg5[%swap3A_1652, %swap3A_1653] {strides = array<i32>} : memref<8x128xf32, #tpu.memory_space<vmem>>, vector<1x16xf32>,
    %swap3A_1655 = vector.shape_cast %swap3A_1654 : vector<1x16xf32> to vector<16xf32>
    %swap3A_1656 = vector.shape_cast %mul3A_1650 : vector<16xf32> to vector<1x16xf32>
    tpu.vector_store %arg5[%swap3A_1652, %swap3A_1653], %swap3A_1656 {strides = array<i32>} : memref<8x128xf32, #tpu.memory_space<vmem>>, vector<1x16xf32>,
    %get3A_1657 = arith.constant 0 : i32
    %get3A_1658 = arith.index_cast %get3A_1657 : i32 to index
    %get3A_1659 = arith.constant 64 : index
    %get3A_1660 = tpu.vector_load %arg4[%get3A_1658, %get3A_1659] {strides = array<i32>} : memref<8x128xf32, #tpu.memory_space<vmem>>, vector<1x16xf32>,
    %get3A_1661 = vector.shape_cast %get3A_1660 : vector<1x16xf32> to vector<16xf32>
    %get3A_1662 = arith.constant 1 : i32
    %get3A_1663 = arith.index_cast %get3A_1662 : i32 to index
    %get3A_1664 = arith.constant 64 : index
    %get3A_1665 = tpu.vector_load %arg4[%get3A_1663, %get3A_1664] {strides = array<i32>} : memref<8x128xf32, #tpu.memory_space<vmem>>, vector<1x16xf32>,
    %get3A_1666 = vector.shape_cast %get3A_1665 : vector<1x16xf32> to vector<16xf32>
    %get3A_1667 = arith.constant 2 : i32
    %get3A_1668 = arith.index_cast %get3A_1667 : i32 to index
    %get3A_1669 = arith.constant 64 : index
    %get3A_1670 = tpu.vector_load %arg4[%get3A_1668, %get3A_1669] {strides = array<i32>} : memref<8x128xf32, #tpu.memory_space<vmem>>, vector<1x16xf32>,
    %get3A_1671 = vector.shape_cast %get3A_1670 : vector<1x16xf32> to vector<16xf32>
    %get3A_1672 = arith.constant 3 : i32
    %get3A_1673 = arith.index_cast %get3A_1672 : i32 to index
    %get3A_1674 = arith.constant 64 : index
    %get3A_1675 = tpu.vector_load %arg4[%get3A_1673, %get3A_1674] {strides = array<i32>} : memref<8x128xf32, #tpu.memory_space<vmem>>, vector<1x16xf32>,
    %get3A_1676 = vector.shape_cast %get3A_1675 : vector<1x16xf32> to vector<16xf32>
    %get3A_1677 = arith.constant 4 : i32
    %get3A_1678 = arith.index_cast %get3A_1677 : i32 to index
    %get3A_1679 = arith.constant 64 : index
    %get3A_1680 = tpu.vector_load %arg4[%get3A_1678, %get3A_1679] {strides = array<i32>} : memref<8x128xf32, #tpu.memory_space<vmem>>, vector<1x16xf32>,
    %get3A_1681 = vector.shape_cast %get3A_1680 : vector<1x16xf32> to vector<16xf32>
    %get3A_1682 = arith.constant 5 : i32
    %get3A_1683 = arith.index_cast %get3A_1682 : i32 to index
    %get3A_1684 = arith.constant 64 : index
    %get3A_1685 = tpu.vector_load %arg4[%get3A_1683, %get3A_1684] {strides = array<i32>} : memref<8x128xf32, #tpu.memory_space<vmem>>, vector<1x16xf32>,
    %get3A_1686 = vector.shape_cast %get3A_1685 : vector<1x16xf32> to vector<16xf32>
    %get3A_1687 = arith.constant 6 : i32
    %get3A_1688 = arith.index_cast %get3A_1687 : i32 to index
    %get3A_1689 = arith.constant 64 : index
    %get3A_1690 = tpu.vector_load %arg4[%get3A_1688, %get3A_1689] {strides = array<i32>} : memref<8x128xf32, #tpu.memory_space<vmem>>, vector<1x16xf32>,
    %get3A_1691 = vector.shape_cast %get3A_1690 : vector<1x16xf32> to vector<16xf32>
    %get3A_1692 = arith.constant 7 : i32
    %get3A_1693 = arith.index_cast %get3A_1692 : i32 to index
    %get3A_1694 = arith.constant 64 : index
    %get3A_1695 = tpu.vector_load %arg4[%get3A_1693, %get3A_1694] {strides = array<i32>} : memref<8x128xf32, #tpu.memory_space<vmem>>, vector<1x16xf32>,
    %get3A_1696 = vector.shape_cast %get3A_1695 : vector<1x16xf32> to vector<16xf32>
    %max3A_1697 = arith.maximumf %get3A_1661, %get3A_1666 : vector<16xf32>
    %max3A_1698 = arith.maximumf %max3A_1697, %get3A_1671 : vector<16xf32>
    %max3A_1699 = arith.maximumf %max3A_1698, %get3A_1676 : vector<16xf32>
    %max3A_1700 = arith.maximumf %max3A_1699, %get3A_1681 : vector<16xf32>
    %max3A_1701 = arith.maximumf %max3A_1700, %get3A_1686 : vector<16xf32>
    %max3A_1702 = arith.maximumf %max3A_1701, %get3A_1691 : vector<16xf32>
    %max3A_1703 = arith.maximumf %max3A_1702, %get3A_1696 : vector<16xf32>
    %sub3A_1704 = arith.subf %get3A_1661, %max3A_1703 : vector<16xf32>
    %exp3A_1705 = math.exp %sub3A_1704 : vector<16xf32>
    %sub3A_1706 = arith.subf %get3A_1666, %max3A_1703 : vector<16xf32>
    %exp3A_1707 = math.exp %sub3A_1706 : vector<16xf32>
    %sub3A_1708 = arith.subf %get3A_1671, %max3A_1703 : vector<16xf32>
    %exp3A_1709 = math.exp %sub3A_1708 : vector<16xf32>
    %sub3A_1710 = arith.subf %get3A_1676, %max3A_1703 : vector<16xf32>
    %exp3A_1711 = math.exp %sub3A_1710 : vector<16xf32>
    %sub3A_1712 = arith.subf %get3A_1681, %max3A_1703 : vector<16xf32>
    %exp3A_1713 = math.exp %sub3A_1712 : vector<16xf32>
    %sub3A_1714 = arith.subf %get3A_1686, %max3A_1703 : vector<16xf32>
    %exp3A_1715 = math.exp %sub3A_1714 : vector<16xf32>
    %sub3A_1716 = arith.subf %get3A_1691, %max3A_1703 : vector<16xf32>
    %exp3A_1717 = math.exp %sub3A_1716 : vector<16xf32>
    %sub3A_1718 = arith.subf %get3A_1696, %max3A_1703 : vector<16xf32>
    %exp3A_1719 = math.exp %sub3A_1718 : vector<16xf32>
    %add3A_1720 = arith.addf %exp3A_1705, %exp3A_1707 : vector<16xf32>
    %add3A_1721 = arith.addf %add3A_1720, %exp3A_1709 : vector<16xf32>
    %add3A_1722 = arith.addf %add3A_1721, %exp3A_1711 : vector<16xf32>
    %add3A_1723 = arith.addf %add3A_1722, %exp3A_1713 : vector<16xf32>
    %add3A_1724 = arith.addf %add3A_1723, %exp3A_1715 : vector<16xf32>
    %add3A_1725 = arith.addf %add3A_1724, %exp3A_1717 : vector<16xf32>
    %add3A_1726 = arith.addf %add3A_1725, %exp3A_1719 : vector<16xf32>
    %eq3A_1727 = arith.cmpf oeq, %get3A_1661, %max3A_1703 : vector<16xf32>
    %jit3A_1728 = arith.constant 0 : i32
    %jit3A_1729 = arith.constant 8 : i32
    %broadcast_in_dim3A_1730 = vector.broadcast %jit3A_1728 : i32 to vector<16xi32>
    %broadcast_in_dim3A_1731 = vector.broadcast %jit3A_1729 : i32 to vector<16xi32>
    %select_n3A_1732 = arith.select %eq3A_1727, %broadcast_in_dim3A_1730, %broadcast_in_dim3A_1731 : vector<16xi1>, vector<16xi32>
    %eq3A_1733 = arith.cmpf oeq, %get3A_1666, %max3A_1703 : vector<16xf32>
    %jit3A_1734 = arith.constant 1 : i32
    %jit3A_1735 = arith.constant 8 : i32
    %broadcast_in_dim3A_1736 = vector.broadcast %jit3A_1734 : i32 to vector<16xi32>
    %broadcast_in_dim3A_1737 = vector.broadcast %jit3A_1735 : i32 to vector<16xi32>
    %select_n3A_1738 = arith.select %eq3A_1733, %broadcast_in_dim3A_1736, %broadcast_in_dim3A_1737 : vector<16xi1>, vector<16xi32>
    %min3A_1739 = arith.minsi %select_n3A_1732, %select_n3A_1738 : vector<16xi32>
    %eq3A_1740 = arith.cmpf oeq, %get3A_1671, %max3A_1703 : vector<16xf32>
    %jit3A_1741 = arith.constant 2 : i32
    %jit3A_1742 = arith.constant 8 : i32
    %broadcast_in_dim3A_1743 = vector.broadcast %jit3A_1741 : i32 to vector<16xi32>
    %broadcast_in_dim3A_1744 = vector.broadcast %jit3A_1742 : i32 to vector<16xi32>
    %select_n3A_1745 = arith.select %eq3A_1740, %broadcast_in_dim3A_1743, %broadcast_in_dim3A_1744 : vector<16xi1>, vector<16xi32>
    %min3A_1746 = arith.minsi %min3A_1739, %select_n3A_1745 : vector<16xi32>
    %eq3A_1747 = arith.cmpf oeq, %get3A_1676, %max3A_1703 : vector<16xf32>
    %jit3A_1748 = arith.constant 3 : i32
    %jit3A_1749 = arith.constant 8 : i32
    %broadcast_in_dim3A_1750 = vector.broadcast %jit3A_1748 : i32 to vector<16xi32>
    %broadcast_in_dim3A_1751 = vector.broadcast %jit3A_1749 : i32 to vector<16xi32>
    %select_n3A_1752 = arith.select %eq3A_1747, %broadcast_in_dim3A_1750, %broadcast_in_dim3A_1751 : vector<16xi1>, vector<16xi32>
    %min3A_1753 = arith.minsi %min3A_1746, %select_n3A_1752 : vector<16xi32>
    %eq3A_1754 = arith.cmpf oeq, %get3A_1681, %max3A_1703 : vector<16xf32>
    %jit3A_1755 = arith.constant 4 : i32
    %jit3A_1756 = arith.constant 8 : i32
    %broadcast_in_dim3A_1757 = vector.broadcast %jit3A_1755 : i32 to vector<16xi32>
    %broadcast_in_dim3A_1758 = vector.broadcast %jit3A_1756 : i32 to vector<16xi32>
    %select_n3A_1759 = arith.select %eq3A_1754, %broadcast_in_dim3A_1757, %broadcast_in_dim3A_1758 : vector<16xi1>, vector<16xi32>
    %min3A_1760 = arith.minsi %min3A_1753, %select_n3A_1759 : vector<16xi32>
    %eq3A_1761 = arith.cmpf oeq, %get3A_1686, %max3A_1703 : vector<16xf32>
    %jit3A_1762 = arith.constant 5 : i32
    %jit3A_1763 = arith.constant 8 : i32
    %broadcast_in_dim3A_1764 = vector.broadcast %jit3A_1762 : i32 to vector<16xi32>
    %broadcast_in_dim3A_1765 = vector.broadcast %jit3A_1763 : i32 to vector<16xi32>
    %select_n3A_1766 = arith.select %eq3A_1761, %broadcast_in_dim3A_1764, %broadcast_in_dim3A_1765 : vector<16xi1>, vector<16xi32>
    %min3A_1767 = arith.minsi %min3A_1760, %select_n3A_1766 : vector<16xi32>
    %eq3A_1768 = arith.cmpf oeq, %get3A_1691, %max3A_1703 : vector<16xf32>
    %jit3A_1769 = arith.constant 6 : i32
    %jit3A_1770 = arith.constant 8 : i32
    %broadcast_in_dim3A_1771 = vector.broadcast %jit3A_1769 : i32 to vector<16xi32>
    %broadcast_in_dim3A_1772 = vector.broadcast %jit3A_1770 : i32 to vector<16xi32>
    %select_n3A_1773 = arith.select %eq3A_1768, %broadcast_in_dim3A_1771, %broadcast_in_dim3A_1772 : vector<16xi1>, vector<16xi32>
    %min3A_1774 = arith.minsi %min3A_1767, %select_n3A_1773 : vector<16xi32>
    %eq3A_1775 = arith.cmpf oeq, %get3A_1696, %max3A_1703 : vector<16xf32>
    %jit3A_1776 = arith.constant 7 : i32
    %jit3A_1777 = arith.constant 8 : i32
    %broadcast_in_dim3A_1778 = vector.broadcast %jit3A_1776 : i32 to vector<16xi32>
    %broadcast_in_dim3A_1779 = vector.broadcast %jit3A_1777 : i32 to vector<16xi32>
    %select_n3A_1780 = arith.select %eq3A_1775, %broadcast_in_dim3A_1778, %broadcast_in_dim3A_1779 : vector<16xi1>, vector<16xi32>
    %min3A_1781 = arith.minsi %min3A_1774, %select_n3A_1780 : vector<16xi32>
    %eq3A_1782 = arith.constant 0 : i32
    %eq3A_1783 = vector.broadcast %eq3A_1782 : i32 to vector<16xi32>
    %eq3A_1784 = arith.cmpi eq, %min3A_1781, %eq3A_1783 : vector<16xi32>
    %jit3A_1785 = arith.constant -3.000000e+38 : f32
    %broadcast_in_dim3A_1786 = vector.broadcast %jit3A_1785 : f32 to vector<16xf32>
    %select_n3A_1787 = arith.select %eq3A_1784, %broadcast_in_dim3A_1786, %get3A_1661 : vector<16xi1>, vector<16xf32>
    %eq3A_1788 = arith.constant 1 : i32
    %eq3A_1789 = vector.broadcast %eq3A_1788 : i32 to vector<16xi32>
    %eq3A_1790 = arith.cmpi eq, %min3A_1781, %eq3A_1789 : vector<16xi32>
    %jit3A_1791 = arith.constant -3.000000e+38 : f32
    %broadcast_in_dim3A_1792 = vector.broadcast %jit3A_1791 : f32 to vector<16xf32>
    %select_n3A_1793 = arith.select %eq3A_1790, %broadcast_in_dim3A_1792, %get3A_1666 : vector<16xi1>, vector<16xf32>
    %max3A_1794 = arith.maximumf %select_n3A_1787, %select_n3A_1793 : vector<16xf32>
    %eq3A_1795 = arith.constant 2 : i32
    %eq3A_1796 = vector.broadcast %eq3A_1795 : i32 to vector<16xi32>
    %eq3A_1797 = arith.cmpi eq, %min3A_1781, %eq3A_1796 : vector<16xi32>
    %jit3A_1798 = arith.constant -3.000000e+38 : f32
    %broadcast_in_dim3A_1799 = vector.broadcast %jit3A_1798 : f32 to vector<16xf32>
    %select_n3A_1800 = arith.select %eq3A_1797, %broadcast_in_dim3A_1799, %get3A_1671 : vector<16xi1>, vector<16xf32>
    %max3A_1801 = arith.maximumf %max3A_1794, %select_n3A_1800 : vector<16xf32>
    %eq3A_1802 = arith.constant 3 : i32
    %eq3A_1803 = vector.broadcast %eq3A_1802 : i32 to vector<16xi32>
    %eq3A_1804 = arith.cmpi eq, %min3A_1781, %eq3A_1803 : vector<16xi32>
    %jit3A_1805 = arith.constant -3.000000e+38 : f32
    %broadcast_in_dim3A_1806 = vector.broadcast %jit3A_1805 : f32 to vector<16xf32>
    %select_n3A_1807 = arith.select %eq3A_1804, %broadcast_in_dim3A_1806, %get3A_1676 : vector<16xi1>, vector<16xf32>
    %max3A_1808 = arith.maximumf %max3A_1801, %select_n3A_1807 : vector<16xf32>
    %eq3A_1809 = arith.constant 4 : i32
    %eq3A_1810 = vector.broadcast %eq3A_1809 : i32 to vector<16xi32>
    %eq3A_1811 = arith.cmpi eq, %min3A_1781, %eq3A_1810 : vector<16xi32>
    %jit3A_1812 = arith.constant -3.000000e+38 : f32
    %broadcast_in_dim3A_1813 = vector.broadcast %jit3A_1812 : f32 to vector<16xf32>
    %select_n3A_1814 = arith.select %eq3A_1811, %broadcast_in_dim3A_1813, %get3A_1681 : vector<16xi1>, vector<16xf32>
    %max3A_1815 = arith.maximumf %max3A_1808, %select_n3A_1814 : vector<16xf32>
    %eq3A_1816 = arith.constant 5 : i32
    %eq3A_1817 = vector.broadcast %eq3A_1816 : i32 to vector<16xi32>
    %eq3A_1818 = arith.cmpi eq, %min3A_1781, %eq3A_1817 : vector<16xi32>
    %jit3A_1819 = arith.constant -3.000000e+38 : f32
    %broadcast_in_dim3A_1820 = vector.broadcast %jit3A_1819 : f32 to vector<16xf32>
    %select_n3A_1821 = arith.select %eq3A_1818, %broadcast_in_dim3A_1820, %get3A_1686 : vector<16xi1>, vector<16xf32>
    %max3A_1822 = arith.maximumf %max3A_1815, %select_n3A_1821 : vector<16xf32>
    %eq3A_1823 = arith.constant 6 : i32
    %eq3A_1824 = vector.broadcast %eq3A_1823 : i32 to vector<16xi32>
    %eq3A_1825 = arith.cmpi eq, %min3A_1781, %eq3A_1824 : vector<16xi32>
    %jit3A_1826 = arith.constant -3.000000e+38 : f32
    %broadcast_in_dim3A_1827 = vector.broadcast %jit3A_1826 : f32 to vector<16xf32>
    %select_n3A_1828 = arith.select %eq3A_1825, %broadcast_in_dim3A_1827, %get3A_1691 : vector<16xi1>, vector<16xf32>
    %max3A_1829 = arith.maximumf %max3A_1822, %select_n3A_1828 : vector<16xf32>
    %eq3A_1830 = arith.constant 7 : i32
    %eq3A_1831 = vector.broadcast %eq3A_1830 : i32 to vector<16xi32>
    %eq3A_1832 = arith.cmpi eq, %min3A_1781, %eq3A_1831 : vector<16xi32>
    %jit3A_1833 = arith.constant -3.000000e+38 : f32
    %broadcast_in_dim3A_1834 = vector.broadcast %jit3A_1833 : f32 to vector<16xf32>
    %select_n3A_1835 = arith.select %eq3A_1832, %broadcast_in_dim3A_1834, %get3A_1696 : vector<16xi1>, vector<16xf32>
    %max3A_1836 = arith.maximumf %max3A_1829, %select_n3A_1835 : vector<16xf32>
    %eq3A_1837 = arith.cmpf oeq, %get3A_1661, %max3A_1836 : vector<16xf32>
    %ne3A_1838 = arith.constant 0 : i32
    %ne3A_1839 = vector.broadcast %ne3A_1838 : i32 to vector<16xi32>
    %ne3A_1840 = arith.cmpi ne, %min3A_1781, %ne3A_1839 : vector<16xi32>
    %and3A_1841 = arith.andi %eq3A_1837, %ne3A_1840 : vector<16xi1>
    %jit3A_1842 = arith.constant 0 : i32
    %jit3A_1843 = arith.constant 8 : i32
    %broadcast_in_dim3A_1844 = vector.broadcast %jit3A_1842 : i32 to vector<16xi32>
    %broadcast_in_dim3A_1845 = vector.broadcast %jit3A_1843 : i32 to vector<16xi32>
    %select_n3A_1846 = arith.select %and3A_1841, %broadcast_in_dim3A_1844, %broadcast_in_dim3A_1845 : vector<16xi1>, vector<16xi32>
    %eq3A_1847 = arith.cmpf oeq, %get3A_1666, %max3A_1836 : vector<16xf32>
    %ne3A_1848 = arith.constant 1 : i32
    %ne3A_1849 = vector.broadcast %ne3A_1848 : i32 to vector<16xi32>
    %ne3A_1850 = arith.cmpi ne, %min3A_1781, %ne3A_1849 : vector<16xi32>
    %and3A_1851 = arith.andi %eq3A_1847, %ne3A_1850 : vector<16xi1>
    %jit3A_1852 = arith.constant 1 : i32
    %jit3A_1853 = arith.constant 8 : i32
    %broadcast_in_dim3A_1854 = vector.broadcast %jit3A_1852 : i32 to vector<16xi32>
    %broadcast_in_dim3A_1855 = vector.broadcast %jit3A_1853 : i32 to vector<16xi32>
    %select_n3A_1856 = arith.select %and3A_1851, %broadcast_in_dim3A_1854, %broadcast_in_dim3A_1855 : vector<16xi1>, vector<16xi32>
    %min3A_1857 = arith.minsi %select_n3A_1846, %select_n3A_1856 : vector<16xi32>
    %eq3A_1858 = arith.cmpf oeq, %get3A_1671, %max3A_1836 : vector<16xf32>
    %ne3A_1859 = arith.constant 2 : i32
    %ne3A_1860 = vector.broadcast %ne3A_1859 : i32 to vector<16xi32>
    %ne3A_1861 = arith.cmpi ne, %min3A_1781, %ne3A_1860 : vector<16xi32>
    %and3A_1862 = arith.andi %eq3A_1858, %ne3A_1861 : vector<16xi1>
    %jit3A_1863 = arith.constant 2 : i32
    %jit3A_1864 = arith.constant 8 : i32
    %broadcast_in_dim3A_1865 = vector.broadcast %jit3A_1863 : i32 to vector<16xi32>
    %broadcast_in_dim3A_1866 = vector.broadcast %jit3A_1864 : i32 to vector<16xi32>
    %select_n3A_1867 = arith.select %and3A_1862, %broadcast_in_dim3A_1865, %broadcast_in_dim3A_1866 : vector<16xi1>, vector<16xi32>
    %min3A_1868 = arith.minsi %min3A_1857, %select_n3A_1867 : vector<16xi32>
    %eq3A_1869 = arith.cmpf oeq, %get3A_1676, %max3A_1836 : vector<16xf32>
    %ne3A_1870 = arith.constant 3 : i32
    %ne3A_1871 = vector.broadcast %ne3A_1870 : i32 to vector<16xi32>
    %ne3A_1872 = arith.cmpi ne, %min3A_1781, %ne3A_1871 : vector<16xi32>
    %and3A_1873 = arith.andi %eq3A_1869, %ne3A_1872 : vector<16xi1>
    %jit3A_1874 = arith.constant 3 : i32
    %jit3A_1875 = arith.constant 8 : i32
    %broadcast_in_dim3A_1876 = vector.broadcast %jit3A_1874 : i32 to vector<16xi32>
    %broadcast_in_dim3A_1877 = vector.broadcast %jit3A_1875 : i32 to vector<16xi32>
    %select_n3A_1878 = arith.select %and3A_1873, %broadcast_in_dim3A_1876, %broadcast_in_dim3A_1877 : vector<16xi1>, vector<16xi32>
    %min3A_1879 = arith.minsi %min3A_1868, %select_n3A_1878 : vector<16xi32>
    %eq3A_1880 = arith.cmpf oeq, %get3A_1681, %max3A_1836 : vector<16xf32>
    %ne3A_1881 = arith.constant 4 : i32
    %ne3A_1882 = vector.broadcast %ne3A_1881 : i32 to vector<16xi32>
    %ne3A_1883 = arith.cmpi ne, %min3A_1781, %ne3A_1882 : vector<16xi32>
    %and3A_1884 = arith.andi %eq3A_1880, %ne3A_1883 : vector<16xi1>
    %jit3A_1885 = arith.constant 4 : i32
    %jit3A_1886 = arith.constant 8 : i32
    %broadcast_in_dim3A_1887 = vector.broadcast %jit3A_1885 : i32 to vector<16xi32>
    %broadcast_in_dim3A_1888 = vector.broadcast %jit3A_1886 : i32 to vector<16xi32>
    %select_n3A_1889 = arith.select %and3A_1884, %broadcast_in_dim3A_1887, %broadcast_in_dim3A_1888 : vector<16xi1>, vector<16xi32>
    %min3A_1890 = arith.minsi %min3A_1879, %select_n3A_1889 : vector<16xi32>
    %eq3A_1891 = arith.cmpf oeq, %get3A_1686, %max3A_1836 : vector<16xf32>
    %ne3A_1892 = arith.constant 5 : i32
    %ne3A_1893 = vector.broadcast %ne3A_1892 : i32 to vector<16xi32>
    %ne3A_1894 = arith.cmpi ne, %min3A_1781, %ne3A_1893 : vector<16xi32>
    %and3A_1895 = arith.andi %eq3A_1891, %ne3A_1894 : vector<16xi1>
    %jit3A_1896 = arith.constant 5 : i32
    %jit3A_1897 = arith.constant 8 : i32
    %broadcast_in_dim3A_1898 = vector.broadcast %jit3A_1896 : i32 to vector<16xi32>
    %broadcast_in_dim3A_1899 = vector.broadcast %jit3A_1897 : i32 to vector<16xi32>
    %select_n3A_1900 = arith.select %and3A_1895, %broadcast_in_dim3A_1898, %broadcast_in_dim3A_1899 : vector<16xi1>, vector<16xi32>
    %min3A_1901 = arith.minsi %min3A_1890, %select_n3A_1900 : vector<16xi32>
    %eq3A_1902 = arith.cmpf oeq, %get3A_1691, %max3A_1836 : vector<16xf32>
    %ne3A_1903 = arith.constant 6 : i32
    %ne3A_1904 = vector.broadcast %ne3A_1903 : i32 to vector<16xi32>
    %ne3A_1905 = arith.cmpi ne, %min3A_1781, %ne3A_1904 : vector<16xi32>
    %and3A_1906 = arith.andi %eq3A_1902, %ne3A_1905 : vector<16xi1>
    %jit3A_1907 = arith.constant 6 : i32
    %jit3A_1908 = arith.constant 8 : i32
    %broadcast_in_dim3A_1909 = vector.broadcast %jit3A_1907 : i32 to vector<16xi32>
    %broadcast_in_dim3A_1910 = vector.broadcast %jit3A_1908 : i32 to vector<16xi32>
    %select_n3A_1911 = arith.select %and3A_1906, %broadcast_in_dim3A_1909, %broadcast_in_dim3A_1910 : vector<16xi1>, vector<16xi32>
    %min3A_1912 = arith.minsi %min3A_1901, %select_n3A_1911 : vector<16xi32>
    %eq3A_1913 = arith.cmpf oeq, %get3A_1696, %max3A_1836 : vector<16xf32>
    %ne3A_1914 = arith.constant 7 : i32
    %ne3A_1915 = vector.broadcast %ne3A_1914 : i32 to vector<16xi32>
    %ne3A_1916 = arith.cmpi ne, %min3A_1781, %ne3A_1915 : vector<16xi32>
    %and3A_1917 = arith.andi %eq3A_1913, %ne3A_1916 : vector<16xi1>
    %jit3A_1918 = arith.constant 7 : i32
    %jit3A_1919 = arith.constant 8 : i32
    %broadcast_in_dim3A_1920 = vector.broadcast %jit3A_1918 : i32 to vector<16xi32>
    %broadcast_in_dim3A_1921 = vector.broadcast %jit3A_1919 : i32 to vector<16xi32>
    %select_n3A_1922 = arith.select %and3A_1917, %broadcast_in_dim3A_1920, %broadcast_in_dim3A_1921 : vector<16xi1>, vector<16xi32>
    %min3A_1923 = arith.minsi %min3A_1912, %select_n3A_1922 : vector<16xi32>
    %eq3A_1924 = arith.constant 0 : i32
    %eq3A_1925 = vector.broadcast %eq3A_1924 : i32 to vector<16xi32>
    %eq3A_1926 = arith.cmpi eq, %min3A_1781, %eq3A_1925 : vector<16xi32>
    %eq3A_1927 = arith.constant 0 : i32
    %eq3A_1928 = vector.broadcast %eq3A_1927 : i32 to vector<16xi32>
    %eq3A_1929 = arith.cmpi eq, %min3A_1923, %eq3A_1928 : vector<16xi32>
    %or3A_1930 = arith.ori %eq3A_1926, %eq3A_1929 : vector<16xi1>
    %jit3A_1931 = arith.constant 0.000000e+00 : f32
    %broadcast_in_dim3A_1932 = vector.broadcast %jit3A_1931 : f32 to vector<16xf32>
    %select_n3A_1933 = arith.select %or3A_1930, %exp3A_1705, %broadcast_in_dim3A_1932 : vector<16xi1>, vector<16xf32>
    %eq3A_1934 = arith.constant 1 : i32
    %eq3A_1935 = vector.broadcast %eq3A_1934 : i32 to vector<16xi32>
    %eq3A_1936 = arith.cmpi eq, %min3A_1781, %eq3A_1935 : vector<16xi32>
    %eq3A_1937 = arith.constant 1 : i32
    %eq3A_1938 = vector.broadcast %eq3A_1937 : i32 to vector<16xi32>
    %eq3A_1939 = arith.cmpi eq, %min3A_1923, %eq3A_1938 : vector<16xi32>
    %or3A_1940 = arith.ori %eq3A_1936, %eq3A_1939 : vector<16xi1>
    %jit3A_1941 = arith.constant 0.000000e+00 : f32
    %broadcast_in_dim3A_1942 = vector.broadcast %jit3A_1941 : f32 to vector<16xf32>
    %select_n3A_1943 = arith.select %or3A_1940, %exp3A_1707, %broadcast_in_dim3A_1942 : vector<16xi1>, vector<16xf32>
    %add3A_1944 = arith.addf %select_n3A_1933, %select_n3A_1943 : vector<16xf32>
    %eq3A_1945 = arith.constant 2 : i32
    %eq3A_1946 = vector.broadcast %eq3A_1945 : i32 to vector<16xi32>
    %eq3A_1947 = arith.cmpi eq, %min3A_1781, %eq3A_1946 : vector<16xi32>
    %eq3A_1948 = arith.constant 2 : i32
    %eq3A_1949 = vector.broadcast %eq3A_1948 : i32 to vector<16xi32>
    %eq3A_1950 = arith.cmpi eq, %min3A_1923, %eq3A_1949 : vector<16xi32>
    %or3A_1951 = arith.ori %eq3A_1947, %eq3A_1950 : vector<16xi1>
    %jit3A_1952 = arith.constant 0.000000e+00 : f32
    %broadcast_in_dim3A_1953 = vector.broadcast %jit3A_1952 : f32 to vector<16xf32>
    %select_n3A_1954 = arith.select %or3A_1951, %exp3A_1709, %broadcast_in_dim3A_1953 : vector<16xi1>, vector<16xf32>
    %add3A_1955 = arith.addf %add3A_1944, %select_n3A_1954 : vector<16xf32>
    %eq3A_1956 = arith.constant 3 : i32
    %eq3A_1957 = vector.broadcast %eq3A_1956 : i32 to vector<16xi32>
    %eq3A_1958 = arith.cmpi eq, %min3A_1781, %eq3A_1957 : vector<16xi32>
    %eq3A_1959 = arith.constant 3 : i32
    %eq3A_1960 = vector.broadcast %eq3A_1959 : i32 to vector<16xi32>
    %eq3A_1961 = arith.cmpi eq, %min3A_1923, %eq3A_1960 : vector<16xi32>
    %or3A_1962 = arith.ori %eq3A_1958, %eq3A_1961 : vector<16xi1>
    %jit3A_1963 = arith.constant 0.000000e+00 : f32
    %broadcast_in_dim3A_1964 = vector.broadcast %jit3A_1963 : f32 to vector<16xf32>
    %select_n3A_1965 = arith.select %or3A_1962, %exp3A_1711, %broadcast_in_dim3A_1964 : vector<16xi1>, vector<16xf32>
    %add3A_1966 = arith.addf %add3A_1955, %select_n3A_1965 : vector<16xf32>
    %eq3A_1967 = arith.constant 4 : i32
    %eq3A_1968 = vector.broadcast %eq3A_1967 : i32 to vector<16xi32>
    %eq3A_1969 = arith.cmpi eq, %min3A_1781, %eq3A_1968 : vector<16xi32>
    %eq3A_1970 = arith.constant 4 : i32
    %eq3A_1971 = vector.broadcast %eq3A_1970 : i32 to vector<16xi32>
    %eq3A_1972 = arith.cmpi eq, %min3A_1923, %eq3A_1971 : vector<16xi32>
    %or3A_1973 = arith.ori %eq3A_1969, %eq3A_1972 : vector<16xi1>
    %jit3A_1974 = arith.constant 0.000000e+00 : f32
    %broadcast_in_dim3A_1975 = vector.broadcast %jit3A_1974 : f32 to vector<16xf32>
    %select_n3A_1976 = arith.select %or3A_1973, %exp3A_1713, %broadcast_in_dim3A_1975 : vector<16xi1>, vector<16xf32>
    %add3A_1977 = arith.addf %add3A_1966, %select_n3A_1976 : vector<16xf32>
    %eq3A_1978 = arith.constant 5 : i32
    %eq3A_1979 = vector.broadcast %eq3A_1978 : i32 to vector<16xi32>
    %eq3A_1980 = arith.cmpi eq, %min3A_1781, %eq3A_1979 : vector<16xi32>
    %eq3A_1981 = arith.constant 5 : i32
    %eq3A_1982 = vector.broadcast %eq3A_1981 : i32 to vector<16xi32>
    %eq3A_1983 = arith.cmpi eq, %min3A_1923, %eq3A_1982 : vector<16xi32>
    %or3A_1984 = arith.ori %eq3A_1980, %eq3A_1983 : vector<16xi1>
    %jit3A_1985 = arith.constant 0.000000e+00 : f32
    %broadcast_in_dim3A_1986 = vector.broadcast %jit3A_1985 : f32 to vector<16xf32>
    %select_n3A_1987 = arith.select %or3A_1984, %exp3A_1715, %broadcast_in_dim3A_1986 : vector<16xi1>, vector<16xf32>
    %add3A_1988 = arith.addf %add3A_1977, %select_n3A_1987 : vector<16xf32>
    %eq3A_1989 = arith.constant 6 : i32
    %eq3A_1990 = vector.broadcast %eq3A_1989 : i32 to vector<16xi32>
    %eq3A_1991 = arith.cmpi eq, %min3A_1781, %eq3A_1990 : vector<16xi32>
    %eq3A_1992 = arith.constant 6 : i32
    %eq3A_1993 = vector.broadcast %eq3A_1992 : i32 to vector<16xi32>
    %eq3A_1994 = arith.cmpi eq, %min3A_1923, %eq3A_1993 : vector<16xi32>
    %or3A_1995 = arith.ori %eq3A_1991, %eq3A_1994 : vector<16xi1>
    %jit3A_1996 = arith.constant 0.000000e+00 : f32
    %broadcast_in_dim3A_1997 = vector.broadcast %jit3A_1996 : f32 to vector<16xf32>
    %select_n3A_1998 = arith.select %or3A_1995, %exp3A_1717, %broadcast_in_dim3A_1997 : vector<16xi1>, vector<16xf32>
    %add3A_1999 = arith.addf %add3A_1988, %select_n3A_1998 : vector<16xf32>
    %eq3A_2000 = arith.constant 7 : i32
    %eq3A_2001 = vector.broadcast %eq3A_2000 : i32 to vector<16xi32>
    %eq3A_2002 = arith.cmpi eq, %min3A_1781, %eq3A_2001 : vector<16xi32>
    %eq3A_2003 = arith.constant 7 : i32
    %eq3A_2004 = vector.broadcast %eq3A_2003 : i32 to vector<16xi32>
    %eq3A_2005 = arith.cmpi eq, %min3A_1923, %eq3A_2004 : vector<16xi32>
    %or3A_2006 = arith.ori %eq3A_2002, %eq3A_2005 : vector<16xi1>
    %jit3A_2007 = arith.constant 0.000000e+00 : f32
    %broadcast_in_dim3A_2008 = vector.broadcast %jit3A_2007 : f32 to vector<16xf32>
    %select_n3A_2009 = arith.select %or3A_2006, %exp3A_1719, %broadcast_in_dim3A_2008 : vector<16xi1>, vector<16xf32>
    %add3A_2010 = arith.addf %add3A_1999, %select_n3A_2009 : vector<16xf32>
    %mul3A_2011 = arith.constant 9.99999997E-7 : f32
    %mul3A_2012 = vector.broadcast %mul3A_2011 : f32 to vector<16xf32>
    %mul3A_2013 = arith.mulf %mul3A_2012, %add3A_1726 : vector<16xf32>
    %add3A_2014 = arith.addf %add3A_2010, %mul3A_2013 : vector<16xf32>
    %div3A_2015 = arith.constant 1.000000e+00 : f32
    %div3A_2016 = vector.broadcast %div3A_2015 : f32 to vector<16xf32>
    %div3A_2017 = arith.divf %div3A_2016, %add3A_2014 : vector<16xf32>
    %mul3A_2018 = arith.mulf %select_n3A_1933, %div3A_2017 : vector<16xf32>
    %swap3A_2019 = arith.constant 0 : i32
    %swap3A_2020 = arith.index_cast %swap3A_2019 : i32 to index
    %swap3A_2021 = arith.constant 64 : index
    %swap3A_2022 = tpu.vector_load %arg5[%swap3A_2020, %swap3A_2021] {strides = array<i32>} : memref<8x128xf32, #tpu.memory_space<vmem>>, vector<1x16xf32>,
    %swap3A_2023 = vector.shape_cast %swap3A_2022 : vector<1x16xf32> to vector<16xf32>
    %swap3A_2024 = vector.shape_cast %mul3A_2018 : vector<16xf32> to vector<1x16xf32>
    tpu.vector_store %arg5[%swap3A_2020, %swap3A_2021], %swap3A_2024 {strides = array<i32>} : memref<8x128xf32, #tpu.memory_space<vmem>>, vector<1x16xf32>,
    %mul3A_2025 = arith.mulf %select_n3A_1943, %div3A_2017 : vector<16xf32>
    %swap3A_2026 = arith.constant 1 : i32
    %swap3A_2027 = arith.index_cast %swap3A_2026 : i32 to index
    %swap3A_2028 = arith.constant 64 : index
    %swap3A_2029 = tpu.vector_load %arg5[%swap3A_2027, %swap3A_2028] {strides = array<i32>} : memref<8x128xf32, #tpu.memory_space<vmem>>, vector<1x16xf32>,
    %swap3A_2030 = vector.shape_cast %swap3A_2029 : vector<1x16xf32> to vector<16xf32>
    %swap3A_2031 = vector.shape_cast %mul3A_2025 : vector<16xf32> to vector<1x16xf32>
    tpu.vector_store %arg5[%swap3A_2027, %swap3A_2028], %swap3A_2031 {strides = array<i32>} : memref<8x128xf32, #tpu.memory_space<vmem>>, vector<1x16xf32>,
    %mul3A_2032 = arith.mulf %select_n3A_1954, %div3A_2017 : vector<16xf32>
    %swap3A_2033 = arith.constant 2 : i32
    %swap3A_2034 = arith.index_cast %swap3A_2033 : i32 to index
    %swap3A_2035 = arith.constant 64 : index
    %swap3A_2036 = tpu.vector_load %arg5[%swap3A_2034, %swap3A_2035] {strides = array<i32>} : memref<8x128xf32, #tpu.memory_space<vmem>>, vector<1x16xf32>,
    %swap3A_2037 = vector.shape_cast %swap3A_2036 : vector<1x16xf32> to vector<16xf32>
    %swap3A_2038 = vector.shape_cast %mul3A_2032 : vector<16xf32> to vector<1x16xf32>
    tpu.vector_store %arg5[%swap3A_2034, %swap3A_2035], %swap3A_2038 {strides = array<i32>} : memref<8x128xf32, #tpu.memory_space<vmem>>, vector<1x16xf32>,
    %mul3A_2039 = arith.mulf %select_n3A_1965, %div3A_2017 : vector<16xf32>
    %swap3A_2040 = arith.constant 3 : i32
    %swap3A_2041 = arith.index_cast %swap3A_2040 : i32 to index
    %swap3A_2042 = arith.constant 64 : index
    %swap3A_2043 = tpu.vector_load %arg5[%swap3A_2041, %swap3A_2042] {strides = array<i32>} : memref<8x128xf32, #tpu.memory_space<vmem>>, vector<1x16xf32>,
    %swap3A_2044 = vector.shape_cast %swap3A_2043 : vector<1x16xf32> to vector<16xf32>
    %swap3A_2045 = vector.shape_cast %mul3A_2039 : vector<16xf32> to vector<1x16xf32>
    tpu.vector_store %arg5[%swap3A_2041, %swap3A_2042], %swap3A_2045 {strides = array<i32>} : memref<8x128xf32, #tpu.memory_space<vmem>>, vector<1x16xf32>,
    %mul3A_2046 = arith.mulf %select_n3A_1976, %div3A_2017 : vector<16xf32>
    %swap3A_2047 = arith.constant 4 : i32
    %swap3A_2048 = arith.index_cast %swap3A_2047 : i32 to index
    %swap3A_2049 = arith.constant 64 : index
    %swap3A_2050 = tpu.vector_load %arg5[%swap3A_2048, %swap3A_2049] {strides = array<i32>} : memref<8x128xf32, #tpu.memory_space<vmem>>, vector<1x16xf32>,
    %swap3A_2051 = vector.shape_cast %swap3A_2050 : vector<1x16xf32> to vector<16xf32>
    %swap3A_2052 = vector.shape_cast %mul3A_2046 : vector<16xf32> to vector<1x16xf32>
    tpu.vector_store %arg5[%swap3A_2048, %swap3A_2049], %swap3A_2052 {strides = array<i32>} : memref<8x128xf32, #tpu.memory_space<vmem>>, vector<1x16xf32>,
    %mul3A_2053 = arith.mulf %select_n3A_1987, %div3A_2017 : vector<16xf32>
    %swap3A_2054 = arith.constant 5 : i32
    %swap3A_2055 = arith.index_cast %swap3A_2054 : i32 to index
    %swap3A_2056 = arith.constant 64 : index
    %swap3A_2057 = tpu.vector_load %arg5[%swap3A_2055, %swap3A_2056] {strides = array<i32>} : memref<8x128xf32, #tpu.memory_space<vmem>>, vector<1x16xf32>,
    %swap3A_2058 = vector.shape_cast %swap3A_2057 : vector<1x16xf32> to vector<16xf32>
    %swap3A_2059 = vector.shape_cast %mul3A_2053 : vector<16xf32> to vector<1x16xf32>
    tpu.vector_store %arg5[%swap3A_2055, %swap3A_2056], %swap3A_2059 {strides = array<i32>} : memref<8x128xf32, #tpu.memory_space<vmem>>, vector<1x16xf32>,
    %mul3A_2060 = arith.mulf %select_n3A_1998, %div3A_2017 : vector<16xf32>
    %swap3A_2061 = arith.constant 6 : i32
    %swap3A_2062 = arith.index_cast %swap3A_2061 : i32 to index
    %swap3A_2063 = arith.constant 64 : index
    %swap3A_2064 = tpu.vector_load %arg5[%swap3A_2062, %swap3A_2063] {strides = array<i32>} : memref<8x128xf32, #tpu.memory_space<vmem>>, vector<1x16xf32>,
    %swap3A_2065 = vector.shape_cast %swap3A_2064 : vector<1x16xf32> to vector<16xf32>
    %swap3A_2066 = vector.shape_cast %mul3A_2060 : vector<16xf32> to vector<1x16xf32>
    tpu.vector_store %arg5[%swap3A_2062, %swap3A_2063], %swap3A_2066 {strides = array<i32>} : memref<8x128xf32, #tpu.memory_space<vmem>>, vector<1x16xf32>,
    %mul3A_2067 = arith.mulf %select_n3A_2009, %div3A_2017 : vector<16xf32>
    %swap3A_2068 = arith.constant 7 : i32
    %swap3A_2069 = arith.index_cast %swap3A_2068 : i32 to index
    %swap3A_2070 = arith.constant 64 : index
    %swap3A_2071 = tpu.vector_load %arg5[%swap3A_2069, %swap3A_2070] {strides = array<i32>} : memref<8x128xf32, #tpu.memory_space<vmem>>, vector<1x16xf32>,
    %swap3A_2072 = vector.shape_cast %swap3A_2071 : vector<1x16xf32> to vector<16xf32>
    %swap3A_2073 = vector.shape_cast %mul3A_2067 : vector<16xf32> to vector<1x16xf32>
    tpu.vector_store %arg5[%swap3A_2069, %swap3A_2070], %swap3A_2073 {strides = array<i32>} : memref<8x128xf32, #tpu.memory_space<vmem>>, vector<1x16xf32>,
    %get3A_2074 = arith.constant 0 : i32
    %get3A_2075 = arith.index_cast %get3A_2074 : i32 to index
    %get3A_2076 = arith.constant 80 : index
    %get3A_2077 = tpu.vector_load %arg4[%get3A_2075, %get3A_2076] {strides = array<i32>} : memref<8x128xf32, #tpu.memory_space<vmem>>, vector<1x16xf32>,
    %get3A_2078 = vector.shape_cast %get3A_2077 : vector<1x16xf32> to vector<16xf32>
    %get3A_2079 = arith.constant 1 : i32
    %get3A_2080 = arith.index_cast %get3A_2079 : i32 to index
    %get3A_2081 = arith.constant 80 : index
    %get3A_2082 = tpu.vector_load %arg4[%get3A_2080, %get3A_2081] {strides = array<i32>} : memref<8x128xf32, #tpu.memory_space<vmem>>, vector<1x16xf32>,
    %get3A_2083 = vector.shape_cast %get3A_2082 : vector<1x16xf32> to vector<16xf32>
    %get3A_2084 = arith.constant 2 : i32
    %get3A_2085 = arith.index_cast %get3A_2084 : i32 to index
    %get3A_2086 = arith.constant 80 : index
    %get3A_2087 = tpu.vector_load %arg4[%get3A_2085, %get3A_2086] {strides = array<i32>} : memref<8x128xf32, #tpu.memory_space<vmem>>, vector<1x16xf32>,
    %get3A_2088 = vector.shape_cast %get3A_2087 : vector<1x16xf32> to vector<16xf32>
    %get3A_2089 = arith.constant 3 : i32
    %get3A_2090 = arith.index_cast %get3A_2089 : i32 to index
    %get3A_2091 = arith.constant 80 : index
    %get3A_2092 = tpu.vector_load %arg4[%get3A_2090, %get3A_2091] {strides = array<i32>} : memref<8x128xf32, #tpu.memory_space<vmem>>, vector<1x16xf32>,
    %get3A_2093 = vector.shape_cast %get3A_2092 : vector<1x16xf32> to vector<16xf32>
    %get3A_2094 = arith.constant 4 : i32
    %get3A_2095 = arith.index_cast %get3A_2094 : i32 to index
    %get3A_2096 = arith.constant 80 : index
    %get3A_2097 = tpu.vector_load %arg4[%get3A_2095, %get3A_2096] {strides = array<i32>} : memref<8x128xf32, #tpu.memory_space<vmem>>, vector<1x16xf32>,
    %get3A_2098 = vector.shape_cast %get3A_2097 : vector<1x16xf32> to vector<16xf32>
    %get3A_2099 = arith.constant 5 : i32
    %get3A_2100 = arith.index_cast %get3A_2099 : i32 to index
    %get3A_2101 = arith.constant 80 : index
    %get3A_2102 = tpu.vector_load %arg4[%get3A_2100, %get3A_2101] {strides = array<i32>} : memref<8x128xf32, #tpu.memory_space<vmem>>, vector<1x16xf32>,
    %get3A_2103 = vector.shape_cast %get3A_2102 : vector<1x16xf32> to vector<16xf32>
    %get3A_2104 = arith.constant 6 : i32
    %get3A_2105 = arith.index_cast %get3A_2104 : i32 to index
    %get3A_2106 = arith.constant 80 : index
    %get3A_2107 = tpu.vector_load %arg4[%get3A_2105, %get3A_2106] {strides = array<i32>} : memref<8x128xf32, #tpu.memory_space<vmem>>, vector<1x16xf32>,
    %get3A_2108 = vector.shape_cast %get3A_2107 : vector<1x16xf32> to vector<16xf32>
    %get3A_2109 = arith.constant 7 : i32
    %get3A_2110 = arith.index_cast %get3A_2109 : i32 to index
    %get3A_2111 = arith.constant 80 : index
    %get3A_2112 = tpu.vector_load %arg4[%get3A_2110, %get3A_2111] {strides = array<i32>} : memref<8x128xf32, #tpu.memory_space<vmem>>, vector<1x16xf32>,
    %get3A_2113 = vector.shape_cast %get3A_2112 : vector<1x16xf32> to vector<16xf32>
    %max3A_2114 = arith.maximumf %get3A_2078, %get3A_2083 : vector<16xf32>
    %max3A_2115 = arith.maximumf %max3A_2114, %get3A_2088 : vector<16xf32>
    %max3A_2116 = arith.maximumf %max3A_2115, %get3A_2093 : vector<16xf32>
    %max3A_2117 = arith.maximumf %max3A_2116, %get3A_2098 : vector<16xf32>
    %max3A_2118 = arith.maximumf %max3A_2117, %get3A_2103 : vector<16xf32>
    %max3A_2119 = arith.maximumf %max3A_2118, %get3A_2108 : vector<16xf32>
    %max3A_2120 = arith.maximumf %max3A_2119, %get3A_2113 : vector<16xf32>
    %sub3A_2121 = arith.subf %get3A_2078, %max3A_2120 : vector<16xf32>
    %exp3A_2122 = math.exp %sub3A_2121 : vector<16xf32>
    %sub3A_2123 = arith.subf %get3A_2083, %max3A_2120 : vector<16xf32>
    %exp3A_2124 = math.exp %sub3A_2123 : vector<16xf32>
    %sub3A_2125 = arith.subf %get3A_2088, %max3A_2120 : vector<16xf32>
    %exp3A_2126 = math.exp %sub3A_2125 : vector<16xf32>
    %sub3A_2127 = arith.subf %get3A_2093, %max3A_2120 : vector<16xf32>
    %exp3A_2128 = math.exp %sub3A_2127 : vector<16xf32>
    %sub3A_2129 = arith.subf %get3A_2098, %max3A_2120 : vector<16xf32>
    %exp3A_2130 = math.exp %sub3A_2129 : vector<16xf32>
    %sub3A_2131 = arith.subf %get3A_2103, %max3A_2120 : vector<16xf32>
    %exp3A_2132 = math.exp %sub3A_2131 : vector<16xf32>
    %sub3A_2133 = arith.subf %get3A_2108, %max3A_2120 : vector<16xf32>
    %exp3A_2134 = math.exp %sub3A_2133 : vector<16xf32>
    %sub3A_2135 = arith.subf %get3A_2113, %max3A_2120 : vector<16xf32>
    %exp3A_2136 = math.exp %sub3A_2135 : vector<16xf32>
    %add3A_2137 = arith.addf %exp3A_2122, %exp3A_2124 : vector<16xf32>
    %add3A_2138 = arith.addf %add3A_2137, %exp3A_2126 : vector<16xf32>
    %add3A_2139 = arith.addf %add3A_2138, %exp3A_2128 : vector<16xf32>
    %add3A_2140 = arith.addf %add3A_2139, %exp3A_2130 : vector<16xf32>
    %add3A_2141 = arith.addf %add3A_2140, %exp3A_2132 : vector<16xf32>
    %add3A_2142 = arith.addf %add3A_2141, %exp3A_2134 : vector<16xf32>
    %add3A_2143 = arith.addf %add3A_2142, %exp3A_2136 : vector<16xf32>
    %eq3A_2144 = arith.cmpf oeq, %get3A_2078, %max3A_2120 : vector<16xf32>
    %jit3A_2145 = arith.constant 0 : i32
    %jit3A_2146 = arith.constant 8 : i32
    %broadcast_in_dim3A_2147 = vector.broadcast %jit3A_2145 : i32 to vector<16xi32>
    %broadcast_in_dim3A_2148 = vector.broadcast %jit3A_2146 : i32 to vector<16xi32>
    %select_n3A_2149 = arith.select %eq3A_2144, %broadcast_in_dim3A_2147, %broadcast_in_dim3A_2148 : vector<16xi1>, vector<16xi32>
    %eq3A_2150 = arith.cmpf oeq, %get3A_2083, %max3A_2120 : vector<16xf32>
    %jit3A_2151 = arith.constant 1 : i32
    %jit3A_2152 = arith.constant 8 : i32
    %broadcast_in_dim3A_2153 = vector.broadcast %jit3A_2151 : i32 to vector<16xi32>
    %broadcast_in_dim3A_2154 = vector.broadcast %jit3A_2152 : i32 to vector<16xi32>
    %select_n3A_2155 = arith.select %eq3A_2150, %broadcast_in_dim3A_2153, %broadcast_in_dim3A_2154 : vector<16xi1>, vector<16xi32>
    %min3A_2156 = arith.minsi %select_n3A_2149, %select_n3A_2155 : vector<16xi32>
    %eq3A_2157 = arith.cmpf oeq, %get3A_2088, %max3A_2120 : vector<16xf32>
    %jit3A_2158 = arith.constant 2 : i32
    %jit3A_2159 = arith.constant 8 : i32
    %broadcast_in_dim3A_2160 = vector.broadcast %jit3A_2158 : i32 to vector<16xi32>
    %broadcast_in_dim3A_2161 = vector.broadcast %jit3A_2159 : i32 to vector<16xi32>
    %select_n3A_2162 = arith.select %eq3A_2157, %broadcast_in_dim3A_2160, %broadcast_in_dim3A_2161 : vector<16xi1>, vector<16xi32>
    %min3A_2163 = arith.minsi %min3A_2156, %select_n3A_2162 : vector<16xi32>
    %eq3A_2164 = arith.cmpf oeq, %get3A_2093, %max3A_2120 : vector<16xf32>
    %jit3A_2165 = arith.constant 3 : i32
    %jit3A_2166 = arith.constant 8 : i32
    %broadcast_in_dim3A_2167 = vector.broadcast %jit3A_2165 : i32 to vector<16xi32>
    %broadcast_in_dim3A_2168 = vector.broadcast %jit3A_2166 : i32 to vector<16xi32>
    %select_n3A_2169 = arith.select %eq3A_2164, %broadcast_in_dim3A_2167, %broadcast_in_dim3A_2168 : vector<16xi1>, vector<16xi32>
    %min3A_2170 = arith.minsi %min3A_2163, %select_n3A_2169 : vector<16xi32>
    %eq3A_2171 = arith.cmpf oeq, %get3A_2098, %max3A_2120 : vector<16xf32>
    %jit3A_2172 = arith.constant 4 : i32
    %jit3A_2173 = arith.constant 8 : i32
    %broadcast_in_dim3A_2174 = vector.broadcast %jit3A_2172 : i32 to vector<16xi32>
    %broadcast_in_dim3A_2175 = vector.broadcast %jit3A_2173 : i32 to vector<16xi32>
    %select_n3A_2176 = arith.select %eq3A_2171, %broadcast_in_dim3A_2174, %broadcast_in_dim3A_2175 : vector<16xi1>, vector<16xi32>
    %min3A_2177 = arith.minsi %min3A_2170, %select_n3A_2176 : vector<16xi32>
    %eq3A_2178 = arith.cmpf oeq, %get3A_2103, %max3A_2120 : vector<16xf32>
    %jit3A_2179 = arith.constant 5 : i32
    %jit3A_2180 = arith.constant 8 : i32
    %broadcast_in_dim3A_2181 = vector.broadcast %jit3A_2179 : i32 to vector<16xi32>
    %broadcast_in_dim3A_2182 = vector.broadcast %jit3A_2180 : i32 to vector<16xi32>
    %select_n3A_2183 = arith.select %eq3A_2178, %broadcast_in_dim3A_2181, %broadcast_in_dim3A_2182 : vector<16xi1>, vector<16xi32>
    %min3A_2184 = arith.minsi %min3A_2177, %select_n3A_2183 : vector<16xi32>
    %eq3A_2185 = arith.cmpf oeq, %get3A_2108, %max3A_2120 : vector<16xf32>
    %jit3A_2186 = arith.constant 6 : i32
    %jit3A_2187 = arith.constant 8 : i32
    %broadcast_in_dim3A_2188 = vector.broadcast %jit3A_2186 : i32 to vector<16xi32>
    %broadcast_in_dim3A_2189 = vector.broadcast %jit3A_2187 : i32 to vector<16xi32>
    %select_n3A_2190 = arith.select %eq3A_2185, %broadcast_in_dim3A_2188, %broadcast_in_dim3A_2189 : vector<16xi1>, vector<16xi32>
    %min3A_2191 = arith.minsi %min3A_2184, %select_n3A_2190 : vector<16xi32>
    %eq3A_2192 = arith.cmpf oeq, %get3A_2113, %max3A_2120 : vector<16xf32>
    %jit3A_2193 = arith.constant 7 : i32
    %jit3A_2194 = arith.constant 8 : i32
    %broadcast_in_dim3A_2195 = vector.broadcast %jit3A_2193 : i32 to vector<16xi32>
    %broadcast_in_dim3A_2196 = vector.broadcast %jit3A_2194 : i32 to vector<16xi32>
    %select_n3A_2197 = arith.select %eq3A_2192, %broadcast_in_dim3A_2195, %broadcast_in_dim3A_2196 : vector<16xi1>, vector<16xi32>
    %min3A_2198 = arith.minsi %min3A_2191, %select_n3A_2197 : vector<16xi32>
    %eq3A_2199 = arith.constant 0 : i32
    %eq3A_2200 = vector.broadcast %eq3A_2199 : i32 to vector<16xi32>
    %eq3A_2201 = arith.cmpi eq, %min3A_2198, %eq3A_2200 : vector<16xi32>
    %jit3A_2202 = arith.constant -3.000000e+38 : f32
    %broadcast_in_dim3A_2203 = vector.broadcast %jit3A_2202 : f32 to vector<16xf32>
    %select_n3A_2204 = arith.select %eq3A_2201, %broadcast_in_dim3A_2203, %get3A_2078 : vector<16xi1>, vector<16xf32>
    %eq3A_2205 = arith.constant 1 : i32
    %eq3A_2206 = vector.broadcast %eq3A_2205 : i32 to vector<16xi32>
    %eq3A_2207 = arith.cmpi eq, %min3A_2198, %eq3A_2206 : vector<16xi32>
    %jit3A_2208 = arith.constant -3.000000e+38 : f32
    %broadcast_in_dim3A_2209 = vector.broadcast %jit3A_2208 : f32 to vector<16xf32>
    %select_n3A_2210 = arith.select %eq3A_2207, %broadcast_in_dim3A_2209, %get3A_2083 : vector<16xi1>, vector<16xf32>
    %max3A_2211 = arith.maximumf %select_n3A_2204, %select_n3A_2210 : vector<16xf32>
    %eq3A_2212 = arith.constant 2 : i32
    %eq3A_2213 = vector.broadcast %eq3A_2212 : i32 to vector<16xi32>
    %eq3A_2214 = arith.cmpi eq, %min3A_2198, %eq3A_2213 : vector<16xi32>
    %jit3A_2215 = arith.constant -3.000000e+38 : f32
    %broadcast_in_dim3A_2216 = vector.broadcast %jit3A_2215 : f32 to vector<16xf32>
    %select_n3A_2217 = arith.select %eq3A_2214, %broadcast_in_dim3A_2216, %get3A_2088 : vector<16xi1>, vector<16xf32>
    %max3A_2218 = arith.maximumf %max3A_2211, %select_n3A_2217 : vector<16xf32>
    %eq3A_2219 = arith.constant 3 : i32
    %eq3A_2220 = vector.broadcast %eq3A_2219 : i32 to vector<16xi32>
    %eq3A_2221 = arith.cmpi eq, %min3A_2198, %eq3A_2220 : vector<16xi32>
    %jit3A_2222 = arith.constant -3.000000e+38 : f32
    %broadcast_in_dim3A_2223 = vector.broadcast %jit3A_2222 : f32 to vector<16xf32>
    %select_n3A_2224 = arith.select %eq3A_2221, %broadcast_in_dim3A_2223, %get3A_2093 : vector<16xi1>, vector<16xf32>
    %max3A_2225 = arith.maximumf %max3A_2218, %select_n3A_2224 : vector<16xf32>
    %eq3A_2226 = arith.constant 4 : i32
    %eq3A_2227 = vector.broadcast %eq3A_2226 : i32 to vector<16xi32>
    %eq3A_2228 = arith.cmpi eq, %min3A_2198, %eq3A_2227 : vector<16xi32>
    %jit3A_2229 = arith.constant -3.000000e+38 : f32
    %broadcast_in_dim3A_2230 = vector.broadcast %jit3A_2229 : f32 to vector<16xf32>
    %select_n3A_2231 = arith.select %eq3A_2228, %broadcast_in_dim3A_2230, %get3A_2098 : vector<16xi1>, vector<16xf32>
    %max3A_2232 = arith.maximumf %max3A_2225, %select_n3A_2231 : vector<16xf32>
    %eq3A_2233 = arith.constant 5 : i32
    %eq3A_2234 = vector.broadcast %eq3A_2233 : i32 to vector<16xi32>
    %eq3A_2235 = arith.cmpi eq, %min3A_2198, %eq3A_2234 : vector<16xi32>
    %jit3A_2236 = arith.constant -3.000000e+38 : f32
    %broadcast_in_dim3A_2237 = vector.broadcast %jit3A_2236 : f32 to vector<16xf32>
    %select_n3A_2238 = arith.select %eq3A_2235, %broadcast_in_dim3A_2237, %get3A_2103 : vector<16xi1>, vector<16xf32>
    %max3A_2239 = arith.maximumf %max3A_2232, %select_n3A_2238 : vector<16xf32>
    %eq3A_2240 = arith.constant 6 : i32
    %eq3A_2241 = vector.broadcast %eq3A_2240 : i32 to vector<16xi32>
    %eq3A_2242 = arith.cmpi eq, %min3A_2198, %eq3A_2241 : vector<16xi32>
    %jit3A_2243 = arith.constant -3.000000e+38 : f32
    %broadcast_in_dim3A_2244 = vector.broadcast %jit3A_2243 : f32 to vector<16xf32>
    %select_n3A_2245 = arith.select %eq3A_2242, %broadcast_in_dim3A_2244, %get3A_2108 : vector<16xi1>, vector<16xf32>
    %max3A_2246 = arith.maximumf %max3A_2239, %select_n3A_2245 : vector<16xf32>
    %eq3A_2247 = arith.constant 7 : i32
    %eq3A_2248 = vector.broadcast %eq3A_2247 : i32 to vector<16xi32>
    %eq3A_2249 = arith.cmpi eq, %min3A_2198, %eq3A_2248 : vector<16xi32>
    %jit3A_2250 = arith.constant -3.000000e+38 : f32
    %broadcast_in_dim3A_2251 = vector.broadcast %jit3A_2250 : f32 to vector<16xf32>
    %select_n3A_2252 = arith.select %eq3A_2249, %broadcast_in_dim3A_2251, %get3A_2113 : vector<16xi1>, vector<16xf32>
    %max3A_2253 = arith.maximumf %max3A_2246, %select_n3A_2252 : vector<16xf32>
    %eq3A_2254 = arith.cmpf oeq, %get3A_2078, %max3A_2253 : vector<16xf32>
    %ne3A_2255 = arith.constant 0 : i32
    %ne3A_2256 = vector.broadcast %ne3A_2255 : i32 to vector<16xi32>
    %ne3A_2257 = arith.cmpi ne, %min3A_2198, %ne3A_2256 : vector<16xi32>
    %and3A_2258 = arith.andi %eq3A_2254, %ne3A_2257 : vector<16xi1>
    %jit3A_2259 = arith.constant 0 : i32
    %jit3A_2260 = arith.constant 8 : i32
    %broadcast_in_dim3A_2261 = vector.broadcast %jit3A_2259 : i32 to vector<16xi32>
    %broadcast_in_dim3A_2262 = vector.broadcast %jit3A_2260 : i32 to vector<16xi32>
    %select_n3A_2263 = arith.select %and3A_2258, %broadcast_in_dim3A_2261, %broadcast_in_dim3A_2262 : vector<16xi1>, vector<16xi32>
    %eq3A_2264 = arith.cmpf oeq, %get3A_2083, %max3A_2253 : vector<16xf32>
    %ne3A_2265 = arith.constant 1 : i32
    %ne3A_2266 = vector.broadcast %ne3A_2265 : i32 to vector<16xi32>
    %ne3A_2267 = arith.cmpi ne, %min3A_2198, %ne3A_2266 : vector<16xi32>
    %and3A_2268 = arith.andi %eq3A_2264, %ne3A_2267 : vector<16xi1>
    %jit3A_2269 = arith.constant 1 : i32
    %jit3A_2270 = arith.constant 8 : i32
    %broadcast_in_dim3A_2271 = vector.broadcast %jit3A_2269 : i32 to vector<16xi32>
    %broadcast_in_dim3A_2272 = vector.broadcast %jit3A_2270 : i32 to vector<16xi32>
    %select_n3A_2273 = arith.select %and3A_2268, %broadcast_in_dim3A_2271, %broadcast_in_dim3A_2272 : vector<16xi1>, vector<16xi32>
    %min3A_2274 = arith.minsi %select_n3A_2263, %select_n3A_2273 : vector<16xi32>
    %eq3A_2275 = arith.cmpf oeq, %get3A_2088, %max3A_2253 : vector<16xf32>
    %ne3A_2276 = arith.constant 2 : i32
    %ne3A_2277 = vector.broadcast %ne3A_2276 : i32 to vector<16xi32>
    %ne3A_2278 = arith.cmpi ne, %min3A_2198, %ne3A_2277 : vector<16xi32>
    %and3A_2279 = arith.andi %eq3A_2275, %ne3A_2278 : vector<16xi1>
    %jit3A_2280 = arith.constant 2 : i32
    %jit3A_2281 = arith.constant 8 : i32
    %broadcast_in_dim3A_2282 = vector.broadcast %jit3A_2280 : i32 to vector<16xi32>
    %broadcast_in_dim3A_2283 = vector.broadcast %jit3A_2281 : i32 to vector<16xi32>
    %select_n3A_2284 = arith.select %and3A_2279, %broadcast_in_dim3A_2282, %broadcast_in_dim3A_2283 : vector<16xi1>, vector<16xi32>
    %min3A_2285 = arith.minsi %min3A_2274, %select_n3A_2284 : vector<16xi32>
    %eq3A_2286 = arith.cmpf oeq, %get3A_2093, %max3A_2253 : vector<16xf32>
    %ne3A_2287 = arith.constant 3 : i32
    %ne3A_2288 = vector.broadcast %ne3A_2287 : i32 to vector<16xi32>
    %ne3A_2289 = arith.cmpi ne, %min3A_2198, %ne3A_2288 : vector<16xi32>
    %and3A_2290 = arith.andi %eq3A_2286, %ne3A_2289 : vector<16xi1>
    %jit3A_2291 = arith.constant 3 : i32
    %jit3A_2292 = arith.constant 8 : i32
    %broadcast_in_dim3A_2293 = vector.broadcast %jit3A_2291 : i32 to vector<16xi32>
    %broadcast_in_dim3A_2294 = vector.broadcast %jit3A_2292 : i32 to vector<16xi32>
    %select_n3A_2295 = arith.select %and3A_2290, %broadcast_in_dim3A_2293, %broadcast_in_dim3A_2294 : vector<16xi1>, vector<16xi32>
    %min3A_2296 = arith.minsi %min3A_2285, %select_n3A_2295 : vector<16xi32>
    %eq3A_2297 = arith.cmpf oeq, %get3A_2098, %max3A_2253 : vector<16xf32>
    %ne3A_2298 = arith.constant 4 : i32
    %ne3A_2299 = vector.broadcast %ne3A_2298 : i32 to vector<16xi32>
    %ne3A_2300 = arith.cmpi ne, %min3A_2198, %ne3A_2299 : vector<16xi32>
    %and3A_2301 = arith.andi %eq3A_2297, %ne3A_2300 : vector<16xi1>
    %jit3A_2302 = arith.constant 4 : i32
    %jit3A_2303 = arith.constant 8 : i32
    %broadcast_in_dim3A_2304 = vector.broadcast %jit3A_2302 : i32 to vector<16xi32>
    %broadcast_in_dim3A_2305 = vector.broadcast %jit3A_2303 : i32 to vector<16xi32>
    %select_n3A_2306 = arith.select %and3A_2301, %broadcast_in_dim3A_2304, %broadcast_in_dim3A_2305 : vector<16xi1>, vector<16xi32>
    %min3A_2307 = arith.minsi %min3A_2296, %select_n3A_2306 : vector<16xi32>
    %eq3A_2308 = arith.cmpf oeq, %get3A_2103, %max3A_2253 : vector<16xf32>
    %ne3A_2309 = arith.constant 5 : i32
    %ne3A_2310 = vector.broadcast %ne3A_2309 : i32 to vector<16xi32>
    %ne3A_2311 = arith.cmpi ne, %min3A_2198, %ne3A_2310 : vector<16xi32>
    %and3A_2312 = arith.andi %eq3A_2308, %ne3A_2311 : vector<16xi1>
    %jit3A_2313 = arith.constant 5 : i32
    %jit3A_2314 = arith.constant 8 : i32
    %broadcast_in_dim3A_2315 = vector.broadcast %jit3A_2313 : i32 to vector<16xi32>
    %broadcast_in_dim3A_2316 = vector.broadcast %jit3A_2314 : i32 to vector<16xi32>
    %select_n3A_2317 = arith.select %and3A_2312, %broadcast_in_dim3A_2315, %broadcast_in_dim3A_2316 : vector<16xi1>, vector<16xi32>
    %min3A_2318 = arith.minsi %min3A_2307, %select_n3A_2317 : vector<16xi32>
    %eq3A_2319 = arith.cmpf oeq, %get3A_2108, %max3A_2253 : vector<16xf32>
    %ne3A_2320 = arith.constant 6 : i32
    %ne3A_2321 = vector.broadcast %ne3A_2320 : i32 to vector<16xi32>
    %ne3A_2322 = arith.cmpi ne, %min3A_2198, %ne3A_2321 : vector<16xi32>
    %and3A_2323 = arith.andi %eq3A_2319, %ne3A_2322 : vector<16xi1>
    %jit3A_2324 = arith.constant 6 : i32
    %jit3A_2325 = arith.constant 8 : i32
    %broadcast_in_dim3A_2326 = vector.broadcast %jit3A_2324 : i32 to vector<16xi32>
    %broadcast_in_dim3A_2327 = vector.broadcast %jit3A_2325 : i32 to vector<16xi32>
    %select_n3A_2328 = arith.select %and3A_2323, %broadcast_in_dim3A_2326, %broadcast_in_dim3A_2327 : vector<16xi1>, vector<16xi32>
    %min3A_2329 = arith.minsi %min3A_2318, %select_n3A_2328 : vector<16xi32>
    %eq3A_2330 = arith.cmpf oeq, %get3A_2113, %max3A_2253 : vector<16xf32>
    %ne3A_2331 = arith.constant 7 : i32
    %ne3A_2332 = vector.broadcast %ne3A_2331 : i32 to vector<16xi32>
    %ne3A_2333 = arith.cmpi ne, %min3A_2198, %ne3A_2332 : vector<16xi32>
    %and3A_2334 = arith.andi %eq3A_2330, %ne3A_2333 : vector<16xi1>
    %jit3A_2335 = arith.constant 7 : i32
    %jit3A_2336 = arith.constant 8 : i32
    %broadcast_in_dim3A_2337 = vector.broadcast %jit3A_2335 : i32 to vector<16xi32>
    %broadcast_in_dim3A_2338 = vector.broadcast %jit3A_2336 : i32 to vector<16xi32>
    %select_n3A_2339 = arith.select %and3A_2334, %broadcast_in_dim3A_2337, %broadcast_in_dim3A_2338 : vector<16xi1>, vector<16xi32>
    %min3A_2340 = arith.minsi %min3A_2329, %select_n3A_2339 : vector<16xi32>
    %eq3A_2341 = arith.constant 0 : i32
    %eq3A_2342 = vector.broadcast %eq3A_2341 : i32 to vector<16xi32>
    %eq3A_2343 = arith.cmpi eq, %min3A_2198, %eq3A_2342 : vector<16xi32>
    %eq3A_2344 = arith.constant 0 : i32
    %eq3A_2345 = vector.broadcast %eq3A_2344 : i32 to vector<16xi32>
    %eq3A_2346 = arith.cmpi eq, %min3A_2340, %eq3A_2345 : vector<16xi32>
    %or3A_2347 = arith.ori %eq3A_2343, %eq3A_2346 : vector<16xi1>
    %jit3A_2348 = arith.constant 0.000000e+00 : f32
    %broadcast_in_dim3A_2349 = vector.broadcast %jit3A_2348 : f32 to vector<16xf32>
    %select_n3A_2350 = arith.select %or3A_2347, %exp3A_2122, %broadcast_in_dim3A_2349 : vector<16xi1>, vector<16xf32>
    %eq3A_2351 = arith.constant 1 : i32
    %eq3A_2352 = vector.broadcast %eq3A_2351 : i32 to vector<16xi32>
    %eq3A_2353 = arith.cmpi eq, %min3A_2198, %eq3A_2352 : vector<16xi32>
    %eq3A_2354 = arith.constant 1 : i32
    %eq3A_2355 = vector.broadcast %eq3A_2354 : i32 to vector<16xi32>
    %eq3A_2356 = arith.cmpi eq, %min3A_2340, %eq3A_2355 : vector<16xi32>
    %or3A_2357 = arith.ori %eq3A_2353, %eq3A_2356 : vector<16xi1>
    %jit3A_2358 = arith.constant 0.000000e+00 : f32
    %broadcast_in_dim3A_2359 = vector.broadcast %jit3A_2358 : f32 to vector<16xf32>
    %select_n3A_2360 = arith.select %or3A_2357, %exp3A_2124, %broadcast_in_dim3A_2359 : vector<16xi1>, vector<16xf32>
    %add3A_2361 = arith.addf %select_n3A_2350, %select_n3A_2360 : vector<16xf32>
    %eq3A_2362 = arith.constant 2 : i32
    %eq3A_2363 = vector.broadcast %eq3A_2362 : i32 to vector<16xi32>
    %eq3A_2364 = arith.cmpi eq, %min3A_2198, %eq3A_2363 : vector<16xi32>
    %eq3A_2365 = arith.constant 2 : i32
    %eq3A_2366 = vector.broadcast %eq3A_2365 : i32 to vector<16xi32>
    %eq3A_2367 = arith.cmpi eq, %min3A_2340, %eq3A_2366 : vector<16xi32>
    %or3A_2368 = arith.ori %eq3A_2364, %eq3A_2367 : vector<16xi1>
    %jit3A_2369 = arith.constant 0.000000e+00 : f32
    %broadcast_in_dim3A_2370 = vector.broadcast %jit3A_2369 : f32 to vector<16xf32>
    %select_n3A_2371 = arith.select %or3A_2368, %exp3A_2126, %broadcast_in_dim3A_2370 : vector<16xi1>, vector<16xf32>
    %add3A_2372 = arith.addf %add3A_2361, %select_n3A_2371 : vector<16xf32>
    %eq3A_2373 = arith.constant 3 : i32
    %eq3A_2374 = vector.broadcast %eq3A_2373 : i32 to vector<16xi32>
    %eq3A_2375 = arith.cmpi eq, %min3A_2198, %eq3A_2374 : vector<16xi32>
    %eq3A_2376 = arith.constant 3 : i32
    %eq3A_2377 = vector.broadcast %eq3A_2376 : i32 to vector<16xi32>
    %eq3A_2378 = arith.cmpi eq, %min3A_2340, %eq3A_2377 : vector<16xi32>
    %or3A_2379 = arith.ori %eq3A_2375, %eq3A_2378 : vector<16xi1>
    %jit3A_2380 = arith.constant 0.000000e+00 : f32
    %broadcast_in_dim3A_2381 = vector.broadcast %jit3A_2380 : f32 to vector<16xf32>
    %select_n3A_2382 = arith.select %or3A_2379, %exp3A_2128, %broadcast_in_dim3A_2381 : vector<16xi1>, vector<16xf32>
    %add3A_2383 = arith.addf %add3A_2372, %select_n3A_2382 : vector<16xf32>
    %eq3A_2384 = arith.constant 4 : i32
    %eq3A_2385 = vector.broadcast %eq3A_2384 : i32 to vector<16xi32>
    %eq3A_2386 = arith.cmpi eq, %min3A_2198, %eq3A_2385 : vector<16xi32>
    %eq3A_2387 = arith.constant 4 : i32
    %eq3A_2388 = vector.broadcast %eq3A_2387 : i32 to vector<16xi32>
    %eq3A_2389 = arith.cmpi eq, %min3A_2340, %eq3A_2388 : vector<16xi32>
    %or3A_2390 = arith.ori %eq3A_2386, %eq3A_2389 : vector<16xi1>
    %jit3A_2391 = arith.constant 0.000000e+00 : f32
    %broadcast_in_dim3A_2392 = vector.broadcast %jit3A_2391 : f32 to vector<16xf32>
    %select_n3A_2393 = arith.select %or3A_2390, %exp3A_2130, %broadcast_in_dim3A_2392 : vector<16xi1>, vector<16xf32>
    %add3A_2394 = arith.addf %add3A_2383, %select_n3A_2393 : vector<16xf32>
    %eq3A_2395 = arith.constant 5 : i32
    %eq3A_2396 = vector.broadcast %eq3A_2395 : i32 to vector<16xi32>
    %eq3A_2397 = arith.cmpi eq, %min3A_2198, %eq3A_2396 : vector<16xi32>
    %eq3A_2398 = arith.constant 5 : i32
    %eq3A_2399 = vector.broadcast %eq3A_2398 : i32 to vector<16xi32>
    %eq3A_2400 = arith.cmpi eq, %min3A_2340, %eq3A_2399 : vector<16xi32>
    %or3A_2401 = arith.ori %eq3A_2397, %eq3A_2400 : vector<16xi1>
    %jit3A_2402 = arith.constant 0.000000e+00 : f32
    %broadcast_in_dim3A_2403 = vector.broadcast %jit3A_2402 : f32 to vector<16xf32>
    %select_n3A_2404 = arith.select %or3A_2401, %exp3A_2132, %broadcast_in_dim3A_2403 : vector<16xi1>, vector<16xf32>
    %add3A_2405 = arith.addf %add3A_2394, %select_n3A_2404 : vector<16xf32>
    %eq3A_2406 = arith.constant 6 : i32
    %eq3A_2407 = vector.broadcast %eq3A_2406 : i32 to vector<16xi32>
    %eq3A_2408 = arith.cmpi eq, %min3A_2198, %eq3A_2407 : vector<16xi32>
    %eq3A_2409 = arith.constant 6 : i32
    %eq3A_2410 = vector.broadcast %eq3A_2409 : i32 to vector<16xi32>
    %eq3A_2411 = arith.cmpi eq, %min3A_2340, %eq3A_2410 : vector<16xi32>
    %or3A_2412 = arith.ori %eq3A_2408, %eq3A_2411 : vector<16xi1>
    %jit3A_2413 = arith.constant 0.000000e+00 : f32
    %broadcast_in_dim3A_2414 = vector.broadcast %jit3A_2413 : f32 to vector<16xf32>
    %select_n3A_2415 = arith.select %or3A_2412, %exp3A_2134, %broadcast_in_dim3A_2414 : vector<16xi1>, vector<16xf32>
    %add3A_2416 = arith.addf %add3A_2405, %select_n3A_2415 : vector<16xf32>
    %eq3A_2417 = arith.constant 7 : i32
    %eq3A_2418 = vector.broadcast %eq3A_2417 : i32 to vector<16xi32>
    %eq3A_2419 = arith.cmpi eq, %min3A_2198, %eq3A_2418 : vector<16xi32>
    %eq3A_2420 = arith.constant 7 : i32
    %eq3A_2421 = vector.broadcast %eq3A_2420 : i32 to vector<16xi32>
    %eq3A_2422 = arith.cmpi eq, %min3A_2340, %eq3A_2421 : vector<16xi32>
    %or3A_2423 = arith.ori %eq3A_2419, %eq3A_2422 : vector<16xi1>
    %jit3A_2424 = arith.constant 0.000000e+00 : f32
    %broadcast_in_dim3A_2425 = vector.broadcast %jit3A_2424 : f32 to vector<16xf32>
    %select_n3A_2426 = arith.select %or3A_2423, %exp3A_2136, %broadcast_in_dim3A_2425 : vector<16xi1>, vector<16xf32>
    %add3A_2427 = arith.addf %add3A_2416, %select_n3A_2426 : vector<16xf32>
    %mul3A_2428 = arith.constant 9.99999997E-7 : f32
    %mul3A_2429 = vector.broadcast %mul3A_2428 : f32 to vector<16xf32>
    %mul3A_2430 = arith.mulf %mul3A_2429, %add3A_2143 : vector<16xf32>
    %add3A_2431 = arith.addf %add3A_2427, %mul3A_2430 : vector<16xf32>
    %div3A_2432 = arith.constant 1.000000e+00 : f32
    %div3A_2433 = vector.broadcast %div3A_2432 : f32 to vector<16xf32>
    %div3A_2434 = arith.divf %div3A_2433, %add3A_2431 : vector<16xf32>
    %mul3A_2435 = arith.mulf %select_n3A_2350, %div3A_2434 : vector<16xf32>
    %swap3A_2436 = arith.constant 0 : i32
    %swap3A_2437 = arith.index_cast %swap3A_2436 : i32 to index
    %swap3A_2438 = arith.constant 80 : index
    %swap3A_2439 = tpu.vector_load %arg5[%swap3A_2437, %swap3A_2438] {strides = array<i32>} : memref<8x128xf32, #tpu.memory_space<vmem>>, vector<1x16xf32>,
    %swap3A_2440 = vector.shape_cast %swap3A_2439 : vector<1x16xf32> to vector<16xf32>
    %swap3A_2441 = vector.shape_cast %mul3A_2435 : vector<16xf32> to vector<1x16xf32>
    tpu.vector_store %arg5[%swap3A_2437, %swap3A_2438], %swap3A_2441 {strides = array<i32>} : memref<8x128xf32, #tpu.memory_space<vmem>>, vector<1x16xf32>,
    %mul3A_2442 = arith.mulf %select_n3A_2360, %div3A_2434 : vector<16xf32>
    %swap3A_2443 = arith.constant 1 : i32
    %swap3A_2444 = arith.index_cast %swap3A_2443 : i32 to index
    %swap3A_2445 = arith.constant 80 : index
    %swap3A_2446 = tpu.vector_load %arg5[%swap3A_2444, %swap3A_2445] {strides = array<i32>} : memref<8x128xf32, #tpu.memory_space<vmem>>, vector<1x16xf32>,
    %swap3A_2447 = vector.shape_cast %swap3A_2446 : vector<1x16xf32> to vector<16xf32>
    %swap3A_2448 = vector.shape_cast %mul3A_2442 : vector<16xf32> to vector<1x16xf32>
    tpu.vector_store %arg5[%swap3A_2444, %swap3A_2445], %swap3A_2448 {strides = array<i32>} : memref<8x128xf32, #tpu.memory_space<vmem>>, vector<1x16xf32>,
    %mul3A_2449 = arith.mulf %select_n3A_2371, %div3A_2434 : vector<16xf32>
    %swap3A_2450 = arith.constant 2 : i32
    %swap3A_2451 = arith.index_cast %swap3A_2450 : i32 to index
    %swap3A_2452 = arith.constant 80 : index
    %swap3A_2453 = tpu.vector_load %arg5[%swap3A_2451, %swap3A_2452] {strides = array<i32>} : memref<8x128xf32, #tpu.memory_space<vmem>>, vector<1x16xf32>,
    %swap3A_2454 = vector.shape_cast %swap3A_2453 : vector<1x16xf32> to vector<16xf32>
    %swap3A_2455 = vector.shape_cast %mul3A_2449 : vector<16xf32> to vector<1x16xf32>
    tpu.vector_store %arg5[%swap3A_2451, %swap3A_2452], %swap3A_2455 {strides = array<i32>} : memref<8x128xf32, #tpu.memory_space<vmem>>, vector<1x16xf32>,
    %mul3A_2456 = arith.mulf %select_n3A_2382, %div3A_2434 : vector<16xf32>
    %swap3A_2457 = arith.constant 3 : i32
    %swap3A_2458 = arith.index_cast %swap3A_2457 : i32 to index
    %swap3A_2459 = arith.constant 80 : index
    %swap3A_2460 = tpu.vector_load %arg5[%swap3A_2458, %swap3A_2459] {strides = array<i32>} : memref<8x128xf32, #tpu.memory_space<vmem>>, vector<1x16xf32>,
    %swap3A_2461 = vector.shape_cast %swap3A_2460 : vector<1x16xf32> to vector<16xf32>
    %swap3A_2462 = vector.shape_cast %mul3A_2456 : vector<16xf32> to vector<1x16xf32>
    tpu.vector_store %arg5[%swap3A_2458, %swap3A_2459], %swap3A_2462 {strides = array<i32>} : memref<8x128xf32, #tpu.memory_space<vmem>>, vector<1x16xf32>,
    %mul3A_2463 = arith.mulf %select_n3A_2393, %div3A_2434 : vector<16xf32>
    %swap3A_2464 = arith.constant 4 : i32
    %swap3A_2465 = arith.index_cast %swap3A_2464 : i32 to index
    %swap3A_2466 = arith.constant 80 : index
    %swap3A_2467 = tpu.vector_load %arg5[%swap3A_2465, %swap3A_2466] {strides = array<i32>} : memref<8x128xf32, #tpu.memory_space<vmem>>, vector<1x16xf32>,
    %swap3A_2468 = vector.shape_cast %swap3A_2467 : vector<1x16xf32> to vector<16xf32>
    %swap3A_2469 = vector.shape_cast %mul3A_2463 : vector<16xf32> to vector<1x16xf32>
    tpu.vector_store %arg5[%swap3A_2465, %swap3A_2466], %swap3A_2469 {strides = array<i32>} : memref<8x128xf32, #tpu.memory_space<vmem>>, vector<1x16xf32>,
    %mul3A_2470 = arith.mulf %select_n3A_2404, %div3A_2434 : vector<16xf32>
    %swap3A_2471 = arith.constant 5 : i32
    %swap3A_2472 = arith.index_cast %swap3A_2471 : i32 to index
    %swap3A_2473 = arith.constant 80 : index
    %swap3A_2474 = tpu.vector_load %arg5[%swap3A_2472, %swap3A_2473] {strides = array<i32>} : memref<8x128xf32, #tpu.memory_space<vmem>>, vector<1x16xf32>,
    %swap3A_2475 = vector.shape_cast %swap3A_2474 : vector<1x16xf32> to vector<16xf32>
    %swap3A_2476 = vector.shape_cast %mul3A_2470 : vector<16xf32> to vector<1x16xf32>
    tpu.vector_store %arg5[%swap3A_2472, %swap3A_2473], %swap3A_2476 {strides = array<i32>} : memref<8x128xf32, #tpu.memory_space<vmem>>, vector<1x16xf32>,
    %mul3A_2477 = arith.mulf %select_n3A_2415, %div3A_2434 : vector<16xf32>
    %swap3A_2478 = arith.constant 6 : i32
    %swap3A_2479 = arith.index_cast %swap3A_2478 : i32 to index
    %swap3A_2480 = arith.constant 80 : index
    %swap3A_2481 = tpu.vector_load %arg5[%swap3A_2479, %swap3A_2480] {strides = array<i32>} : memref<8x128xf32, #tpu.memory_space<vmem>>, vector<1x16xf32>,
    %swap3A_2482 = vector.shape_cast %swap3A_2481 : vector<1x16xf32> to vector<16xf32>
    %swap3A_2483 = vector.shape_cast %mul3A_2477 : vector<16xf32> to vector<1x16xf32>
    tpu.vector_store %arg5[%swap3A_2479, %swap3A_2480], %swap3A_2483 {strides = array<i32>} : memref<8x128xf32, #tpu.memory_space<vmem>>, vector<1x16xf32>,
    %mul3A_2484 = arith.mulf %select_n3A_2426, %div3A_2434 : vector<16xf32>
    %swap3A_2485 = arith.constant 7 : i32
    %swap3A_2486 = arith.index_cast %swap3A_2485 : i32 to index
    %swap3A_2487 = arith.constant 80 : index
    %swap3A_2488 = tpu.vector_load %arg5[%swap3A_2486, %swap3A_2487] {strides = array<i32>} : memref<8x128xf32, #tpu.memory_space<vmem>>, vector<1x16xf32>,
    %swap3A_2489 = vector.shape_cast %swap3A_2488 : vector<1x16xf32> to vector<16xf32>
    %swap3A_2490 = vector.shape_cast %mul3A_2484 : vector<16xf32> to vector<1x16xf32>
    tpu.vector_store %arg5[%swap3A_2486, %swap3A_2487], %swap3A_2490 {strides = array<i32>} : memref<8x128xf32, #tpu.memory_space<vmem>>, vector<1x16xf32>,
    %get3A_2491 = arith.constant 0 : i32
    %get3A_2492 = arith.index_cast %get3A_2491 : i32 to index
    %get3A_2493 = arith.constant 96 : index
    %get3A_2494 = tpu.vector_load %arg4[%get3A_2492, %get3A_2493] {strides = array<i32>} : memref<8x128xf32, #tpu.memory_space<vmem>>, vector<1x16xf32>,
    %get3A_2495 = vector.shape_cast %get3A_2494 : vector<1x16xf32> to vector<16xf32>
    %get3A_2496 = arith.constant 1 : i32
    %get3A_2497 = arith.index_cast %get3A_2496 : i32 to index
    %get3A_2498 = arith.constant 96 : index
    %get3A_2499 = tpu.vector_load %arg4[%get3A_2497, %get3A_2498] {strides = array<i32>} : memref<8x128xf32, #tpu.memory_space<vmem>>, vector<1x16xf32>,
    %get3A_2500 = vector.shape_cast %get3A_2499 : vector<1x16xf32> to vector<16xf32>
    %get3A_2501 = arith.constant 2 : i32
    %get3A_2502 = arith.index_cast %get3A_2501 : i32 to index
    %get3A_2503 = arith.constant 96 : index
    %get3A_2504 = tpu.vector_load %arg4[%get3A_2502, %get3A_2503] {strides = array<i32>} : memref<8x128xf32, #tpu.memory_space<vmem>>, vector<1x16xf32>,
    %get3A_2505 = vector.shape_cast %get3A_2504 : vector<1x16xf32> to vector<16xf32>
    %get3A_2506 = arith.constant 3 : i32
    %get3A_2507 = arith.index_cast %get3A_2506 : i32 to index
    %get3A_2508 = arith.constant 96 : index
    %get3A_2509 = tpu.vector_load %arg4[%get3A_2507, %get3A_2508] {strides = array<i32>} : memref<8x128xf32, #tpu.memory_space<vmem>>, vector<1x16xf32>,
    %get3A_2510 = vector.shape_cast %get3A_2509 : vector<1x16xf32> to vector<16xf32>
    %get3A_2511 = arith.constant 4 : i32
    %get3A_2512 = arith.index_cast %get3A_2511 : i32 to index
    %get3A_2513 = arith.constant 96 : index
    %get3A_2514 = tpu.vector_load %arg4[%get3A_2512, %get3A_2513] {strides = array<i32>} : memref<8x128xf32, #tpu.memory_space<vmem>>, vector<1x16xf32>,
    %get3A_2515 = vector.shape_cast %get3A_2514 : vector<1x16xf32> to vector<16xf32>
    %get3A_2516 = arith.constant 5 : i32
    %get3A_2517 = arith.index_cast %get3A_2516 : i32 to index
    %get3A_2518 = arith.constant 96 : index
    %get3A_2519 = tpu.vector_load %arg4[%get3A_2517, %get3A_2518] {strides = array<i32>} : memref<8x128xf32, #tpu.memory_space<vmem>>, vector<1x16xf32>,
    %get3A_2520 = vector.shape_cast %get3A_2519 : vector<1x16xf32> to vector<16xf32>
    %get3A_2521 = arith.constant 6 : i32
    %get3A_2522 = arith.index_cast %get3A_2521 : i32 to index
    %get3A_2523 = arith.constant 96 : index
    %get3A_2524 = tpu.vector_load %arg4[%get3A_2522, %get3A_2523] {strides = array<i32>} : memref<8x128xf32, #tpu.memory_space<vmem>>, vector<1x16xf32>,
    %get3A_2525 = vector.shape_cast %get3A_2524 : vector<1x16xf32> to vector<16xf32>
    %get3A_2526 = arith.constant 7 : i32
    %get3A_2527 = arith.index_cast %get3A_2526 : i32 to index
    %get3A_2528 = arith.constant 96 : index
    %get3A_2529 = tpu.vector_load %arg4[%get3A_2527, %get3A_2528] {strides = array<i32>} : memref<8x128xf32, #tpu.memory_space<vmem>>, vector<1x16xf32>,
    %get3A_2530 = vector.shape_cast %get3A_2529 : vector<1x16xf32> to vector<16xf32>
    %max3A_2531 = arith.maximumf %get3A_2495, %get3A_2500 : vector<16xf32>
    %max3A_2532 = arith.maximumf %max3A_2531, %get3A_2505 : vector<16xf32>
    %max3A_2533 = arith.maximumf %max3A_2532, %get3A_2510 : vector<16xf32>
    %max3A_2534 = arith.maximumf %max3A_2533, %get3A_2515 : vector<16xf32>
    %max3A_2535 = arith.maximumf %max3A_2534, %get3A_2520 : vector<16xf32>
    %max3A_2536 = arith.maximumf %max3A_2535, %get3A_2525 : vector<16xf32>
    %max3A_2537 = arith.maximumf %max3A_2536, %get3A_2530 : vector<16xf32>
    %sub3A_2538 = arith.subf %get3A_2495, %max3A_2537 : vector<16xf32>
    %exp3A_2539 = math.exp %sub3A_2538 : vector<16xf32>
    %sub3A_2540 = arith.subf %get3A_2500, %max3A_2537 : vector<16xf32>
    %exp3A_2541 = math.exp %sub3A_2540 : vector<16xf32>
    %sub3A_2542 = arith.subf %get3A_2505, %max3A_2537 : vector<16xf32>
    %exp3A_2543 = math.exp %sub3A_2542 : vector<16xf32>
    %sub3A_2544 = arith.subf %get3A_2510, %max3A_2537 : vector<16xf32>
    %exp3A_2545 = math.exp %sub3A_2544 : vector<16xf32>
    %sub3A_2546 = arith.subf %get3A_2515, %max3A_2537 : vector<16xf32>
    %exp3A_2547 = math.exp %sub3A_2546 : vector<16xf32>
    %sub3A_2548 = arith.subf %get3A_2520, %max3A_2537 : vector<16xf32>
    %exp3A_2549 = math.exp %sub3A_2548 : vector<16xf32>
    %sub3A_2550 = arith.subf %get3A_2525, %max3A_2537 : vector<16xf32>
    %exp3A_2551 = math.exp %sub3A_2550 : vector<16xf32>
    %sub3A_2552 = arith.subf %get3A_2530, %max3A_2537 : vector<16xf32>
    %exp3A_2553 = math.exp %sub3A_2552 : vector<16xf32>
    %add3A_2554 = arith.addf %exp3A_2539, %exp3A_2541 : vector<16xf32>
    %add3A_2555 = arith.addf %add3A_2554, %exp3A_2543 : vector<16xf32>
    %add3A_2556 = arith.addf %add3A_2555, %exp3A_2545 : vector<16xf32>
    %add3A_2557 = arith.addf %add3A_2556, %exp3A_2547 : vector<16xf32>
    %add3A_2558 = arith.addf %add3A_2557, %exp3A_2549 : vector<16xf32>
    %add3A_2559 = arith.addf %add3A_2558, %exp3A_2551 : vector<16xf32>
    %add3A_2560 = arith.addf %add3A_2559, %exp3A_2553 : vector<16xf32>
    %eq3A_2561 = arith.cmpf oeq, %get3A_2495, %max3A_2537 : vector<16xf32>
    %jit3A_2562 = arith.constant 0 : i32
    %jit3A_2563 = arith.constant 8 : i32
    %broadcast_in_dim3A_2564 = vector.broadcast %jit3A_2562 : i32 to vector<16xi32>
    %broadcast_in_dim3A_2565 = vector.broadcast %jit3A_2563 : i32 to vector<16xi32>
    %select_n3A_2566 = arith.select %eq3A_2561, %broadcast_in_dim3A_2564, %broadcast_in_dim3A_2565 : vector<16xi1>, vector<16xi32>
    %eq3A_2567 = arith.cmpf oeq, %get3A_2500, %max3A_2537 : vector<16xf32>
    %jit3A_2568 = arith.constant 1 : i32
    %jit3A_2569 = arith.constant 8 : i32
    %broadcast_in_dim3A_2570 = vector.broadcast %jit3A_2568 : i32 to vector<16xi32>
    %broadcast_in_dim3A_2571 = vector.broadcast %jit3A_2569 : i32 to vector<16xi32>
    %select_n3A_2572 = arith.select %eq3A_2567, %broadcast_in_dim3A_2570, %broadcast_in_dim3A_2571 : vector<16xi1>, vector<16xi32>
    %min3A_2573 = arith.minsi %select_n3A_2566, %select_n3A_2572 : vector<16xi32>
    %eq3A_2574 = arith.cmpf oeq, %get3A_2505, %max3A_2537 : vector<16xf32>
    %jit3A_2575 = arith.constant 2 : i32
    %jit3A_2576 = arith.constant 8 : i32
    %broadcast_in_dim3A_2577 = vector.broadcast %jit3A_2575 : i32 to vector<16xi32>
    %broadcast_in_dim3A_2578 = vector.broadcast %jit3A_2576 : i32 to vector<16xi32>
    %select_n3A_2579 = arith.select %eq3A_2574, %broadcast_in_dim3A_2577, %broadcast_in_dim3A_2578 : vector<16xi1>, vector<16xi32>
    %min3A_2580 = arith.minsi %min3A_2573, %select_n3A_2579 : vector<16xi32>
    %eq3A_2581 = arith.cmpf oeq, %get3A_2510, %max3A_2537 : vector<16xf32>
    %jit3A_2582 = arith.constant 3 : i32
    %jit3A_2583 = arith.constant 8 : i32
    %broadcast_in_dim3A_2584 = vector.broadcast %jit3A_2582 : i32 to vector<16xi32>
    %broadcast_in_dim3A_2585 = vector.broadcast %jit3A_2583 : i32 to vector<16xi32>
    %select_n3A_2586 = arith.select %eq3A_2581, %broadcast_in_dim3A_2584, %broadcast_in_dim3A_2585 : vector<16xi1>, vector<16xi32>
    %min3A_2587 = arith.minsi %min3A_2580, %select_n3A_2586 : vector<16xi32>
    %eq3A_2588 = arith.cmpf oeq, %get3A_2515, %max3A_2537 : vector<16xf32>
    %jit3A_2589 = arith.constant 4 : i32
    %jit3A_2590 = arith.constant 8 : i32
    %broadcast_in_dim3A_2591 = vector.broadcast %jit3A_2589 : i32 to vector<16xi32>
    %broadcast_in_dim3A_2592 = vector.broadcast %jit3A_2590 : i32 to vector<16xi32>
    %select_n3A_2593 = arith.select %eq3A_2588, %broadcast_in_dim3A_2591, %broadcast_in_dim3A_2592 : vector<16xi1>, vector<16xi32>
    %min3A_2594 = arith.minsi %min3A_2587, %select_n3A_2593 : vector<16xi32>
    %eq3A_2595 = arith.cmpf oeq, %get3A_2520, %max3A_2537 : vector<16xf32>
    %jit3A_2596 = arith.constant 5 : i32
    %jit3A_2597 = arith.constant 8 : i32
    %broadcast_in_dim3A_2598 = vector.broadcast %jit3A_2596 : i32 to vector<16xi32>
    %broadcast_in_dim3A_2599 = vector.broadcast %jit3A_2597 : i32 to vector<16xi32>
    %select_n3A_2600 = arith.select %eq3A_2595, %broadcast_in_dim3A_2598, %broadcast_in_dim3A_2599 : vector<16xi1>, vector<16xi32>
    %min3A_2601 = arith.minsi %min3A_2594, %select_n3A_2600 : vector<16xi32>
    %eq3A_2602 = arith.cmpf oeq, %get3A_2525, %max3A_2537 : vector<16xf32>
    %jit3A_2603 = arith.constant 6 : i32
    %jit3A_2604 = arith.constant 8 : i32
    %broadcast_in_dim3A_2605 = vector.broadcast %jit3A_2603 : i32 to vector<16xi32>
    %broadcast_in_dim3A_2606 = vector.broadcast %jit3A_2604 : i32 to vector<16xi32>
    %select_n3A_2607 = arith.select %eq3A_2602, %broadcast_in_dim3A_2605, %broadcast_in_dim3A_2606 : vector<16xi1>, vector<16xi32>
    %min3A_2608 = arith.minsi %min3A_2601, %select_n3A_2607 : vector<16xi32>
    %eq3A_2609 = arith.cmpf oeq, %get3A_2530, %max3A_2537 : vector<16xf32>
    %jit3A_2610 = arith.constant 7 : i32
    %jit3A_2611 = arith.constant 8 : i32
    %broadcast_in_dim3A_2612 = vector.broadcast %jit3A_2610 : i32 to vector<16xi32>
    %broadcast_in_dim3A_2613 = vector.broadcast %jit3A_2611 : i32 to vector<16xi32>
    %select_n3A_2614 = arith.select %eq3A_2609, %broadcast_in_dim3A_2612, %broadcast_in_dim3A_2613 : vector<16xi1>, vector<16xi32>
    %min3A_2615 = arith.minsi %min3A_2608, %select_n3A_2614 : vector<16xi32>
    %eq3A_2616 = arith.constant 0 : i32
    %eq3A_2617 = vector.broadcast %eq3A_2616 : i32 to vector<16xi32>
    %eq3A_2618 = arith.cmpi eq, %min3A_2615, %eq3A_2617 : vector<16xi32>
    %jit3A_2619 = arith.constant -3.000000e+38 : f32
    %broadcast_in_dim3A_2620 = vector.broadcast %jit3A_2619 : f32 to vector<16xf32>
    %select_n3A_2621 = arith.select %eq3A_2618, %broadcast_in_dim3A_2620, %get3A_2495 : vector<16xi1>, vector<16xf32>
    %eq3A_2622 = arith.constant 1 : i32
    %eq3A_2623 = vector.broadcast %eq3A_2622 : i32 to vector<16xi32>
    %eq3A_2624 = arith.cmpi eq, %min3A_2615, %eq3A_2623 : vector<16xi32>
    %jit3A_2625 = arith.constant -3.000000e+38 : f32
    %broadcast_in_dim3A_2626 = vector.broadcast %jit3A_2625 : f32 to vector<16xf32>
    %select_n3A_2627 = arith.select %eq3A_2624, %broadcast_in_dim3A_2626, %get3A_2500 : vector<16xi1>, vector<16xf32>
    %max3A_2628 = arith.maximumf %select_n3A_2621, %select_n3A_2627 : vector<16xf32>
    %eq3A_2629 = arith.constant 2 : i32
    %eq3A_2630 = vector.broadcast %eq3A_2629 : i32 to vector<16xi32>
    %eq3A_2631 = arith.cmpi eq, %min3A_2615, %eq3A_2630 : vector<16xi32>
    %jit3A_2632 = arith.constant -3.000000e+38 : f32
    %broadcast_in_dim3A_2633 = vector.broadcast %jit3A_2632 : f32 to vector<16xf32>
    %select_n3A_2634 = arith.select %eq3A_2631, %broadcast_in_dim3A_2633, %get3A_2505 : vector<16xi1>, vector<16xf32>
    %max3A_2635 = arith.maximumf %max3A_2628, %select_n3A_2634 : vector<16xf32>
    %eq3A_2636 = arith.constant 3 : i32
    %eq3A_2637 = vector.broadcast %eq3A_2636 : i32 to vector<16xi32>
    %eq3A_2638 = arith.cmpi eq, %min3A_2615, %eq3A_2637 : vector<16xi32>
    %jit3A_2639 = arith.constant -3.000000e+38 : f32
    %broadcast_in_dim3A_2640 = vector.broadcast %jit3A_2639 : f32 to vector<16xf32>
    %select_n3A_2641 = arith.select %eq3A_2638, %broadcast_in_dim3A_2640, %get3A_2510 : vector<16xi1>, vector<16xf32>
    %max3A_2642 = arith.maximumf %max3A_2635, %select_n3A_2641 : vector<16xf32>
    %eq3A_2643 = arith.constant 4 : i32
    %eq3A_2644 = vector.broadcast %eq3A_2643 : i32 to vector<16xi32>
    %eq3A_2645 = arith.cmpi eq, %min3A_2615, %eq3A_2644 : vector<16xi32>
    %jit3A_2646 = arith.constant -3.000000e+38 : f32
    %broadcast_in_dim3A_2647 = vector.broadcast %jit3A_2646 : f32 to vector<16xf32>
    %select_n3A_2648 = arith.select %eq3A_2645, %broadcast_in_dim3A_2647, %get3A_2515 : vector<16xi1>, vector<16xf32>
    %max3A_2649 = arith.maximumf %max3A_2642, %select_n3A_2648 : vector<16xf32>
    %eq3A_2650 = arith.constant 5 : i32
    %eq3A_2651 = vector.broadcast %eq3A_2650 : i32 to vector<16xi32>
    %eq3A_2652 = arith.cmpi eq, %min3A_2615, %eq3A_2651 : vector<16xi32>
    %jit3A_2653 = arith.constant -3.000000e+38 : f32
    %broadcast_in_dim3A_2654 = vector.broadcast %jit3A_2653 : f32 to vector<16xf32>
    %select_n3A_2655 = arith.select %eq3A_2652, %broadcast_in_dim3A_2654, %get3A_2520 : vector<16xi1>, vector<16xf32>
    %max3A_2656 = arith.maximumf %max3A_2649, %select_n3A_2655 : vector<16xf32>
    %eq3A_2657 = arith.constant 6 : i32
    %eq3A_2658 = vector.broadcast %eq3A_2657 : i32 to vector<16xi32>
    %eq3A_2659 = arith.cmpi eq, %min3A_2615, %eq3A_2658 : vector<16xi32>
    %jit3A_2660 = arith.constant -3.000000e+38 : f32
    %broadcast_in_dim3A_2661 = vector.broadcast %jit3A_2660 : f32 to vector<16xf32>
    %select_n3A_2662 = arith.select %eq3A_2659, %broadcast_in_dim3A_2661, %get3A_2525 : vector<16xi1>, vector<16xf32>
    %max3A_2663 = arith.maximumf %max3A_2656, %select_n3A_2662 : vector<16xf32>
    %eq3A_2664 = arith.constant 7 : i32
    %eq3A_2665 = vector.broadcast %eq3A_2664 : i32 to vector<16xi32>
    %eq3A_2666 = arith.cmpi eq, %min3A_2615, %eq3A_2665 : vector<16xi32>
    %jit3A_2667 = arith.constant -3.000000e+38 : f32
    %broadcast_in_dim3A_2668 = vector.broadcast %jit3A_2667 : f32 to vector<16xf32>
    %select_n3A_2669 = arith.select %eq3A_2666, %broadcast_in_dim3A_2668, %get3A_2530 : vector<16xi1>, vector<16xf32>
    %max3A_2670 = arith.maximumf %max3A_2663, %select_n3A_2669 : vector<16xf32>
    %eq3A_2671 = arith.cmpf oeq, %get3A_2495, %max3A_2670 : vector<16xf32>
    %ne3A_2672 = arith.constant 0 : i32
    %ne3A_2673 = vector.broadcast %ne3A_2672 : i32 to vector<16xi32>
    %ne3A_2674 = arith.cmpi ne, %min3A_2615, %ne3A_2673 : vector<16xi32>
    %and3A_2675 = arith.andi %eq3A_2671, %ne3A_2674 : vector<16xi1>
    %jit3A_2676 = arith.constant 0 : i32
    %jit3A_2677 = arith.constant 8 : i32
    %broadcast_in_dim3A_2678 = vector.broadcast %jit3A_2676 : i32 to vector<16xi32>
    %broadcast_in_dim3A_2679 = vector.broadcast %jit3A_2677 : i32 to vector<16xi32>
    %select_n3A_2680 = arith.select %and3A_2675, %broadcast_in_dim3A_2678, %broadcast_in_dim3A_2679 : vector<16xi1>, vector<16xi32>
    %eq3A_2681 = arith.cmpf oeq, %get3A_2500, %max3A_2670 : vector<16xf32>
    %ne3A_2682 = arith.constant 1 : i32
    %ne3A_2683 = vector.broadcast %ne3A_2682 : i32 to vector<16xi32>
    %ne3A_2684 = arith.cmpi ne, %min3A_2615, %ne3A_2683 : vector<16xi32>
    %and3A_2685 = arith.andi %eq3A_2681, %ne3A_2684 : vector<16xi1>
    %jit3A_2686 = arith.constant 1 : i32
    %jit3A_2687 = arith.constant 8 : i32
    %broadcast_in_dim3A_2688 = vector.broadcast %jit3A_2686 : i32 to vector<16xi32>
    %broadcast_in_dim3A_2689 = vector.broadcast %jit3A_2687 : i32 to vector<16xi32>
    %select_n3A_2690 = arith.select %and3A_2685, %broadcast_in_dim3A_2688, %broadcast_in_dim3A_2689 : vector<16xi1>, vector<16xi32>
    %min3A_2691 = arith.minsi %select_n3A_2680, %select_n3A_2690 : vector<16xi32>
    %eq3A_2692 = arith.cmpf oeq, %get3A_2505, %max3A_2670 : vector<16xf32>
    %ne3A_2693 = arith.constant 2 : i32
    %ne3A_2694 = vector.broadcast %ne3A_2693 : i32 to vector<16xi32>
    %ne3A_2695 = arith.cmpi ne, %min3A_2615, %ne3A_2694 : vector<16xi32>
    %and3A_2696 = arith.andi %eq3A_2692, %ne3A_2695 : vector<16xi1>
    %jit3A_2697 = arith.constant 2 : i32
    %jit3A_2698 = arith.constant 8 : i32
    %broadcast_in_dim3A_2699 = vector.broadcast %jit3A_2697 : i32 to vector<16xi32>
    %broadcast_in_dim3A_2700 = vector.broadcast %jit3A_2698 : i32 to vector<16xi32>
    %select_n3A_2701 = arith.select %and3A_2696, %broadcast_in_dim3A_2699, %broadcast_in_dim3A_2700 : vector<16xi1>, vector<16xi32>
    %min3A_2702 = arith.minsi %min3A_2691, %select_n3A_2701 : vector<16xi32>
    %eq3A_2703 = arith.cmpf oeq, %get3A_2510, %max3A_2670 : vector<16xf32>
    %ne3A_2704 = arith.constant 3 : i32
    %ne3A_2705 = vector.broadcast %ne3A_2704 : i32 to vector<16xi32>
    %ne3A_2706 = arith.cmpi ne, %min3A_2615, %ne3A_2705 : vector<16xi32>
    %and3A_2707 = arith.andi %eq3A_2703, %ne3A_2706 : vector<16xi1>
    %jit3A_2708 = arith.constant 3 : i32
    %jit3A_2709 = arith.constant 8 : i32
    %broadcast_in_dim3A_2710 = vector.broadcast %jit3A_2708 : i32 to vector<16xi32>
    %broadcast_in_dim3A_2711 = vector.broadcast %jit3A_2709 : i32 to vector<16xi32>
    %select_n3A_2712 = arith.select %and3A_2707, %broadcast_in_dim3A_2710, %broadcast_in_dim3A_2711 : vector<16xi1>, vector<16xi32>
    %min3A_2713 = arith.minsi %min3A_2702, %select_n3A_2712 : vector<16xi32>
    %eq3A_2714 = arith.cmpf oeq, %get3A_2515, %max3A_2670 : vector<16xf32>
    %ne3A_2715 = arith.constant 4 : i32
    %ne3A_2716 = vector.broadcast %ne3A_2715 : i32 to vector<16xi32>
    %ne3A_2717 = arith.cmpi ne, %min3A_2615, %ne3A_2716 : vector<16xi32>
    %and3A_2718 = arith.andi %eq3A_2714, %ne3A_2717 : vector<16xi1>
    %jit3A_2719 = arith.constant 4 : i32
    %jit3A_2720 = arith.constant 8 : i32
    %broadcast_in_dim3A_2721 = vector.broadcast %jit3A_2719 : i32 to vector<16xi32>
    %broadcast_in_dim3A_2722 = vector.broadcast %jit3A_2720 : i32 to vector<16xi32>
    %select_n3A_2723 = arith.select %and3A_2718, %broadcast_in_dim3A_2721, %broadcast_in_dim3A_2722 : vector<16xi1>, vector<16xi32>
    %min3A_2724 = arith.minsi %min3A_2713, %select_n3A_2723 : vector<16xi32>
    %eq3A_2725 = arith.cmpf oeq, %get3A_2520, %max3A_2670 : vector<16xf32>
    %ne3A_2726 = arith.constant 5 : i32
    %ne3A_2727 = vector.broadcast %ne3A_2726 : i32 to vector<16xi32>
    %ne3A_2728 = arith.cmpi ne, %min3A_2615, %ne3A_2727 : vector<16xi32>
    %and3A_2729 = arith.andi %eq3A_2725, %ne3A_2728 : vector<16xi1>
    %jit3A_2730 = arith.constant 5 : i32
    %jit3A_2731 = arith.constant 8 : i32
    %broadcast_in_dim3A_2732 = vector.broadcast %jit3A_2730 : i32 to vector<16xi32>
    %broadcast_in_dim3A_2733 = vector.broadcast %jit3A_2731 : i32 to vector<16xi32>
    %select_n3A_2734 = arith.select %and3A_2729, %broadcast_in_dim3A_2732, %broadcast_in_dim3A_2733 : vector<16xi1>, vector<16xi32>
    %min3A_2735 = arith.minsi %min3A_2724, %select_n3A_2734 : vector<16xi32>
    %eq3A_2736 = arith.cmpf oeq, %get3A_2525, %max3A_2670 : vector<16xf32>
    %ne3A_2737 = arith.constant 6 : i32
    %ne3A_2738 = vector.broadcast %ne3A_2737 : i32 to vector<16xi32>
    %ne3A_2739 = arith.cmpi ne, %min3A_2615, %ne3A_2738 : vector<16xi32>
    %and3A_2740 = arith.andi %eq3A_2736, %ne3A_2739 : vector<16xi1>
    %jit3A_2741 = arith.constant 6 : i32
    %jit3A_2742 = arith.constant 8 : i32
    %broadcast_in_dim3A_2743 = vector.broadcast %jit3A_2741 : i32 to vector<16xi32>
    %broadcast_in_dim3A_2744 = vector.broadcast %jit3A_2742 : i32 to vector<16xi32>
    %select_n3A_2745 = arith.select %and3A_2740, %broadcast_in_dim3A_2743, %broadcast_in_dim3A_2744 : vector<16xi1>, vector<16xi32>
    %min3A_2746 = arith.minsi %min3A_2735, %select_n3A_2745 : vector<16xi32>
    %eq3A_2747 = arith.cmpf oeq, %get3A_2530, %max3A_2670 : vector<16xf32>
    %ne3A_2748 = arith.constant 7 : i32
    %ne3A_2749 = vector.broadcast %ne3A_2748 : i32 to vector<16xi32>
    %ne3A_2750 = arith.cmpi ne, %min3A_2615, %ne3A_2749 : vector<16xi32>
    %and3A_2751 = arith.andi %eq3A_2747, %ne3A_2750 : vector<16xi1>
    %jit3A_2752 = arith.constant 7 : i32
    %jit3A_2753 = arith.constant 8 : i32
    %broadcast_in_dim3A_2754 = vector.broadcast %jit3A_2752 : i32 to vector<16xi32>
    %broadcast_in_dim3A_2755 = vector.broadcast %jit3A_2753 : i32 to vector<16xi32>
    %select_n3A_2756 = arith.select %and3A_2751, %broadcast_in_dim3A_2754, %broadcast_in_dim3A_2755 : vector<16xi1>, vector<16xi32>
    %min3A_2757 = arith.minsi %min3A_2746, %select_n3A_2756 : vector<16xi32>
    %eq3A_2758 = arith.constant 0 : i32
    %eq3A_2759 = vector.broadcast %eq3A_2758 : i32 to vector<16xi32>
    %eq3A_2760 = arith.cmpi eq, %min3A_2615, %eq3A_2759 : vector<16xi32>
    %eq3A_2761 = arith.constant 0 : i32
    %eq3A_2762 = vector.broadcast %eq3A_2761 : i32 to vector<16xi32>
    %eq3A_2763 = arith.cmpi eq, %min3A_2757, %eq3A_2762 : vector<16xi32>
    %or3A_2764 = arith.ori %eq3A_2760, %eq3A_2763 : vector<16xi1>
    %jit3A_2765 = arith.constant 0.000000e+00 : f32
    %broadcast_in_dim3A_2766 = vector.broadcast %jit3A_2765 : f32 to vector<16xf32>
    %select_n3A_2767 = arith.select %or3A_2764, %exp3A_2539, %broadcast_in_dim3A_2766 : vector<16xi1>, vector<16xf32>
    %eq3A_2768 = arith.constant 1 : i32
    %eq3A_2769 = vector.broadcast %eq3A_2768 : i32 to vector<16xi32>
    %eq3A_2770 = arith.cmpi eq, %min3A_2615, %eq3A_2769 : vector<16xi32>
    %eq3A_2771 = arith.constant 1 : i32
    %eq3A_2772 = vector.broadcast %eq3A_2771 : i32 to vector<16xi32>
    %eq3A_2773 = arith.cmpi eq, %min3A_2757, %eq3A_2772 : vector<16xi32>
    %or3A_2774 = arith.ori %eq3A_2770, %eq3A_2773 : vector<16xi1>
    %jit3A_2775 = arith.constant 0.000000e+00 : f32
    %broadcast_in_dim3A_2776 = vector.broadcast %jit3A_2775 : f32 to vector<16xf32>
    %select_n3A_2777 = arith.select %or3A_2774, %exp3A_2541, %broadcast_in_dim3A_2776 : vector<16xi1>, vector<16xf32>
    %add3A_2778 = arith.addf %select_n3A_2767, %select_n3A_2777 : vector<16xf32>
    %eq3A_2779 = arith.constant 2 : i32
    %eq3A_2780 = vector.broadcast %eq3A_2779 : i32 to vector<16xi32>
    %eq3A_2781 = arith.cmpi eq, %min3A_2615, %eq3A_2780 : vector<16xi32>
    %eq3A_2782 = arith.constant 2 : i32
    %eq3A_2783 = vector.broadcast %eq3A_2782 : i32 to vector<16xi32>
    %eq3A_2784 = arith.cmpi eq, %min3A_2757, %eq3A_2783 : vector<16xi32>
    %or3A_2785 = arith.ori %eq3A_2781, %eq3A_2784 : vector<16xi1>
    %jit3A_2786 = arith.constant 0.000000e+00 : f32
    %broadcast_in_dim3A_2787 = vector.broadcast %jit3A_2786 : f32 to vector<16xf32>
    %select_n3A_2788 = arith.select %or3A_2785, %exp3A_2543, %broadcast_in_dim3A_2787 : vector<16xi1>, vector<16xf32>
    %add3A_2789 = arith.addf %add3A_2778, %select_n3A_2788 : vector<16xf32>
    %eq3A_2790 = arith.constant 3 : i32
    %eq3A_2791 = vector.broadcast %eq3A_2790 : i32 to vector<16xi32>
    %eq3A_2792 = arith.cmpi eq, %min3A_2615, %eq3A_2791 : vector<16xi32>
    %eq3A_2793 = arith.constant 3 : i32
    %eq3A_2794 = vector.broadcast %eq3A_2793 : i32 to vector<16xi32>
    %eq3A_2795 = arith.cmpi eq, %min3A_2757, %eq3A_2794 : vector<16xi32>
    %or3A_2796 = arith.ori %eq3A_2792, %eq3A_2795 : vector<16xi1>
    %jit3A_2797 = arith.constant 0.000000e+00 : f32
    %broadcast_in_dim3A_2798 = vector.broadcast %jit3A_2797 : f32 to vector<16xf32>
    %select_n3A_2799 = arith.select %or3A_2796, %exp3A_2545, %broadcast_in_dim3A_2798 : vector<16xi1>, vector<16xf32>
    %add3A_2800 = arith.addf %add3A_2789, %select_n3A_2799 : vector<16xf32>
    %eq3A_2801 = arith.constant 4 : i32
    %eq3A_2802 = vector.broadcast %eq3A_2801 : i32 to vector<16xi32>
    %eq3A_2803 = arith.cmpi eq, %min3A_2615, %eq3A_2802 : vector<16xi32>
    %eq3A_2804 = arith.constant 4 : i32
    %eq3A_2805 = vector.broadcast %eq3A_2804 : i32 to vector<16xi32>
    %eq3A_2806 = arith.cmpi eq, %min3A_2757, %eq3A_2805 : vector<16xi32>
    %or3A_2807 = arith.ori %eq3A_2803, %eq3A_2806 : vector<16xi1>
    %jit3A_2808 = arith.constant 0.000000e+00 : f32
    %broadcast_in_dim3A_2809 = vector.broadcast %jit3A_2808 : f32 to vector<16xf32>
    %select_n3A_2810 = arith.select %or3A_2807, %exp3A_2547, %broadcast_in_dim3A_2809 : vector<16xi1>, vector<16xf32>
    %add3A_2811 = arith.addf %add3A_2800, %select_n3A_2810 : vector<16xf32>
    %eq3A_2812 = arith.constant 5 : i32
    %eq3A_2813 = vector.broadcast %eq3A_2812 : i32 to vector<16xi32>
    %eq3A_2814 = arith.cmpi eq, %min3A_2615, %eq3A_2813 : vector<16xi32>
    %eq3A_2815 = arith.constant 5 : i32
    %eq3A_2816 = vector.broadcast %eq3A_2815 : i32 to vector<16xi32>
    %eq3A_2817 = arith.cmpi eq, %min3A_2757, %eq3A_2816 : vector<16xi32>
    %or3A_2818 = arith.ori %eq3A_2814, %eq3A_2817 : vector<16xi1>
    %jit3A_2819 = arith.constant 0.000000e+00 : f32
    %broadcast_in_dim3A_2820 = vector.broadcast %jit3A_2819 : f32 to vector<16xf32>
    %select_n3A_2821 = arith.select %or3A_2818, %exp3A_2549, %broadcast_in_dim3A_2820 : vector<16xi1>, vector<16xf32>
    %add3A_2822 = arith.addf %add3A_2811, %select_n3A_2821 : vector<16xf32>
    %eq3A_2823 = arith.constant 6 : i32
    %eq3A_2824 = vector.broadcast %eq3A_2823 : i32 to vector<16xi32>
    %eq3A_2825 = arith.cmpi eq, %min3A_2615, %eq3A_2824 : vector<16xi32>
    %eq3A_2826 = arith.constant 6 : i32
    %eq3A_2827 = vector.broadcast %eq3A_2826 : i32 to vector<16xi32>
    %eq3A_2828 = arith.cmpi eq, %min3A_2757, %eq3A_2827 : vector<16xi32>
    %or3A_2829 = arith.ori %eq3A_2825, %eq3A_2828 : vector<16xi1>
    %jit3A_2830 = arith.constant 0.000000e+00 : f32
    %broadcast_in_dim3A_2831 = vector.broadcast %jit3A_2830 : f32 to vector<16xf32>
    %select_n3A_2832 = arith.select %or3A_2829, %exp3A_2551, %broadcast_in_dim3A_2831 : vector<16xi1>, vector<16xf32>
    %add3A_2833 = arith.addf %add3A_2822, %select_n3A_2832 : vector<16xf32>
    %eq3A_2834 = arith.constant 7 : i32
    %eq3A_2835 = vector.broadcast %eq3A_2834 : i32 to vector<16xi32>
    %eq3A_2836 = arith.cmpi eq, %min3A_2615, %eq3A_2835 : vector<16xi32>
    %eq3A_2837 = arith.constant 7 : i32
    %eq3A_2838 = vector.broadcast %eq3A_2837 : i32 to vector<16xi32>
    %eq3A_2839 = arith.cmpi eq, %min3A_2757, %eq3A_2838 : vector<16xi32>
    %or3A_2840 = arith.ori %eq3A_2836, %eq3A_2839 : vector<16xi1>
    %jit3A_2841 = arith.constant 0.000000e+00 : f32
    %broadcast_in_dim3A_2842 = vector.broadcast %jit3A_2841 : f32 to vector<16xf32>
    %select_n3A_2843 = arith.select %or3A_2840, %exp3A_2553, %broadcast_in_dim3A_2842 : vector<16xi1>, vector<16xf32>
    %add3A_2844 = arith.addf %add3A_2833, %select_n3A_2843 : vector<16xf32>
    %mul3A_2845 = arith.constant 9.99999997E-7 : f32
    %mul3A_2846 = vector.broadcast %mul3A_2845 : f32 to vector<16xf32>
    %mul3A_2847 = arith.mulf %mul3A_2846, %add3A_2560 : vector<16xf32>
    %add3A_2848 = arith.addf %add3A_2844, %mul3A_2847 : vector<16xf32>
    %div3A_2849 = arith.constant 1.000000e+00 : f32
    %div3A_2850 = vector.broadcast %div3A_2849 : f32 to vector<16xf32>
    %div3A_2851 = arith.divf %div3A_2850, %add3A_2848 : vector<16xf32>
    %mul3A_2852 = arith.mulf %select_n3A_2767, %div3A_2851 : vector<16xf32>
    %swap3A_2853 = arith.constant 0 : i32
    %swap3A_2854 = arith.index_cast %swap3A_2853 : i32 to index
    %swap3A_2855 = arith.constant 96 : index
    %swap3A_2856 = tpu.vector_load %arg5[%swap3A_2854, %swap3A_2855] {strides = array<i32>} : memref<8x128xf32, #tpu.memory_space<vmem>>, vector<1x16xf32>,
    %swap3A_2857 = vector.shape_cast %swap3A_2856 : vector<1x16xf32> to vector<16xf32>
    %swap3A_2858 = vector.shape_cast %mul3A_2852 : vector<16xf32> to vector<1x16xf32>
    tpu.vector_store %arg5[%swap3A_2854, %swap3A_2855], %swap3A_2858 {strides = array<i32>} : memref<8x128xf32, #tpu.memory_space<vmem>>, vector<1x16xf32>,
    %mul3A_2859 = arith.mulf %select_n3A_2777, %div3A_2851 : vector<16xf32>
    %swap3A_2860 = arith.constant 1 : i32
    %swap3A_2861 = arith.index_cast %swap3A_2860 : i32 to index
    %swap3A_2862 = arith.constant 96 : index
    %swap3A_2863 = tpu.vector_load %arg5[%swap3A_2861, %swap3A_2862] {strides = array<i32>} : memref<8x128xf32, #tpu.memory_space<vmem>>, vector<1x16xf32>,
    %swap3A_2864 = vector.shape_cast %swap3A_2863 : vector<1x16xf32> to vector<16xf32>
    %swap3A_2865 = vector.shape_cast %mul3A_2859 : vector<16xf32> to vector<1x16xf32>
    tpu.vector_store %arg5[%swap3A_2861, %swap3A_2862], %swap3A_2865 {strides = array<i32>} : memref<8x128xf32, #tpu.memory_space<vmem>>, vector<1x16xf32>,
    %mul3A_2866 = arith.mulf %select_n3A_2788, %div3A_2851 : vector<16xf32>
    %swap3A_2867 = arith.constant 2 : i32
    %swap3A_2868 = arith.index_cast %swap3A_2867 : i32 to index
    %swap3A_2869 = arith.constant 96 : index
    %swap3A_2870 = tpu.vector_load %arg5[%swap3A_2868, %swap3A_2869] {strides = array<i32>} : memref<8x128xf32, #tpu.memory_space<vmem>>, vector<1x16xf32>,
    %swap3A_2871 = vector.shape_cast %swap3A_2870 : vector<1x16xf32> to vector<16xf32>
    %swap3A_2872 = vector.shape_cast %mul3A_2866 : vector<16xf32> to vector<1x16xf32>
    tpu.vector_store %arg5[%swap3A_2868, %swap3A_2869], %swap3A_2872 {strides = array<i32>} : memref<8x128xf32, #tpu.memory_space<vmem>>, vector<1x16xf32>,
    %mul3A_2873 = arith.mulf %select_n3A_2799, %div3A_2851 : vector<16xf32>
    %swap3A_2874 = arith.constant 3 : i32
    %swap3A_2875 = arith.index_cast %swap3A_2874 : i32 to index
    %swap3A_2876 = arith.constant 96 : index
    %swap3A_2877 = tpu.vector_load %arg5[%swap3A_2875, %swap3A_2876] {strides = array<i32>} : memref<8x128xf32, #tpu.memory_space<vmem>>, vector<1x16xf32>,
    %swap3A_2878 = vector.shape_cast %swap3A_2877 : vector<1x16xf32> to vector<16xf32>
    %swap3A_2879 = vector.shape_cast %mul3A_2873 : vector<16xf32> to vector<1x16xf32>
    tpu.vector_store %arg5[%swap3A_2875, %swap3A_2876], %swap3A_2879 {strides = array<i32>} : memref<8x128xf32, #tpu.memory_space<vmem>>, vector<1x16xf32>,
    %mul3A_2880 = arith.mulf %select_n3A_2810, %div3A_2851 : vector<16xf32>
    %swap3A_2881 = arith.constant 4 : i32
    %swap3A_2882 = arith.index_cast %swap3A_2881 : i32 to index
    %swap3A_2883 = arith.constant 96 : index
    %swap3A_2884 = tpu.vector_load %arg5[%swap3A_2882, %swap3A_2883] {strides = array<i32>} : memref<8x128xf32, #tpu.memory_space<vmem>>, vector<1x16xf32>,
    %swap3A_2885 = vector.shape_cast %swap3A_2884 : vector<1x16xf32> to vector<16xf32>
    %swap3A_2886 = vector.shape_cast %mul3A_2880 : vector<16xf32> to vector<1x16xf32>
    tpu.vector_store %arg5[%swap3A_2882, %swap3A_2883], %swap3A_2886 {strides = array<i32>} : memref<8x128xf32, #tpu.memory_space<vmem>>, vector<1x16xf32>,
    %mul3A_2887 = arith.mulf %select_n3A_2821, %div3A_2851 : vector<16xf32>
    %swap3A_2888 = arith.constant 5 : i32
    %swap3A_2889 = arith.index_cast %swap3A_2888 : i32 to index
    %swap3A_2890 = arith.constant 96 : index
    %swap3A_2891 = tpu.vector_load %arg5[%swap3A_2889, %swap3A_2890] {strides = array<i32>} : memref<8x128xf32, #tpu.memory_space<vmem>>, vector<1x16xf32>,
    %swap3A_2892 = vector.shape_cast %swap3A_2891 : vector<1x16xf32> to vector<16xf32>
    %swap3A_2893 = vector.shape_cast %mul3A_2887 : vector<16xf32> to vector<1x16xf32>
    tpu.vector_store %arg5[%swap3A_2889, %swap3A_2890], %swap3A_2893 {strides = array<i32>} : memref<8x128xf32, #tpu.memory_space<vmem>>, vector<1x16xf32>,
    %mul3A_2894 = arith.mulf %select_n3A_2832, %div3A_2851 : vector<16xf32>
    %swap3A_2895 = arith.constant 6 : i32
    %swap3A_2896 = arith.index_cast %swap3A_2895 : i32 to index
    %swap3A_2897 = arith.constant 96 : index
    %swap3A_2898 = tpu.vector_load %arg5[%swap3A_2896, %swap3A_2897] {strides = array<i32>} : memref<8x128xf32, #tpu.memory_space<vmem>>, vector<1x16xf32>,
    %swap3A_2899 = vector.shape_cast %swap3A_2898 : vector<1x16xf32> to vector<16xf32>
    %swap3A_2900 = vector.shape_cast %mul3A_2894 : vector<16xf32> to vector<1x16xf32>
    tpu.vector_store %arg5[%swap3A_2896, %swap3A_2897], %swap3A_2900 {strides = array<i32>} : memref<8x128xf32, #tpu.memory_space<vmem>>, vector<1x16xf32>,
    %mul3A_2901 = arith.mulf %select_n3A_2843, %div3A_2851 : vector<16xf32>
    %swap3A_2902 = arith.constant 7 : i32
    %swap3A_2903 = arith.index_cast %swap3A_2902 : i32 to index
    %swap3A_2904 = arith.constant 96 : index
    %swap3A_2905 = tpu.vector_load %arg5[%swap3A_2903, %swap3A_2904] {strides = array<i32>} : memref<8x128xf32, #tpu.memory_space<vmem>>, vector<1x16xf32>,
    %swap3A_2906 = vector.shape_cast %swap3A_2905 : vector<1x16xf32> to vector<16xf32>
    %swap3A_2907 = vector.shape_cast %mul3A_2901 : vector<16xf32> to vector<1x16xf32>
    tpu.vector_store %arg5[%swap3A_2903, %swap3A_2904], %swap3A_2907 {strides = array<i32>} : memref<8x128xf32, #tpu.memory_space<vmem>>, vector<1x16xf32>,
    %get3A_2908 = arith.constant 0 : i32
    %get3A_2909 = arith.index_cast %get3A_2908 : i32 to index
    %get3A_2910 = arith.constant 112 : index
    %get3A_2911 = tpu.vector_load %arg4[%get3A_2909, %get3A_2910] {strides = array<i32>} : memref<8x128xf32, #tpu.memory_space<vmem>>, vector<1x16xf32>,
    %get3A_2912 = vector.shape_cast %get3A_2911 : vector<1x16xf32> to vector<16xf32>
    %get3A_2913 = arith.constant 1 : i32
    %get3A_2914 = arith.index_cast %get3A_2913 : i32 to index
    %get3A_2915 = arith.constant 112 : index
    %get3A_2916 = tpu.vector_load %arg4[%get3A_2914, %get3A_2915] {strides = array<i32>} : memref<8x128xf32, #tpu.memory_space<vmem>>, vector<1x16xf32>,
    %get3A_2917 = vector.shape_cast %get3A_2916 : vector<1x16xf32> to vector<16xf32>
    %get3A_2918 = arith.constant 2 : i32
    %get3A_2919 = arith.index_cast %get3A_2918 : i32 to index
    %get3A_2920 = arith.constant 112 : index
    %get3A_2921 = tpu.vector_load %arg4[%get3A_2919, %get3A_2920] {strides = array<i32>} : memref<8x128xf32, #tpu.memory_space<vmem>>, vector<1x16xf32>,
    %get3A_2922 = vector.shape_cast %get3A_2921 : vector<1x16xf32> to vector<16xf32>
    %get3A_2923 = arith.constant 3 : i32
    %get3A_2924 = arith.index_cast %get3A_2923 : i32 to index
    %get3A_2925 = arith.constant 112 : index
    %get3A_2926 = tpu.vector_load %arg4[%get3A_2924, %get3A_2925] {strides = array<i32>} : memref<8x128xf32, #tpu.memory_space<vmem>>, vector<1x16xf32>,
    %get3A_2927 = vector.shape_cast %get3A_2926 : vector<1x16xf32> to vector<16xf32>
    %get3A_2928 = arith.constant 4 : i32
    %get3A_2929 = arith.index_cast %get3A_2928 : i32 to index
    %get3A_2930 = arith.constant 112 : index
    %get3A_2931 = tpu.vector_load %arg4[%get3A_2929, %get3A_2930] {strides = array<i32>} : memref<8x128xf32, #tpu.memory_space<vmem>>, vector<1x16xf32>,
    %get3A_2932 = vector.shape_cast %get3A_2931 : vector<1x16xf32> to vector<16xf32>
    %get3A_2933 = arith.constant 5 : i32
    %get3A_2934 = arith.index_cast %get3A_2933 : i32 to index
    %get3A_2935 = arith.constant 112 : index
    %get3A_2936 = tpu.vector_load %arg4[%get3A_2934, %get3A_2935] {strides = array<i32>} : memref<8x128xf32, #tpu.memory_space<vmem>>, vector<1x16xf32>,
    %get3A_2937 = vector.shape_cast %get3A_2936 : vector<1x16xf32> to vector<16xf32>
    %get3A_2938 = arith.constant 6 : i32
    %get3A_2939 = arith.index_cast %get3A_2938 : i32 to index
    %get3A_2940 = arith.constant 112 : index
    %get3A_2941 = tpu.vector_load %arg4[%get3A_2939, %get3A_2940] {strides = array<i32>} : memref<8x128xf32, #tpu.memory_space<vmem>>, vector<1x16xf32>,
    %get3A_2942 = vector.shape_cast %get3A_2941 : vector<1x16xf32> to vector<16xf32>
    %get3A_2943 = arith.constant 7 : i32
    %get3A_2944 = arith.index_cast %get3A_2943 : i32 to index
    %get3A_2945 = arith.constant 112 : index
    %get3A_2946 = tpu.vector_load %arg4[%get3A_2944, %get3A_2945] {strides = array<i32>} : memref<8x128xf32, #tpu.memory_space<vmem>>, vector<1x16xf32>,
    %get3A_2947 = vector.shape_cast %get3A_2946 : vector<1x16xf32> to vector<16xf32>
    %max3A_2948 = arith.maximumf %get3A_2912, %get3A_2917 : vector<16xf32>
    %max3A_2949 = arith.maximumf %max3A_2948, %get3A_2922 : vector<16xf32>
    %max3A_2950 = arith.maximumf %max3A_2949, %get3A_2927 : vector<16xf32>
    %max3A_2951 = arith.maximumf %max3A_2950, %get3A_2932 : vector<16xf32>
    %max3A_2952 = arith.maximumf %max3A_2951, %get3A_2937 : vector<16xf32>
    %max3A_2953 = arith.maximumf %max3A_2952, %get3A_2942 : vector<16xf32>
    %max3A_2954 = arith.maximumf %max3A_2953, %get3A_2947 : vector<16xf32>
    %sub3A_2955 = arith.subf %get3A_2912, %max3A_2954 : vector<16xf32>
    %exp3A_2956 = math.exp %sub3A_2955 : vector<16xf32>
    %sub3A_2957 = arith.subf %get3A_2917, %max3A_2954 : vector<16xf32>
    %exp3A_2958 = math.exp %sub3A_2957 : vector<16xf32>
    %sub3A_2959 = arith.subf %get3A_2922, %max3A_2954 : vector<16xf32>
    %exp3A_2960 = math.exp %sub3A_2959 : vector<16xf32>
    %sub3A_2961 = arith.subf %get3A_2927, %max3A_2954 : vector<16xf32>
    %exp3A_2962 = math.exp %sub3A_2961 : vector<16xf32>
    %sub3A_2963 = arith.subf %get3A_2932, %max3A_2954 : vector<16xf32>
    %exp3A_2964 = math.exp %sub3A_2963 : vector<16xf32>
    %sub3A_2965 = arith.subf %get3A_2937, %max3A_2954 : vector<16xf32>
    %exp3A_2966 = math.exp %sub3A_2965 : vector<16xf32>
    %sub3A_2967 = arith.subf %get3A_2942, %max3A_2954 : vector<16xf32>
    %exp3A_2968 = math.exp %sub3A_2967 : vector<16xf32>
    %sub3A_2969 = arith.subf %get3A_2947, %max3A_2954 : vector<16xf32>
    %exp3A_2970 = math.exp %sub3A_2969 : vector<16xf32>
    %add3A_2971 = arith.addf %exp3A_2956, %exp3A_2958 : vector<16xf32>
    %add3A_2972 = arith.addf %add3A_2971, %exp3A_2960 : vector<16xf32>
    %add3A_2973 = arith.addf %add3A_2972, %exp3A_2962 : vector<16xf32>
    %add3A_2974 = arith.addf %add3A_2973, %exp3A_2964 : vector<16xf32>
    %add3A_2975 = arith.addf %add3A_2974, %exp3A_2966 : vector<16xf32>
    %add3A_2976 = arith.addf %add3A_2975, %exp3A_2968 : vector<16xf32>
    %add3A_2977 = arith.addf %add3A_2976, %exp3A_2970 : vector<16xf32>
    %eq3A_2978 = arith.cmpf oeq, %get3A_2912, %max3A_2954 : vector<16xf32>
    %jit3A_2979 = arith.constant 0 : i32
    %jit3A_2980 = arith.constant 8 : i32
    %broadcast_in_dim3A_2981 = vector.broadcast %jit3A_2979 : i32 to vector<16xi32>
    %broadcast_in_dim3A_2982 = vector.broadcast %jit3A_2980 : i32 to vector<16xi32>
    %select_n3A_2983 = arith.select %eq3A_2978, %broadcast_in_dim3A_2981, %broadcast_in_dim3A_2982 : vector<16xi1>, vector<16xi32>
    %eq3A_2984 = arith.cmpf oeq, %get3A_2917, %max3A_2954 : vector<16xf32>
    %jit3A_2985 = arith.constant 1 : i32
    %jit3A_2986 = arith.constant 8 : i32
    %broadcast_in_dim3A_2987 = vector.broadcast %jit3A_2985 : i32 to vector<16xi32>
    %broadcast_in_dim3A_2988 = vector.broadcast %jit3A_2986 : i32 to vector<16xi32>
    %select_n3A_2989 = arith.select %eq3A_2984, %broadcast_in_dim3A_2987, %broadcast_in_dim3A_2988 : vector<16xi1>, vector<16xi32>
    %min3A_2990 = arith.minsi %select_n3A_2983, %select_n3A_2989 : vector<16xi32>
    %eq3A_2991 = arith.cmpf oeq, %get3A_2922, %max3A_2954 : vector<16xf32>
    %jit3A_2992 = arith.constant 2 : i32
    %jit3A_2993 = arith.constant 8 : i32
    %broadcast_in_dim3A_2994 = vector.broadcast %jit3A_2992 : i32 to vector<16xi32>
    %broadcast_in_dim3A_2995 = vector.broadcast %jit3A_2993 : i32 to vector<16xi32>
    %select_n3A_2996 = arith.select %eq3A_2991, %broadcast_in_dim3A_2994, %broadcast_in_dim3A_2995 : vector<16xi1>, vector<16xi32>
    %min3A_2997 = arith.minsi %min3A_2990, %select_n3A_2996 : vector<16xi32>
    %eq3A_2998 = arith.cmpf oeq, %get3A_2927, %max3A_2954 : vector<16xf32>
    %jit3A_2999 = arith.constant 3 : i32
    %jit3A_3000 = arith.constant 8 : i32
    %broadcast_in_dim3A_3001 = vector.broadcast %jit3A_2999 : i32 to vector<16xi32>
    %broadcast_in_dim3A_3002 = vector.broadcast %jit3A_3000 : i32 to vector<16xi32>
    %select_n3A_3003 = arith.select %eq3A_2998, %broadcast_in_dim3A_3001, %broadcast_in_dim3A_3002 : vector<16xi1>, vector<16xi32>
    %min3A_3004 = arith.minsi %min3A_2997, %select_n3A_3003 : vector<16xi32>
    %eq3A_3005 = arith.cmpf oeq, %get3A_2932, %max3A_2954 : vector<16xf32>
    %jit3A_3006 = arith.constant 4 : i32
    %jit3A_3007 = arith.constant 8 : i32
    %broadcast_in_dim3A_3008 = vector.broadcast %jit3A_3006 : i32 to vector<16xi32>
    %broadcast_in_dim3A_3009 = vector.broadcast %jit3A_3007 : i32 to vector<16xi32>
    %select_n3A_3010 = arith.select %eq3A_3005, %broadcast_in_dim3A_3008, %broadcast_in_dim3A_3009 : vector<16xi1>, vector<16xi32>
    %min3A_3011 = arith.minsi %min3A_3004, %select_n3A_3010 : vector<16xi32>
    %eq3A_3012 = arith.cmpf oeq, %get3A_2937, %max3A_2954 : vector<16xf32>
    %jit3A_3013 = arith.constant 5 : i32
    %jit3A_3014 = arith.constant 8 : i32
    %broadcast_in_dim3A_3015 = vector.broadcast %jit3A_3013 : i32 to vector<16xi32>
    %broadcast_in_dim3A_3016 = vector.broadcast %jit3A_3014 : i32 to vector<16xi32>
    %select_n3A_3017 = arith.select %eq3A_3012, %broadcast_in_dim3A_3015, %broadcast_in_dim3A_3016 : vector<16xi1>, vector<16xi32>
    %min3A_3018 = arith.minsi %min3A_3011, %select_n3A_3017 : vector<16xi32>
    %eq3A_3019 = arith.cmpf oeq, %get3A_2942, %max3A_2954 : vector<16xf32>
    %jit3A_3020 = arith.constant 6 : i32
    %jit3A_3021 = arith.constant 8 : i32
    %broadcast_in_dim3A_3022 = vector.broadcast %jit3A_3020 : i32 to vector<16xi32>
    %broadcast_in_dim3A_3023 = vector.broadcast %jit3A_3021 : i32 to vector<16xi32>
    %select_n3A_3024 = arith.select %eq3A_3019, %broadcast_in_dim3A_3022, %broadcast_in_dim3A_3023 : vector<16xi1>, vector<16xi32>
    %min3A_3025 = arith.minsi %min3A_3018, %select_n3A_3024 : vector<16xi32>
    %eq3A_3026 = arith.cmpf oeq, %get3A_2947, %max3A_2954 : vector<16xf32>
    %jit3A_3027 = arith.constant 7 : i32
    %jit3A_3028 = arith.constant 8 : i32
    %broadcast_in_dim3A_3029 = vector.broadcast %jit3A_3027 : i32 to vector<16xi32>
    %broadcast_in_dim3A_3030 = vector.broadcast %jit3A_3028 : i32 to vector<16xi32>
    %select_n3A_3031 = arith.select %eq3A_3026, %broadcast_in_dim3A_3029, %broadcast_in_dim3A_3030 : vector<16xi1>, vector<16xi32>
    %min3A_3032 = arith.minsi %min3A_3025, %select_n3A_3031 : vector<16xi32>
    %eq3A_3033 = arith.constant 0 : i32
    %eq3A_3034 = vector.broadcast %eq3A_3033 : i32 to vector<16xi32>
    %eq3A_3035 = arith.cmpi eq, %min3A_3032, %eq3A_3034 : vector<16xi32>
    %jit3A_3036 = arith.constant -3.000000e+38 : f32
    %broadcast_in_dim3A_3037 = vector.broadcast %jit3A_3036 : f32 to vector<16xf32>
    %select_n3A_3038 = arith.select %eq3A_3035, %broadcast_in_dim3A_3037, %get3A_2912 : vector<16xi1>, vector<16xf32>
    %eq3A_3039 = arith.constant 1 : i32
    %eq3A_3040 = vector.broadcast %eq3A_3039 : i32 to vector<16xi32>
    %eq3A_3041 = arith.cmpi eq, %min3A_3032, %eq3A_3040 : vector<16xi32>
    %jit3A_3042 = arith.constant -3.000000e+38 : f32
    %broadcast_in_dim3A_3043 = vector.broadcast %jit3A_3042 : f32 to vector<16xf32>
    %select_n3A_3044 = arith.select %eq3A_3041, %broadcast_in_dim3A_3043, %get3A_2917 : vector<16xi1>, vector<16xf32>
    %max3A_3045 = arith.maximumf %select_n3A_3038, %select_n3A_3044 : vector<16xf32>
    %eq3A_3046 = arith.constant 2 : i32
    %eq3A_3047 = vector.broadcast %eq3A_3046 : i32 to vector<16xi32>
    %eq3A_3048 = arith.cmpi eq, %min3A_3032, %eq3A_3047 : vector<16xi32>
    %jit3A_3049 = arith.constant -3.000000e+38 : f32
    %broadcast_in_dim3A_3050 = vector.broadcast %jit3A_3049 : f32 to vector<16xf32>
    %select_n3A_3051 = arith.select %eq3A_3048, %broadcast_in_dim3A_3050, %get3A_2922 : vector<16xi1>, vector<16xf32>
    %max3A_3052 = arith.maximumf %max3A_3045, %select_n3A_3051 : vector<16xf32>
    %eq3A_3053 = arith.constant 3 : i32
    %eq3A_3054 = vector.broadcast %eq3A_3053 : i32 to vector<16xi32>
    %eq3A_3055 = arith.cmpi eq, %min3A_3032, %eq3A_3054 : vector<16xi32>
    %jit3A_3056 = arith.constant -3.000000e+38 : f32
    %broadcast_in_dim3A_3057 = vector.broadcast %jit3A_3056 : f32 to vector<16xf32>
    %select_n3A_3058 = arith.select %eq3A_3055, %broadcast_in_dim3A_3057, %get3A_2927 : vector<16xi1>, vector<16xf32>
    %max3A_3059 = arith.maximumf %max3A_3052, %select_n3A_3058 : vector<16xf32>
    %eq3A_3060 = arith.constant 4 : i32
    %eq3A_3061 = vector.broadcast %eq3A_3060 : i32 to vector<16xi32>
    %eq3A_3062 = arith.cmpi eq, %min3A_3032, %eq3A_3061 : vector<16xi32>
    %jit3A_3063 = arith.constant -3.000000e+38 : f32
    %broadcast_in_dim3A_3064 = vector.broadcast %jit3A_3063 : f32 to vector<16xf32>
    %select_n3A_3065 = arith.select %eq3A_3062, %broadcast_in_dim3A_3064, %get3A_2932 : vector<16xi1>, vector<16xf32>
    %max3A_3066 = arith.maximumf %max3A_3059, %select_n3A_3065 : vector<16xf32>
    %eq3A_3067 = arith.constant 5 : i32
    %eq3A_3068 = vector.broadcast %eq3A_3067 : i32 to vector<16xi32>
    %eq3A_3069 = arith.cmpi eq, %min3A_3032, %eq3A_3068 : vector<16xi32>
    %jit3A_3070 = arith.constant -3.000000e+38 : f32
    %broadcast_in_dim3A_3071 = vector.broadcast %jit3A_3070 : f32 to vector<16xf32>
    %select_n3A_3072 = arith.select %eq3A_3069, %broadcast_in_dim3A_3071, %get3A_2937 : vector<16xi1>, vector<16xf32>
    %max3A_3073 = arith.maximumf %max3A_3066, %select_n3A_3072 : vector<16xf32>
    %eq3A_3074 = arith.constant 6 : i32
    %eq3A_3075 = vector.broadcast %eq3A_3074 : i32 to vector<16xi32>
    %eq3A_3076 = arith.cmpi eq, %min3A_3032, %eq3A_3075 : vector<16xi32>
    %jit3A_3077 = arith.constant -3.000000e+38 : f32
    %broadcast_in_dim3A_3078 = vector.broadcast %jit3A_3077 : f32 to vector<16xf32>
    %select_n3A_3079 = arith.select %eq3A_3076, %broadcast_in_dim3A_3078, %get3A_2942 : vector<16xi1>, vector<16xf32>
    %max3A_3080 = arith.maximumf %max3A_3073, %select_n3A_3079 : vector<16xf32>
    %eq3A_3081 = arith.constant 7 : i32
    %eq3A_3082 = vector.broadcast %eq3A_3081 : i32 to vector<16xi32>
    %eq3A_3083 = arith.cmpi eq, %min3A_3032, %eq3A_3082 : vector<16xi32>
    %jit3A_3084 = arith.constant -3.000000e+38 : f32
    %broadcast_in_dim3A_3085 = vector.broadcast %jit3A_3084 : f32 to vector<16xf32>
    %select_n3A_3086 = arith.select %eq3A_3083, %broadcast_in_dim3A_3085, %get3A_2947 : vector<16xi1>, vector<16xf32>
    %max3A_3087 = arith.maximumf %max3A_3080, %select_n3A_3086 : vector<16xf32>
    %eq3A_3088 = arith.cmpf oeq, %get3A_2912, %max3A_3087 : vector<16xf32>
    %ne3A_3089 = arith.constant 0 : i32
    %ne3A_3090 = vector.broadcast %ne3A_3089 : i32 to vector<16xi32>
    %ne3A_3091 = arith.cmpi ne, %min3A_3032, %ne3A_3090 : vector<16xi32>
    %and3A_3092 = arith.andi %eq3A_3088, %ne3A_3091 : vector<16xi1>
    %jit3A_3093 = arith.constant 0 : i32
    %jit3A_3094 = arith.constant 8 : i32
    %broadcast_in_dim3A_3095 = vector.broadcast %jit3A_3093 : i32 to vector<16xi32>
    %broadcast_in_dim3A_3096 = vector.broadcast %jit3A_3094 : i32 to vector<16xi32>
    %select_n3A_3097 = arith.select %and3A_3092, %broadcast_in_dim3A_3095, %broadcast_in_dim3A_3096 : vector<16xi1>, vector<16xi32>
    %eq3A_3098 = arith.cmpf oeq, %get3A_2917, %max3A_3087 : vector<16xf32>
    %ne3A_3099 = arith.constant 1 : i32
    %ne3A_3100 = vector.broadcast %ne3A_3099 : i32 to vector<16xi32>
    %ne3A_3101 = arith.cmpi ne, %min3A_3032, %ne3A_3100 : vector<16xi32>
    %and3A_3102 = arith.andi %eq3A_3098, %ne3A_3101 : vector<16xi1>
    %jit3A_3103 = arith.constant 1 : i32
    %jit3A_3104 = arith.constant 8 : i32
    %broadcast_in_dim3A_3105 = vector.broadcast %jit3A_3103 : i32 to vector<16xi32>
    %broadcast_in_dim3A_3106 = vector.broadcast %jit3A_3104 : i32 to vector<16xi32>
    %select_n3A_3107 = arith.select %and3A_3102, %broadcast_in_dim3A_3105, %broadcast_in_dim3A_3106 : vector<16xi1>, vector<16xi32>
    %min3A_3108 = arith.minsi %select_n3A_3097, %select_n3A_3107 : vector<16xi32>
    %eq3A_3109 = arith.cmpf oeq, %get3A_2922, %max3A_3087 : vector<16xf32>
    %ne3A_3110 = arith.constant 2 : i32
    %ne3A_3111 = vector.broadcast %ne3A_3110 : i32 to vector<16xi32>
    %ne3A_3112 = arith.cmpi ne, %min3A_3032, %ne3A_3111 : vector<16xi32>
    %and3A_3113 = arith.andi %eq3A_3109, %ne3A_3112 : vector<16xi1>
    %jit3A_3114 = arith.constant 2 : i32
    %jit3A_3115 = arith.constant 8 : i32
    %broadcast_in_dim3A_3116 = vector.broadcast %jit3A_3114 : i32 to vector<16xi32>
    %broadcast_in_dim3A_3117 = vector.broadcast %jit3A_3115 : i32 to vector<16xi32>
    %select_n3A_3118 = arith.select %and3A_3113, %broadcast_in_dim3A_3116, %broadcast_in_dim3A_3117 : vector<16xi1>, vector<16xi32>
    %min3A_3119 = arith.minsi %min3A_3108, %select_n3A_3118 : vector<16xi32>
    %eq3A_3120 = arith.cmpf oeq, %get3A_2927, %max3A_3087 : vector<16xf32>
    %ne3A_3121 = arith.constant 3 : i32
    %ne3A_3122 = vector.broadcast %ne3A_3121 : i32 to vector<16xi32>
    %ne3A_3123 = arith.cmpi ne, %min3A_3032, %ne3A_3122 : vector<16xi32>
    %and3A_3124 = arith.andi %eq3A_3120, %ne3A_3123 : vector<16xi1>
    %jit3A_3125 = arith.constant 3 : i32
    %jit3A_3126 = arith.constant 8 : i32
    %broadcast_in_dim3A_3127 = vector.broadcast %jit3A_3125 : i32 to vector<16xi32>
    %broadcast_in_dim3A_3128 = vector.broadcast %jit3A_3126 : i32 to vector<16xi32>
    %select_n3A_3129 = arith.select %and3A_3124, %broadcast_in_dim3A_3127, %broadcast_in_dim3A_3128 : vector<16xi1>, vector<16xi32>
    %min3A_3130 = arith.minsi %min3A_3119, %select_n3A_3129 : vector<16xi32>
    %eq3A_3131 = arith.cmpf oeq, %get3A_2932, %max3A_3087 : vector<16xf32>
    %ne3A_3132 = arith.constant 4 : i32
    %ne3A_3133 = vector.broadcast %ne3A_3132 : i32 to vector<16xi32>
    %ne3A_3134 = arith.cmpi ne, %min3A_3032, %ne3A_3133 : vector<16xi32>
    %and3A_3135 = arith.andi %eq3A_3131, %ne3A_3134 : vector<16xi1>
    %jit3A_3136 = arith.constant 4 : i32
    %jit3A_3137 = arith.constant 8 : i32
    %broadcast_in_dim3A_3138 = vector.broadcast %jit3A_3136 : i32 to vector<16xi32>
    %broadcast_in_dim3A_3139 = vector.broadcast %jit3A_3137 : i32 to vector<16xi32>
    %select_n3A_3140 = arith.select %and3A_3135, %broadcast_in_dim3A_3138, %broadcast_in_dim3A_3139 : vector<16xi1>, vector<16xi32>
    %min3A_3141 = arith.minsi %min3A_3130, %select_n3A_3140 : vector<16xi32>
    %eq3A_3142 = arith.cmpf oeq, %get3A_2937, %max3A_3087 : vector<16xf32>
    %ne3A_3143 = arith.constant 5 : i32
    %ne3A_3144 = vector.broadcast %ne3A_3143 : i32 to vector<16xi32>
    %ne3A_3145 = arith.cmpi ne, %min3A_3032, %ne3A_3144 : vector<16xi32>
    %and3A_3146 = arith.andi %eq3A_3142, %ne3A_3145 : vector<16xi1>
    %jit3A_3147 = arith.constant 5 : i32
    %jit3A_3148 = arith.constant 8 : i32
    %broadcast_in_dim3A_3149 = vector.broadcast %jit3A_3147 : i32 to vector<16xi32>
    %broadcast_in_dim3A_3150 = vector.broadcast %jit3A_3148 : i32 to vector<16xi32>
    %select_n3A_3151 = arith.select %and3A_3146, %broadcast_in_dim3A_3149, %broadcast_in_dim3A_3150 : vector<16xi1>, vector<16xi32>
    %min3A_3152 = arith.minsi %min3A_3141, %select_n3A_3151 : vector<16xi32>
    %eq3A_3153 = arith.cmpf oeq, %get3A_2942, %max3A_3087 : vector<16xf32>
    %ne3A_3154 = arith.constant 6 : i32
    %ne3A_3155 = vector.broadcast %ne3A_3154 : i32 to vector<16xi32>
    %ne3A_3156 = arith.cmpi ne, %min3A_3032, %ne3A_3155 : vector<16xi32>
    %and3A_3157 = arith.andi %eq3A_3153, %ne3A_3156 : vector<16xi1>
    %jit3A_3158 = arith.constant 6 : i32
    %jit3A_3159 = arith.constant 8 : i32
    %broadcast_in_dim3A_3160 = vector.broadcast %jit3A_3158 : i32 to vector<16xi32>
    %broadcast_in_dim3A_3161 = vector.broadcast %jit3A_3159 : i32 to vector<16xi32>
    %select_n3A_3162 = arith.select %and3A_3157, %broadcast_in_dim3A_3160, %broadcast_in_dim3A_3161 : vector<16xi1>, vector<16xi32>
    %min3A_3163 = arith.minsi %min3A_3152, %select_n3A_3162 : vector<16xi32>
    %eq3A_3164 = arith.cmpf oeq, %get3A_2947, %max3A_3087 : vector<16xf32>
    %ne3A_3165 = arith.constant 7 : i32
    %ne3A_3166 = vector.broadcast %ne3A_3165 : i32 to vector<16xi32>
    %ne3A_3167 = arith.cmpi ne, %min3A_3032, %ne3A_3166 : vector<16xi32>
    %and3A_3168 = arith.andi %eq3A_3164, %ne3A_3167 : vector<16xi1>
    %jit3A_3169 = arith.constant 7 : i32
    %jit3A_3170 = arith.constant 8 : i32
    %broadcast_in_dim3A_3171 = vector.broadcast %jit3A_3169 : i32 to vector<16xi32>
    %broadcast_in_dim3A_3172 = vector.broadcast %jit3A_3170 : i32 to vector<16xi32>
    %select_n3A_3173 = arith.select %and3A_3168, %broadcast_in_dim3A_3171, %broadcast_in_dim3A_3172 : vector<16xi1>, vector<16xi32>
    %min3A_3174 = arith.minsi %min3A_3163, %select_n3A_3173 : vector<16xi32>
    %eq3A_3175 = arith.constant 0 : i32
    %eq3A_3176 = vector.broadcast %eq3A_3175 : i32 to vector<16xi32>
    %eq3A_3177 = arith.cmpi eq, %min3A_3032, %eq3A_3176 : vector<16xi32>
    %eq3A_3178 = arith.constant 0 : i32
    %eq3A_3179 = vector.broadcast %eq3A_3178 : i32 to vector<16xi32>
    %eq3A_3180 = arith.cmpi eq, %min3A_3174, %eq3A_3179 : vector<16xi32>
    %or3A_3181 = arith.ori %eq3A_3177, %eq3A_3180 : vector<16xi1>
    %jit3A_3182 = arith.constant 0.000000e+00 : f32
    %broadcast_in_dim3A_3183 = vector.broadcast %jit3A_3182 : f32 to vector<16xf32>
    %select_n3A_3184 = arith.select %or3A_3181, %exp3A_2956, %broadcast_in_dim3A_3183 : vector<16xi1>, vector<16xf32>
    %eq3A_3185 = arith.constant 1 : i32
    %eq3A_3186 = vector.broadcast %eq3A_3185 : i32 to vector<16xi32>
    %eq3A_3187 = arith.cmpi eq, %min3A_3032, %eq3A_3186 : vector<16xi32>
    %eq3A_3188 = arith.constant 1 : i32
    %eq3A_3189 = vector.broadcast %eq3A_3188 : i32 to vector<16xi32>
    %eq3A_3190 = arith.cmpi eq, %min3A_3174, %eq3A_3189 : vector<16xi32>
    %or3A_3191 = arith.ori %eq3A_3187, %eq3A_3190 : vector<16xi1>
    %jit3A_3192 = arith.constant 0.000000e+00 : f32
    %broadcast_in_dim3A_3193 = vector.broadcast %jit3A_3192 : f32 to vector<16xf32>
    %select_n3A_3194 = arith.select %or3A_3191, %exp3A_2958, %broadcast_in_dim3A_3193 : vector<16xi1>, vector<16xf32>
    %add3A_3195 = arith.addf %select_n3A_3184, %select_n3A_3194 : vector<16xf32>
    %eq3A_3196 = arith.constant 2 : i32
    %eq3A_3197 = vector.broadcast %eq3A_3196 : i32 to vector<16xi32>
    %eq3A_3198 = arith.cmpi eq, %min3A_3032, %eq3A_3197 : vector<16xi32>
    %eq3A_3199 = arith.constant 2 : i32
    %eq3A_3200 = vector.broadcast %eq3A_3199 : i32 to vector<16xi32>
    %eq3A_3201 = arith.cmpi eq, %min3A_3174, %eq3A_3200 : vector<16xi32>
    %or3A_3202 = arith.ori %eq3A_3198, %eq3A_3201 : vector<16xi1>
    %jit3A_3203 = arith.constant 0.000000e+00 : f32
    %broadcast_in_dim3A_3204 = vector.broadcast %jit3A_3203 : f32 to vector<16xf32>
    %select_n3A_3205 = arith.select %or3A_3202, %exp3A_2960, %broadcast_in_dim3A_3204 : vector<16xi1>, vector<16xf32>
    %add3A_3206 = arith.addf %add3A_3195, %select_n3A_3205 : vector<16xf32>
    %eq3A_3207 = arith.constant 3 : i32
    %eq3A_3208 = vector.broadcast %eq3A_3207 : i32 to vector<16xi32>
    %eq3A_3209 = arith.cmpi eq, %min3A_3032, %eq3A_3208 : vector<16xi32>
    %eq3A_3210 = arith.constant 3 : i32
    %eq3A_3211 = vector.broadcast %eq3A_3210 : i32 to vector<16xi32>
    %eq3A_3212 = arith.cmpi eq, %min3A_3174, %eq3A_3211 : vector<16xi32>
    %or3A_3213 = arith.ori %eq3A_3209, %eq3A_3212 : vector<16xi1>
    %jit3A_3214 = arith.constant 0.000000e+00 : f32
    %broadcast_in_dim3A_3215 = vector.broadcast %jit3A_3214 : f32 to vector<16xf32>
    %select_n3A_3216 = arith.select %or3A_3213, %exp3A_2962, %broadcast_in_dim3A_3215 : vector<16xi1>, vector<16xf32>
    %add3A_3217 = arith.addf %add3A_3206, %select_n3A_3216 : vector<16xf32>
    %eq3A_3218 = arith.constant 4 : i32
    %eq3A_3219 = vector.broadcast %eq3A_3218 : i32 to vector<16xi32>
    %eq3A_3220 = arith.cmpi eq, %min3A_3032, %eq3A_3219 : vector<16xi32>
    %eq3A_3221 = arith.constant 4 : i32
    %eq3A_3222 = vector.broadcast %eq3A_3221 : i32 to vector<16xi32>
    %eq3A_3223 = arith.cmpi eq, %min3A_3174, %eq3A_3222 : vector<16xi32>
    %or3A_3224 = arith.ori %eq3A_3220, %eq3A_3223 : vector<16xi1>
    %jit3A_3225 = arith.constant 0.000000e+00 : f32
    %broadcast_in_dim3A_3226 = vector.broadcast %jit3A_3225 : f32 to vector<16xf32>
    %select_n3A_3227 = arith.select %or3A_3224, %exp3A_2964, %broadcast_in_dim3A_3226 : vector<16xi1>, vector<16xf32>
    %add3A_3228 = arith.addf %add3A_3217, %select_n3A_3227 : vector<16xf32>
    %eq3A_3229 = arith.constant 5 : i32
    %eq3A_3230 = vector.broadcast %eq3A_3229 : i32 to vector<16xi32>
    %eq3A_3231 = arith.cmpi eq, %min3A_3032, %eq3A_3230 : vector<16xi32>
    %eq3A_3232 = arith.constant 5 : i32
    %eq3A_3233 = vector.broadcast %eq3A_3232 : i32 to vector<16xi32>
    %eq3A_3234 = arith.cmpi eq, %min3A_3174, %eq3A_3233 : vector<16xi32>
    %or3A_3235 = arith.ori %eq3A_3231, %eq3A_3234 : vector<16xi1>
    %jit3A_3236 = arith.constant 0.000000e+00 : f32
    %broadcast_in_dim3A_3237 = vector.broadcast %jit3A_3236 : f32 to vector<16xf32>
    %select_n3A_3238 = arith.select %or3A_3235, %exp3A_2966, %broadcast_in_dim3A_3237 : vector<16xi1>, vector<16xf32>
    %add3A_3239 = arith.addf %add3A_3228, %select_n3A_3238 : vector<16xf32>
    %eq3A_3240 = arith.constant 6 : i32
    %eq3A_3241 = vector.broadcast %eq3A_3240 : i32 to vector<16xi32>
    %eq3A_3242 = arith.cmpi eq, %min3A_3032, %eq3A_3241 : vector<16xi32>
    %eq3A_3243 = arith.constant 6 : i32
    %eq3A_3244 = vector.broadcast %eq3A_3243 : i32 to vector<16xi32>
    %eq3A_3245 = arith.cmpi eq, %min3A_3174, %eq3A_3244 : vector<16xi32>
    %or3A_3246 = arith.ori %eq3A_3242, %eq3A_3245 : vector<16xi1>
    %jit3A_3247 = arith.constant 0.000000e+00 : f32
    %broadcast_in_dim3A_3248 = vector.broadcast %jit3A_3247 : f32 to vector<16xf32>
    %select_n3A_3249 = arith.select %or3A_3246, %exp3A_2968, %broadcast_in_dim3A_3248 : vector<16xi1>, vector<16xf32>
    %add3A_3250 = arith.addf %add3A_3239, %select_n3A_3249 : vector<16xf32>
    %eq3A_3251 = arith.constant 7 : i32
    %eq3A_3252 = vector.broadcast %eq3A_3251 : i32 to vector<16xi32>
    %eq3A_3253 = arith.cmpi eq, %min3A_3032, %eq3A_3252 : vector<16xi32>
    %eq3A_3254 = arith.constant 7 : i32
    %eq3A_3255 = vector.broadcast %eq3A_3254 : i32 to vector<16xi32>
    %eq3A_3256 = arith.cmpi eq, %min3A_3174, %eq3A_3255 : vector<16xi32>
    %or3A_3257 = arith.ori %eq3A_3253, %eq3A_3256 : vector<16xi1>
    %jit3A_3258 = arith.constant 0.000000e+00 : f32
    %broadcast_in_dim3A_3259 = vector.broadcast %jit3A_3258 : f32 to vector<16xf32>
    %select_n3A_3260 = arith.select %or3A_3257, %exp3A_2970, %broadcast_in_dim3A_3259 : vector<16xi1>, vector<16xf32>
    %add3A_3261 = arith.addf %add3A_3250, %select_n3A_3260 : vector<16xf32>
    %mul3A_3262 = arith.constant 9.99999997E-7 : f32
    %mul3A_3263 = vector.broadcast %mul3A_3262 : f32 to vector<16xf32>
    %mul3A_3264 = arith.mulf %mul3A_3263, %add3A_2977 : vector<16xf32>
    %add3A_3265 = arith.addf %add3A_3261, %mul3A_3264 : vector<16xf32>
    %div3A_3266 = arith.constant 1.000000e+00 : f32
    %div3A_3267 = vector.broadcast %div3A_3266 : f32 to vector<16xf32>
    %div3A_3268 = arith.divf %div3A_3267, %add3A_3265 : vector<16xf32>
    %mul3A_3269 = arith.mulf %select_n3A_3184, %div3A_3268 : vector<16xf32>
    %swap3A_3270 = arith.constant 0 : i32
    %swap3A_3271 = arith.index_cast %swap3A_3270 : i32 to index
    %swap3A_3272 = arith.constant 112 : index
    %swap3A_3273 = tpu.vector_load %arg5[%swap3A_3271, %swap3A_3272] {strides = array<i32>} : memref<8x128xf32, #tpu.memory_space<vmem>>, vector<1x16xf32>,
    %swap3A_3274 = vector.shape_cast %swap3A_3273 : vector<1x16xf32> to vector<16xf32>
    %swap3A_3275 = vector.shape_cast %mul3A_3269 : vector<16xf32> to vector<1x16xf32>
    tpu.vector_store %arg5[%swap3A_3271, %swap3A_3272], %swap3A_3275 {strides = array<i32>} : memref<8x128xf32, #tpu.memory_space<vmem>>, vector<1x16xf32>,
    %mul3A_3276 = arith.mulf %select_n3A_3194, %div3A_3268 : vector<16xf32>
    %swap3A_3277 = arith.constant 1 : i32
    %swap3A_3278 = arith.index_cast %swap3A_3277 : i32 to index
    %swap3A_3279 = arith.constant 112 : index
    %swap3A_3280 = tpu.vector_load %arg5[%swap3A_3278, %swap3A_3279] {strides = array<i32>} : memref<8x128xf32, #tpu.memory_space<vmem>>, vector<1x16xf32>,
    %swap3A_3281 = vector.shape_cast %swap3A_3280 : vector<1x16xf32> to vector<16xf32>
    %swap3A_3282 = vector.shape_cast %mul3A_3276 : vector<16xf32> to vector<1x16xf32>
    tpu.vector_store %arg5[%swap3A_3278, %swap3A_3279], %swap3A_3282 {strides = array<i32>} : memref<8x128xf32, #tpu.memory_space<vmem>>, vector<1x16xf32>,
    %mul3A_3283 = arith.mulf %select_n3A_3205, %div3A_3268 : vector<16xf32>
    %swap3A_3284 = arith.constant 2 : i32
    %swap3A_3285 = arith.index_cast %swap3A_3284 : i32 to index
    %swap3A_3286 = arith.constant 112 : index
    %swap3A_3287 = tpu.vector_load %arg5[%swap3A_3285, %swap3A_3286] {strides = array<i32>} : memref<8x128xf32, #tpu.memory_space<vmem>>, vector<1x16xf32>,
    %swap3A_3288 = vector.shape_cast %swap3A_3287 : vector<1x16xf32> to vector<16xf32>
    %swap3A_3289 = vector.shape_cast %mul3A_3283 : vector<16xf32> to vector<1x16xf32>
    tpu.vector_store %arg5[%swap3A_3285, %swap3A_3286], %swap3A_3289 {strides = array<i32>} : memref<8x128xf32, #tpu.memory_space<vmem>>, vector<1x16xf32>,
    %mul3A_3290 = arith.mulf %select_n3A_3216, %div3A_3268 : vector<16xf32>
    %swap3A_3291 = arith.constant 3 : i32
    %swap3A_3292 = arith.index_cast %swap3A_3291 : i32 to index
    %swap3A_3293 = arith.constant 112 : index
    %swap3A_3294 = tpu.vector_load %arg5[%swap3A_3292, %swap3A_3293] {strides = array<i32>} : memref<8x128xf32, #tpu.memory_space<vmem>>, vector<1x16xf32>,
    %swap3A_3295 = vector.shape_cast %swap3A_3294 : vector<1x16xf32> to vector<16xf32>
    %swap3A_3296 = vector.shape_cast %mul3A_3290 : vector<16xf32> to vector<1x16xf32>
    tpu.vector_store %arg5[%swap3A_3292, %swap3A_3293], %swap3A_3296 {strides = array<i32>} : memref<8x128xf32, #tpu.memory_space<vmem>>, vector<1x16xf32>,
    %mul3A_3297 = arith.mulf %select_n3A_3227, %div3A_3268 : vector<16xf32>
    %swap3A_3298 = arith.constant 4 : i32
    %swap3A_3299 = arith.index_cast %swap3A_3298 : i32 to index
    %swap3A_3300 = arith.constant 112 : index
    %swap3A_3301 = tpu.vector_load %arg5[%swap3A_3299, %swap3A_3300] {strides = array<i32>} : memref<8x128xf32, #tpu.memory_space<vmem>>, vector<1x16xf32>,
    %swap3A_3302 = vector.shape_cast %swap3A_3301 : vector<1x16xf32> to vector<16xf32>
    %swap3A_3303 = vector.shape_cast %mul3A_3297 : vector<16xf32> to vector<1x16xf32>
    tpu.vector_store %arg5[%swap3A_3299, %swap3A_3300], %swap3A_3303 {strides = array<i32>} : memref<8x128xf32, #tpu.memory_space<vmem>>, vector<1x16xf32>,
    %mul3A_3304 = arith.mulf %select_n3A_3238, %div3A_3268 : vector<16xf32>
    %swap3A_3305 = arith.constant 5 : i32
    %swap3A_3306 = arith.index_cast %swap3A_3305 : i32 to index
    %swap3A_3307 = arith.constant 112 : index
    %swap3A_3308 = tpu.vector_load %arg5[%swap3A_3306, %swap3A_3307] {strides = array<i32>} : memref<8x128xf32, #tpu.memory_space<vmem>>, vector<1x16xf32>,
    %swap3A_3309 = vector.shape_cast %swap3A_3308 : vector<1x16xf32> to vector<16xf32>
    %swap3A_3310 = vector.shape_cast %mul3A_3304 : vector<16xf32> to vector<1x16xf32>
    tpu.vector_store %arg5[%swap3A_3306, %swap3A_3307], %swap3A_3310 {strides = array<i32>} : memref<8x128xf32, #tpu.memory_space<vmem>>, vector<1x16xf32>,
    %mul3A_3311 = arith.mulf %select_n3A_3249, %div3A_3268 : vector<16xf32>
    %swap3A_3312 = arith.constant 6 : i32
    %swap3A_3313 = arith.index_cast %swap3A_3312 : i32 to index
    %swap3A_3314 = arith.constant 112 : index
    %swap3A_3315 = tpu.vector_load %arg5[%swap3A_3313, %swap3A_3314] {strides = array<i32>} : memref<8x128xf32, #tpu.memory_space<vmem>>, vector<1x16xf32>,
    %swap3A_3316 = vector.shape_cast %swap3A_3315 : vector<1x16xf32> to vector<16xf32>
    %swap3A_3317 = vector.shape_cast %mul3A_3311 : vector<16xf32> to vector<1x16xf32>
    tpu.vector_store %arg5[%swap3A_3313, %swap3A_3314], %swap3A_3317 {strides = array<i32>} : memref<8x128xf32, #tpu.memory_space<vmem>>, vector<1x16xf32>,
    %mul3A_3318 = arith.mulf %select_n3A_3260, %div3A_3268 : vector<16xf32>
    %swap3A_3319 = arith.constant 7 : i32
    %swap3A_3320 = arith.index_cast %swap3A_3319 : i32 to index
    %swap3A_3321 = arith.constant 112 : index
    %swap3A_3322 = tpu.vector_load %arg5[%swap3A_3320, %swap3A_3321] {strides = array<i32>} : memref<8x128xf32, #tpu.memory_space<vmem>>, vector<1x16xf32>,
    %swap3A_3323 = vector.shape_cast %swap3A_3322 : vector<1x16xf32> to vector<16xf32>
    %swap3A_3324 = vector.shape_cast %mul3A_3318 : vector<16xf32> to vector<1x16xf32>
    tpu.vector_store %arg5[%swap3A_3320, %swap3A_3321], %swap3A_3324 {strides = array<i32>} : memref<8x128xf32, #tpu.memory_space<vmem>>, vector<1x16xf32>,
    "tpu.region"() ({
      %run_scoped3A = tpu.sem_alloc : memref<!tpu.dma_semaphore, #tpu.memory_space<semaphore_mem>>
      %dma_start3A = arith.constant 0 : i32
      %dma_start3A_3325 = tpu.memref_slice %arg3[%dma_start3A, %mul3A_2] : memref<8x4096xf32, #tpu.memory_space<hbm>> -> memref<8x128xf32, #tpu.memory_space<hbm>>
      %dma_start3A_3326 = arith.constant 0 : i32
      %dma_start3A_3327 = tpu.memref_slice %arg3[%dma_start3A_3326, %mul3A_2] : memref<8x4096xf32, #tpu.memory_space<hbm>> -> memref<8x128xf32, #tpu.memory_space<hbm>>
      tpu.enqueue_dma source(%arg5 : memref<8x128xf32, #tpu.memory_space<vmem>>) target(%dma_start3A_3327 : memref<8x128xf32, #tpu.memory_space<hbm>>) target_semaphore(%run_scoped3A : memref<!tpu.dma_semaphore, #tpu.memory_space<semaphore_mem>>)
      %dma_wait3A = arith.constant 0 : i32
      %dma_wait3A_3328 = tpu.memref_slice %arg3[%dma_wait3A, %mul3A_2] : memref<8x4096xf32, #tpu.memory_space<hbm>> -> memref<8x128xf32, #tpu.memory_space<hbm>>
      %dma_wait3A_3329 = arith.constant 0 : i32
      %dma_wait3A_3330 = tpu.memref_slice %arg3[%dma_wait3A_3329, %mul3A_2] : memref<8x4096xf32, #tpu.memory_space<hbm>> -> memref<8x128xf32, #tpu.memory_space<hbm>>
      tpu.wait_dma2 semaphore(%run_scoped3A : memref<!tpu.dma_semaphore, #tpu.memory_space<semaphore_mem>>) src(%arg5 : memref<8x128xf32, #tpu.memory_space<vmem>>) dst(%dma_wait3A_3330 : memref<8x128xf32, #tpu.memory_space<hbm>>)
      tpu.yield
    }) : () -> ()
    return
  }
}

module attributes {stable_mosaic.version = 14 : i64} {
  func.func @_tc1(%arg0: i32, %arg1: memref<1024x1024xf32, #tpu.memory_space<vmem>>, %arg2: memref<1024x1024xf32, #tpu.memory_space<vmem>>, %arg3: memref<1x1024xf32, #tpu.memory_space<vmem>>, %arg4: memref<8x1024xf32, #tpu.memory_space<vmem>>, %arg5: memref<128x1024xbf16, #tpu.memory_space<vmem>>, %arg6: memref<1024x1024xf32, #tpu.memory_space<vmem>>, %arg7: memref<8x1024xf32, #tpu.memory_space<vmem>>, %arg8: memref<1024x128xf32, #tpu.memory_space<vmem>>, %arg9: memref<1024x1024xbf16, #tpu.memory_space<vmem>>) attributes {dimension_semantics = [#tpu.dimension_semantics<arbitrary>], iteration_bounds = array<i64: 4>, scalar_prefetch = 0 : i64, scratch_operands = 1 : i64, tpu.core_type = #tpu.core_type<tc>, window_params = [{transform_indices = @transform_0, window_bounds = array<i64: 1024, 1024>}, {pipeline_mode = #tpu.pipeline_mode<synchronous>, transform_indices = @transform_1, window_bounds = array<i64: 1024, 1024>}, {pipeline_mode = #tpu.pipeline_mode<synchronous>, transform_indices = @transform_2, window_bounds = array<i64: 1, 1024>}, {pipeline_mode = #tpu.pipeline_mode<synchronous>, transform_indices = @transform_3, window_bounds = array<i64: 8, 1024>}, {pipeline_mode = #tpu.pipeline_mode<synchronous>, transform_indices = @transform_4, window_bounds = array<i64: 128, 1024>}, {transform_indices = @transform_5, window_bounds = array<i64: 1024, 1024>}, {transform_indices = @transform_6, window_bounds = array<i64: 8, 1024>}, {transform_indices = @transform_7, window_bounds = array<i64: 1024, 128>}]} {
    %eq3A = arith.constant 0 : i32
    %eq3A_0 = arith.cmpi eq, %arg0, %eq3A : i32
    %convert_element_type3A = arith.extui %eq3A_0 : i1 to i32
    %cond3A = arith.constant 0 : i32
    %cond3A_1 = arith.cmpi ne, %convert_element_type3A, %cond3A : i32
    scf.if %cond3A_1 {
      %get3A_31 = arith.constant 0 : index
      %get3A_32 = arith.constant 0 : index
      %get3A_33 = vector.load %arg2[%get3A_31, %get3A_32] : memref<1024x1024xf32, #tpu.memory_space<vmem>>, vector<1024x1024xf32>
      %convert_element_type3A_34 = arith.truncf %get3A_33 : vector<1024x1024xf32> to vector<1024x1024xbf16>
      %swap3A_35 = arith.constant 0 : index
      %swap3A_36 = arith.constant 0 : index
      %swap3A_37 = vector.load %arg9[%swap3A_35, %swap3A_36] : memref<1024x1024xbf16, #tpu.memory_space<vmem>>, vector<1024x1024xbf16>
      tpu.vector_store %arg9[%swap3A_35, %swap3A_36], %convert_element_type3A_34 {strides = array<i32>} : memref<1024x1024xbf16, #tpu.memory_space<vmem>>, vector<1024x1024xbf16>,
    } else {
    }
    %get3A = arith.constant 0 : index
    %get3A_2 = arith.constant 0 : index
    %get3A_3 = vector.load %arg1[%get3A, %get3A_2] : memref<1024x1024xf32, #tpu.memory_space<vmem>>, vector<1024x1024xf32>
    %convert_element_type3A_4 = arith.truncf %get3A_3 : vector<1024x1024xf32> to vector<1024x1024xbf16>
    %get3A_5 = arith.constant 0 : index
    %get3A_6 = arith.constant 0 : index
    %get3A_7 = vector.load %arg4[%get3A_5, %get3A_6] : memref<8x1024xf32, #tpu.memory_space<vmem>>, vector<8x1024xf32>
    %dot_general3A = arith.constant dense<0.000000e+00> : vector<8x1024xf32>
    %dot_general3A_8 = tpu.matmul %get3A_7, %get3A_3, %dot_general3A {dimension_numbers = #tpu.dot_dimension_numbers<[1], [1], [0], [0], [0, 0, 1, 0], [], []>, transpose_lhs_hint = false} : vector<8x1024xf32>, vector<1024x1024xf32>, vector<8x1024xf32> -> vector<8x1024xf32>
    %swap3A = arith.constant 0 : index
    %swap3A_9 = arith.constant 0 : index
    %swap3A_10 = vector.load %arg7[%swap3A, %swap3A_9] : memref<8x1024xf32, #tpu.memory_space<vmem>>, vector<8x1024xf32>
    tpu.vector_store %arg7[%swap3A, %swap3A_9], %dot_general3A_8 {strides = array<i32>} : memref<8x1024xf32, #tpu.memory_space<vmem>>, vector<8x1024xf32>,
    %get3A_11 = arith.constant 0 : index
    %get3A_12 = arith.constant 0 : index
    %get3A_13 = vector.load %arg5[%get3A_11, %get3A_12] : memref<128x1024xbf16, #tpu.memory_space<vmem>>, vector<128x1024xbf16>
    %dot_general3A_14 = arith.constant dense<0.000000e+00> : vector<1024x128xf32>
    %dot_general3A_15 = tpu.matmul %convert_element_type3A_4, %get3A_13, %dot_general3A_14 {dimension_numbers = #tpu.dot_dimension_numbers<[1], [1], [0], [0], [0, 0, 1, 0], [], []>, transpose_lhs_hint = false} : vector<1024x1024xbf16>, vector<128x1024xbf16>, vector<1024x128xf32> -> vector<1024x128xf32>
    %swap3A_16 = arith.constant 0 : index
    %swap3A_17 = arith.constant 0 : index
    %swap3A_18 = vector.load %arg8[%swap3A_16, %swap3A_17] : memref<1024x128xf32, #tpu.memory_space<vmem>>, vector<1024x128xf32>
    tpu.vector_store %arg8[%swap3A_16, %swap3A_17], %dot_general3A_15 {strides = array<i32>} : memref<1024x128xf32, #tpu.memory_space<vmem>>, vector<1024x128xf32>,
    %get3A_19 = arith.constant 0 : index
    %get3A_20 = arith.constant 0 : index
    %get3A_21 = vector.load %arg9[%get3A_19, %get3A_20] : memref<1024x1024xbf16, #tpu.memory_space<vmem>>, vector<1024x1024xbf16>
    %dot_general3A_22 = arith.constant dense<0.000000e+00> : vector<1024x1024xf32>
    %dot_general3A_23 = tpu.matmul %convert_element_type3A_4, %get3A_21, %dot_general3A_22 {dimension_numbers = #tpu.dot_dimension_numbers<[1], [1], [0], [0], [0, 0, 1, 0], [], []>, transpose_lhs_hint = false} : vector<1024x1024xbf16>, vector<1024x1024xbf16>, vector<1024x1024xf32> -> vector<1024x1024xf32>
    %get3A_24 = arith.constant 0 : index
    %get3A_25 = arith.constant 0 : index
    %get3A_26 = vector.load %arg3[%get3A_24, %get3A_25] : memref<1x1024xf32, #tpu.memory_space<vmem>>, vector<1x1024xf32>
    %add3A = vector.broadcast %get3A_26 : vector<1x1024xf32> to vector<1024x1024xf32>
    %add3A_27 = arith.addf %dot_general3A_23, %add3A : vector<1024x1024xf32>
    %swap3A_28 = arith.constant 0 : index
    %swap3A_29 = arith.constant 0 : index
    %swap3A_30 = vector.load %arg6[%swap3A_28, %swap3A_29] : memref<1024x1024xf32, #tpu.memory_space<vmem>>, vector<1024x1024xf32>
    tpu.vector_store %arg6[%swap3A_28, %swap3A_29], %add3A_27 {strides = array<i32>} : memref<1024x1024xf32, #tpu.memory_space<vmem>>, vector<1024x1024xf32>,
    return
  }
  func.func @transform_0(%arg0: i32) -> (i32, i32) {
    %c0_i32 = arith.constant 0 : i32
    %c0_i32_0 = arith.constant 0 : i32
    return %arg0, %c0_i32 : i32, i32
  }
  func.func @transform_1(%arg0: i32) -> (i32, i32) {
    %c0_i32 = arith.constant 0 : i32
    %c0_i32_0 = arith.constant 0 : i32
    %c0_i32_1 = arith.constant 0 : i32
    return %c0_i32, %c0_i32_0 : i32, i32
  }
  func.func @transform_2(%arg0: i32) -> (i32, i32) {
    %c0_i32 = arith.constant 0 : i32
    %c0_i32_0 = arith.constant 0 : i32
    %c0_i32_1 = arith.constant 0 : i32
    return %c0_i32, %c0_i32_0 : i32, i32
  }
  func.func @transform_3(%arg0: i32) -> (i32, i32) {
    %c0_i32 = arith.constant 0 : i32
    %c0_i32_0 = arith.constant 0 : i32
    %c0_i32_1 = arith.constant 0 : i32
    return %c0_i32, %c0_i32_0 : i32, i32
  }
  func.func @transform_4(%arg0: i32) -> (i32, i32) {
    %c0_i32 = arith.constant 0 : i32
    %c0_i32_0 = arith.constant 0 : i32
    %c0_i32_1 = arith.constant 0 : i32
    return %c0_i32, %c0_i32_0 : i32, i32
  }
  func.func @transform_5(%arg0: i32) -> (i32, i32) {
    %c0_i32 = arith.constant 0 : i32
    %c0_i32_0 = arith.constant 0 : i32
    return %arg0, %c0_i32 : i32, i32
  }
  func.func @transform_6(%arg0: i32) -> (i32, i32) {
    %c0_i32 = arith.constant 0 : i32
    %c0_i32_0 = arith.constant 0 : i32
    return %c0_i32, %arg0 : i32, i32
  }
  func.func @transform_7(%arg0: i32) -> (i32, i32) {
    %c0_i32 = arith.constant 0 : i32
    %c0_i32_0 = arith.constant 0 : i32
    return %arg0, %c0_i32 : i32, i32
  }
}

module attributes {stable_mosaic.version = 14 : i64} {
  func.func @_tc2(%arg0: i32, %arg1: memref<1024x1024xf32, #tpu.memory_space<vmem>>, %arg2: memref<1024x128xf32, #tpu.memory_space<vmem>>, %arg3: memref<8x1024xf32, #tpu.memory_space<vmem>>, %arg4: memref<128x1024xbf16, #tpu.memory_space<vmem>>, %arg5: memref<1024x1024xf32, #tpu.memory_space<vmem>>) attributes {dimension_semantics = [#tpu.dimension_semantics<arbitrary>], iteration_bounds = array<i64: 4>, scalar_prefetch = 0 : i64, scratch_operands = 0 : i64, tpu.core_type = #tpu.core_type<tc>, window_params = [{transform_indices = @transform_0, window_bounds = array<i64: 1024, 1024>}, {transform_indices = @transform_1, window_bounds = array<i64: 1024, 128>}, {transform_indices = @transform_2, window_bounds = array<i64: 8, 1024>}, {pipeline_mode = #tpu.pipeline_mode<synchronous>, transform_indices = @transform_3, window_bounds = array<i64: 128, 1024>}, {transform_indices = @transform_4, window_bounds = array<i64: 1024, 1024>}]} {
    %get3A = arith.constant 0 : index
    %get3A_0 = arith.constant 0 : index
    %get3A_1 = vector.load %arg3[%get3A, %get3A_0] : memref<8x1024xf32, #tpu.memory_space<vmem>>, vector<8x1024xf32>
    %convert_element_type3A = arith.truncf %get3A_1 : vector<8x1024xf32> to vector<8x1024xbf16>
    %iota3A = tpu.iota {dimensions = array<i32: 0>} : vector<8x128xi32>
    %iota3A_2 = tpu.iota {dimensions = array<i32: 1>} : vector<8x128xi32>
    %jit3A = arith.constant 16 : i32
    %div3A = vector.broadcast %jit3A : i32 to vector<8x128xi32>
    %div3A_3 = arith.divsi %iota3A_2, %div3A : vector<8x128xi32>
    %sign3A = arith.constant 0 : i32
    %sign3A_4 = vector.broadcast %sign3A : i32 to vector<8x128xi32>
    %sign3A_5 = arith.cmpi sgt, %iota3A_2, %sign3A_4 : vector<8x128xi32>
    %sign3A_6 = arith.extui %sign3A_5 : vector<8x128xi1> to vector<8x128xi32>
    %sign3A_7 = arith.constant 0 : i32
    %sign3A_8 = vector.broadcast %sign3A_7 : i32 to vector<8x128xi32>
    %sign3A_9 = arith.cmpi slt, %iota3A_2, %sign3A_8 : vector<8x128xi32>
    %sign3A_10 = arith.extui %sign3A_9 : vector<8x128xi1> to vector<8x128xi32>
    %sign3A_11 = arith.subi %sign3A_6, %sign3A_10 : vector<8x128xi32>
    %sign3A_12 = arith.constant 0 : i32
    %sign3A_13 = arith.cmpi sgt, %jit3A, %sign3A_12 : i32
    %sign3A_14 = arith.extui %sign3A_13 : i1 to i32
    %sign3A_15 = arith.constant 0 : i32
    %sign3A_16 = arith.cmpi slt, %jit3A, %sign3A_15 : i32
    %sign3A_17 = arith.extui %sign3A_16 : i1 to i32
    %sign3A_18 = arith.subi %sign3A_14, %sign3A_17 : i32
    %ne3A = vector.broadcast %sign3A_18 : i32 to vector<8x128xi32>
    %ne3A_19 = arith.cmpi ne, %sign3A_11, %ne3A : vector<8x128xi32>
    %rem3A = vector.broadcast %jit3A : i32 to vector<8x128xi32>
    %rem3A_20 = arith.remsi %iota3A_2, %rem3A : vector<8x128xi32>
    %ne3A_21 = arith.constant 0 : i32
    %ne3A_22 = vector.broadcast %ne3A_21 : i32 to vector<8x128xi32>
    %ne3A_23 = arith.cmpi ne, %rem3A_20, %ne3A_22 : vector<8x128xi32>
    %and3A = arith.andi %ne3A_19, %ne3A_23 : vector<8x128xi1>
    %sub3A = arith.constant 1 : i32
    %sub3A_24 = vector.broadcast %sub3A : i32 to vector<8x128xi32>
    %sub3A_25 = arith.subi %div3A_3, %sub3A_24 : vector<8x128xi32>
    %select_n3A = arith.select %and3A, %sub3A_25, %div3A_3 : vector<8x128xi1>, vector<8x128xi32>
    %eq3A = arith.cmpi eq, %select_n3A, %iota3A : vector<8x128xi32>
    %convert_element_type3A_26 = arith.extui %eq3A : vector<8x128xi1> to vector<8x128xi32>
    %convert_element_type3A_27 = arith.sitofp %convert_element_type3A_26 : vector<8x128xi32> to vector<8x128xf32>
    %convert_element_type3A_28 = arith.truncf %convert_element_type3A_27 : vector<8x128xf32> to vector<8x128xbf16>
    %dot_general3A = arith.constant dense<0.000000e+00> : vector<1024x128xf32>
    %dot_general3A_29 = tpu.matmul %convert_element_type3A, %convert_element_type3A_28, %dot_general3A {dimension_numbers = #tpu.dot_dimension_numbers<[0], [0], [1], [1], [0, 1, 1, 1], [], []>, transpose_lhs_hint = false} : vector<8x1024xbf16>, vector<8x128xbf16>, vector<1024x128xf32> -> vector<1024x128xf32>
    %get3A_30 = arith.constant 0 : index
    %get3A_31 = arith.constant 0 : index
    %get3A_32 = vector.load %arg2[%get3A_30, %get3A_31] : memref<1024x128xf32, #tpu.memory_space<vmem>>, vector<1024x128xf32>
    %mul3A = arith.mulf %get3A_32, %dot_general3A_29 : vector<1024x128xf32>
    %convert_element_type3A_33 = arith.truncf %mul3A : vector<1024x128xf32> to vector<1024x128xbf16>
    %get3A_34 = arith.constant 0 : index
    %get3A_35 = arith.constant 0 : index
    %get3A_36 = vector.load %arg4[%get3A_34, %get3A_35] : memref<128x1024xbf16, #tpu.memory_space<vmem>>, vector<128x1024xbf16>
    %dot_general3A_37 = arith.constant dense<0.000000e+00> : vector<1024x1024xf32>
    %dot_general3A_38 = tpu.matmul %convert_element_type3A_33, %get3A_36, %dot_general3A_37 {dimension_numbers = #tpu.dot_dimension_numbers<[1], [0], [0], [1], [0, 0, 1, 1], [], []>, transpose_lhs_hint = false} : vector<1024x128xbf16>, vector<128x1024xbf16>, vector<1024x1024xf32> -> vector<1024x1024xf32>
    %get3A_39 = arith.constant 0 : index
    %get3A_40 = arith.constant 0 : index
    %get3A_41 = vector.load %arg1[%get3A_39, %get3A_40] : memref<1024x1024xf32, #tpu.memory_space<vmem>>, vector<1024x1024xf32>
    %add3A = arith.addf %get3A_41, %dot_general3A_38 : vector<1024x1024xf32>
    %swap3A = arith.constant 0 : index
    %swap3A_42 = arith.constant 0 : index
    %swap3A_43 = vector.load %arg5[%swap3A, %swap3A_42] : memref<1024x1024xf32, #tpu.memory_space<vmem>>, vector<1024x1024xf32>
    tpu.vector_store %arg5[%swap3A, %swap3A_42], %add3A {strides = array<i32>} : memref<1024x1024xf32, #tpu.memory_space<vmem>>, vector<1024x1024xf32>,
    return
  }
  func.func @transform_0(%arg0: i32) -> (i32, i32) {
    %c0_i32 = arith.constant 0 : i32
    %c0_i32_0 = arith.constant 0 : i32
    return %arg0, %c0_i32 : i32, i32
  }
  func.func @transform_1(%arg0: i32) -> (i32, i32) {
    %c0_i32 = arith.constant 0 : i32
    %c0_i32_0 = arith.constant 0 : i32
    return %arg0, %c0_i32 : i32, i32
  }
  func.func @transform_2(%arg0: i32) -> (i32, i32) {
    %c0_i32 = arith.constant 0 : i32
    %c0_i32_0 = arith.constant 0 : i32
    return %c0_i32, %arg0 : i32, i32
  }
  func.func @transform_3(%arg0: i32) -> (i32, i32) {
    %c0_i32 = arith.constant 0 : i32
    %c0_i32_0 = arith.constant 0 : i32
    %c0_i32_1 = arith.constant 0 : i32
    return %c0_i32, %c0_i32_0 : i32, i32
  }
  func.func @transform_4(%arg0: i32) -> (i32, i32) {
    %c0_i32 = arith.constant 0 : i32
    %c0_i32_0 = arith.constant 0 : i32
    return %arg0, %c0_i32 : i32, i32
  }
}

</mosaic_0001>

<sc_bundles>
// kernel: kernel.5.cloned.1.call-start
scs
__scs_entry_jumppad:
0x0: {  	(pc) =	sbr.rel $0x88, $3  }
0x1: {  	(tag) =	ssettag $0x0;
	lr =	simm.s32 $0x1  }
0x2: {  	[smem:$0x3F9B] =	sst lr;
	_ =	strace $0xD0000000  }
0x3: {  	_ = 	snop  }
0x4: {  	_ = 	snop  }
0x5: {  	_ = 	snop  }
0x6: {  	_ = 	snop  }
0x7: {  	_ = 	snop  }
__scs_overlays_trampoline_lowered:
0x8: {  	[smem:$0x3FAA] =	sst s0  }
0x9: {  	[smem:$0x3FAB] =	sst s1  }
0xa: {  	[smem:$0x3FAC] =	sst s2  }
0xb: {  	[smem:$0x3FAD] =	sst s3  }
0xc: {  	[smem:$0x3FAE] =	sst s4  }
0xd: {  	[smem:$0x3FAF] =	sst s5  }
0xe: {  	[smem:$0x3FB0] =	sst s6  }
0xf: {  	[smem:$0x3FB1] =	sst s7  }
0x10: {  	[smem:$0x3FB2] =	sst s8  }
0x11: {  	[smem:$0x3FB3] =	sst s9;
	s0 =	simm.s32 @!p0 $0x0  }
0x12: {  	s1 =	sld [smem:$0x3F99];
	s0 =	simm.s32 @p0 $0x1  }
0x13: {  	[smem:$0x3FB4] =	sst s0;
	s0 =	simm.s32 @!p1 $0x0  }
0x14: {  	s2 =	sld [smem:$0x3F98];
	s0 =	simm.s32 @p1 $0x1  }
0x15: {  	[smem:$0x3FB5] =	sst s0;
	s0 =	simm.s32 @!p2 $0x0  }
0x16: {  	s3 =	sld [smem:$0x3FDB];
	s0 =	simm.s32 @p2 $0x1  }
0x17: {  	s4 =	simm.s32 $0x1BF5;
	[smem:$0x3FB7] =	sst s0  }
0x18: {  	s0 =	sld [smem:$0x3F9A];
	_ =	swait.ge [sflag:s4], $0x0  }
0x19: {  	s7 =	sld [smem:$0x3F9B]  }
0x1a: {  	s8 =	sadd.s32 $0xFFFFE003, lr  }
0x1b: {  	s9 =	sadd.s32 $0xFFFFFEF7, lr;
	s5 =	simm.s32 $0xFFFFFFFF;
	p2 =	slt.u32 s8, $0xFFFFF086  }
0x1c: {  	p1 =	slt.u32 s9, $0xF7A;
	s5 =	simm.s32 @!p2 $0x0  }
0x1d: {  	s5 =	simm.s32 @p1 $0x1;
	p0 =	seq.s32 s7, s2  }
0x1e: {  	s7 =	smul.u32 @!p0 $0xF7A, s2;
	p2 =	seq.s32 @!p0 s5, $0x0  }
0x1f: {  	s9 =	smul.u32 $0xF7A, s1;
	s8 =	simm.s32 @!p0 $0x1BF5;
	p2 =	por !p2, p0  }
0x20: {  	[sflag:s8] =	ssyncset.s32 @!p0 $0xFFFFF086;
	s6 =	sadd.s32 @!p0 s3, s7;
	s7 =	simm.s32 @!p0 $0x108  }
0x21: {  	s3 =	sadd.s32 s3, s9;
	s6 =	sadd.s32 @!p0 $0x88, s6;
	s7 =	simm.s32 @p2 $0x1082  }
0x22: {  	[simem:s7], [sflag:s8] =	dma.local @!p0 [hbm:s6], $0xF7A  }
0x23: {  	s9 =	sor.u32 $0xD0000000, s2;
	s6 =	simm.s32 $0x108;
	_ =	swait.ge @!p0 [sflag:s8], $0x0  }
0x24: {  	s3 =	sadd.s32 $0x88, s3;
	s6 =	simm.s32 @!p1 $0x1082;
	[sflag:s4] =	ssyncset.s32 $0xFFFFF086  }
0x25: {  	[simem:s6], [sflag:s4] =	dma.local [hbm:s3], $0xF7A  }
0x26: {  	[smem:$0x3F9B] =	sst s1;
	(tag) =	ssettag s2;
	_ =	strace s9  }
0x27: {  	s1 =	sld [smem:$0x3FAB]  }
0x28: {  	s2 =	sld [smem:$0x3FAC]  }
0x29: {  	s4 =	sld [smem:$0x3FAE]  }
0x2a: {  	p0 =	seq.s32 s5, $0x0;
	s5 =	sld [smem:$0x3FAF]  }
0x2b: {  	s6 =	sld [smem:$0x3FB0]  }
0x2c: {  	s7 =	sld [smem:$0x3FB1]  }
0x2d: {  	s3 =	simm.s32 $0x108;
	s8 =	sld [smem:$0x3FB2]  }
0x2e: {  	s3 =	simm.s32 @!p0 $0x1082;
	s9 =	sld [smem:$0x3FB3]  }
0x2f: {  	lr =	sadd.s32 s0, s3;
	s0 =	sld [smem:$0x3FAA]  }
0x30: {  	s3 =	sld [smem:$0x3FAD]  }
0x31: {  	[smem:$0x3FB6] =	sst s10  }
0x32: {  	s10 =	sld [smem:$0x3FB4];
	_ =	sdelay $0x3  }
0x33: {  	p0 =	seq.s32 s10, $0x1;
	s10 =	sld [smem:$0x3FB6];
	_ =	sdelay $0x3  }
0x34: {  	[smem:$0x3FB6] =	sst s10  }
0x35: {  	s10 =	sld [smem:$0x3FB5];
	_ =	sdelay $0x3  }
0x36: {  	p1 =	seq.s32 s10, $0x1;
	s10 =	sld [smem:$0x3FB6];
	_ =	sdelay $0x3  }
0x37: {  	[smem:$0x3FB6] =	sst s10  }
0x38: {  	s10 =	sld [smem:$0x3FB7]  }
0x39: {  	_ = 	snop;
	(pc) =	sbr.ind lr, $3  }
0x3a: {  	_ = 	snop  }
0x3b: {  	_ = 	snop  }
0x3c: {  	p2 =	seq.s32 s10, $0x1;
	s10 =	sld [smem:$0x3FB6]  }
0x3d: {  	_ =	shalt  }
0x3e: {  	_ =	shalt  }
0x3f: {  	_ =	shalt  }
0x40: {  	_ =	shalt  }
0x41: {  	_ =	shalt  }
0x42: {  	_ =	shalt  }
0x43: {  	_ =	shalt  }
0x44: {  	_ =	shalt  }
0x45: {  	_ =	shalt  }
0x46: {  	_ =	shalt  }
0x47: {  	_ =	shalt  }
0x48: {  	_ =	shalt  }
0x49: {  	_ =	shalt  }
0x4a: {  	_ =	shalt  }
0x4b: {  	_ =	shalt  }
0x4c: {  	_ =	shalt  }
0x4d: {  	_ =	shalt  }
0x4e: {  	_ =	shalt  }
0x4f: {  	_ =	shalt  }
0x50: {  	_ =	shalt  }
0x51: {  	_ =	shalt  }
0x52: {  	_ =	shalt  }
0x53: {  	_ =	shalt  }
0x54: {  	_ =	shalt  }
0x55: {  	_ =	shalt  }
0x56: {  	_ =	shalt  }
0x57: {  	_ =	shalt  }
0x58: {  	_ =	shalt  }
0x59: {  	_ =	shalt  }
0x5a: {  	_ =	shalt  }
0x5b: {  	_ =	shalt  }
0x5c: {  	_ =	shalt  }
0x5d: {  	_ =	shalt  }
0x5e: {  	_ =	shalt  }
0x5f: {  	_ =	shalt  }
0x60: {  	_ =	shalt  }
0x61: {  	_ =	shalt  }
0x62: {  	_ =	shalt  }
0x63: {  	_ =	shalt  }
0x64: {  	_ =	shalt  }
0x65: {  	_ =	shalt  }
0x66: {  	_ =	shalt  }
0x67: {  	_ =	shalt  }
0x68: {  	_ =	shalt  }
0x69: {  	_ =	shalt  }
0x6a: {  	_ =	shalt  }
0x6b: {  	_ =	shalt  }
0x6c: {  	_ =	shalt  }
0x6d: {  	_ =	shalt  }
0x6e: {  	_ =	shalt  }
0x6f: {  	_ =	shalt  }
0x70: {  	_ =	shalt  }
0x71: {  	_ =	shalt  }
0x72: {  	_ =	shalt  }
0x73: {  	_ =	shalt  }
0x74: {  	_ =	shalt  }
0x75: {  	_ =	shalt  }
0x76: {  	_ =	shalt  }
0x77: {  	_ =	shalt  }
0x78: {  	_ =	shalt  }
0x79: {  	_ =	shalt  }
0x7a: {  	_ =	shalt  }
0x7b: {  	_ =	shalt  }
0x7c: {  	_ =	shalt  }
0x7d: {  	_ =	shalt  }
0x7e: {  	_ =	shalt  }
0x7f: {  	_ =	shalt  }
0x80: {  	_ =	shalt  }
0x81: {  	_ =	shalt  }
0x82: {  	_ =	shalt  }
0x83: {  	_ =	shalt  }
0x84: {  	_ =	shalt  }
0x85: {  	_ =	shalt  }
0x86: {  	_ =	shalt  }
0x87: {  	_ =	shalt  }
.Lfunc_end0:
.L_simem_size_0:
called_computation_lowered:
.L_overlay_start_0:
0x88: {  	s2 =	sld [smem:$0x3FD9]  }
0x89: {  	s3 =	sld [smem:$0x3FFE];
	_ =	sdelay $0x1  }
0x8a: {  	s1 =	srdreg.scid  }
0x8b: {  	s0 =	sand.u32 $0x1, s1  }
0x8c: {  	s16 =	sshll.u32 s0, $0xA;
	s2 =	sadd.s32 s3, s2  }
0x8d: {  	s2 =	sadd.s32 s2, s16  }
0x8e: {  	[smem:$0x3FC2] =	sst s2  }
0x8f: {  	_ = 	snop  }
0x90: {  	(tm) =	ssettm $0x1  }
0x91: {  	s17 =	sld [smem:$0x3FFB];
	_ =	sdelay $0x3  }
0x92: {  	_ =	strace s17  }
0x93: {  	s2 =	sld [smem:$0x3FFC];
	_ =	sdelay $0x3  }
0x94: {  	_ =	strace s2  }
0x95: {  	s2 =	sld [smem:$0x3FFD];
	_ =	sdelay $0x3  }
0x96: {  	_ =	strace s2  }
0x97: {  	_ =	strace $0x8FFFFFFF  }
0x98: {  	s18 =	sld [smem:$0x3FDB];
	_ =	sdelay $0x1  }
0x99: {  	s19 =	simm.s32 $_scs_section_size  }
0x9a: {  	s4 =	simm.s32 $_size__tile_overlayer_lowered;
	s5 =	simm.s32 $_tile_overlayer_lowered  }
0x9b: {  	s22 =	simm.s32 $0x1BFF;
	s21 =	sshll.u32 s5, $0x1;
	s2 =	sadd.s32 s19, s18  }
0x9c: {  	s6 =	simm.s32 $0x0;
	s20 =	sshll.u32 s4, $0x1;
	s4 =	sadd.s32 s21, s2  }
0x9d: {  	[timem:s6], [sflag:s22] =	dma.local [hbm:s4], s20  }
0x9e: {  	_ =	swait.ge [sflag:s22], s20  }
0x9f: {  	s3 =	ssub.s32 $0x0, s20;
	[sflag:s22] =	ssyncset.done $0x0  }
0xa0: {  	[sflag:s22] =	ssyncadd.s32 s3;
	_ =	sdelay $0x1  }
0xa1: {  	s23 =	simm.s32 $0x1B8B  }
0xa2: {  	_ =	swait.ge [sflag:s23], $0x1  }
0xa3: {  	[sflag:s23] =	ssyncset.done $0x0  }
0xa4: {  	s25 =	simm.s32 $0x1B8E;
	s24 =	sld [smem:$0x3FFE];
	[sflag:s23] =	ssyncadd.s32 $0xFFFFFFFF  }
0xa5: {  	s26 =	simm.s32 $execute0_lowered;
	[smem:$0x3FD2] =	sst s25  }
0xa6: {  	s4 =	sshll.u32 s26, $0x1;
	_ =	strace $0x80000046;
	[dreg:$0x1] =	wrdreg $0xFFFFFFFF  }
0xa7: {  	s28 =	simm.s32 $_size_execute0_lowered;
	s2 =	sadd.s32 s2, s4;
	[dreg:$0x0] =	wrdreg $0x0  }
0xa8: {  	s4 =	sshll.u32 s28, $0x1;
	[dreg:$0x2] =	wrdreg s2  }
0xa9: {  	[dreg:$0x3] =	wrdreg s4  }
0xaa: {  	[dreg:$0x4] =	wrdreg $0xC0  }
0xab: {  	_ =	task [dreg:s6], $0x5FFFF  }
0xac: {  	[dreg:$0x1] =	wrdreg $0xFFFFFFFF  }
0xad: {  	[dreg:$0x0] =	wrdreg $0x60  }
0xae: {  	[dreg:$0x2] =	wrdreg s24  }
0xaf: {  	[dreg:$0x3] =	wrdreg $0x9  }
0xb0: {  	_ =	task.clear_ibuf [dreg:s6], $0x4FFFF;
	_ =	strace $0x90000046  }
0xb1: {  	s29 =	simm.s32 $0x9;
	_ =	strace $0x80000048  }
0xb2: {  	_ =	swait.ge [sflag:s29], $0x1  }
0xb3: {  	[sflag:s29] =	ssyncadd.s32 $0xFFFFFFFF  }
0xb4: {  	_ =	strace $0x90000048  }
0xb5: {  	_ =	sfence  }
0xb6: {  	s30 =	sld [smem:$0x0];
	_ =	sdelay $0x2  }
0xb7: {  	s31 =	sshll.u32 s1, $0xD;
	s1 =	sshrl.u32 s1, $0x2  }
0xb8: {  	s3 =	sand.u32 $0x4000, s31;
	s1 =	sadd.s32 s1, s30  }
0xb9: {  	s0 =	sor.u32 s3, s0;
	s1 =	sshll.u32 s1, $0x11  }
0xba: {  	s0 =	sor.u32 s1, s0  }
0xbb: {  	s0 =	sadd.s32 $0x8F2B, s0  }
0xbc: {  	[sflag:s0] =	ssyncadd.remote.s32 $0x1  }
0xbd: {  	_ =	sfence.sel $0xFFFF  }
0xbe: {  	[dreg:$0x0] =	wrdreg $0xFFFFFFFF;
	(pc) =	sbr.abs _section_cstart, $3  }
0xbf: {  	[dreg:$0x1] =	wrdreg $0xFFFFFFFF  }
0xc0: {  	_ =	task.clear_ibuf [dreg:s6], $0x2FFFF;
	_ =	strace $0x9FFFFFFF  }
0xc1: {  	(tm) =	ssettm $0x7FFFFFFF  }
tec
execute0_lowered:
.L_overlay_start_1:
0x0: {  	(tag) =	ssettag $0x1  }
0x1: {  	s3 =	rddreg [dreg:$0x0];
	s2 =	srdreg.scid  }
0x2: {  	s0 =	rddreg [dreg:$0x1];
	s1 =	stileid.u32;
	s7 =	simm.s32 $0x400  }
0x3: {  	s4 =	sand.u32 $0x1, s2;
	s2 =	simm.s32 $0x0;
	s5 =	sshll.u32 s1, $0x8  }
0x4: {  	s6 =	sshll.u32 s4, $0x7;
	[smem:$0x7FF] =	sst s2;
	s4 =	ssub.s32 $0x2, s4  }
0x5: {  	s5 =	sor.u32 s6, s5;
	_ =	strace $0x80000047;
	s30 =	sshrl.u32 s4, $0x1  }
0x6: {  	s6 =	simm.s32 $0x1;
	s5 =	sadd.s32 s5, s3;
	s31 =	ssub.s32 s4, s30  }
0x7: {  	s3 =	sadd.s32 $0x1400, s5;
	s4 =	sadd.s32 $0x2400, s5;
	s5 =	smax.u32 s31, $0x1  }
.LBB2_1:
0x8: {  	[tilespmem:s2], [sflag:$0x1] =	stream.linear.gather [hbm4b:s3+s2], $0x400, $0x38;
	[tilespmem:$0x800] =	vst v63  }
0x9: {  	_ =	swait.ge [sflag:s6], $0x400  }
0xa: {  	[sflag:s6] =	ssyncset.done $0x0  }
0xb: {  	[sflag:s6] =	ssyncadd.s32 $0xFFFFFC00  }
0xc: {  	v0 =	vld [tilespmem:$0x0]  }
0xd: {  	v1 =	vld [tilespmem:$0x80]  }
0xe: {  	v2 =	vld [tilespmem:$0x100]  }
0xf: {  	v3 =	vld [tilespmem:$0x180]  }
0x10: {  	v4 =	vld [tilespmem:$0x200]  }
0x11: {  	v5 =	vld [tilespmem:$0x280]  }
0x12: {  	v6 =	vld [tilespmem:$0x300];
	v7 =	vmax.f32 v0, v1  }
0x13: {  	v9 =	vld [tilespmem:$0x380];
	v7 =	vmax.f32 v7, v2  }
0x14: {  	v7 =	vmax.f32 v7, v3  }
0x15: {  	v7 =	vmax.f32 v7, v4  }
0x16: {  	v7 =	vmax.f32 v7, v5  }
0x17: {  	v7 =	vmax.f32 v7, v6  }
0x18: {  	v7 =	vmax.f32 v7, v9  }
0x19: {  	v10 =	vsub.f32 v0, v7  }
0x1a: {  	v11 =	vsub.f32 v1, v7;
	v12 =	vsub.f32 v2, v7  }
0x1b: {  	v8 =	vimm.s32 $0x8;
	v24 =	vsub.f32 v3, v7;
	v26 =	vsub.f32 v4, v7  }
0x1c: {  	v13 =	vsub.f32 v5, v7;
	v29 =	vsub.f32 v6, v7;
	v10 =	vmul.f32 $1.442695020e+00, v10  }
0x1d: {  	vm0 =	veq.f32 v9, v7;
	vm1 =	veq.f32 v6, v7;
	v11 =	vmul.f32 $1.442695020e+00, v11  }
0x1e: {  	vm9 =	veq.f32 v5, v7;
	v31 =	vsub.f32 v9, v7;
	(erf) = vpow2.f32 v10  }
0x1f: {  	vm10 =	veq.f32 v4, v7;
	v25 =	vmul.f32 $1.442695020e+00, v12;
	(erf) = vpow2.f32 v11  }
0x20: {  	vm11 =	veq.f32 v3, v7;
	vm12 =	veq.f32 v2, v7;
	v10 =	vmul.f32 $1.442695020e+00, v24  }
0x21: {  	vm13 =	veq.f32 v1, v7;
	v30 =	vsel vm0, $0x7, v8;
	(erf) = vpow2.f32 v25  }
0x22: {  	vm14 =	vne.f32 v0, v7;
	(erf) = vpow2.f32 v10;
	v10 =	vsel vm1, $0x6, v30  }
0x23: {  	vm5 =	veq.f32 v0, v7;
	v27 =	vmul.f32 $1.442695020e+00, v26;
	v10 =	vsel vm9, $0x5, v10  }
0x24: {  	v8 =	vimm.s32 $0x8;
	vm7 =	vmand vm14, vm13;
	v10 =	vsel vm10, $0x4, v10  }
0x25: {  	v28 =	vmul.f32 $1.442695020e+00, v13;
	(erf) = vpow2.f32 v27;
	v10 =	vsel vm11, $0x3, v10  }
0x26: {  	v36 =	vsel vm5, $0xFF61B1E6, v0;
	v11 =	vmul.f32 $1.442695020e+00, v29;
	v10 =	vsel vm12, $0x2, v10  }
0x27: {  	v12 =	vmul.f32 $1.442695020e+00, v31;
	(erf) = vpow2.f32 v28;
	v34 =	vsel vm13, $0x1, v10;
	v32 =	vpop (erf)  }
0x28: {  	v16 =	vsel vm7, $0xFF61B1E6, v1;
	(erf) = vpow2.f32 v11;
	v7 =	vsel vm5, $0x0, v34;
	v33 =	vpop (erf)  }
0x29: {  	(erf) = vpow2.f32 v12;
	vm6 =	veq.s32 v7, $0x2;
	v14 =	vadd.f32 v33, v32  }
0x2a: {  	vm4 =	veq.s32 v7, $0x3;
	vm3 =	veq.s32 v7, $0x4;
	vm2 =	veq.s32 v7, $0x5;
	v15 =	vpop (erf)  }
0x2b: {  	v37 =	vsel vm6, $0xFF61B1E6, v2;
	v35 =	vadd.f32 v14, v15;
	v14 =	vmax.f32 v36, v16  }
0x2c: {  	vm1 =	veq.s32 v7, $0x6;
	v38 =	vsel vm4, $0xFF61B1E6, v3;
	v17 =	vpop (erf);
	v14 =	vmax.f32 v14, v37  }
0x2d: {  	v39 =	vsel vm3, $0xFF61B1E6, v4;
	v14 =	vmax.f32 v14, v38;
	v10 =	vadd.f32 v35, v17  }
0x2e: {  	vm0 =	veq.s32 v7, $0x7;
	v40 =	vsel vm2, $0xFF61B1E6, v5;
	v18 =	vpop (erf);
	v14 =	vmax.f32 v14, v39  }
0x2f: {  	v41 =	vsel vm1, $0xFF61B1E6, v6;
	v14 =	vmax.f32 v14, v40;
	v10 =	vadd.f32 v10, v18  }
0x30: {  	vm13 =	vne.s32 v7, $0x6;
	v42 =	vsel vm0, $0xFF61B1E6, v9;
	v48 =	vpop (erf);
	v14 =	vmax.f32 v14, v41  }
0x31: {  	vm15 =	vne.s32 v7, $0x7;
	v43 =	vmax.f32 v14, v42;
	v49 =	vadd.f32 v10, v48  }
0x32: {  	vm8 =	vne.f32 v0, v43;
	vm9 =	veq.f32 v1, v43;
	vm10 =	veq.f32 v2, v43  }
0x33: {  	vm11 =	veq.f32 v3, v43;
	vm12 =	veq.f32 v6, v43;
	vm14 =	veq.f32 v9, v43  }
0x34: {  	vm12 =	vmand vm13, vm12;
	vm13 =	veq.f32 v4, v43;
	vm14 =	vmand vm15, vm14  }
0x35: {  	vm15 =	veq.f32 v5, v43;
	v44 =	vsel vm14, $0x7, v8;
	vm14 =	vne.s32 v7, $0x5  }
0x36: {  	vm14 =	vmand vm14, vm15;
	vm15 =	vne.s32 v7, $0x4;
	v1 =	vsel vm12, $0x6, v44  }
0x37: {  	vm12 =	vne.s32 v7, $0x3;
	vm13 =	vmand vm15, vm13;
	v1 =	vsel vm14, $0x5, v1  }
0x38: {  	vm14 =	vne.s32 v7, $0x2;
	vm11 =	vmand vm12, vm11;
	v1 =	vsel vm13, $0x4, v1  }
0x39: {  	vm12 =	vne.s32 v7, $0x1;
	vm10 =	vmand vm14, vm10;
	v1 =	vsel vm11, $0x3, v1  }
0x3a: {  	v51 =	vld [tilespmem:$0x90];
	vm8 =	vmor vm5, vm8;
	vm9 =	vmand vm12, vm9;
	v1 =	vsel vm10, $0x2, v1  }
0x3b: {  	vm15 =	veq.f32 v0, v43;
	v0 =	vld [tilespmem:$0x10];
	v45 =	vsel vm9, $0x1, v1;
	vm9 =	vmand vm8, vm9  }
0x3c: {  	vm5 =	vmor vm5, vm15;
	v1 =	vnsel vm8, $0x0, v45;
	vm7 =	vmor vm7, vm9  }
0x3d: {  	v53 =	vld [tilespmem:$0x110];
	v46 =	vnsel vm5, $0x0, v32;
	v47 =	vnsel vm7, $0x0, v33;
	vm12 =	veq.s32 v1, $0x2  }
0x3e: {  	v55 =	vld [tilespmem:$0x190];
	v52 =	vpop (erf);
	v3 =	vadd.f32 v47, v46;
	vm5 =	vmor vm6, vm12  }
0x3f: {  	v57 =	vld [tilespmem:$0x210];
	v4 =	vadd.f32 v49, v52;
	vm13 =	veq.s32 v1, $0x3;
	v50 =	vnsel vm5, $0x0, v15  }
0x40: {  	v59 =	vld [tilespmem:$0x290];
	v61 =	vmax.f32 v0, v51;
	vm4 =	vmor vm4, vm13;
	v3 =	vadd.f32 v50, v3  }
0x41: {  	v60 =	vld [tilespmem:$0x310];
	vm14 =	veq.s32 v1, $0x4;
	vm15 =	veq.s32 v1, $0x5;
	v54 =	vnsel vm4, $0x0, v17  }
0x42: {  	v63 =	vld [tilespmem:$0x390];
	v14 =	vmax.f32 v61, v53;
	vm3 =	vmor vm3, vm14;
	v3 =	vadd.f32 v3, v54  }
0x43: {  	vm2 =	vmor vm2, vm15;
	v14 =	vmax.f32 v14, v55;
	v58 =	vnsel vm3, $0x0, v18  }
0x44: {  	vm6 =	veq.s32 v1, $0x7;
	v17 =	vmax.f32 v14, v57;
	v3 =	vadd.f32 v3, v58  }
0x45: {  	v62 =	vnsel vm2, $0x0, v48;
	vm5 =	veq.s32 v1, $0x6;
	v1 =	vmax.f32 v17, v59  }
0x46: {  	v56 =	vpop (erf);
	vm1 =	vmor vm1, vm5;
	v1 =	vmax.f32 v1, v60;
	v3 =	vadd.f32 v3, v62  }
0x47: {  	v4 =	vadd.f32 v4, v56;
	v6 =	vnsel vm1, $0x0, v52;
	v1 =	vmax.f32 v1, v63  }
0x48: {  	vm0 =	vmor vm0, vm6;
	v19 =	vsub.f32 v0, v1;
	v3 =	vadd.f32 v3, v6  }
0x49: {  	v18 =	vnsel vm0, $0x0, v56;
	v20 =	vsub.f32 v51, v1;
	v22 =	vsub.f32 v53, v1  }
0x4a: {  	v4 =	vmul.f32 $9.999999970e-07, v4;
	v23 =	vsub.f32 v55, v1;
	v3 =	vadd.f32 v3, v18  }
0x4b: {  	v25 =	vsub.f32 v57, v1;
	v26 =	vsub.f32 v59, v1  }
0x4c: {  	v29 =	vsub.f32 v60, v1;
	v3 =	vadd.f32 v3, v4  }
0x4d: {  	[tilespmem:$0x1FF10] =	vst v6;
	vm7 =	veq.f32 v63, v1;
	vm8 =	veq.f32 v60, v1;
	v6 =	vmul.f32 $1.442695020e+00, v19  }
0x4e: {  	vm9 =	veq.f32 v59, v1;
	v21 =	vmul.f32 $1.442695020e+00, v20;
	(erf) = vrcp.f32 v3  }
0x4f: {  	v32 =	vsub.f32 v63, v1;
	v24 =	vmul.f32 $1.442695020e+00, v22;
	(erf) = vpow2.f32 v6  }
0x50: {  	vm10 =	veq.f32 v57, v1;
	v6 =	vmul.f32 $1.442695020e+00, v23;
	(erf) = vpow2.f32 v21  }
0x51: {  	v30 =	vsel vm7, $0x7, v8;
	v27 =	vmul.f32 $1.442695020e+00, v25;
	(erf) = vpow2.f32 v24  }
0x52: {  	v28 =	vmul.f32 $1.442695020e+00, v26;
	v4 =	vsel vm8, $0x6, v30;
	(erf) = vpow2.f32 v6  }
0x53: {  	v4 =	vsel vm9, $0x5, v4;
	v3 =	vmul.f32 $1.442695020e+00, v29;
	(erf) = vpow2.f32 v27  }
0x54: {  	vm11 =	veq.f32 v55, v1;
	v34 =	vsel vm10, $0x4, v4;
	(erf) = vpow2.f32 v28  }
0x55: {  	vm12 =	veq.f32 v53, v1;
	(erf) = vpow2.f32 v3;
	v3 =	vsel vm11, $0x3, v34  }
0x56: {  	vm13 =	veq.f32 v51, v1;
	vm14 =	vne.f32 v0, v1;
	v3 =	vsel vm12, $0x2, v3  }
0x57: {  	vm5 =	veq.f32 v0, v1;
	vm7 =	vmand vm14, vm13;
	v38 =	vsel vm13, $0x1, v3  }
0x58: {  	v40 =	vsel vm5, $0xFF61B1E6, v0;
	v41 =	vsel vm7, $0xFF61B1E6, v51;
	v31 =	vpop (erf);
	v1 =	vsel vm5, $0x0, v38  }
0x59: {  	v15 =	vmax.f32 v40, v41;
	v6 =	vmul.f32 $1.442695020e+00, v32;
	v33 =	vpop (erf);
	vm6 =	veq.s32 v1, $0x2  }
0x5a: {  	v35 =	vpop (erf);
	vm4 =	veq.s32 v1, $0x3;
	vm3 =	veq.s32 v1, $0x4;
	vm2 =	veq.s32 v1, $0x5  }
0x5b: {  	vm1 =	veq.s32 v1, $0x6;
	v36 =	vadd.f32 v35, v33;
	v42 =	vsel vm6, $0xFF61B1E6, v53  }
0x5c: {  	vm0 =	veq.s32 v1, $0x7;
	v37 =	vpop (erf);
	v43 =	vsel vm4, $0xFF61B1E6, v55;
	v15 =	vmax.f32 v15, v42  }
0x5d: {  	v44 =	vsel vm3, $0xFF61B1E6, v57;
	v39 =	vadd.f32 v36, v37;
	v15 =	vmax.f32 v15, v43  }
0x5e: {  	[tilespmem:$0x1FEA0] =	vst v46;
	vm13 =	vne.s32 v1, $0x6;
	v45 =	vsel vm2, $0xFF61B1E6, v59;
	v46 =	vpop (erf);
	v15 =	vmax.f32 v15, v44  }
0x5f: {  	[tilespmem:$0x1FEC0] =	vst v47;
	v47 =	vsel vm1, $0xFF61B1E6, v60;
	v15 =	vmax.f32 v15, v45;
	v3 =	vadd.f32 v39, v46  }
0x60: {  	vm15 =	vne.s32 v1, $0x7;
	v48 =	vsel vm0, $0xFF61B1E6, v63;
	v19 =	vpop (erf);
	v15 =	vmax.f32 v15, v47  }
0x61: {  	(erf) = vpow2.f32 v6;
	v49 =	vmax.f32 v15, v48;
	v3 =	vadd.f32 v3, v19  }
0x62: {  	vm8 =	vne.f32 v0, v49;
	vm9 =	veq.f32 v51, v49;
	vm10 =	veq.f32 v53, v49  }
0x63: {  	vm11 =	veq.f32 v55, v49;
	vm12 =	veq.f32 v60, v49;
	vm14 =	veq.f32 v63, v49  }
0x64: {  	vm12 =	vmand vm13, vm12;
	vm13 =	veq.f32 v57, v49;
	vm14 =	vmand vm15, vm14  }
0x65: {  	[tilespmem:$0x1FED0] =	vst v50;
	vm15 =	veq.f32 v59, v49;
	v50 =	vsel vm14, $0x7, v8;
	vm14 =	vne.s32 v1, $0x5  }
0x66: {  	vm14 =	vmand vm14, vm15;
	vm15 =	vne.s32 v1, $0x4;
	v2 =	vsel vm12, $0x6, v50  }
0x67: {  	vm12 =	vne.s32 v1, $0x3;
	vm13 =	vmand vm15, vm13;
	v2 =	vsel vm14, $0x5, v2  }
0x68: {  	vm14 =	vne.s32 v1, $0x2;
	vm11 =	vmand vm12, vm11;
	v2 =	vsel vm13, $0x4, v2  }
0x69: {  	vm12 =	vne.s32 v1, $0x1;
	vm10 =	vmand vm14, vm10;
	v51 =	vsel vm11, $0x3, v2  }
0x6a: {  	vm8 =	vmor vm5, vm8;
	vm9 =	vmand vm12, vm9;
	v1 =	vsel vm10, $0x2, v51  }
0x6b: {  	vm15 =	veq.f32 v0, v49;
	v52 =	vsel vm9, $0x1, v1;
	vm9 =	vmand vm8, vm9  }
0x6c: {  	vm5 =	vmor vm5, vm15;
	v1 =	vnsel vm8, $0x0, v52;
	vm7 =	vmor vm7, vm9  }
0x6d: {  	v5 =	vld [tilespmem:$0xA0];
	[tilespmem:$0x1FEE0] =	vst v54;
	v55 =	vpop (erf);
	v53 =	vnsel vm5, $0x0, v33;
	v54 =	vnsel vm7, $0x0, v35;
	vm12 =	veq.s32 v1, $0x2  }
0x6e: {  	v3 =	vadd.f32 v3, v55;
	v0 =	vld [tilespmem:$0x20];
	v4 =	vadd.f32 v54, v53;
	vm5 =	vmor vm6, vm12  }
0x6f: {  	v7 =	vld [tilespmem:$0x120];
	v57 =	vpop (erf);
	vm13 =	veq.s32 v1, $0x3;
	v56 =	vnsel vm5, $0x0, v37  }
0x70: {  	v20 =	vld [tilespmem:$0x1A0];
	v3 =	vadd.f32 v3, v57;
	vm4 =	vmor vm4, vm13;
	v4 =	vadd.f32 v56, v4  }
0x71: {  	[tilespmem:$0x1FEF0] =	vst v58;
	v21 =	vld [tilespmem:$0x220];
	v59 =	vpop (erf);
	vm14 =	veq.s32 v1, $0x4;
	v58 =	vnsel vm4, $0x0, v46  }
0x72: {  	v61 =	vld [tilespmem:$0x2A0];
	v3 =	vadd.f32 v3, v59;
	vm3 =	vmor vm3, vm14;
	v4 =	vadd.f32 v4, v58  }
0x73: {  	[tilespmem:$0x1FF00] =	vst v62;
	v22 =	vld [tilespmem:$0x320];
	v62 =	vmax.f32 v0, v5;
	vm15 =	veq.s32 v1, $0x5;
	v60 =	vnsel vm3, $0x0, v19  }
0x74: {  	v11 =	vld [tilespmem:$0x3A0];
	v15 =	vmax.f32 v62, v7;
	vm2 =	vmor vm2, vm15;
	v4 =	vadd.f32 v4, v60  }
0x75: {  	v29 =	vmax.f32 v15, v20;
	v63 =	vnsel vm2, $0x0, v55;
	vm5 =	veq.s32 v1, $0x6  }
0x76: {  	v30 =	vmax.f32 v29, v21;
	vm1 =	vmor vm1, vm5;
	v4 =	vadd.f32 v4, v63  }
0x77: {  	vm6 =	veq.s32 v1, $0x7;
	v1 =	vmax.f32 v30, v61;
	v6 =	vnsel vm1, $0x0, v57  }
0x78: {  	vm0 =	vmor vm0, vm6;
	v1 =	vmax.f32 v1, v22;
	v4 =	vadd.f32 v4, v6  }
0x79: {  	[tilespmem:$0x1FEB0] =	vst v31;
	v31 =	vnsel vm0, $0x0, v59;
	v1 =	vmax.f32 v1, v11  }
0x7a: {  	v3 =	vmul.f32 $9.999999970e-07, v3;
	v32 =	vsub.f32 v0, v1;
	v4 =	vadd.f32 v4, v31  }
0x7b: {  	v33 =	vsub.f32 v5, v1;
	v35 =	vsub.f32 v7, v1  }
0x7c: {  	v36 =	vsub.f32 v20, v1;
	v3 =	vadd.f32 v4, v3  }
0x7d: {  	[tilespmem:$0x1FFA0] =	vst v6;
	v38 =	vsub.f32 v21, v1;
	v39 =	vsub.f32 v61, v1;
	v6 =	vmul.f32 $1.442695020e+00, v32  }
0x7e: {  	v42 =	vsub.f32 v22, v1;
	v34 =	vmul.f32 $1.442695020e+00, v33;
	(erf) = vrcp.f32 v3  }
0x7f: {  	vm7 =	veq.f32 v11, v1;
	vm8 =	veq.f32 v22, v1;
	(erf) = vpow2.f32 v6  }
0x80: {  	vm9 =	veq.f32 v61, v1;
	v37 =	vmul.f32 $1.442695020e+00, v35;
	(erf) = vpow2.f32 v34  }
0x81: {  	v45 =	vsub.f32 v11, v1;
	vm10 =	veq.f32 v21, v1;
	v6 =	vmul.f32 $1.442695020e+00, v36  }
0x82: {  	v43 =	vsel vm7, $0x7, v8;
	v40 =	vmul.f32 $1.442695020e+00, v38;
	(erf) = vpow2.f32 v37  }
0x83: {  	v41 =	vmul.f32 $1.442695020e+00, v39;
	v4 =	vsel vm8, $0x6, v43;
	(erf) = vpow2.f32 v6  }
0x84: {  	v4 =	vsel vm9, $0x5, v4;
	v3 =	vmul.f32 $1.442695020e+00, v42;
	(erf) = vpow2.f32 v40  }
0x85: {  	vm11 =	veq.f32 v20, v1;
	v46 =	vsel vm10, $0x4, v4;
	(erf) = vpow2.f32 v41  }
0x86: {  	vm12 =	veq.f32 v7, v1;
	(erf) = vpow2.f32 v3;
	v3 =	vsel vm11, $0x3, v46  }
0x87: {  	vm13 =	veq.f32 v5, v1;
	vm14 =	vne.f32 v0, v1;
	v3 =	vsel vm12, $0x2, v3;
	v44 =	vpop (erf)  }
0x88: {  	vm5 =	veq.f32 v0, v1;
	vm7 =	vmand vm14, vm13;
	v48 =	vsel vm13, $0x1, v3;
	v23 =	vpop (erf)  }
0x89: {  	v50 =	vsel vm5, $0xFF61B1E6, v0;
	v26 =	vsel vm7, $0xFF61B1E6, v5;
	v1 =	vsel vm5, $0x0, v48;
	v47 =	vpop (erf)  }
0x8a: {  	v6 =	vmul.f32 $1.442695020e+00, v45;
	vm6 =	veq.s32 v1, $0x2;
	v24 =	vadd.f32 v47, v23  }
0x8b: {  	vm4 =	veq.s32 v1, $0x3;
	vm3 =	veq.s32 v1, $0x4;
	vm2 =	veq.s32 v1, $0x5;
	v25 =	vpop (erf)  }
0x8c: {  	v51 =	vsel vm6, $0xFF61B1E6, v7;
	v49 =	vadd.f32 v24, v25;
	v24 =	vmax.f32 v50, v26  }
0x8d: {  	vm1 =	veq.s32 v1, $0x6;
	v52 =	vsel vm4, $0xFF61B1E6, v20;
	v24 =	vmax.f32 v24, v51  }
0x8e: {  	[tilespmem:$0x1FF30] =	vst v53;
	vm0 =	veq.s32 v1, $0x7;
	v53 =	vsel vm3, $0xFF61B1E6, v21;
	v24 =	vmax.f32 v24, v52  }
0x8f: {  	[tilespmem:$0x1FF50] =	vst v54;
	vm13 =	vne.s32 v1, $0x6;
	v54 =	vsel vm2, $0xFF61B1E6, v61;
	v27 =	vpop (erf);
	v24 =	vmax.f32 v24, v53  }
0x90: {  	v55 =	vsel vm1, $0xFF61B1E6, v22;
	v3 =	vadd.f32 v49, v27;
	v24 =	vmax.f32 v24, v54  }
0x91: {  	[tilespmem:$0x1FF60] =	vst v56;
	vm15 =	vne.s32 v1, $0x7;
	v56 =	vsel vm0, $0xFF61B1E6, v11;
	v28 =	vpop (erf);
	v24 =	vmax.f32 v24, v55  }
0x92: {  	(erf) = vpow2.f32 v6;
	v3 =	vadd.f32 v3, v28;
	v57 =	vmax.f32 v24, v56  }
0x93: {  	vm8 =	vne.f32 v0, v57;
	vm9 =	veq.f32 v5, v57;
	vm10 =	veq.f32 v7, v57  }
0x94: {  	vm11 =	veq.f32 v20, v57;
	vm12 =	veq.f32 v22, v57;
	vm14 =	veq.f32 v11, v57  }
0x95: {  	vm12 =	vmand vm13, vm12;
	vm13 =	veq.f32 v21, v57;
	vm14 =	vmand vm15, vm14  }
0x96: {  	[tilespmem:$0x1FF70] =	vst v58;
	vm15 =	veq.f32 v61, v57;
	v58 =	vsel vm14, $0x7, v8;
	vm14 =	vne.s32 v1, $0x5  }
0x97: {  	vm14 =	vmand vm14, vm15;
	vm15 =	vne.s32 v1, $0x4;
	v2 =	vsel vm12, $0x6, v58  }
0x98: {  	vm12 =	vne.s32 v1, $0x3;
	vm13 =	vmand vm15, vm13;
	v2 =	vsel vm14, $0x5, v2  }
0x99: {  	vm14 =	vne.s32 v1, $0x2;
	vm11 =	vmand vm12, vm11;
	v2 =	vsel vm13, $0x4, v2  }
0x9a: {  	vm12 =	vne.s32 v1, $0x1;
	vm10 =	vmand vm14, vm10;
	v59 =	vsel vm11, $0x3, v2  }
0x9b: {  	vm8 =	vmor vm5, vm8;
	vm9 =	vmand vm12, vm9;
	v1 =	vsel vm10, $0x2, v59  }
0x9c: {  	[tilespmem:$0x1FF80] =	vst v60;
	vm15 =	veq.f32 v0, v57;
	v60 =	vsel vm9, $0x1, v1;
	vm9 =	vmand vm8, vm9  }
0x9d: {  	vm5 =	vmor vm5, vm15;
	v1 =	vnsel vm8, $0x0, v60;
	vm7 =	vmor vm7, vm9  }
0x9e: {  	v12 =	vld [tilespmem:$0xB0];
	[tilespmem:$0x1FF90] =	vst v63;
	v63 =	vpop (erf);
	v61 =	vnsel vm5, $0x0, v23;
	v62 =	vnsel vm7, $0x0, v47;
	vm12 =	veq.s32 v1, $0x2  }
0x9f: {  	v3 =	vadd.f32 v3, v63;
	v0 =	vld [tilespmem:$0x30];
	v4 =	vadd.f32 v62, v61;
	vm5 =	vmor vm6, vm12  }
0xa0: {  	v14 =	vld [tilespmem:$0x130];
	v13 =	vpop (erf);
	vm13 =	veq.s32 v1, $0x3;
	v11 =	vnsel vm5, $0x0, v25  }
0xa1: {  	v29 =	vld [tilespmem:$0x1B0];
	v3 =	vadd.f32 v3, v13;
	vm4 =	vmor vm4, vm13;
	v4 =	vadd.f32 v11, v4  }
0xa2: {  	v30 =	vld [tilespmem:$0x230];
	v16 =	vpop (erf);
	vm14 =	veq.s32 v1, $0x4;
	v15 =	vnsel vm4, $0x0, v27  }
0xa3: {  	v17 =	vld [tilespmem:$0x2B0];
	[tilespmem:$0x1FF20] =	vst v18;
	v3 =	vadd.f32 v3, v16;
	vm3 =	vmor vm3, vm14;
	v4 =	vadd.f32 v4, v15  }
0xa4: {  	[tilespmem:$0x1FFB0] =	vst v31;
	v31 =	vld [tilespmem:$0x330];
	v18 =	vmax.f32 v0, v12;
	vm15 =	veq.s32 v1, $0x5;
	v25 =	vnsel vm3, $0x0, v28  }
0xa5: {  	v19 =	vld [tilespmem:$0x3B0];
	v23 =	vmax.f32 v18, v14;
	vm2 =	vmor vm2, vm15;
	v4 =	vadd.f32 v4, v25  }
0xa6: {  	v37 =	vmax.f32 v23, v29;
	v26 =	vnsel vm2, $0x0, v63;
	vm5 =	veq.s32 v1, $0x6  }
0xa7: {  	v38 =	vmax.f32 v37, v30;
	vm1 =	vmor vm1, vm5;
	v4 =	vadd.f32 v4, v26  }
0xa8: {  	vm6 =	veq.s32 v1, $0x7;
	v1 =	vmax.f32 v38, v17;
	v23 =	vnsel vm1, $0x0, v13  }
0xa9: {  	vm0 =	vmor vm0, vm6;
	v1 =	vmax.f32 v1, v31;
	v4 =	vadd.f32 v4, v23  }
0xaa: {  	v24 =	vnsel vm0, $0x0, v16;
	v1 =	vmax.f32 v1, v19  }
0xab: {  	v3 =	vmul.f32 $9.999999970e-07, v3;
	v39 =	vsub.f32 v0, v1;
	v4 =	vadd.f32 v4, v24  }
0xac: {  	v40 =	vsub.f32 v12, v1;
	v42 =	vsub.f32 v14, v1  }
0xad: {  	v43 =	vsub.f32 v29, v1;
	v3 =	vadd.f32 v4, v3  }
0xae: {  	v45 =	vsub.f32 v30, v1;
	v46 =	vsub.f32 v17, v1;
	v6 =	vmul.f32 $1.442695020e+00, v39  }
0xaf: {  	v49 =	vsub.f32 v31, v1;
	v41 =	vmul.f32 $1.442695020e+00, v40;
	(erf) = vrcp.f32 v3  }
0xb0: {  	vm7 =	veq.f32 v19, v1;
	vm8 =	veq.f32 v31, v1;
	(erf) = vpow2.f32 v6  }
0xb1: {  	[tilespmem:$0x1FF40] =	vst v44;
	vm9 =	veq.f32 v17, v1;
	v44 =	vmul.f32 $1.442695020e+00, v42;
	(erf) = vpow2.f32 v41  }
0xb2: {  	v51 =	vsub.f32 v19, v1;
	vm10 =	veq.f32 v30, v1;
	v6 =	vmul.f32 $1.442695020e+00, v43  }
0xb3: {  	v50 =	vsel vm7, $0x7, v8;
	v47 =	vmul.f32 $1.442695020e+00, v45;
	(erf) = vpow2.f32 v44  }
0xb4: {  	v48 =	vmul.f32 $1.442695020e+00, v46;
	v4 =	vsel vm8, $0x6, v50;
	(erf) = vpow2.f32 v6  }
0xb5: {  	v4 =	vsel vm9, $0x5, v4;
	v3 =	vmul.f32 $1.442695020e+00, v49;
	(erf) = vpow2.f32 v47  }
0xb6: {  	vm11 =	veq.f32 v29, v1;
	v52 =	vsel vm10, $0x4, v4;
	(erf) = vpow2.f32 v48  }
0xb7: {  	vm12 =	veq.f32 v14, v1;
	(erf) = vpow2.f32 v3;
	v3 =	vsel vm11, $0x3, v52  }
0xb8: {  	vm13 =	veq.f32 v12, v1;
	vm14 =	vne.f32 v0, v1;
	v3 =	vsel vm12, $0x2, v3;
	v27 =	vpop (erf)  }
0xb9: {  	vm5 =	veq.f32 v0, v1;
	vm7 =	vmand vm14, vm13;
	v54 =	vsel vm13, $0x1, v3;
	v32 =	vpop (erf)  }
0xba: {  	v56 =	vsel vm5, $0xFF61B1E6, v0;
	v35 =	vsel vm7, $0xFF61B1E6, v12;
	v1 =	vsel vm5, $0x0, v54;
	v53 =	vpop (erf)  }
0xbb: {  	v6 =	vmul.f32 $1.442695020e+00, v51;
	vm6 =	veq.s32 v1, $0x2;
	v33 =	vadd.f32 v53, v32  }
0xbc: {  	vm4 =	veq.s32 v1, $0x3;
	vm3 =	veq.s32 v1, $0x4;
	vm2 =	veq.s32 v1, $0x5;
	v34 =	vpop (erf)  }
0xbd: {  	v57 =	vsel vm6, $0xFF61B1E6, v14;
	v55 =	vadd.f32 v33, v34;
	v33 =	vmax.f32 v56, v35  }
0xbe: {  	vm1 =	veq.s32 v1, $0x6;
	v58 =	vsel vm4, $0xFF61B1E6, v29;
	v33 =	vmax.f32 v33, v57  }
0xbf: {  	vm0 =	veq.s32 v1, $0x7;
	v59 =	vsel vm3, $0xFF61B1E6, v30;
	v33 =	vmax.f32 v33, v58  }
0xc0: {  	vm13 =	vne.s32 v1, $0x6;
	v60 =	vsel vm2, $0xFF61B1E6, v17;
	v36 =	vpop (erf);
	v33 =	vmax.f32 v33, v59  }
0xc1: {  	[tilespmem:$0x1FFC0] =	vst v61;
	v61 =	vsel vm1, $0xFF61B1E6, v31;
	v3 =	vadd.f32 v55, v36;
	v33 =	vmax.f32 v33, v60  }
0xc2: {  	[tilespmem:$0x1FFD0] =	vst v62;
	vm15 =	vne.s32 v1, $0x7;
	v62 =	vsel vm0, $0xFF61B1E6, v19;
	v37 =	vpop (erf);
	v33 =	vmax.f32 v33, v61  }
0xc3: {  	(erf) = vpow2.f32 v6;
	v3 =	vadd.f32 v3, v37;
	v63 =	vmax.f32 v33, v62  }
0xc4: {  	vm8 =	vne.f32 v0, v63;
	vm9 =	veq.f32 v12, v63;
	vm10 =	veq.f32 v14, v63  }
0xc5: {  	vm11 =	veq.f32 v29, v63;
	vm12 =	veq.f32 v31, v63;
	vm14 =	veq.f32 v19, v63  }
0xc6: {  	vm12 =	vmand vm13, vm12;
	vm13 =	veq.f32 v30, v63;
	vm14 =	vmand vm15, vm14  }
0xc7: {  	vm15 =	veq.f32 v17, v63;
	v9 =	vsel vm14, $0x7, v8;
	vm14 =	vne.s32 v1, $0x5  }
0xc8: {  	vm14 =	vmand vm14, vm15;
	vm15 =	vne.s32 v1, $0x4;
	v2 =	vsel vm12, $0x6, v9  }
0xc9: {  	vm12 =	vne.s32 v1, $0x3;
	vm13 =	vmand vm15, vm13;
	v2 =	vsel vm14, $0x5, v2  }
0xca: {  	vm14 =	vne.s32 v1, $0x2;
	vm11 =	vmand vm12, vm11;
	v2 =	vsel vm13, $0x4, v2  }
0xcb: {  	vm12 =	vne.s32 v1, $0x1;
	vm10 =	vmand vm14, vm10;
	v10 =	vsel vm11, $0x3, v2  }
0xcc: {  	vm8 =	vmor vm5, vm8;
	vm9 =	vmand vm12, vm9;
	v1 =	vsel vm10, $0x2, v10  }
0xcd: {  	[tilespmem:$0x1FFE0] =	vst v11;
	vm15 =	veq.f32 v0, v63;
	v11 =	vsel vm9, $0x1, v1;
	vm9 =	vmand vm8, vm9  }
0xce: {  	vm5 =	vmor vm5, vm15;
	v1 =	vnsel vm8, $0x0, v11;
	vm7 =	vmor vm7, vm9  }
0xcf: {  	v28 =	vnsel vm5, $0x0, v32;
	v29 =	vnsel vm7, $0x0, v53;
	vm12 =	veq.s32 v1, $0x2  }
0xd0: {  	v13 =	vld [tilespmem:$0x40];
	v12 =	vpop (erf);
	v4 =	vadd.f32 v29, v28;
	vm5 =	vmor vm6, vm12  }
0xd1: {  	v14 =	vld [tilespmem:$0xC0];
	v3 =	vadd.f32 v3, v12;
	vm13 =	veq.s32 v1, $0x3;
	v30 =	vnsel vm5, $0x0, v34  }
0xd2: {  	[tilespmem:$0x1FFF0] =	vst v15;
	v16 =	vld [tilespmem:$0x140];
	v15 =	vpop (erf);
	vm4 =	vmor vm4, vm13;
	v4 =	vadd.f32 v30, v4  }
0xd3: {  	v38 =	vld [tilespmem:$0x1C0];
	v3 =	vadd.f32 v3, v15;
	vm14 =	veq.s32 v1, $0x4;
	v31 =	vnsel vm4, $0x0, v36  }
0xd4: {  	v39 =	vld [tilespmem:$0x240];
	v17 =	vpop (erf);
	vm3 =	vmor vm3, vm14;
	v4 =	vadd.f32 v4, v31  }
0xd5: {  	v18 =	vld [tilespmem:$0x2C0];
	v3 =	vadd.f32 v3, v17;
	vm15 =	veq.s32 v1, $0x5;
	v32 =	vnsel vm3, $0x0, v37  }
0xd6: {  	v40 =	vld [tilespmem:$0x340];
	v19 =	vmax.f32 v13, v14;
	vm2 =	vmor vm2, vm15;
	v4 =	vadd.f32 v4, v32  }
0xd7: {  	v20 =	vld [tilespmem:$0x3C0];
	v33 =	vnsel vm2, $0x0, v12;
	vm5 =	veq.s32 v1, $0x6;
	v34 =	vmax.f32 v19, v16  }
0xd8: {  	vm1 =	vmor vm1, vm5;
	v21 =	vmax.f32 v34, v38;
	v4 =	vadd.f32 v4, v33  }
0xd9: {  	vm6 =	veq.s32 v1, $0x7;
	v34 =	vnsel vm1, $0x0, v15;
	v22 =	vmax.f32 v21, v39  }
0xda: {  	vm0 =	vmor vm0, vm6;
	v1 =	vmax.f32 v22, v18;
	v4 =	vadd.f32 v4, v34  }
0xdb: {  	v35 =	vnsel vm0, $0x0, v17;
	v1 =	vmax.f32 v1, v40  }
0xdc: {  	v3 =	vmul.f32 $9.999999970e-07, v3;
	v1 =	vmax.f32 v1, v20;
	v4 =	vadd.f32 v4, v35  }
0xdd: {  	v36 =	vsub.f32 v13, v1  }
0xde: {  	v41 =	vsub.f32 v14, v1;
	v3 =	vadd.f32 v4, v3  }
0xdf: {  	v43 =	vsub.f32 v16, v1;
	v44 =	vsub.f32 v38, v1;
	v6 =	vmul.f32 $1.442695020e+00, v36  }
0xe0: {  	v46 =	vsub.f32 v39, v1;
	v42 =	vmul.f32 $1.442695020e+00, v41;
	(erf) = vrcp.f32 v3  }
0xe1: {  	v47 =	vsub.f32 v18, v1;
	v50 =	vsub.f32 v40, v1;
	(erf) = vpow2.f32 v6  }
0xe2: {  	vm7 =	veq.f32 v20, v1;
	v45 =	vmul.f32 $1.442695020e+00, v43;
	(erf) = vpow2.f32 v42  }
0xe3: {  	vm8 =	veq.f32 v40, v1;
	vm9 =	veq.f32 v18, v1;
	v52 =	vsub.f32 v20, v1  }
0xe4: {  	vm10 =	veq.f32 v39, v1;
	v6 =	vmul.f32 $1.442695020e+00, v44;
	(erf) = vpow2.f32 v45  }
0xe5: {  	vm11 =	veq.f32 v38, v1;
	v51 =	vsel vm7, $0x7, v8;
	v48 =	vmul.f32 $1.442695020e+00, v46  }
0xe6: {  	v49 =	vmul.f32 $1.442695020e+00, v47;
	v4 =	vsel vm8, $0x6, v51;
	(erf) = vpow2.f32 v6  }
0xe7: {  	v4 =	vsel vm9, $0x5, v4;
	v3 =	vmul.f32 $1.442695020e+00, v50;
	(erf) = vpow2.f32 v48  }
0xe8: {  	vm12 =	veq.f32 v16, v1;
	v53 =	vsel vm10, $0x4, v4;
	(erf) = vpow2.f32 v49  }
0xe9: {  	vm13 =	veq.f32 v14, v1;
	(erf) = vpow2.f32 v3;
	v3 =	vsel vm11, $0x3, v53;
	v36 =	vpop (erf)  }
0xea: {  	vm14 =	vne.f32 v13, v1;
	vm5 =	veq.f32 v13, v1;
	v3 =	vsel vm12, $0x2, v3;
	v41 =	vpop (erf)  }
0xeb: {  	vm7 =	vmand vm14, vm13;
	v57 =	vsel vm5, $0xFF61B1E6, v13;
	v55 =	vsel vm13, $0x1, v3;
	v54 =	vpop (erf)  }
0xec: {  	v44 =	vsel vm7, $0xFF61B1E6, v14;
	v1 =	vsel vm5, $0x0, v55;
	v42 =	vadd.f32 v54, v41  }
0xed: {  	v6 =	vmul.f32 $1.442695020e+00, v52;
	vm6 =	veq.s32 v1, $0x2;
	vm4 =	veq.s32 v1, $0x3;
	v43 =	vpop (erf)  }
0xee: {  	v58 =	vsel vm6, $0xFF61B1E6, v16;
	v56 =	vadd.f32 v42, v43;
	v42 =	vmax.f32 v57, v44  }
0xef: {  	vm3 =	veq.s32 v1, $0x4;
	v59 =	vsel vm4, $0xFF61B1E6, v38;
	v42 =	vmax.f32 v42, v58  }
0xf0: {  	vm2 =	veq.s32 v1, $0x5;
	v60 =	vsel vm3, $0xFF61B1E6, v39;
	v42 =	vmax.f32 v42, v59  }
0xf1: {  	v5 =	vld [tilespmem:$0xD0];
	vm1 =	veq.s32 v1, $0x6;
	v61 =	vsel vm2, $0xFF61B1E6, v18;
	v42 =	vmax.f32 v42, v60  }
0xf2: {  	v0 =	vld [tilespmem:$0x50];
	vm0 =	veq.s32 v1, $0x7;
	v62 =	vsel vm1, $0xFF61B1E6, v40;
	v45 =	vpop (erf);
	v42 =	vmax.f32 v42, v61  }
0xf3: {  	v63 =	vsel vm0, $0xFF61B1E6, v20;
	v3 =	vadd.f32 v56, v45;
	v42 =	vmax.f32 v42, v62  }
0xf4: {  	(erf) = vpow2.f32 v6;
	vm13 =	vne.s32 v1, $0x6;
	v46 =	vpop (erf);
	v9 =	vmax.f32 v42, v63  }
0xf5: {  	vm15 =	vne.s32 v1, $0x7;
	v3 =	vadd.f32 v3, v46;
	vm8 =	vne.f32 v13, v9  }
0xf6: {  	vm9 =	veq.f32 v14, v9;
	vm10 =	veq.f32 v16, v9;
	vm11 =	veq.f32 v38, v9  }
0xf7: {  	vm12 =	veq.f32 v40, v9;
	vm14 =	veq.f32 v20, v9;
	v16 =	vmax.f32 v0, v5  }
0xf8: {  	vm12 =	vmand vm13, vm12;
	vm13 =	veq.f32 v39, v9;
	vm14 =	vmand vm15, vm14  }
0xf9: {  	vm15 =	veq.f32 v18, v9;
	v10 =	vsel vm14, $0x7, v8;
	vm14 =	vne.s32 v1, $0x5  }
0xfa: {  	vm8 =	vmor vm5, vm8;
	vm14 =	vmand vm14, vm15;
	vm15 =	vne.s32 v1, $0x4  }
0xfb: {  	v2 =	vsel vm12, $0x6, v10;
	vm12 =	vne.s32 v1, $0x3;
	vm13 =	vmand vm15, vm13  }
0xfc: {  	v2 =	vsel vm14, $0x5, v2;
	vm14 =	vne.s32 v1, $0x2;
	vm11 =	vmand vm12, vm11  }
0xfd: {  	vm12 =	vne.s32 v1, $0x1;
	vm15 =	veq.f32 v13, v9;
	v2 =	vsel vm13, $0x4, v2  }
0xfe: {  	v13 =	vpop (erf);
	vm10 =	vmand vm14, vm10;
	vm9 =	vmand vm12, vm9;
	v11 =	vsel vm11, $0x3, v2  }
0xff: {  	vm5 =	vmor vm5, vm15;
	v3 =	vadd.f32 v3, v13;
	v1 =	vsel vm10, $0x2, v11  }
0x100: {  	v14 =	vpop (erf);
	v38 =	vnsel vm5, $0x0, v41;
	v12 =	vsel vm9, $0x1, v1;
	vm9 =	vmand vm8, vm9  }
0x101: {  	v7 =	vld [tilespmem:$0x150];
	v3 =	vadd.f32 v3, v14;
	v1 =	vnsel vm8, $0x0, v12;
	vm7 =	vmor vm7, vm9  }
0x102: {  	v47 =	vld [tilespmem:$0x1D0];
	v39 =	vnsel vm7, $0x0, v54;
	vm11 =	veq.s32 v1, $0x2;
	vm13 =	veq.s32 v1, $0x4  }
0x103: {  	v48 =	vld [tilespmem:$0x250];
	v4 =	vadd.f32 v39, v38;
	vm5 =	vmor vm6, vm11;
	vm3 =	vmor vm3, vm13  }
0x104: {  	v15 =	vpop (erf);
	vm12 =	veq.s32 v1, $0x3;
	v37 =	vnsel vm5, $0x0, v43;
	v42 =	vnsel vm3, $0x0, v46;
	v46 =	vld [tilespmem:$0x2D0]  }
0x105: {  	v49 =	vld [tilespmem:$0x350];
	v3 =	vadd.f32 v3, v15;
	vm4 =	vmor vm4, vm12;
	v4 =	vadd.f32 v37, v4  }
0x106: {  	v17 =	vld [tilespmem:$0x3D0];
	vm14 =	veq.s32 v1, $0x5;
	v40 =	vnsel vm4, $0x0, v45;
	v43 =	vmax.f32 v16, v7  }
0x107: {  	vm15 =	veq.s32 v1, $0x6;
	v18 =	vmax.f32 v43, v47;
	v4 =	vadd.f32 v4, v40  }
0x108: {  	vm2 =	vmor vm2, vm14;
	vm1 =	vmor vm1, vm15;
	v19 =	vmax.f32 v18, v48  }
0x109: {  	vm4 =	veq.s32 v1, $0x7;
	v4 =	vadd.f32 v4, v42;
	v1 =	vmax.f32 v19, v46  }
0x10a: {  	v3 =	vmul.f32 $9.999999970e-07, v3;
	v41 =	vnsel vm2, $0x0, v13;
	v1 =	vmax.f32 v1, v49  }
0x10b: {  	v43 =	vnsel vm1, $0x0, v14;
	v4 =	vadd.f32 v4, v41;
	v1 =	vmax.f32 v1, v17  }
0x10c: {  	vm0 =	vmor vm0, vm4;
	v20 =	vsub.f32 v0, v1;
	v21 =	vsub.f32 v5, v1  }
0x10d: {  	v44 =	vnsel vm0, $0x0, v15;
	v22 =	vsub.f32 v7, v1;
	v51 =	vsub.f32 v47, v1  }
0x10e: {  	v53 =	vsub.f32 v48, v1;
	v56 =	vsub.f32 v46, v1;
	vm5 =	veq.f32 v17, v1  }
0x10f: {  	v58 =	vsub.f32 v49, v1;
	vm6 =	veq.f32 v49, v1;
	vm7 =	veq.f32 v46, v1  }
0x110: {  	vm8 =	veq.f32 v48, v1;
	v61 =	vsub.f32 v17, v1;
	v4 =	vadd.f32 v4, v43  }
0x111: {  	vm9 =	veq.f32 v47, v1;
	vm10 =	veq.f32 v7, v1;
	vm11 =	veq.f32 v5, v1  }
0x112: {  	vm12 =	vne.f32 v0, v1;
	v59 =	vsel vm5, $0x7, v8;
	v4 =	vadd.f32 v4, v44  }
0x113: {  	vm5 =	veq.f32 v0, v1;
	v6 =	vmul.f32 $1.442695020e+00, v20;
	v50 =	vmul.f32 $1.442695020e+00, v21  }
0x114: {  	v52 =	vmul.f32 $1.442695020e+00, v22;
	v54 =	vmul.f32 $1.442695020e+00, v51;
	v3 =	vadd.f32 v4, v3  }
0x115: {  	v55 =	vmul.f32 $1.442695020e+00, v53;
	v57 =	vmul.f32 $1.442695020e+00, v56;
	v60 =	vsel vm6, $0x6, v59  }
0x116: {  	v51 =	vsel vm5, $0xFF61B1E6, v0;
	(erf) = vrcp.f32 v3;
	v3 =	vsel vm7, $0x5, v60  }
0x117: {  	v4 =	vmul.f32 $1.442695020e+00, v58;
	(erf) = vpow2.f32 v6;
	v3 =	vsel vm8, $0x4, v3  }
0x118: {  	vm7 =	vmand vm12, vm11;
	(erf) = vpow2.f32 v50;
	v3 =	vsel vm9, $0x3, v3  }
0x119: {  	v6 =	vmul.f32 $1.442695020e+00, v61;
	(erf) = vpow2.f32 v52;
	v3 =	vsel vm10, $0x2, v3  }
0x11a: {  	v52 =	vsel vm7, $0xFF61B1E6, v5;
	(erf) = vpow2.f32 v54;
	v63 =	vsel vm11, $0x1, v3  }
0x11b: {  	v51 =	vmax.f32 v51, v52;
	(erf) = vpow2.f32 v55;
	v1 =	vsel vm5, $0x0, v63  }
0x11c: {  	(erf) = vpow2.f32 v57;
	vm6 =	veq.s32 v1, $0x2;
	vm4 =	veq.s32 v1, $0x3  }
0x11d: {  	vm3 =	veq.s32 v1, $0x4;
	vm2 =	veq.s32 v1, $0x5;
	v10 =	vsel vm6, $0xFF61B1E6, v7  }
0x11e: {  	vm1 =	veq.s32 v1, $0x6;
	v11 =	vsel vm4, $0xFF61B1E6, v47;
	v51 =	vmax.f32 v51, v10  }
0x11f: {  	vm0 =	veq.s32 v1, $0x7;
	v12 =	vsel vm3, $0xFF61B1E6, v48;
	v45 =	vpop (erf);
	v51 =	vmax.f32 v51, v11  }
0x120: {  	vm13 =	vne.s32 v1, $0x6;
	v13 =	vsel vm2, $0xFF61B1E6, v46;
	v62 =	vpop (erf);
	v51 =	vmax.f32 v51, v12  }
0x121: {  	(erf) = vpow2.f32 v4;
	v14 =	vsel vm1, $0xFF61B1E6, v49;
	v50 =	vpop (erf);
	v51 =	vmax.f32 v51, v13  }
0x122: {  	v15 =	vsel vm0, $0xFF61B1E6, v17;
	v9 =	vadd.f32 v50, v62;
	v53 =	vpop (erf);
	v51 =	vmax.f32 v51, v14  }
0x123: {  	vm15 =	vne.s32 v1, $0x7;
	v54 =	vpop (erf);
	(erf) = vpow2.f32 v6;
	v16 =	vmax.f32 v51, v15  }
0x124: {  	v3 =	vadd.f32 v9, v53;
	vm8 =	vne.f32 v0, v16;
	vm9 =	veq.f32 v5, v16  }
0x125: {  	vm10 =	veq.f32 v7, v16;
	vm12 =	veq.f32 v49, v16;
	vm14 =	veq.f32 v17, v16  }
0x126: {  	vm11 =	veq.f32 v47, v16;
	vm12 =	vmand vm13, vm12;
	vm14 =	vmand vm15, vm14  }
0x127: {  	vm15 =	veq.f32 v46, v16;
	v17 =	vsel vm14, $0x7, v8;
	vm14 =	vne.s32 v1, $0x5  }
0x128: {  	vm13 =	veq.f32 v48, v16;
	v3 =	vadd.f32 v3, v54;
	vm14 =	vmand vm14, vm15  }
0x129: {  	vm15 =	vne.s32 v1, $0x4;
	v2 =	vsel vm12, $0x6, v17;
	vm12 =	vne.s32 v1, $0x3  }
0x12a: {  	vm13 =	vmand vm15, vm13;
	v2 =	vsel vm14, $0x5, v2;
	vm14 =	vne.s32 v1, $0x2  }
0x12b: {  	v20 =	vpop (erf);
	vm11 =	vmand vm12, vm11;
	vm12 =	vne.s32 v1, $0x1;
	v2 =	vsel vm13, $0x4, v2  }
0x12c: {  	v3 =	vadd.f32 v3, v20;
	vm10 =	vmand vm14, vm10;
	v18 =	vsel vm11, $0x3, v2  }
0x12d: {  	vm9 =	vmand vm12, vm9;
	vm13 =	veq.f32 v0, v16;
	v1 =	vsel vm10, $0x2, v18  }
0x12e: {  	vm8 =	vmor vm5, vm8;
	v21 =	vpop (erf);
	vm5 =	vmor vm5, vm13;
	v19 =	vsel vm9, $0x1, v1  }
0x12f: {  	v5 =	vld [tilespmem:$0xE0];
	v3 =	vadd.f32 v3, v21;
	vm9 =	vmand vm8, vm9;
	v1 =	vnsel vm8, $0x0, v19  }
0x130: {  	v0 =	vld [tilespmem:$0x60];
	v47 =	vnsel vm5, $0x0, v62;
	vm7 =	vmor vm7, vm9;
	vm15 =	veq.s32 v1, $0x3  }
0x131: {  	v7 =	vld [tilespmem:$0x160];
	v46 =	vnsel vm7, $0x0, v50;
	vm14 =	veq.s32 v1, $0x2;
	vm4 =	vmor vm4, vm15  }
0x132: {  	v4 =	vadd.f32 v46, v47;
	vm5 =	vmor vm6, vm14;
	v49 =	vnsel vm4, $0x0, v54;
	v54 =	vld [tilespmem:$0x1E0]  }
0x133: {  	v55 =	vld [tilespmem:$0x260];
	v22 =	vpop (erf);
	v48 =	vnsel vm5, $0x0, v53  }
0x134: {  	v2 =	vld [tilespmem:$0x2E0];
	v3 =	vadd.f32 v3, v22;
	vm8 =	veq.s32 v1, $0x4;
	v4 =	vadd.f32 v48, v4  }
0x135: {  	v56 =	vld [tilespmem:$0x360];
	vm9 =	veq.s32 v1, $0x5;
	v60 =	vmax.f32 v0, v5;
	vm10 =	veq.s32 v1, $0x6  }
0x136: {  	v57 =	vld [tilespmem:$0x3E0];
	vm3 =	vmor vm3, vm8;
	v61 =	vmax.f32 v60, v7;
	v4 =	vadd.f32 v4, v49  }
0x137: {  	vm11 =	veq.s32 v1, $0x7;
	v50 =	vnsel vm3, $0x0, v20;
	v1 =	vmax.f32 v61, v54  }
0x138: {  	v62 =	vpop (erf);
	vm2 =	vmor vm2, vm9;
	v4 =	vadd.f32 v4, v50;
	v1 =	vmax.f32 v1, v55  }
0x139: {  	v3 =	vadd.f32 v3, v62;
	v51 =	vnsel vm2, $0x0, v21;
	v1 =	vmax.f32 v1, v2  }
0x13a: {  	vm1 =	vmor vm1, vm10;
	v4 =	vadd.f32 v4, v51;
	v1 =	vmax.f32 v1, v56  }
0x13b: {  	vm0 =	vmor vm0, vm11;
	v52 =	vnsel vm1, $0x0, v22;
	v1 =	vmax.f32 v1, v57  }
0x13c: {  	v53 =	vnsel vm0, $0x0, v62;
	v4 =	vadd.f32 v4, v52;
	v63 =	vsub.f32 v0, v1  }
0x13d: {  	v3 =	vmul.f32 $9.999999970e-07, v3;
	v9 =	vsub.f32 v5, v1;
	v11 =	vsub.f32 v7, v1  }
0x13e: {  	vm12 =	veq.f32 v57, v1;
	v13 =	vsub.f32 v54, v1;
	vm13 =	veq.f32 v56, v1  }
0x13f: {  	vm14 =	veq.f32 v2, v1;
	vm15 =	veq.f32 v55, v1;
	vm4 =	veq.f32 v54, v1  }
0x140: {  	v16 =	vsub.f32 v55, v1;
	vm5 =	veq.f32 v7, v1;
	vm6 =	veq.f32 v5, v1  }
0x141: {  	vm7 =	vne.f32 v0, v1;
	vm9 =	veq.f32 v0, v1;
	v59 =	vsub.f32 v2, v1  }
0x142: {  	v61 =	vsub.f32 v56, v1;
	v4 =	vadd.f32 v4, v53;
	v14 =	vsel vm12, $0x7, v8  }
0x143: {  	vm8 =	vmand vm7, vm6;
	v18 =	vsel vm9, $0xFF61B1E6, v0;
	v8 =	vimm.s32 $0x8  }
0x144: {  	v6 =	vmul.f32 $1.442695020e+00, v63;
	v10 =	vmul.f32 $1.442695020e+00, v9;
	v3 =	vadd.f32 v4, v3  }
0x145: {  	v12 =	vmul.f32 $1.442695020e+00, v11;
	v15 =	vsel vm13, $0x6, v14;
	v17 =	vmul.f32 $1.442695020e+00, v16  }
0x146: {  	v19 =	vsel vm8, $0xFF61B1E6, v5;
	(erf) = vrcp.f32 v3;
	v3 =	vsel vm14, $0x5, v15  }
0x147: {  	v63 =	vsub.f32 v57, v1;
	(erf) = vpow2.f32 v6;
	v3 =	vsel vm15, $0x4, v3  }
0x148: {  	v4 =	vmul.f32 $1.442695020e+00, v13;
	(erf) = vpow2.f32 v10;
	v3 =	vsel vm4, $0x3, v3  }
0x149: {  	v6 =	vmul.f32 $1.442695020e+00, v61;
	(erf) = vpow2.f32 v12;
	v3 =	vsel vm5, $0x2, v3  }
0x14a: {  	(erf) = vpow2.f32 v4;
	v3 =	vsel vm6, $0x1, v3;
	v4 =	vmul.f32 $1.442695020e+00, v59  }
0x14b: {  	(erf) = vpow2.f32 v17;
	v58 =	vsel vm9, $0x0, v3;
	v3 =	vmax.f32 v18, v19  }
0x14c: {  	vm7 =	veq.s32 v58, $0x2;
	vm6 =	veq.s32 v58, $0x3;
	vm5 =	veq.s32 v58, $0x4  }
0x14d: {  	vm3 =	veq.s32 v58, $0x5;
	vm2 =	veq.s32 v58, $0x6;
	v20 =	vsel vm7, $0xFF61B1E6, v7  }
0x14e: {  	v9 =	vld [tilespmem:$0x70];
	vm1 =	veq.s32 v58, $0x7;
	v21 =	vsel vm6, $0xFF61B1E6, v54;
	v3 =	vmax.f32 v3, v20  }
0x14f: {  	v16 =	vld [tilespmem:$0xF0];
	(erf) = vpow2.f32 v4;
	v22 =	vsel vm5, $0xFF61B1E6, v55;
	v3 =	vmax.f32 v3, v21  }
0x150: {  	v18 =	vld [tilespmem:$0x170];
	vm13 =	vne.s32 v58, $0x1;
	v60 =	vsel vm3, $0xFF61B1E6, v2;
	v3 =	vmax.f32 v3, v22  }
0x151: {  	vm15 =	vne.s32 v58, $0x2;
	v59 =	vsel vm2, $0xFF61B1E6, v56;
	v3 =	vmax.f32 v3, v60  }
0x152: {  	v62 =	vsel vm1, $0xFF61B1E6, v57;
	v60 =	vmul.f32 $1.442695020e+00, v63;
	v3 =	vmax.f32 v3, v59  }
0x153: {  	vm11 =	vne.s32 v58, $0x4;
	(erf) = vpow2.f32 v6;
	v59 =	vmax.f32 v3, v62  }
0x154: {  	v6 =	vmax.f32 v9, v16;
	(erf) = vpow2.f32 v60;
	vm12 =	veq.f32 v5, v59  }
0x155: {  	v17 =	vld [tilespmem:$0x1F0];
	vm14 =	veq.f32 v7, v59;
	vm4 =	veq.f32 v55, v59;
	v55 =	vmax.f32 v6, v18  }
0x156: {  	v19 =	vld [tilespmem:$0x270];
	vm10 =	vmand vm13, vm12;
	vm0 =	vmand vm15, vm14;
	vm12 =	veq.f32 v2, v59  }
0x157: {  	v20 =	vld [tilespmem:$0x2F0];
	vm4 =	vmand vm11, vm4;
	vm11 =	vne.s32 v58, $0x5;
	vm13 =	veq.f32 v56, v59  }
0x158: {  	v21 =	vld [tilespmem:$0x370];
	vm14 =	veq.f32 v57, v59;
	vm11 =	vmand vm11, vm12;
	vm12 =	vne.s32 v58, $0x6  }
0x159: {  	v63 =	vld [tilespmem:$0x3F0];
	vm15 =	veq.f32 v0, v59;
	vm12 =	vmand vm12, vm13;
	vm13 =	vne.s32 v58, $0x7  }
0x15a: {  	v7 =	vmax.f32 v55, v17;
	vm13 =	vmand vm13, vm14;
	vm14 =	vne.f32 v0, v59  }
0x15b: {  	v0 =	vmax.f32 v7, v19;
	v10 =	vsel vm13, $0x7, v8;
	vm13 =	veq.f32 v54, v59  }
0x15c: {  	vm14 =	vmor vm9, vm14;
	v0 =	vmax.f32 v0, v20;
	v11 =	vsel vm12, $0x6, v10  }
0x15d: {  	vm9 =	vmor vm9, vm15;
	v0 =	vmax.f32 v0, v21;
	v54 =	vsel vm11, $0x5, v11  }
0x15e: {  	vm12 =	vne.s32 v58, $0x3;
	v1 =	vmax.f32 v0, v63;
	v54 =	vsel vm4, $0x4, v54  }
0x15f: {  	vm12 =	vmand vm12, vm13;
	vm13 =	vmand vm14, vm10;
	vm11 =	veq.f32 v16, v1  }
0x160: {  	vm4 =	veq.f32 v9, v1;
	v12 =	vsel vm12, $0x3, v54;
	vm12 =	vne.f32 v9, v1  }
0x161: {  	v14 =	vsel vm4, $0xFF61B1E6, v9;
	v55 =	vsel vm0, $0x2, v12;
	vm0 =	vmand vm12, vm11;
	v54 =	vpop (erf)  }
0x162: {  	vm12 =	vmor vm8, vm13;
	v55 =	vsel vm10, $0x1, v55;
	v15 =	vsel vm0, $0xFF61B1E6, v16;
	v13 =	vpop (erf)  }
0x163: {  	v61 =	vmax.f32 v14, v15;
	v22 =	vnsel vm14, $0x0, v55;
	v55 =	vnsel vm9, $0x0, v13  }
0x164: {  	vm13 =	veq.s32 v22, $0x2;
	vm14 =	veq.s32 v22, $0x3;
	vm15 =	veq.s32 v22, $0x4  }
0x165: {  	v60 =	vpop (erf);
	vm10 =	veq.s32 v22, $0x5;
	vm9 =	veq.s32 v22, $0x6;
	vm8 =	veq.s32 v22, $0x7  }
0x166: {  	v62 =	vadd.f32 v60, v13;
	vm7 =	vmor vm7, vm13;
	v57 =	vnsel vm12, $0x0, v60  }
0x167: {  	v0 =	vpop (erf);
	vm6 =	vmor vm6, vm14;
	vm12 =	veq.f32 v21, v1;
	vm14 =	veq.f32 v20, v1  }
0x168: {  	vm13 =	veq.f32 v17, v1;
	v56 =	vnsel vm7, $0x0, v0;
	vm7 =	veq.f32 v63, v1  }
0x169: {  	v59 =	vadd.f32 v62, v0;
	v3 =	vsel vm7, $0x7, v8;
	v62 =	vadd.f32 v57, v55  }
0x16a: {  	vm5 =	vmor vm5, vm15;
	vm3 =	vmor vm3, vm10;
	v58 =	vsel vm12, $0x6, v3  }
0x16b: {  	v4 =	vpop (erf);
	vm12 =	veq.f32 v19, v1;
	v58 =	vsel vm14, $0x5, v58;
	v62 =	vadd.f32 v56, v62  }
0x16c: {  	v59 =	vadd.f32 v59, v4;
	v5 =	vsel vm12, $0x4, v58;
	v58 =	vnsel vm6, $0x0, v4  }
0x16d: {  	v11 =	vpop (erf);
	vm14 =	veq.f32 v18, v1;
	v8 =	vsel vm13, $0x3, v5;
	v60 =	vadd.f32 v62, v58  }
0x16e: {  	v12 =	vadd.f32 v59, v11;
	v59 =	vnsel vm5, $0x0, v11;
	v8 =	vsel vm14, $0x2, v8  }
0x16f: {  	vm2 =	vmor vm2, vm9;
	v13 =	vpop (erf);
	v8 =	vsel vm11, $0x1, v8;
	v62 =	vadd.f32 v60, v59  }
0x170: {  	v14 =	vadd.f32 v12, v13;
	v60 =	vnsel vm3, $0x0, v13;
	v8 =	vsel vm4, $0x0, v8  }
0x171: {  	vm1 =	vmor vm1, vm8;
	v15 =	vpop (erf);
	vm5 =	veq.s32 v8, $0x2;
	v62 =	vadd.f32 v62, v60  }
0x172: {  	v2 =	vadd.f32 v14, v15;
	vm6 =	veq.s32 v8, $0x3;
	vm7 =	veq.s32 v8, $0x4  }
0x173: {  	vm3 =	veq.s32 v8, $0x5;
	v14 =	vld [tilespmem:$0x1FEB0];
	v4 =	vsel vm5, $0xFF61B1E6, v18;
	v6 =	vsel vm6, $0xFF61B1E6, v17  }
0x174: {  	v7 =	vsel vm7, $0xFF61B1E6, v19;
	v11 =	vmax.f32 v61, v4;
	v61 =	vnsel vm2, $0x0, v15;
	v15 =	vld [tilespmem:$0x1FED0]  }
0x175: {  	v5 =	vpop (erf);
	v10 =	vsel vm3, $0xFF61B1E6, v20;
	v0 =	vadd.f32 v62, v61;
	v11 =	vmax.f32 v11, v6;
	v6 =	vld [tilespmem:$0x1FEA0]  }
0x176: {  	v62 =	vnsel vm1, $0x0, v5;
	vm1 =	veq.s32 v8, $0x6;
	v11 =	vmax.f32 v11, v7;
	v7 =	vld [tilespmem:$0x1FEC0]  }
0x177: {  	v4 =	vmax.f32 v11, v10;
	v10 =	vsel vm1, $0xFF61B1E6, v21  }
0x178: {  	v4 =	vmax.f32 v4, v10;
	v10 =	vld [tilespmem:$0x1FF00]  }
0x179: {  	v13 =	vmul.f32 v14, v15;
	v15 =	vld [tilespmem:$0x1FF10]  }
0x17a: {  	v11 =	vmul.f32 v14, v6;
	v6 =	vld [tilespmem:$0x1FEE0]  }
0x17b: {  	v12 =	vmul.f32 v14, v7;
	v7 =	vld [tilespmem:$0x1FEF0]  }
0x17c: {  	v2 =	vadd.f32 v2, v5;
	v0 =	vadd.f32 v0, v62;
	_ =	sdelay $0x1  }
0x17d: {  	v2 =	vmul.f32 $9.999999970e-07, v2  }
0x17e: {  	v10 =	vmul.f32 v14, v10;
	v15 =	vmul.f32 v14, v15  }
0x17f: {  	v5 =	vadd.f32 v0, v2;
	v0 =	vmovc v14;
	v6 =	vmul.f32 v14, v6;
	v7 =	vmul.f32 v14, v7;
	v14 =	vld [tilespmem:$0x1FF20]  }
0x180: {  	v23 =	vmul.f32 v27, v23;
	v22 =	vimm.s32 $0x8  }
0x181: {  	v3 =	vsub.f32 v9, v1;
	vm13 =	vne.s32 v8, $0x1;
	vm10 =	vne.s32 v8, $0x2  }
0x182: {  	vm14 =	vne.s32 v8, $0x6;
	vm15 =	vne.s32 v8, $0x7;
	vm2 =	veq.s32 v8, $0x7  }
0x183: {  	v2 =	vsel vm2, $0xFF61B1E6, v63;
	(erf) = vrcp.f32 v5;
	[tilespmem:$0x480] =	vst v12;
	v12 =	vsub.f32 v16, v1  }
0x184: {  	v14 =	vmul.f32 v0, v14;
	v0 =	vmax.f32 v4, v2;
	v4 =	vmul.f32 $1.442695020e+00, v3  }
0x185: {  	v2 =	vmul.f32 $1.442695020e+00, v12;
	v12 =	vsub.f32 v18, v1;
	vm12 =	veq.f32 v16, v0  }
0x186: {  	vm9 =	veq.f32 v18, v0;
	vm11 =	veq.f32 v17, v0;
	vm8 =	vmand vm13, vm12  }
0x187: {  	[tilespmem:$0x500] =	vst v13;
	v13 =	vld [tilespmem:$0x1FF30];
	vm12 =	vne.s32 v8, $0x3;
	vm9 =	vmand vm10, vm9;
	vm13 =	vne.s32 v8, $0x5  }
0x188: {  	[tilespmem:$0x720] =	vst v23;
	vm10 =	vmand vm12, vm11;
	vm11 =	vne.s32 v8, $0x4;
	vm12 =	veq.f32 v20, v0;
	v8 =	vld [tilespmem:$0x1FF40]  }
0x189: {  	[tilespmem:$0x400] =	vst v11;
	v11 =	vld [tilespmem:$0x1FF70];
	v18 =	vsub.f32 v17, v1;
	vm12 =	vmand vm13, vm12;
	vm13 =	veq.f32 v63, v0  }
0x18a: {  	[tilespmem:$0x680] =	vst v10;
	v10 =	vld [tilespmem:$0x1FF60];
	v17 =	vmul.f32 v27, v25;
	vm13 =	vmand vm15, vm13;
	vm15 =	veq.f32 v21, v0  }
0x18b: {  	(erf) = vpow2.f32 v4;
	[tilespmem:$0x780] =	vst v14;
	v14 =	vld [tilespmem:$0x1FF90];
	vm14 =	vmand vm14, vm15;
	v16 =	vsel vm13, $0x7, v22  }
0x18c: {  	[tilespmem:$0x700] =	vst v15;
	(erf) = vpow2.f32 v2;
	vm13 =	veq.f32 v19, v0;
	v4 =	vsel vm14, $0x6, v16  }
0x18d: {  	[tilespmem:$0x580] =	vst v6;
	v22 =	vld [tilespmem:$0x1FF50];
	vm11 =	vmand vm11, vm13;
	v3 =	vmul.f32 v8, v13;
	v4 =	vsel vm12, $0x5, v4  }
0x18e: {  	[tilespmem:$0x600] =	vst v7;
	vm15 =	vne.f32 v9, v0;
	vm14 =	veq.f32 v9, v0;
	v9 =	vld [tilespmem:$0x1FFA0];
	v4 =	vsel vm11, $0x4, v4  }
0x18f: {  	v2 =	vmul.f32 v8, v10;
	[tilespmem:$0x410] =	vst v3;
	v3 =	vsel vm10, $0x3, v4;
	v4 =	vmul.f32 v8, v11;
	v11 =	vld [tilespmem:$0x1FFB0]  }
0x190: {  	[tilespmem:$0x620] =	vst v17;
	v15 =	vmul.f32 v8, v14;
	v10 =	vmul.f32 $1.442695020e+00, v18;
	v18 =	vsub.f32 v20, v1  }
0x191: {  	v20 =	vsub.f32 v21, v1;
	v21 =	vmul.f32 v27, v26;
	v26 =	vmul.f32 v27, v24;
	[tilespmem:$0x510] =	vst v2  }
0x192: {  	[tilespmem:$0x690] =	vst v15;
	v5 =	vmul.f32 v8, v22;
	v22 =	vmul.f32 $1.442695020e+00, v12;
	v12 =	vld [tilespmem:$0x1FFC0]  }
0x193: {  	v16 =	vmov v8;
	v7 =	vmul.f32 $1.442695020e+00, v18;
	[tilespmem:$0x6A0] =	vst v21;
	v18 =	vmul.f32 v36, v32  }
0x194: {  	v0 =	vmul.f32 v16, v9;
	[tilespmem:$0x490] =	vst v5;
	v5 =	vmul.f32 v16, v11;
	v16 =	vld [tilespmem:$0x1FFF0]  }
0x195: {  	v13 =	vld [tilespmem:$0x1FF80];
	v15 =	vsub.f32 v19, v1;
	[tilespmem:$0x7A0] =	vst v26;
	v21 =	vmul.f32 v36, v34;
	v32 =	vmul.f32 v45, v40  }
0x196: {  	v14 =	vld [tilespmem:$0x1FFE0];
	vm10 =	vmor vm4, vm15;
	v40 =	vmul.f32 v54, v47;
	v47 =	vmul.f32 v54, v53;
	[tilespmem:$0x590] =	vst v4  }
0x197: {  	vm4 =	vmor vm4, vm14;
	v19 =	vmul.f32 $1.442695020e+00, v15;
	[tilespmem:$0x710] =	vst v0;
	v0 =	vmul.f32 v27, v12  }
0x198: {  	v1 =	vsub.f32 v63, v1;
	v15 =	vmul.f32 v36, v30;
	[tilespmem:$0x630] =	vst v18;
	(erf) = vpow2.f32 v22  }
0x199: {  	v3 =	vsel vm9, $0x2, v3;
	(erf) = vpow2.f32 v10;
	[tilespmem:$0x420] =	vst v0;
	v0 =	vmul.f32 v27, v16  }
0x19a: {  	v3 =	vsel vm8, $0x1, v3;
	v1 =	vmul.f32 $1.442695020e+00, v1;
	[tilespmem:$0x730] =	vst v21;
	v2 =	vmul.f32 v8, v13;
	v13 =	vld [tilespmem:$0x1FFD0]  }
0x19b: {  	vm8 =	vmand vm10, vm8;
	[tilespmem:$0x5C0] =	vst v32;
	v4 =	vmul.f32 v27, v14;
	v22 =	vmul.f32 $1.442695020e+00, v20  }
0x19c: {  	[tilespmem:$0x450] =	vst v40;
	v3 =	vnsel vm10, $0x0, v3;
	v20 =	vmul.f32 v36, v33;
	(erf) = vpow2.f32 v19  }
0x19d: {  	vm0 =	vmor vm0, vm8;
	v33 =	vmul.f32 v45, v42;
	v42 =	vmul.f32 v54, v48;
	[tilespmem:$0x5A0] =	vst v0;
	v0 =	vpop (erf)  }
0x19e: {  	[tilespmem:$0x7D0] =	vst v47;
	vm9 =	veq.s32 v3, $0x2;
	vm10 =	veq.s32 v3, $0x3;
	(erf) = vpow2.f32 v7;
	v25 =	vpop (erf)  }
0x19f: {  	vm11 =	veq.s32 v3, $0x4;
	vm12 =	veq.s32 v3, $0x5;
	[tilespmem:$0x610] =	vst v2;
	v2 =	vmul.f32 v27, v13;
	v27 =	vpop (erf)  }
0x1a0: {  	[tilespmem:$0x530] =	vst v15;
	vm13 =	veq.s32 v3, $0x6;
	(erf) = vpow2.f32 v22;
	v14 =	vadd.f32 v27, v25  }
0x1a1: {  	[tilespmem:$0x4A0] =	vst v2;
	v7 =	vnsel vm4, $0x0, v25;
	v2 =	vnsel vm0, $0x0, v27;
	vm0 =	vmor vm5, vm9;
	v17 =	vpop (erf)  }
0x1a2: {  	[tilespmem:$0x520] =	vst v4;
	v22 =	vpop (erf);
	(erf) = vpow2.f32 v1;
	v23 =	vadd.f32 v2, v7;
	v4 =	vadd.f32 v14, v17  }
0x1a3: {  	vm14 =	veq.s32 v3, $0x7;
	[tilespmem:$0x6B0] =	vst v20;
	v12 =	vmul.f32 v36, v28;
	v19 =	vnsel vm0, $0x0, v17  }
0x1a4: {  	[tilespmem:$0x640] =	vst v33;
	vm4 =	vmor vm6, vm10;
	v1 =	vadd.f32 v19, v23;
	v4 =	vadd.f32 v4, v22  }
0x1a5: {  	[tilespmem:$0x550] =	vst v42;
	v28 =	vmul.f32 v45, v39;
	v13 =	vmul.f32 v36, v29;
	v24 =	vnsel vm4, $0x0, v22;
	v26 =	vpop (erf)  }
0x1a6: {  	[tilespmem:$0x790] =	vst v5;
	vm5 =	vmor vm7, vm11;
	v1 =	vadd.f32 v1, v24;
	v4 =	vadd.f32 v4, v26  }
0x1a7: {  	[tilespmem:$0x430] =	vst v12;
	v16 =	vmul.f32 v36, v31;
	v31 =	vmul.f32 v45, v37;
	v29 =	vnsel vm5, $0x0, v26;
	v30 =	vpop (erf)  }
0x1a8: {  	[tilespmem:$0x4C0] =	vst v28;
	vm0 =	vmor vm3, vm12;
	v1 =	vadd.f32 v1, v29;
	v4 =	vadd.f32 v4, v30  }
0x1a9: {  	[tilespmem:$0x4B0] =	vst v13;
	v37 =	vmul.f32 v45, v43;
	v25 =	vmul.f32 v36, v35;
	v34 =	vnsel vm0, $0x0, v30;
	v35 =	vpop (erf)  }
0x1aa: {  	[tilespmem:$0x5B0] =	vst v16;
	vm0 =	vmor vm1, vm13;
	v1 =	vadd.f32 v1, v34;
	v4 =	vadd.f32 v4, v35  }
0x1ab: {  	vm15 =	vmor vm2, vm14;
	v43 =	vmul.f32 v54, v49;
	[tilespmem:$0x540] =	vst v31;
	v8 =	vnsel vm0, $0x0, v35;
	v39 =	vpop (erf)  }
0x1ac: {  	[tilespmem:$0x740] =	vst v37;
	v48 =	vmul.f32 v0, v55;
	v1 =	vadd.f32 v1, v8;
	v4 =	vadd.f32 v4, v39  }
0x1ad: {  	[tilespmem:$0x5D0] =	vst v43;
	v49 =	vmul.f32 v0, v57;
	v12 =	vnsel vm15, $0x0, v39  }
0x1ae: {  	v53 =	vmul.f32 v0, v60;
	[tilespmem:$0x460] =	vst v48;
	v1 =	vadd.f32 v1, v12;
	v4 =	vmul.f32 $9.999999970e-07, v4  }
0x1af: {  	[tilespmem:$0x4E0] =	vst v49  }
0x1b0: {  	v27 =	vmul.f32 v45, v38;
	[tilespmem:$0x6E0] =	vst v53;
	v1 =	vadd.f32 v1, v4  }
0x1b1: {  	v36 =	vmul.f32 v45, v41;
	[tilespmem:$0x7B0] =	vst v25  }
0x1b2: {  	v38 =	vmul.f32 v45, v44;
	[tilespmem:$0x440] =	vst v27;
	(erf) = vrcp.f32 v1  }
0x1b3: {  	v41 =	vmul.f32 v54, v46;
	[tilespmem:$0x6C0] =	vst v36  }
0x1b4: {  	v44 =	vmul.f32 v54, v50;
	[tilespmem:$0x7C0] =	vst v38  }
0x1b5: {  	v45 =	vmul.f32 v54, v51;
	[tilespmem:$0x4D0] =	vst v41  }
0x1b6: {  	v46 =	vmul.f32 v54, v52;
	[tilespmem:$0x650] =	vst v44  }
0x1b7: {  	v50 =	vmul.f32 v0, v56;
	[tilespmem:$0x6D0] =	vst v45  }
0x1b8: {  	v51 =	vmul.f32 v0, v58;
	[tilespmem:$0x750] =	vst v46  }
0x1b9: {  	v52 =	vmul.f32 v0, v59;
	[tilespmem:$0x560] =	vst v50  }
0x1ba: {  	v54 =	vmul.f32 v0, v61;
	[tilespmem:$0x5E0] =	vst v51  }
0x1bb: {  	v0 =	vmul.f32 v0, v62;
	[tilespmem:$0x660] =	vst v52;
	v55 =	vpop (erf)  }
0x1bc: {  	[tilespmem:$0x760] =	vst v54;
	v56 =	vmul.f32 v55, v7  }
0x1bd: {  	[tilespmem:$0x7E0] =	vst v0;
	v57 =	vmul.f32 v55, v2  }
0x1be: {  	v58 =	vmul.f32 v55, v19;
	[tilespmem:$0x470] =	vst v56  }
0x1bf: {  	v59 =	vmul.f32 v55, v24;
	[tilespmem:$0x4F0] =	vst v57  }
0x1c0: {  	v60 =	vmul.f32 v55, v29;
	[tilespmem:$0x570] =	vst v58  }
0x1c1: {  	v61 =	vmul.f32 v55, v34;
	[tilespmem:$0x5F0] =	vst v59  }
0x1c2: {  	v62 =	vmul.f32 v55, v8;
	[tilespmem:$0x670] =	vst v60  }
0x1c3: {  	v63 =	vmul.f32 v55, v12;
	[tilespmem:$0x6F0] =	vst v61  }
0x1c4: {  	p0 =	sne.s32 s5, $0x1;
	[tilespmem:$0x770] =	vst v62  }
.Ltmp0:
0x1c5: {  	[tilespmem:$0x7F0] =	vst v63;
	(pc) =	sbr.rel @p0 .LBB2_1-.Ltmp0, $4  }
0x1c6: {  	[hbm4b:s4+s2] =	stream.linear.scatter [tilespmem:s7], [sflag:$0x1], $0x400, $0x38;
	[tilespmem:$0x800] =	vst v63  }
0x1c7: {  	_ =	swait.ge [sflag:s6], $0x400  }
0x1c8: {  	[sflag:s6] =	ssyncset.done $0x0  }
0x1c9: {  	s5 =	sadd.s32 $0xFFFFFFFF, s5;
	[sflag:s6] =	ssyncadd.s32 $0xFFFFFC00  }
0x1ca: {  	_ =	sfence.sel $0x180000  }
0x1cb: {  	[bflag:$0x0] =	sbarrier.arrive $0xFFFF  }
0x1cc: {  	p0 =	sne.s32 s1, $0x0;
	_ =	strace $0x90000047  }
0x1cd: {  	s0 =	sadd.s32 @!p0 $0x100000, s0;
	[bflag:$0x2] =	sbarrier.arrive $0xFFFF  }
0x1ce: {  	[sflag:s0] =	ssyncadd.tile.s32 @!p0 $0x1;
	_ =	shalt  }
.Lfunc_end2:
_tile_overlayer_lowered:
.L_overlay_start_2:
0x1cf: {  	(tag) =	ssettag $0x2  }
0x1d0: {  	s0 =	rddreg [dreg:$0x0];
	s2 =	stileid.u32  }
0x1d1: {  	s1 =	rddreg [dreg:$0x1];
	p0 =	sne.s32 s2, $0x0  }
0x1d2: {  	s3 =	rddreg [dreg:$0x2];
	[bflag:$0x3] =	sbarrier.arrive $0xFFFF;
	s2 =	simm.s32 @!p0 $0x1C01  }
0x1d3: {  	[timem:s3], [sflag:s2] =	dma.local @!p0 [hbm:s0], s1  }
0x1d4: {  	s0 =	simm.s32 @!p0 $0x1  }
0x1d5: {  	_ =	swait.ge @!p0 [sflag:s0], s1  }
0x1d6: {  	s1 =	ssub.s32 @!p0 $0x0, s1;
	[sflag:s0] =	ssyncset.done @!p0 $0x0  }
0x1d7: {  	[sflag:s0] =	ssyncadd.s32 @!p0 s1  }
0x1d8: {  	[bflag:$0x3] =	sbarrier.arrive $0xFFFF  }
0x1d9: {  	_ =	shalt  }

</sc_bundles>
